<compile_context>
chip_gen: v7x
topology: tpu7x:2x2x1
jax: 0.10.2.dev20260603
libtpu: 0.0.44.dev20260713+nightly
codegen_flags: <defaults>
</compile_context>

<pallas_src>
import functools

import jax
import jax.numpy as jnp
from jax import lax
from jax.experimental import pallas as pl
from jax.experimental.pallas import tpu as pltpu
from jax.experimental.pallas import tpu_sc as plsc

N = 10000
E = 320000
D_IN = 128
H = 128
D_OUT = 64

NW = 32
CH = 128
TOT = E // CH
CH_A = 88
C0_TOT = 16 * CH_A
CH_B = (TOT - C0_TOT) // 16
REM_B = (TOT - C0_TOT) % 16
CH_U = TOT // NW
REM_U = TOT % NW
N_ACC = 10112
RPT = N_ACC // 16

R = 1000

_mesh = plsc.VectorSubcoreMesh(core_axis_name="c", subcore_axis_name="s")


def _idx_load(flat, base, j, ring, sem):
    off = pl.multiple_of(base + j * CH, CH)
    return pltpu.async_copy(flat.at[pl.ds(off, CH)], ring.at[j % 4], sem)


def _idx_wait(flat, base, j, ring, sem):
    off = pl.multiple_of(base + j * CH, CH)
    pltpu.make_async_copy(flat.at[pl.ds(off, CH)], ring.at[j % 4], sem).wait()


def _zero_init(z8, msg0, acc, r0):
    pltpu.sync_copy(z8, msg0.at[pl.ds(0, 8)])
    zv = jnp.zeros((16,), jnp.float32)

    def zrow(i, c):
        for k in range(8):
            msg0[i, pl.ds(k * 16, 16)] = zv
        return c

    lax.fori_loop(0, CH, zrow, 0)
    for k in range(4):
        pltpu.sync_copy(msg0, acc.at[pl.ds(r0 + 128 * k, 128)])
    pltpu.sync_copy(msg0.at[pl.ds(0, RPT - 512)],
                    acc.at[pl.ds(r0 + 512, RPT - 512)])


def _sc_agg_body(h, srcf, dstf, z8, p_out, sidx, didx, msg, acc, semi, semg):
    cid = lax.axis_index("c")
    sid = lax.axis_index("s")
    nch = jnp.where(cid == 0, CH_A, CH_B + (sid < REM_B))
    bch = jnp.where(cid == 0, sid * CH_A,
                    C0_TOT + sid * CH_B + jnp.minimum(sid, REM_B))
    base = bch * CH
    r0 = sid * RPT
    _zero_init(z8, msg.at[0], acc, r0)
    _idx_load(srcf, base, 0, sidx, semi)
    _idx_load(dstf, base, 0, didx, semi)
    _idx_load(srcf, base, 1, sidx, semi)
    _idx_load(dstf, base, 1, didx, semi)
    plsc.subcore_barrier()
    _idx_wait(srcf, base, 0, sidx, semi)
    _idx_wait(dstf, base, 0, didx, semi)
    pltpu.async_copy(h.at[sidx.at[0]], msg.at[0], semg)

    def body(j, carry):
        pltpu.make_async_copy(h.at[sidx.at[j % 4]], msg.at[j % 2], semg).wait()
        _idx_wait(srcf, base, j + 1, sidx, semi)
        _idx_wait(dstf, base, j + 1, didx, semi)
        pltpu.async_copy(h.at[sidx.at[(j + 1) % 4]], msg.at[(j + 1) % 2], semg)

        @pl.when(j + 2 < nch)
        def _():
            _idx_load(srcf, base, j + 2, sidx, semi)
            _idx_load(dstf, base, j + 2, didx, semi)

        pltpu.sync_copy(msg.at[j % 2], acc.at[didx.at[j % 4]], add=True)
        return carry

    lax.fori_loop(0, nch - 1, body, 0)
    jl = nch - 1
    pltpu.make_async_copy(h.at[sidx.at[jl % 4]], msg.at[jl % 2], semg).wait()
    pltpu.sync_copy(msg.at[jl % 2], acc.at[didx.at[jl % 4]], add=True)
    plsc.subcore_barrier()
    pltpu.sync_copy(acc.at[pl.ds(r0, RPT)], p_out.at[cid, pl.ds(r0, RPT)])


def _sc_deg_body(dstf, z8, ones, deg_out, didx, onesv, zbuf, acc, semi):
    cid = lax.axis_index("c")
    sid = lax.axis_index("s")
    wid = cid * 16 + sid
    nch = CH_U + (wid < REM_U)
    base = (wid * CH_U + jnp.minimum(wid, REM_U)) * CH
    r0 = sid * RPT
    _zero_init(z8, zbuf, acc, r0)
    pltpu.sync_copy(ones, onesv)
    _idx_load(dstf, base, 0, didx, semi)
    _idx_load(dstf, base, 1, didx, semi)
    plsc.subcore_barrier()

    def body(j, carry):
        _idx_wait(dstf, base, j, didx, semi)

        @pl.when(j + 2 < nch)
        def _():
            _idx_load(dstf, base, j + 2, didx, semi)

        pltpu.sync_copy(onesv, acc.at[didx.at[j % 4]], add=True)
        return carry

    lax.fori_loop(0, nch, body, 0)
    plsc.subcore_barrier()
    pltpu.sync_copy(acc.at[pl.ds(r0, RPT)], deg_out.at[cid, pl.ds(r0, RPT)])


_sc_agg = functools.partial(
    pl.kernel,
    mesh=_mesh,
    out_type=jax.ShapeDtypeStruct((2, N_ACC, H), jnp.float32),
    scratch_types=[
        pltpu.VMEM((4, CH), jnp.int32),
        pltpu.VMEM((4, CH), jnp.int32),
        pltpu.VMEM((2, CH, H), jnp.float32),
        pltpu.VMEM_SHARED((N_ACC, H), jnp.float32),
        pltpu.SemaphoreType.DMA,
        pltpu.SemaphoreType.DMA,
    ],
)(_sc_agg_body)

_sc_deg = functools.partial(
    pl.kernel,
    mesh=_mesh,
    out_type=jax.ShapeDtypeStruct((2, N_ACC, H), jnp.float32),
    scratch_types=[
        pltpu.VMEM((4, CH), jnp.int32),
        pltpu.VMEM((CH, H), jnp.float32),
        pltpu.VMEM((CH, H), jnp.float32),
        pltpu.VMEM_SHARED((N_ACC, H), jnp.float32),
        pltpu.SemaphoreType.DMA,
    ],
)(_sc_deg_body)


def _tc_in_body(x_ref, w_ref, b_ref, o_ref):
    o_ref[...] = jnp.dot(x_ref[...], w_ref[...],
                         preferred_element_type=jnp.float32,
                         precision=lax.Precision.HIGHEST) + b_ref[...]


def _tc_layer_body(h_ref, p_ref0, p_ref1, d_ref0, d_ref1, w_ref, b_ref,
                   g_ref, be_ref, o_ref):
    deg = d_ref0[0, :, 0:1] + d_ref1[0, :, 0:1]
    t = (h_ref[...] + p_ref0[0] + p_ref1[0]) / (deg + 1.0)
    z = jnp.dot(t, w_ref[...], preferred_element_type=jnp.float32,
                precision=lax.Precision.HIGHEST) + b_ref[...]
    z = jnp.maximum(z, 0.0)
    mu = jnp.mean(z, axis=-1, keepdims=True)
    zc = z - mu
    var = jnp.mean(zc * zc, axis=-1, keepdims=True)
    o_ref[...] = zc * lax.rsqrt(var + 1e-5) * g_ref[...] + be_ref[...]


def _tc_last_body(h_ref, p_ref0, p_ref1, d_ref0, d_ref1, w_ref, b_ref,
                  g_ref, be_ref, wo_ref, bo_ref, o_ref):
    deg = d_ref0[0, :, 0:1] + d_ref1[0, :, 0:1]
    t = (h_ref[...] + p_ref0[0] + p_ref1[0]) / (deg + 1.0)
    z = jnp.dot(t, w_ref[...], preferred_element_type=jnp.float32,
                precision=lax.Precision.HIGHEST) + b_ref[...]
    z = jnp.maximum(z, 0.0)
    mu = jnp.mean(z, axis=-1, keepdims=True)
    zc = z - mu
    var = jnp.mean(zc * zc, axis=-1, keepdims=True)
    hn = zc * lax.rsqrt(var + 1e-5) * g_ref[...] + be_ref[...]
    o_ref[...] = jnp.dot(hn, wo_ref[...],
                         preferred_element_type=jnp.float32,
                         precision=lax.Precision.HIGHEST) + bo_ref[...]


def _row_spec(w):
    return pl.BlockSpec((R, w), lambda i: (i, 0))


def _full_spec(shape):
    nd = len(shape)
    return pl.BlockSpec(shape, lambda i: (0,) * nd)


def _part_spec(core, w):
    return pl.BlockSpec((1, R, w), lambda i, c=core: (c, i, 0))


def _tc_in(x, w, b):
    return pl.pallas_call(
        _tc_in_body,
        grid=(N // R,),
        in_specs=[_row_spec(D_IN), _full_spec((D_IN, H)), _full_spec((1, H))],
        out_specs=_row_spec(H),
        out_shape=jax.ShapeDtypeStruct((N, H), jnp.float32),
    )(x, w, b)


def _tc_layer(h, p, deg, w, b, g, be):
    return pl.pallas_call(
        _tc_layer_body,
        grid=(N // R,),
        in_specs=[_row_spec(H), _part_spec(0, H), _part_spec(1, H),
                  _part_spec(0, H), _part_spec(1, H),
                  _full_spec((H, H)), _full_spec((1, H)),
                  _full_spec((1, H)), _full_spec((1, H))],
        out_specs=_row_spec(H),
        out_shape=jax.ShapeDtypeStruct((N, H), jnp.float32),
    )(h, p, p, deg, deg, w, b, g, be)


def _tc_last(h, p, deg, w, b, g, be, wo, bo):
    return pl.pallas_call(
        _tc_last_body,
        grid=(N // R,),
        in_specs=[_row_spec(H), _part_spec(0, H), _part_spec(1, H),
                  _part_spec(0, H), _part_spec(1, H),
                  _full_spec((H, H)), _full_spec((1, H)),
                  _full_spec((1, H)), _full_spec((1, H)),
                  _full_spec((H, D_OUT)), _full_spec((1, D_OUT))],
        out_specs=_row_spec(D_OUT),
        out_shape=jax.ShapeDtypeStruct((N, D_OUT), jnp.float32),
    )(h, p, p, deg, deg, w, b, g, be, wo, bo)


def kernel(nodes, edge_index, W_in, b_in, W_neigh, b_neigh, ln_g, ln_b,
           W_out, b_out):
    srcf = edge_index[0]
    dstf = edge_index[1]
    z8 = jnp.zeros((8, H), jnp.float32)
    ones = jnp.ones((CH, H), jnp.float32)

    h = _tc_in(nodes, W_in, b_in.reshape(1, H))
    deg = _sc_deg(dstf, z8, ones)
    z81 = z8 + jnp.minimum(deg[0, 0:1, 0:1], 0.0)
    p = _sc_agg(h, srcf, dstf, z81)
    h = _tc_layer(h, p, deg, W_neigh[0], b_neigh[0].reshape(1, H),
                  ln_g[0].reshape(1, H), ln_b[0].reshape(1, H))
    p = _sc_agg(h, srcf, dstf, z8)
    h = _tc_layer(h, p, deg, W_neigh[1], b_neigh[1].reshape(1, H),
                  ln_g[1].reshape(1, H), ln_b[1].reshape(1, H))
    p = _sc_agg(h, srcf, dstf, z8)
    return _tc_last(h, p, deg, W_neigh[2], b_neigh[2].reshape(1, H),
                    ln_g[2].reshape(1, H), ln_b[2].reshape(1, H),
                    W_out, b_out.reshape(1, D_OUT))

# --- scband reference (transcript-rebuilt; emitter-appended) ---
"""Pipeline reference for scband-node-classification-32220844654961 (READ-ONLY COPY).

The authoritative reference and input builder live on the scoring server;
editing this copy changes nothing except your own understanding.
"""

import jax, jax.numpy as jnp
import numpy as np

N = 10000
E = 320000
D_IN = 128
H = 128
D_OUT = 64
LAYERS = 3

def setup_inputs(seed: int = 0):
    key = jax.random.key(seed)
    ks = jax.random.split(key, 10)
    inp = {}
    inp["nodes"] = jax.random.normal(ks[0], (N, D_IN), dtype=jnp.float32)
    inp["edge_index"] = jax.random.randint(ks[1], (2, E), 0, N, dtype=jnp.int32)
    s_in = 1.0 / np.sqrt(D_IN)
    s_h = 1.0 / np.sqrt(H)
    inp["W_in"] = jax.random.uniform(ks[2], (D_IN, H), jnp.float32, -s_in, s_in)
    inp["b_in"] = jnp.zeros((H,), jnp.float32)
    inp["W_neigh"] = jax.random.uniform(ks[3], (LAYERS, H, H), jnp.float32, -s_h, s_h)
    inp["b_neigh"] = jnp.zeros((LAYERS, H), jnp.float32)
    inp["ln_g"] = jnp.ones((LAYERS, H), jnp.float32)
    inp["ln_b"] = jnp.zeros((LAYERS, H), jnp.float32)
    inp["W_out"] = jax.random.uniform(ks[4], (H, D_OUT), jnp.float32, -s_h, s_h)
    inp["b_out"] = jnp.zeros((D_OUT,), jnp.float32)
    return inp

def _layernorm(x, g, b):
    mu = jnp.mean(x, axis=-1, keepdims=True)
    var = jnp.var(x, axis=-1, keepdims=True)
    return (x - mu) / jnp.sqrt(var + 1e-5) * g + b

def _sage_gcn(x, src, dst, W, b, g, be):
    # DGL SAGEConv aggregator_type='gcn': h_neigh = (sum_{j in N(i)} h_j + h_i) / (deg_i + 1)
    msg = jnp.take(x, src, axis=0)
    agg = jax.ops.segment_sum(msg, dst, num_segments=N)
    deg = jax.ops.segment_sum(jnp.ones((E,), x.dtype), dst, num_segments=N)
    h = (agg + x) / (deg[:, None] + 1.0)
    h = h @ W + b
    h = jax.nn.relu(h)
    return _layernorm(h, g, be)

def reference(nodes, edge_index, W_in, b_in, W_neigh, b_neigh, ln_g, ln_b, W_out, b_out):
    src = edge_index[0]
    dst = edge_index[1]
    h = nodes @ W_in + b_in
    for l in range(LAYERS):
        h = _sage_gcn(h, src, dst, W_neigh[l], b_neigh[l], ln_g[l], ln_b[l])
    return h @ W_out + b_out

if __name__ == "__main__":
    import jax
    _d = setup_inputs()
    print(jax.jit(kernel)(*tuple(_d.values())))

</pallas_src>

<mosaic_0001>
#map = affine_map<(d0, d1) -> (0, 0)>
#map1 = affine_map<(d0, d1) -> (0)>
#map2 = affine_map<(d0, d1) -> (0, 0, 0)>
module attributes {stable_mosaic.version = 14 : i64} {
  func.func @_sc_agg_body(%arg0: i32, %arg1: i32, %arg2: memref<10000x128xf32, #tpu.memory_space<hbm>>, %arg3: memref<320000xi32, #tpu.memory_space<hbm>>, %arg4: memref<320000xi32, #tpu.memory_space<hbm>>, %arg5: memref<8x128xf32, #tpu.memory_space<hbm>>, %arg6: memref<2x10112x128xf32, #tpu.memory_space<hbm>>, %arg7: memref<4x128xi32, #tpu.memory_space<vmem>>, %arg8: memref<4x128xi32, #tpu.memory_space<vmem>>, %arg9: memref<2x128x128xf32, #tpu.memory_space<vmem>>, %arg10: memref<10112x128xf32, #tpu.memory_space<vmem_shared>>, %arg11: memref<!tpu.dma_semaphore, #tpu.memory_space<semaphore_mem>>, %arg12: memref<!tpu.dma_semaphore, #tpu.memory_space<semaphore_mem>>) attributes {dimension_semantics = [#tpu.dimension_semantics<core_parallel>, #tpu.dimension_semantics<subcore_parallel>], iteration_bounds = array<i64: 2, 16>, scalar_prefetch = 0 : i64, scratch_operands = 6 : i64, tpu.core_type = #tpu.core_type<sc_vector_subcore>, window_params = [{transform_indices = #map}, {transform_indices = #map1}, {transform_indices = #map1}, {transform_indices = #map}, {transform_indices = #map2}]} {
    %eq3A = arith.constant 0 : i32
    %eq3A_0 = arith.cmpi eq, %arg0, %eq3A : i32
    %lt3A = arith.constant 4 : i32
    %lt3A_1 = arith.cmpi slt, %arg1, %lt3A : i32
    %convert_element_type3A = arith.extui %lt3A_1 : i1 to i32
    %add3A = arith.constant 68 : i32
    %add3A_2 = arith.addi %add3A, %convert_element_type3A : i32
    %jit3A = arith.constant 88 : i32
    %select_n3A = arith.select %eq3A_0, %jit3A, %add3A_2 : i32
    %eq3A_3 = arith.constant 0 : i32
    %eq3A_4 = arith.cmpi eq, %arg0, %eq3A_3 : i32
    %mul3A = arith.constant 88 : i32
    %mul3A_5 = arith.muli %arg1, %mul3A : i32
    %mul3A_6 = arith.constant 68 : i32
    %mul3A_7 = arith.muli %arg1, %mul3A_6 : i32
    %add3A_8 = arith.constant 1408 : i32
    %add3A_9 = arith.addi %add3A_8, %mul3A_7 : i32
    %min3A = arith.constant 4 : i32
    %min3A_10 = arith.minsi %arg1, %min3A : i32
    %add3A_11 = arith.addi %add3A_9, %min3A_10 : i32
    %select_n3A_12 = arith.select %eq3A_4, %mul3A_5, %add3A_11 : i32
    %mul3A_13 = arith.constant 128 : i32
    %mul3A_14 = arith.muli %select_n3A_12, %mul3A_13 : i32
    %mul3A_15 = arith.constant 632 : i32
    %mul3A_16 = arith.muli %arg1, %mul3A_15 : i32
    %run_scoped3A = arith.constant 0 : i32
    "tpu.region"() ({
      %run_scoped3A_204 = tpu.sem_alloc : memref<!tpu.dma_semaphore, #tpu.memory_space<semaphore_mem>>
      %dma_start3A_205 = arith.constant 0 : i32
      %dma_start3A_206 = arith.constant 0 : i32
      %dma_start3A_207 = tpu.memref_slice %arg9[%run_scoped3A, %dma_start3A_205, %dma_start3A_206] : memref<2x128x128xf32, #tpu.memory_space<vmem>> -> memref<1x128x128xf32, #tpu.memory_space<vmem>>
      %dma_start3A_208 = tpu.memref_squeeze %dma_start3A_207 : memref<1x128x128xf32, #tpu.memory_space<vmem>> -> memref<128x128xf32, #tpu.memory_space<vmem>>
      %dma_start3A_209 = arith.constant 0 : i32
      %dma_start3A_210 = arith.constant 0 : i32
      %dma_start3A_211 = tpu.memref_slice %dma_start3A_208[%dma_start3A_209, %dma_start3A_210] : memref<128x128xf32, #tpu.memory_space<vmem>> -> memref<8x128xf32, #tpu.memory_space<vmem>>
      %dma_start3A_212 = arith.constant 0 : i32
      %dma_start3A_213 = arith.constant 0 : i32
      %dma_start3A_214 = tpu.memref_slice %arg9[%run_scoped3A, %dma_start3A_212, %dma_start3A_213] : memref<2x128x128xf32, #tpu.memory_space<vmem>> -> memref<1x128x128xf32, #tpu.memory_space<vmem>>
      %dma_start3A_215 = tpu.memref_squeeze %dma_start3A_214 : memref<1x128x128xf32, #tpu.memory_space<vmem>> -> memref<128x128xf32, #tpu.memory_space<vmem>>
      %dma_start3A_216 = arith.constant 0 : i32
      %dma_start3A_217 = arith.constant 0 : i32
      %dma_start3A_218 = tpu.memref_slice %dma_start3A_215[%dma_start3A_216, %dma_start3A_217] : memref<128x128xf32, #tpu.memory_space<vmem>> -> memref<8x128xf32, #tpu.memory_space<vmem>>
      tpu.enqueue_dma source(%arg5 : memref<8x128xf32, #tpu.memory_space<hbm>>) target(%dma_start3A_218 : memref<8x128xf32, #tpu.memory_space<vmem>>) target_semaphore(%run_scoped3A_204 : memref<!tpu.dma_semaphore, #tpu.memory_space<semaphore_mem>>)
      %dma_wait3A_219 = arith.constant 0 : i32
      %dma_wait3A_220 = arith.constant 0 : i32
      %dma_wait3A_221 = tpu.memref_slice %arg9[%run_scoped3A, %dma_wait3A_219, %dma_wait3A_220] : memref<2x128x128xf32, #tpu.memory_space<vmem>> -> memref<1x128x128xf32, #tpu.memory_space<vmem>>
      %dma_wait3A_222 = tpu.memref_squeeze %dma_wait3A_221 : memref<1x128x128xf32, #tpu.memory_space<vmem>> -> memref<128x128xf32, #tpu.memory_space<vmem>>
      %dma_wait3A_223 = arith.constant 0 : i32
      %dma_wait3A_224 = arith.constant 0 : i32
      %dma_wait3A_225 = tpu.memref_slice %dma_wait3A_222[%dma_wait3A_223, %dma_wait3A_224] : memref<128x128xf32, #tpu.memory_space<vmem>> -> memref<8x128xf32, #tpu.memory_space<vmem>>
      %dma_wait3A_226 = arith.constant 0 : i32
      %dma_wait3A_227 = arith.constant 0 : i32
      %dma_wait3A_228 = tpu.memref_slice %arg9[%run_scoped3A, %dma_wait3A_226, %dma_wait3A_227] : memref<2x128x128xf32, #tpu.memory_space<vmem>> -> memref<1x128x128xf32, #tpu.memory_space<vmem>>
      %dma_wait3A_229 = tpu.memref_squeeze %dma_wait3A_228 : memref<1x128x128xf32, #tpu.memory_space<vmem>> -> memref<128x128xf32, #tpu.memory_space<vmem>>
      %dma_wait3A_230 = arith.constant 0 : i32
      %dma_wait3A_231 = arith.constant 0 : i32
      %dma_wait3A_232 = tpu.memref_slice %dma_wait3A_229[%dma_wait3A_230, %dma_wait3A_231] : memref<128x128xf32, #tpu.memory_space<vmem>> -> memref<8x128xf32, #tpu.memory_space<vmem>>
      tpu.wait_dma2 semaphore(%run_scoped3A_204 : memref<!tpu.dma_semaphore, #tpu.memory_space<semaphore_mem>>) src(%arg5 : memref<8x128xf32, #tpu.memory_space<hbm>>) dst(%dma_wait3A_232 : memref<8x128xf32, #tpu.memory_space<vmem>>)
      tpu.yield
    }) : () -> ()
    %broadcast_in_dim3A = arith.constant 0.000000e+00 : f32
    %broadcast_in_dim3A_17 = vector.broadcast %broadcast_in_dim3A : f32 to vector<16xf32>
    %scan3A = arith.constant 0 : i32
    %scan3A_18 = arith.constant 0 : i32
    %scan3A_19 = arith.constant 0 : i32
    %scan3A_20 = arith.constant 128 : i32
    %scan3A_21 = arith.addi %scan3A_19, %scan3A_20 : i32
    %scan3A_22 = arith.constant 1 : i32
    scf.for %scan3A_204 = %scan3A_19 to %scan3A_21 step %scan3A_22  : i32 {
      %swap3A = arith.constant 0 : i32
      %swap3A_205 = arith.constant 0 : i32
      %swap3A_206 = tpu.memref_slice %arg9[%scan3A_18, %swap3A, %swap3A_205] : memref<2x128x128xf32, #tpu.memory_space<vmem>> -> memref<1x128x128xf32, #tpu.memory_space<vmem>>
      %swap3A_207 = tpu.memref_squeeze %swap3A_206 : memref<1x128x128xf32, #tpu.memory_space<vmem>> -> memref<128x128xf32, #tpu.memory_space<vmem>>
      %swap3A_208 = arith.index_cast %scan3A_204 : i32 to index
      %swap3A_209 = arith.constant 0 : index
      %swap3A_210 = tpu.vector_load %swap3A_207[%swap3A_208, %swap3A_209] {strides = array<i32>} : memref<128x128xf32, #tpu.memory_space<vmem>>, vector<1x16xf32>,
      %swap3A_211 = vector.shape_cast %swap3A_210 : vector<1x16xf32> to vector<16xf32>
      %swap3A_212 = vector.shape_cast %broadcast_in_dim3A_17 : vector<16xf32> to vector<1x16xf32>
      tpu.vector_store %swap3A_207[%swap3A_208, %swap3A_209], %swap3A_212 {strides = array<i32>} : memref<128x128xf32, #tpu.memory_space<vmem>>, vector<1x16xf32>,
      %swap3A_213 = arith.constant 0 : i32
      %swap3A_214 = arith.constant 0 : i32
      %swap3A_215 = tpu.memref_slice %arg9[%scan3A_18, %swap3A_213, %swap3A_214] : memref<2x128x128xf32, #tpu.memory_space<vmem>> -> memref<1x128x128xf32, #tpu.memory_space<vmem>>
      %swap3A_216 = tpu.memref_squeeze %swap3A_215 : memref<1x128x128xf32, #tpu.memory_space<vmem>> -> memref<128x128xf32, #tpu.memory_space<vmem>>
      %swap3A_217 = arith.index_cast %scan3A_204 : i32 to index
      %swap3A_218 = arith.constant 16 : index
      %swap3A_219 = tpu.vector_load %swap3A_216[%swap3A_217, %swap3A_218] {strides = array<i32>} : memref<128x128xf32, #tpu.memory_space<vmem>>, vector<1x16xf32>,
      %swap3A_220 = vector.shape_cast %swap3A_219 : vector<1x16xf32> to vector<16xf32>
      %swap3A_221 = vector.shape_cast %broadcast_in_dim3A_17 : vector<16xf32> to vector<1x16xf32>
      tpu.vector_store %swap3A_216[%swap3A_217, %swap3A_218], %swap3A_221 {strides = array<i32>} : memref<128x128xf32, #tpu.memory_space<vmem>>, vector<1x16xf32>,
      %swap3A_222 = arith.constant 0 : i32
      %swap3A_223 = arith.constant 0 : i32
      %swap3A_224 = tpu.memref_slice %arg9[%scan3A_18, %swap3A_222, %swap3A_223] : memref<2x128x128xf32, #tpu.memory_space<vmem>> -> memref<1x128x128xf32, #tpu.memory_space<vmem>>
      %swap3A_225 = tpu.memref_squeeze %swap3A_224 : memref<1x128x128xf32, #tpu.memory_space<vmem>> -> memref<128x128xf32, #tpu.memory_space<vmem>>
      %swap3A_226 = arith.index_cast %scan3A_204 : i32 to index
      %swap3A_227 = arith.constant 32 : index
      %swap3A_228 = tpu.vector_load %swap3A_225[%swap3A_226, %swap3A_227] {strides = array<i32>} : memref<128x128xf32, #tpu.memory_space<vmem>>, vector<1x16xf32>,
      %swap3A_229 = vector.shape_cast %swap3A_228 : vector<1x16xf32> to vector<16xf32>
      %swap3A_230 = vector.shape_cast %broadcast_in_dim3A_17 : vector<16xf32> to vector<1x16xf32>
      tpu.vector_store %swap3A_225[%swap3A_226, %swap3A_227], %swap3A_230 {strides = array<i32>} : memref<128x128xf32, #tpu.memory_space<vmem>>, vector<1x16xf32>,
      %swap3A_231 = arith.constant 0 : i32
      %swap3A_232 = arith.constant 0 : i32
      %swap3A_233 = tpu.memref_slice %arg9[%scan3A_18, %swap3A_231, %swap3A_232] : memref<2x128x128xf32, #tpu.memory_space<vmem>> -> memref<1x128x128xf32, #tpu.memory_space<vmem>>
      %swap3A_234 = tpu.memref_squeeze %swap3A_233 : memref<1x128x128xf32, #tpu.memory_space<vmem>> -> memref<128x128xf32, #tpu.memory_space<vmem>>
      %swap3A_235 = arith.index_cast %scan3A_204 : i32 to index
      %swap3A_236 = arith.constant 48 : index
      %swap3A_237 = tpu.vector_load %swap3A_234[%swap3A_235, %swap3A_236] {strides = array<i32>} : memref<128x128xf32, #tpu.memory_space<vmem>>, vector<1x16xf32>,
      %swap3A_238 = vector.shape_cast %swap3A_237 : vector<1x16xf32> to vector<16xf32>
      %swap3A_239 = vector.shape_cast %broadcast_in_dim3A_17 : vector<16xf32> to vector<1x16xf32>
      tpu.vector_store %swap3A_234[%swap3A_235, %swap3A_236], %swap3A_239 {strides = array<i32>} : memref<128x128xf32, #tpu.memory_space<vmem>>, vector<1x16xf32>,
      %swap3A_240 = arith.constant 0 : i32
      %swap3A_241 = arith.constant 0 : i32
      %swap3A_242 = tpu.memref_slice %arg9[%scan3A_18, %swap3A_240, %swap3A_241] : memref<2x128x128xf32, #tpu.memory_space<vmem>> -> memref<1x128x128xf32, #tpu.memory_space<vmem>>
      %swap3A_243 = tpu.memref_squeeze %swap3A_242 : memref<1x128x128xf32, #tpu.memory_space<vmem>> -> memref<128x128xf32, #tpu.memory_space<vmem>>
      %swap3A_244 = arith.index_cast %scan3A_204 : i32 to index
      %swap3A_245 = arith.constant 64 : index
      %swap3A_246 = tpu.vector_load %swap3A_243[%swap3A_244, %swap3A_245] {strides = array<i32>} : memref<128x128xf32, #tpu.memory_space<vmem>>, vector<1x16xf32>,
      %swap3A_247 = vector.shape_cast %swap3A_246 : vector<1x16xf32> to vector<16xf32>
      %swap3A_248 = vector.shape_cast %broadcast_in_dim3A_17 : vector<16xf32> to vector<1x16xf32>
      tpu.vector_store %swap3A_243[%swap3A_244, %swap3A_245], %swap3A_248 {strides = array<i32>} : memref<128x128xf32, #tpu.memory_space<vmem>>, vector<1x16xf32>,
      %swap3A_249 = arith.constant 0 : i32
      %swap3A_250 = arith.constant 0 : i32
      %swap3A_251 = tpu.memref_slice %arg9[%scan3A_18, %swap3A_249, %swap3A_250] : memref<2x128x128xf32, #tpu.memory_space<vmem>> -> memref<1x128x128xf32, #tpu.memory_space<vmem>>
      %swap3A_252 = tpu.memref_squeeze %swap3A_251 : memref<1x128x128xf32, #tpu.memory_space<vmem>> -> memref<128x128xf32, #tpu.memory_space<vmem>>
      %swap3A_253 = arith.index_cast %scan3A_204 : i32 to index
      %swap3A_254 = arith.constant 80 : index
      %swap3A_255 = tpu.vector_load %swap3A_252[%swap3A_253, %swap3A_254] {strides = array<i32>} : memref<128x128xf32, #tpu.memory_space<vmem>>, vector<1x16xf32>,
      %swap3A_256 = vector.shape_cast %swap3A_255 : vector<1x16xf32> to vector<16xf32>
      %swap3A_257 = vector.shape_cast %broadcast_in_dim3A_17 : vector<16xf32> to vector<1x16xf32>
      tpu.vector_store %swap3A_252[%swap3A_253, %swap3A_254], %swap3A_257 {strides = array<i32>} : memref<128x128xf32, #tpu.memory_space<vmem>>, vector<1x16xf32>,
      %swap3A_258 = arith.constant 0 : i32
      %swap3A_259 = arith.constant 0 : i32
      %swap3A_260 = tpu.memref_slice %arg9[%scan3A_18, %swap3A_258, %swap3A_259] : memref<2x128x128xf32, #tpu.memory_space<vmem>> -> memref<1x128x128xf32, #tpu.memory_space<vmem>>
      %swap3A_261 = tpu.memref_squeeze %swap3A_260 : memref<1x128x128xf32, #tpu.memory_space<vmem>> -> memref<128x128xf32, #tpu.memory_space<vmem>>
      %swap3A_262 = arith.index_cast %scan3A_204 : i32 to index
      %swap3A_263 = arith.constant 96 : index
      %swap3A_264 = tpu.vector_load %swap3A_261[%swap3A_262, %swap3A_263] {strides = array<i32>} : memref<128x128xf32, #tpu.memory_space<vmem>>, vector<1x16xf32>,
      %swap3A_265 = vector.shape_cast %swap3A_264 : vector<1x16xf32> to vector<16xf32>
      %swap3A_266 = vector.shape_cast %broadcast_in_dim3A_17 : vector<16xf32> to vector<1x16xf32>
      tpu.vector_store %swap3A_261[%swap3A_262, %swap3A_263], %swap3A_266 {strides = array<i32>} : memref<128x128xf32, #tpu.memory_space<vmem>>, vector<1x16xf32>,
      %swap3A_267 = arith.constant 0 : i32
      %swap3A_268 = arith.constant 0 : i32
      %swap3A_269 = tpu.memref_slice %arg9[%scan3A_18, %swap3A_267, %swap3A_268] : memref<2x128x128xf32, #tpu.memory_space<vmem>> -> memref<1x128x128xf32, #tpu.memory_space<vmem>>
      %swap3A_270 = tpu.memref_squeeze %swap3A_269 : memref<1x128x128xf32, #tpu.memory_space<vmem>> -> memref<128x128xf32, #tpu.memory_space<vmem>>
      %swap3A_271 = arith.index_cast %scan3A_204 : i32 to index
      %swap3A_272 = arith.constant 112 : index
      %swap3A_273 = tpu.vector_load %swap3A_270[%swap3A_271, %swap3A_272] {strides = array<i32>} : memref<128x128xf32, #tpu.memory_space<vmem>>, vector<1x16xf32>,
      %swap3A_274 = vector.shape_cast %swap3A_273 : vector<1x16xf32> to vector<16xf32>
      %swap3A_275 = vector.shape_cast %broadcast_in_dim3A_17 : vector<16xf32> to vector<1x16xf32>
      tpu.vector_store %swap3A_270[%swap3A_271, %swap3A_272], %swap3A_275 {strides = array<i32>} : memref<128x128xf32, #tpu.memory_space<vmem>>, vector<1x16xf32>,
    }
    %scan3A_23 = arith.constant 128 : i32
    %add3A_24 = arith.constant 0 : i32
    %add3A_25 = arith.addi %mul3A_16, %add3A_24 : i32
    %run_scoped3A_26 = arith.constant 0 : i32
    "tpu.region"() ({
      %run_scoped3A_204 = tpu.sem_alloc : memref<!tpu.dma_semaphore, #tpu.memory_space<semaphore_mem>>
      %dma_start3A_205 = arith.constant 0 : i32
      %dma_start3A_206 = arith.constant 0 : i32
      %dma_start3A_207 = tpu.memref_slice %arg9[%run_scoped3A_26, %dma_start3A_205, %dma_start3A_206] : memref<2x128x128xf32, #tpu.memory_space<vmem>> -> memref<1x128x128xf32, #tpu.memory_space<vmem>>
      %dma_start3A_208 = tpu.memref_squeeze %dma_start3A_207 : memref<1x128x128xf32, #tpu.memory_space<vmem>> -> memref<128x128xf32, #tpu.memory_space<vmem>>
      %dma_start3A_209 = arith.constant 0 : i32
      %dma_start3A_210 = tpu.memref_slice %arg10[%add3A_25, %dma_start3A_209] : memref<10112x128xf32, #tpu.memory_space<vmem_shared>> -> memref<128x128xf32, #tpu.memory_space<vmem_shared>>
      %dma_start3A_211 = arith.constant 0 : i32
      %dma_start3A_212 = tpu.memref_slice %arg10[%add3A_25, %dma_start3A_211] : memref<10112x128xf32, #tpu.memory_space<vmem_shared>> -> memref<128x128xf32, #tpu.memory_space<vmem_shared>>
      %dma_start3A_213 = arith.constant 0 : i32
      %dma_start3A_214 = arith.constant 0 : i32
      %dma_start3A_215 = tpu.memref_slice %arg9[%run_scoped3A_26, %dma_start3A_213, %dma_start3A_214] : memref<2x128x128xf32, #tpu.memory_space<vmem>> -> memref<1x128x128xf32, #tpu.memory_space<vmem>>
      %dma_start3A_216 = tpu.memref_squeeze %dma_start3A_215 : memref<1x128x128xf32, #tpu.memory_space<vmem>> -> memref<128x128xf32, #tpu.memory_space<vmem>>
      tpu.enqueue_dma source(%dma_start3A_216 : memref<128x128xf32, #tpu.memory_space<vmem>>) target(%dma_start3A_212 : memref<128x128xf32, #tpu.memory_space<vmem_shared>>) target_semaphore(%run_scoped3A_204 : memref<!tpu.dma_semaphore, #tpu.memory_space<semaphore_mem>>)
      %dma_wait3A_217 = arith.constant 0 : i32
      %dma_wait3A_218 = arith.constant 0 : i32
      %dma_wait3A_219 = tpu.memref_slice %arg9[%run_scoped3A_26, %dma_wait3A_217, %dma_wait3A_218] : memref<2x128x128xf32, #tpu.memory_space<vmem>> -> memref<1x128x128xf32, #tpu.memory_space<vmem>>
      %dma_wait3A_220 = tpu.memref_squeeze %dma_wait3A_219 : memref<1x128x128xf32, #tpu.memory_space<vmem>> -> memref<128x128xf32, #tpu.memory_space<vmem>>
      %dma_wait3A_221 = arith.constant 0 : i32
      %dma_wait3A_222 = tpu.memref_slice %arg10[%add3A_25, %dma_wait3A_221] : memref<10112x128xf32, #tpu.memory_space<vmem_shared>> -> memref<128x128xf32, #tpu.memory_space<vmem_shared>>
      %dma_wait3A_223 = arith.constant 0 : i32
      %dma_wait3A_224 = tpu.memref_slice %arg10[%add3A_25, %dma_wait3A_223] : memref<10112x128xf32, #tpu.memory_space<vmem_shared>> -> memref<128x128xf32, #tpu.memory_space<vmem_shared>>
      %dma_wait3A_225 = arith.constant 0 : i32
      %dma_wait3A_226 = arith.constant 0 : i32
      %dma_wait3A_227 = tpu.memref_slice %arg9[%run_scoped3A_26, %dma_wait3A_225, %dma_wait3A_226] : memref<2x128x128xf32, #tpu.memory_space<vmem>> -> memref<1x128x128xf32, #tpu.memory_space<vmem>>
      %dma_wait3A_228 = tpu.memref_squeeze %dma_wait3A_227 : memref<1x128x128xf32, #tpu.memory_space<vmem>> -> memref<128x128xf32, #tpu.memory_space<vmem>>
      tpu.wait_dma2 semaphore(%run_scoped3A_204 : memref<!tpu.dma_semaphore, #tpu.memory_space<semaphore_mem>>) src(%dma_wait3A_228 : memref<128x128xf32, #tpu.memory_space<vmem>>) dst(%dma_wait3A_224 : memref<128x128xf32, #tpu.memory_space<vmem_shared>>)
      tpu.yield
    }) : () -> ()
    %add3A_27 = arith.constant 128 : i32
    %add3A_28 = arith.addi %mul3A_16, %add3A_27 : i32
    %run_scoped3A_29 = arith.constant 0 : i32
    "tpu.region"() ({
      %run_scoped3A_204 = tpu.sem_alloc : memref<!tpu.dma_semaphore, #tpu.memory_space<semaphore_mem>>
      %dma_start3A_205 = arith.constant 0 : i32
      %dma_start3A_206 = arith.constant 0 : i32
      %dma_start3A_207 = tpu.memref_slice %arg9[%run_scoped3A_29, %dma_start3A_205, %dma_start3A_206] : memref<2x128x128xf32, #tpu.memory_space<vmem>> -> memref<1x128x128xf32, #tpu.memory_space<vmem>>
      %dma_start3A_208 = tpu.memref_squeeze %dma_start3A_207 : memref<1x128x128xf32, #tpu.memory_space<vmem>> -> memref<128x128xf32, #tpu.memory_space<vmem>>
      %dma_start3A_209 = arith.constant 0 : i32
      %dma_start3A_210 = tpu.memref_slice %arg10[%add3A_28, %dma_start3A_209] : memref<10112x128xf32, #tpu.memory_space<vmem_shared>> -> memref<128x128xf32, #tpu.memory_space<vmem_shared>>
      %dma_start3A_211 = arith.constant 0 : i32
      %dma_start3A_212 = tpu.memref_slice %arg10[%add3A_28, %dma_start3A_211] : memref<10112x128xf32, #tpu.memory_space<vmem_shared>> -> memref<128x128xf32, #tpu.memory_space<vmem_shared>>
      %dma_start3A_213 = arith.constant 0 : i32
      %dma_start3A_214 = arith.constant 0 : i32
      %dma_start3A_215 = tpu.memref_slice %arg9[%run_scoped3A_29, %dma_start3A_213, %dma_start3A_214] : memref<2x128x128xf32, #tpu.memory_space<vmem>> -> memref<1x128x128xf32, #tpu.memory_space<vmem>>
      %dma_start3A_216 = tpu.memref_squeeze %dma_start3A_215 : memref<1x128x128xf32, #tpu.memory_space<vmem>> -> memref<128x128xf32, #tpu.memory_space<vmem>>
      tpu.enqueue_dma source(%dma_start3A_216 : memref<128x128xf32, #tpu.memory_space<vmem>>) target(%dma_start3A_212 : memref<128x128xf32, #tpu.memory_space<vmem_shared>>) target_semaphore(%run_scoped3A_204 : memref<!tpu.dma_semaphore, #tpu.memory_space<semaphore_mem>>)
      %dma_wait3A_217 = arith.constant 0 : i32
      %dma_wait3A_218 = arith.constant 0 : i32
      %dma_wait3A_219 = tpu.memref_slice %arg9[%run_scoped3A_29, %dma_wait3A_217, %dma_wait3A_218] : memref<2x128x128xf32, #tpu.memory_space<vmem>> -> memref<1x128x128xf32, #tpu.memory_space<vmem>>
      %dma_wait3A_220 = tpu.memref_squeeze %dma_wait3A_219 : memref<1x128x128xf32, #tpu.memory_space<vmem>> -> memref<128x128xf32, #tpu.memory_space<vmem>>
      %dma_wait3A_221 = arith.constant 0 : i32
      %dma_wait3A_222 = tpu.memref_slice %arg10[%add3A_28, %dma_wait3A_221] : memref<10112x128xf32, #tpu.memory_space<vmem_shared>> -> memref<128x128xf32, #tpu.memory_space<vmem_shared>>
      %dma_wait3A_223 = arith.constant 0 : i32
      %dma_wait3A_224 = tpu.memref_slice %arg10[%add3A_28, %dma_wait3A_223] : memref<10112x128xf32, #tpu.memory_space<vmem_shared>> -> memref<128x128xf32, #tpu.memory_space<vmem_shared>>
      %dma_wait3A_225 = arith.constant 0 : i32
      %dma_wait3A_226 = arith.constant 0 : i32
      %dma_wait3A_227 = tpu.memref_slice %arg9[%run_scoped3A_29, %dma_wait3A_225, %dma_wait3A_226] : memref<2x128x128xf32, #tpu.memory_space<vmem>> -> memref<1x128x128xf32, #tpu.memory_space<vmem>>
      %dma_wait3A_228 = tpu.memref_squeeze %dma_wait3A_227 : memref<1x128x128xf32, #tpu.memory_space<vmem>> -> memref<128x128xf32, #tpu.memory_space<vmem>>
      tpu.wait_dma2 semaphore(%run_scoped3A_204 : memref<!tpu.dma_semaphore, #tpu.memory_space<semaphore_mem>>) src(%dma_wait3A_228 : memref<128x128xf32, #tpu.memory_space<vmem>>) dst(%dma_wait3A_224 : memref<128x128xf32, #tpu.memory_space<vmem_shared>>)
      tpu.yield
    }) : () -> ()
    %add3A_30 = arith.constant 256 : i32
    %add3A_31 = arith.addi %mul3A_16, %add3A_30 : i32
    %run_scoped3A_32 = arith.constant 0 : i32
    "tpu.region"() ({
      %run_scoped3A_204 = tpu.sem_alloc : memref<!tpu.dma_semaphore, #tpu.memory_space<semaphore_mem>>
      %dma_start3A_205 = arith.constant 0 : i32
      %dma_start3A_206 = arith.constant 0 : i32
      %dma_start3A_207 = tpu.memref_slice %arg9[%run_scoped3A_32, %dma_start3A_205, %dma_start3A_206] : memref<2x128x128xf32, #tpu.memory_space<vmem>> -> memref<1x128x128xf32, #tpu.memory_space<vmem>>
      %dma_start3A_208 = tpu.memref_squeeze %dma_start3A_207 : memref<1x128x128xf32, #tpu.memory_space<vmem>> -> memref<128x128xf32, #tpu.memory_space<vmem>>
      %dma_start3A_209 = arith.constant 0 : i32
      %dma_start3A_210 = tpu.memref_slice %arg10[%add3A_31, %dma_start3A_209] : memref<10112x128xf32, #tpu.memory_space<vmem_shared>> -> memref<128x128xf32, #tpu.memory_space<vmem_shared>>
      %dma_start3A_211 = arith.constant 0 : i32
      %dma_start3A_212 = tpu.memref_slice %arg10[%add3A_31, %dma_start3A_211] : memref<10112x128xf32, #tpu.memory_space<vmem_shared>> -> memref<128x128xf32, #tpu.memory_space<vmem_shared>>
      %dma_start3A_213 = arith.constant 0 : i32
      %dma_start3A_214 = arith.constant 0 : i32
      %dma_start3A_215 = tpu.memref_slice %arg9[%run_scoped3A_32, %dma_start3A_213, %dma_start3A_214] : memref<2x128x128xf32, #tpu.memory_space<vmem>> -> memref<1x128x128xf32, #tpu.memory_space<vmem>>
      %dma_start3A_216 = tpu.memref_squeeze %dma_start3A_215 : memref<1x128x128xf32, #tpu.memory_space<vmem>> -> memref<128x128xf32, #tpu.memory_space<vmem>>
      tpu.enqueue_dma source(%dma_start3A_216 : memref<128x128xf32, #tpu.memory_space<vmem>>) target(%dma_start3A_212 : memref<128x128xf32, #tpu.memory_space<vmem_shared>>) target_semaphore(%run_scoped3A_204 : memref<!tpu.dma_semaphore, #tpu.memory_space<semaphore_mem>>)
      %dma_wait3A_217 = arith.constant 0 : i32
      %dma_wait3A_218 = arith.constant 0 : i32
      %dma_wait3A_219 = tpu.memref_slice %arg9[%run_scoped3A_32, %dma_wait3A_217, %dma_wait3A_218] : memref<2x128x128xf32, #tpu.memory_space<vmem>> -> memref<1x128x128xf32, #tpu.memory_space<vmem>>
      %dma_wait3A_220 = tpu.memref_squeeze %dma_wait3A_219 : memref<1x128x128xf32, #tpu.memory_space<vmem>> -> memref<128x128xf32, #tpu.memory_space<vmem>>
      %dma_wait3A_221 = arith.constant 0 : i32
      %dma_wait3A_222 = tpu.memref_slice %arg10[%add3A_31, %dma_wait3A_221] : memref<10112x128xf32, #tpu.memory_space<vmem_shared>> -> memref<128x128xf32, #tpu.memory_space<vmem_shared>>
      %dma_wait3A_223 = arith.constant 0 : i32
      %dma_wait3A_224 = tpu.memref_slice %arg10[%add3A_31, %dma_wait3A_223] : memref<10112x128xf32, #tpu.memory_space<vmem_shared>> -> memref<128x128xf32, #tpu.memory_space<vmem_shared>>
      %dma_wait3A_225 = arith.constant 0 : i32
      %dma_wait3A_226 = arith.constant 0 : i32
      %dma_wait3A_227 = tpu.memref_slice %arg9[%run_scoped3A_32, %dma_wait3A_225, %dma_wait3A_226] : memref<2x128x128xf32, #tpu.memory_space<vmem>> -> memref<1x128x128xf32, #tpu.memory_space<vmem>>
      %dma_wait3A_228 = tpu.memref_squeeze %dma_wait3A_227 : memref<1x128x128xf32, #tpu.memory_space<vmem>> -> memref<128x128xf32, #tpu.memory_space<vmem>>
      tpu.wait_dma2 semaphore(%run_scoped3A_204 : memref<!tpu.dma_semaphore, #tpu.memory_space<semaphore_mem>>) src(%dma_wait3A_228 : memref<128x128xf32, #tpu.memory_space<vmem>>) dst(%dma_wait3A_224 : memref<128x128xf32, #tpu.memory_space<vmem_shared>>)
      tpu.yield
    }) : () -> ()
    %add3A_33 = arith.constant 384 : i32
    %add3A_34 = arith.addi %mul3A_16, %add3A_33 : i32
    %run_scoped3A_35 = arith.constant 0 : i32
    "tpu.region"() ({
      %run_scoped3A_204 = tpu.sem_alloc : memref<!tpu.dma_semaphore, #tpu.memory_space<semaphore_mem>>
      %dma_start3A_205 = arith.constant 0 : i32
      %dma_start3A_206 = arith.constant 0 : i32
      %dma_start3A_207 = tpu.memref_slice %arg9[%run_scoped3A_35, %dma_start3A_205, %dma_start3A_206] : memref<2x128x128xf32, #tpu.memory_space<vmem>> -> memref<1x128x128xf32, #tpu.memory_space<vmem>>
      %dma_start3A_208 = tpu.memref_squeeze %dma_start3A_207 : memref<1x128x128xf32, #tpu.memory_space<vmem>> -> memref<128x128xf32, #tpu.memory_space<vmem>>
      %dma_start3A_209 = arith.constant 0 : i32
      %dma_start3A_210 = tpu.memref_slice %arg10[%add3A_34, %dma_start3A_209] : memref<10112x128xf32, #tpu.memory_space<vmem_shared>> -> memref<128x128xf32, #tpu.memory_space<vmem_shared>>
      %dma_start3A_211 = arith.constant 0 : i32
      %dma_start3A_212 = tpu.memref_slice %arg10[%add3A_34, %dma_start3A_211] : memref<10112x128xf32, #tpu.memory_space<vmem_shared>> -> memref<128x128xf32, #tpu.memory_space<vmem_shared>>
      %dma_start3A_213 = arith.constant 0 : i32
      %dma_start3A_214 = arith.constant 0 : i32
      %dma_start3A_215 = tpu.memref_slice %arg9[%run_scoped3A_35, %dma_start3A_213, %dma_start3A_214] : memref<2x128x128xf32, #tpu.memory_space<vmem>> -> memref<1x128x128xf32, #tpu.memory_space<vmem>>
      %dma_start3A_216 = tpu.memref_squeeze %dma_start3A_215 : memref<1x128x128xf32, #tpu.memory_space<vmem>> -> memref<128x128xf32, #tpu.memory_space<vmem>>
      tpu.enqueue_dma source(%dma_start3A_216 : memref<128x128xf32, #tpu.memory_space<vmem>>) target(%dma_start3A_212 : memref<128x128xf32, #tpu.memory_space<vmem_shared>>) target_semaphore(%run_scoped3A_204 : memref<!tpu.dma_semaphore, #tpu.memory_space<semaphore_mem>>)
      %dma_wait3A_217 = arith.constant 0 : i32
      %dma_wait3A_218 = arith.constant 0 : i32
      %dma_wait3A_219 = tpu.memref_slice %arg9[%run_scoped3A_35, %dma_wait3A_217, %dma_wait3A_218] : memref<2x128x128xf32, #tpu.memory_space<vmem>> -> memref<1x128x128xf32, #tpu.memory_space<vmem>>
      %dma_wait3A_220 = tpu.memref_squeeze %dma_wait3A_219 : memref<1x128x128xf32, #tpu.memory_space<vmem>> -> memref<128x128xf32, #tpu.memory_space<vmem>>
      %dma_wait3A_221 = arith.constant 0 : i32
      %dma_wait3A_222 = tpu.memref_slice %arg10[%add3A_34, %dma_wait3A_221] : memref<10112x128xf32, #tpu.memory_space<vmem_shared>> -> memref<128x128xf32, #tpu.memory_space<vmem_shared>>
      %dma_wait3A_223 = arith.constant 0 : i32
      %dma_wait3A_224 = tpu.memref_slice %arg10[%add3A_34, %dma_wait3A_223] : memref<10112x128xf32, #tpu.memory_space<vmem_shared>> -> memref<128x128xf32, #tpu.memory_space<vmem_shared>>
      %dma_wait3A_225 = arith.constant 0 : i32
      %dma_wait3A_226 = arith.constant 0 : i32
      %dma_wait3A_227 = tpu.memref_slice %arg9[%run_scoped3A_35, %dma_wait3A_225, %dma_wait3A_226] : memref<2x128x128xf32, #tpu.memory_space<vmem>> -> memref<1x128x128xf32, #tpu.memory_space<vmem>>
      %dma_wait3A_228 = tpu.memref_squeeze %dma_wait3A_227 : memref<1x128x128xf32, #tpu.memory_space<vmem>> -> memref<128x128xf32, #tpu.memory_space<vmem>>
      tpu.wait_dma2 semaphore(%run_scoped3A_204 : memref<!tpu.dma_semaphore, #tpu.memory_space<semaphore_mem>>) src(%dma_wait3A_228 : memref<128x128xf32, #tpu.memory_space<vmem>>) dst(%dma_wait3A_224 : memref<128x128xf32, #tpu.memory_space<vmem_shared>>)
      tpu.yield
    }) : () -> ()
    %add3A_36 = arith.constant 512 : i32
    %add3A_37 = arith.addi %mul3A_16, %add3A_36 : i32
    %run_scoped3A_38 = arith.constant 0 : i32
    "tpu.region"() ({
      %run_scoped3A_204 = tpu.sem_alloc : memref<!tpu.dma_semaphore, #tpu.memory_space<semaphore_mem>>
      %dma_start3A_205 = arith.constant 0 : i32
      %dma_start3A_206 = arith.constant 0 : i32
      %dma_start3A_207 = tpu.memref_slice %arg9[%run_scoped3A_38, %dma_start3A_205, %dma_start3A_206] : memref<2x128x128xf32, #tpu.memory_space<vmem>> -> memref<1x128x128xf32, #tpu.memory_space<vmem>>
      %dma_start3A_208 = tpu.memref_squeeze %dma_start3A_207 : memref<1x128x128xf32, #tpu.memory_space<vmem>> -> memref<128x128xf32, #tpu.memory_space<vmem>>
      %dma_start3A_209 = arith.constant 0 : i32
      %dma_start3A_210 = arith.constant 0 : i32
      %dma_start3A_211 = tpu.memref_slice %dma_start3A_208[%dma_start3A_209, %dma_start3A_210] : memref<128x128xf32, #tpu.memory_space<vmem>> -> memref<120x128xf32, #tpu.memory_space<vmem>>
      %dma_start3A_212 = arith.constant 0 : i32
      %dma_start3A_213 = tpu.memref_slice %arg10[%add3A_37, %dma_start3A_212] : memref<10112x128xf32, #tpu.memory_space<vmem_shared>> -> memref<120x128xf32, #tpu.memory_space<vmem_shared>>
      %dma_start3A_214 = arith.constant 0 : i32
      %dma_start3A_215 = tpu.memref_slice %arg10[%add3A_37, %dma_start3A_214] : memref<10112x128xf32, #tpu.memory_space<vmem_shared>> -> memref<120x128xf32, #tpu.memory_space<vmem_shared>>
      %dma_start3A_216 = arith.constant 0 : i32
      %dma_start3A_217 = arith.constant 0 : i32
      %dma_start3A_218 = tpu.memref_slice %arg9[%run_scoped3A_38, %dma_start3A_216, %dma_start3A_217] : memref<2x128x128xf32, #tpu.memory_space<vmem>> -> memref<1x128x128xf32, #tpu.memory_space<vmem>>
      %dma_start3A_219 = tpu.memref_squeeze %dma_start3A_218 : memref<1x128x128xf32, #tpu.memory_space<vmem>> -> memref<128x128xf32, #tpu.memory_space<vmem>>
      %dma_start3A_220 = arith.constant 0 : i32
      %dma_start3A_221 = arith.constant 0 : i32
      %dma_start3A_222 = tpu.memref_slice %dma_start3A_219[%dma_start3A_220, %dma_start3A_221] : memref<128x128xf32, #tpu.memory_space<vmem>> -> memref<120x128xf32, #tpu.memory_space<vmem>>
      tpu.enqueue_dma source(%dma_start3A_222 : memref<120x128xf32, #tpu.memory_space<vmem>>) target(%dma_start3A_215 : memref<120x128xf32, #tpu.memory_space<vmem_shared>>) target_semaphore(%run_scoped3A_204 : memref<!tpu.dma_semaphore, #tpu.memory_space<semaphore_mem>>)
      %dma_wait3A_223 = arith.constant 0 : i32
      %dma_wait3A_224 = arith.constant 0 : i32
      %dma_wait3A_225 = tpu.memref_slice %arg9[%run_scoped3A_38, %dma_wait3A_223, %dma_wait3A_224] : memref<2x128x128xf32, #tpu.memory_space<vmem>> -> memref<1x128x128xf32, #tpu.memory_space<vmem>>
      %dma_wait3A_226 = tpu.memref_squeeze %dma_wait3A_225 : memref<1x128x128xf32, #tpu.memory_space<vmem>> -> memref<128x128xf32, #tpu.memory_space<vmem>>
      %dma_wait3A_227 = arith.constant 0 : i32
      %dma_wait3A_228 = arith.constant 0 : i32
      %dma_wait3A_229 = tpu.memref_slice %dma_wait3A_226[%dma_wait3A_227, %dma_wait3A_228] : memref<128x128xf32, #tpu.memory_space<vmem>> -> memref<120x128xf32, #tpu.memory_space<vmem>>
      %dma_wait3A_230 = arith.constant 0 : i32
      %dma_wait3A_231 = tpu.memref_slice %arg10[%add3A_37, %dma_wait3A_230] : memref<10112x128xf32, #tpu.memory_space<vmem_shared>> -> memref<120x128xf32, #tpu.memory_space<vmem_shared>>
      %dma_wait3A_232 = arith.constant 0 : i32
      %dma_wait3A_233 = tpu.memref_slice %arg10[%add3A_37, %dma_wait3A_232] : memref<10112x128xf32, #tpu.memory_space<vmem_shared>> -> memref<120x128xf32, #tpu.memory_space<vmem_shared>>
      %dma_wait3A_234 = arith.constant 0 : i32
      %dma_wait3A_235 = arith.constant 0 : i32
      %dma_wait3A_236 = tpu.memref_slice %arg9[%run_scoped3A_38, %dma_wait3A_234, %dma_wait3A_235] : memref<2x128x128xf32, #tpu.memory_space<vmem>> -> memref<1x128x128xf32, #tpu.memory_space<vmem>>
      %dma_wait3A_237 = tpu.memref_squeeze %dma_wait3A_236 : memref<1x128x128xf32, #tpu.memory_space<vmem>> -> memref<128x128xf32, #tpu.memory_space<vmem>>
      %dma_wait3A_238 = arith.constant 0 : i32
      %dma_wait3A_239 = arith.constant 0 : i32
      %dma_wait3A_240 = tpu.memref_slice %dma_wait3A_237[%dma_wait3A_238, %dma_wait3A_239] : memref<128x128xf32, #tpu.memory_space<vmem>> -> memref<120x128xf32, #tpu.memory_space<vmem>>
      tpu.wait_dma2 semaphore(%run_scoped3A_204 : memref<!tpu.dma_semaphore, #tpu.memory_space<semaphore_mem>>) src(%dma_wait3A_240 : memref<120x128xf32, #tpu.memory_space<vmem>>) dst(%dma_wait3A_233 : memref<120x128xf32, #tpu.memory_space<vmem_shared>>)
      tpu.yield
    }) : () -> ()
    %add3A_39 = arith.constant 0 : i32
    %add3A_40 = arith.addi %mul3A_14, %add3A_39 : i32
    %multiple_of3A = tpu.assume_multiple %add3A_40, 128 : i32
    %dma_start3A = arith.constant 0 : i32
    %dma_start3A_41 = arith.constant 0 : i32
    %dma_start3A_42 = tpu.memref_slice %arg7[%dma_start3A, %dma_start3A_41] : memref<4x128xi32, #tpu.memory_space<vmem>> -> memref<1x128xi32, #tpu.memory_space<vmem>>
    %dma_start3A_43 = tpu.memref_squeeze %dma_start3A_42 : memref<1x128xi32, #tpu.memory_space<vmem>> -> memref<128xi32, #tpu.memory_space<vmem>>
    %dma_start3A_44 = tpu.memref_slice %arg3[%multiple_of3A] : memref<320000xi32, #tpu.memory_space<hbm>> -> memref<128xi32, #tpu.memory_space<hbm>>
    %dma_start3A_45 = arith.constant 0 : i32
    %dma_start3A_46 = tpu.memref_slice %arg7[%dma_start3A, %dma_start3A_45] : memref<4x128xi32, #tpu.memory_space<vmem>> -> memref<1x128xi32, #tpu.memory_space<vmem>>
    %dma_start3A_47 = tpu.memref_squeeze %dma_start3A_46 : memref<1x128xi32, #tpu.memory_space<vmem>> -> memref<128xi32, #tpu.memory_space<vmem>>
    %dma_start3A_48 = tpu.memref_slice %arg3[%multiple_of3A] : memref<320000xi32, #tpu.memory_space<hbm>> -> memref<128xi32, #tpu.memory_space<hbm>>
    tpu.enqueue_dma source(%dma_start3A_48 : memref<128xi32, #tpu.memory_space<hbm>>) target(%dma_start3A_47 : memref<128xi32, #tpu.memory_space<vmem>>) target_semaphore(%arg11 : memref<!tpu.dma_semaphore, #tpu.memory_space<semaphore_mem>>)
    %add3A_49 = arith.constant 0 : i32
    %add3A_50 = arith.addi %mul3A_14, %add3A_49 : i32
    %multiple_of3A_51 = tpu.assume_multiple %add3A_50, 128 : i32
    %dma_start3A_52 = arith.constant 0 : i32
    %dma_start3A_53 = arith.constant 0 : i32
    %dma_start3A_54 = tpu.memref_slice %arg8[%dma_start3A_52, %dma_start3A_53] : memref<4x128xi32, #tpu.memory_space<vmem>> -> memref<1x128xi32, #tpu.memory_space<vmem>>
    %dma_start3A_55 = tpu.memref_squeeze %dma_start3A_54 : memref<1x128xi32, #tpu.memory_space<vmem>> -> memref<128xi32, #tpu.memory_space<vmem>>
    %dma_start3A_56 = tpu.memref_slice %arg4[%multiple_of3A_51] : memref<320000xi32, #tpu.memory_space<hbm>> -> memref<128xi32, #tpu.memory_space<hbm>>
    %dma_start3A_57 = arith.constant 0 : i32
    %dma_start3A_58 = tpu.memref_slice %arg8[%dma_start3A_52, %dma_start3A_57] : memref<4x128xi32, #tpu.memory_space<vmem>> -> memref<1x128xi32, #tpu.memory_space<vmem>>
    %dma_start3A_59 = tpu.memref_squeeze %dma_start3A_58 : memref<1x128xi32, #tpu.memory_space<vmem>> -> memref<128xi32, #tpu.memory_space<vmem>>
    %dma_start3A_60 = tpu.memref_slice %arg4[%multiple_of3A_51] : memref<320000xi32, #tpu.memory_space<hbm>> -> memref<128xi32, #tpu.memory_space<hbm>>
    tpu.enqueue_dma source(%dma_start3A_60 : memref<128xi32, #tpu.memory_space<hbm>>) target(%dma_start3A_59 : memref<128xi32, #tpu.memory_space<vmem>>) target_semaphore(%arg11 : memref<!tpu.dma_semaphore, #tpu.memory_space<semaphore_mem>>)
    %add3A_61 = arith.constant 128 : i32
    %add3A_62 = arith.addi %mul3A_14, %add3A_61 : i32
    %multiple_of3A_63 = tpu.assume_multiple %add3A_62, 128 : i32
    %dma_start3A_64 = arith.constant 1 : i32
    %dma_start3A_65 = arith.constant 0 : i32
    %dma_start3A_66 = tpu.memref_slice %arg7[%dma_start3A_64, %dma_start3A_65] : memref<4x128xi32, #tpu.memory_space<vmem>> -> memref<1x128xi32, #tpu.memory_space<vmem>>
    %dma_start3A_67 = tpu.memref_squeeze %dma_start3A_66 : memref<1x128xi32, #tpu.memory_space<vmem>> -> memref<128xi32, #tpu.memory_space<vmem>>
    %dma_start3A_68 = tpu.memref_slice %arg3[%multiple_of3A_63] : memref<320000xi32, #tpu.memory_space<hbm>> -> memref<128xi32, #tpu.memory_space<hbm>>
    %dma_start3A_69 = arith.constant 0 : i32
    %dma_start3A_70 = tpu.memref_slice %arg7[%dma_start3A_64, %dma_start3A_69] : memref<4x128xi32, #tpu.memory_space<vmem>> -> memref<1x128xi32, #tpu.memory_space<vmem>>
    %dma_start3A_71 = tpu.memref_squeeze %dma_start3A_70 : memref<1x128xi32, #tpu.memory_space<vmem>> -> memref<128xi32, #tpu.memory_space<vmem>>
    %dma_start3A_72 = tpu.memref_slice %arg3[%multiple_of3A_63] : memref<320000xi32, #tpu.memory_space<hbm>> -> memref<128xi32, #tpu.memory_space<hbm>>
    tpu.enqueue_dma source(%dma_start3A_72 : memref<128xi32, #tpu.memory_space<hbm>>) target(%dma_start3A_71 : memref<128xi32, #tpu.memory_space<vmem>>) target_semaphore(%arg11 : memref<!tpu.dma_semaphore, #tpu.memory_space<semaphore_mem>>)
    %add3A_73 = arith.constant 128 : i32
    %add3A_74 = arith.addi %mul3A_14, %add3A_73 : i32
    %multiple_of3A_75 = tpu.assume_multiple %add3A_74, 128 : i32
    %dma_start3A_76 = arith.constant 1 : i32
    %dma_start3A_77 = arith.constant 0 : i32
    %dma_start3A_78 = tpu.memref_slice %arg8[%dma_start3A_76, %dma_start3A_77] : memref<4x128xi32, #tpu.memory_space<vmem>> -> memref<1x128xi32, #tpu.memory_space<vmem>>
    %dma_start3A_79 = tpu.memref_squeeze %dma_start3A_78 : memref<1x128xi32, #tpu.memory_space<vmem>> -> memref<128xi32, #tpu.memory_space<vmem>>
    %dma_start3A_80 = tpu.memref_slice %arg4[%multiple_of3A_75] : memref<320000xi32, #tpu.memory_space<hbm>> -> memref<128xi32, #tpu.memory_space<hbm>>
    %dma_start3A_81 = arith.constant 0 : i32
    %dma_start3A_82 = tpu.memref_slice %arg8[%dma_start3A_76, %dma_start3A_81] : memref<4x128xi32, #tpu.memory_space<vmem>> -> memref<1x128xi32, #tpu.memory_space<vmem>>
    %dma_start3A_83 = tpu.memref_squeeze %dma_start3A_82 : memref<1x128xi32, #tpu.memory_space<vmem>> -> memref<128xi32, #tpu.memory_space<vmem>>
    %dma_start3A_84 = tpu.memref_slice %arg4[%multiple_of3A_75] : memref<320000xi32, #tpu.memory_space<hbm>> -> memref<128xi32, #tpu.memory_space<hbm>>
    tpu.enqueue_dma source(%dma_start3A_84 : memref<128xi32, #tpu.memory_space<hbm>>) target(%dma_start3A_83 : memref<128xi32, #tpu.memory_space<vmem>>) target_semaphore(%arg11 : memref<!tpu.dma_semaphore, #tpu.memory_space<semaphore_mem>>)
    %barrier3A = arith.constant 0 : index
    tpu.barrier barrier_id(%barrier3A)
    %add3A_85 = arith.constant 0 : i32
    %add3A_86 = arith.addi %mul3A_14, %add3A_85 : i32
    %multiple_of3A_87 = tpu.assume_multiple %add3A_86, 128 : i32
    %dma_wait3A = arith.constant 0 : i32
    %dma_wait3A_88 = arith.constant 0 : i32
    %dma_wait3A_89 = tpu.memref_slice %arg7[%dma_wait3A, %dma_wait3A_88] : memref<4x128xi32, #tpu.memory_space<vmem>> -> memref<1x128xi32, #tpu.memory_space<vmem>>
    %dma_wait3A_90 = tpu.memref_squeeze %dma_wait3A_89 : memref<1x128xi32, #tpu.memory_space<vmem>> -> memref<128xi32, #tpu.memory_space<vmem>>
    %dma_wait3A_91 = tpu.memref_slice %arg3[%multiple_of3A_87] : memref<320000xi32, #tpu.memory_space<hbm>> -> memref<128xi32, #tpu.memory_space<hbm>>
    %dma_wait3A_92 = arith.constant 0 : i32
    %dma_wait3A_93 = tpu.memref_slice %arg7[%dma_wait3A, %dma_wait3A_92] : memref<4x128xi32, #tpu.memory_space<vmem>> -> memref<1x128xi32, #tpu.memory_space<vmem>>
    %dma_wait3A_94 = tpu.memref_squeeze %dma_wait3A_93 : memref<1x128xi32, #tpu.memory_space<vmem>> -> memref<128xi32, #tpu.memory_space<vmem>>
    %dma_wait3A_95 = tpu.memref_slice %arg3[%multiple_of3A_87] : memref<320000xi32, #tpu.memory_space<hbm>> -> memref<128xi32, #tpu.memory_space<hbm>>
    tpu.wait_dma2 semaphore(%arg11 : memref<!tpu.dma_semaphore, #tpu.memory_space<semaphore_mem>>) src(%dma_wait3A_95 : memref<128xi32, #tpu.memory_space<hbm>>) dst(%dma_wait3A_94 : memref<128xi32, #tpu.memory_space<vmem>>)
    %add3A_96 = arith.constant 0 : i32
    %add3A_97 = arith.addi %mul3A_14, %add3A_96 : i32
    %multiple_of3A_98 = tpu.assume_multiple %add3A_97, 128 : i32
    %dma_wait3A_99 = arith.constant 0 : i32
    %dma_wait3A_100 = arith.constant 0 : i32
    %dma_wait3A_101 = tpu.memref_slice %arg8[%dma_wait3A_99, %dma_wait3A_100] : memref<4x128xi32, #tpu.memory_space<vmem>> -> memref<1x128xi32, #tpu.memory_space<vmem>>
    %dma_wait3A_102 = tpu.memref_squeeze %dma_wait3A_101 : memref<1x128xi32, #tpu.memory_space<vmem>> -> memref<128xi32, #tpu.memory_space<vmem>>
    %dma_wait3A_103 = tpu.memref_slice %arg4[%multiple_of3A_98] : memref<320000xi32, #tpu.memory_space<hbm>> -> memref<128xi32, #tpu.memory_space<hbm>>
    %dma_wait3A_104 = arith.constant 0 : i32
    %dma_wait3A_105 = tpu.memref_slice %arg8[%dma_wait3A_99, %dma_wait3A_104] : memref<4x128xi32, #tpu.memory_space<vmem>> -> memref<1x128xi32, #tpu.memory_space<vmem>>
    %dma_wait3A_106 = tpu.memref_squeeze %dma_wait3A_105 : memref<1x128xi32, #tpu.memory_space<vmem>> -> memref<128xi32, #tpu.memory_space<vmem>>
    %dma_wait3A_107 = tpu.memref_slice %arg4[%multiple_of3A_98] : memref<320000xi32, #tpu.memory_space<hbm>> -> memref<128xi32, #tpu.memory_space<hbm>>
    tpu.wait_dma2 semaphore(%arg11 : memref<!tpu.dma_semaphore, #tpu.memory_space<semaphore_mem>>) src(%dma_wait3A_107 : memref<128xi32, #tpu.memory_space<hbm>>) dst(%dma_wait3A_106 : memref<128xi32, #tpu.memory_space<vmem>>)
    %dma_start3A_108 = arith.constant 0 : i32
    %dma_start3A_109 = arith.constant 0 : i32
    %dma_start3A_110 = arith.constant 0 : i32
    %dma_start3A_111 = arith.constant 0 : i32
    %dma_start3A_112 = tpu.memref_slice %arg9[%dma_start3A_109, %dma_start3A_110, %dma_start3A_111] : memref<2x128x128xf32, #tpu.memory_space<vmem>> -> memref<1x128x128xf32, #tpu.memory_space<vmem>>
    %dma_start3A_113 = tpu.memref_squeeze %dma_start3A_112 : memref<1x128x128xf32, #tpu.memory_space<vmem>> -> memref<128x128xf32, #tpu.memory_space<vmem>>
    %dma_start3A_114 = arith.constant 0 : i32
    %dma_start3A_115 = tpu.memref_slice %arg7[%dma_start3A_108, %dma_start3A_114] : memref<4x128xi32, #tpu.memory_space<vmem>> -> memref<1x128xi32, #tpu.memory_space<vmem>>
    %dma_start3A_116 = tpu.memref_squeeze %dma_start3A_115 : memref<1x128xi32, #tpu.memory_space<vmem>> -> memref<128xi32, #tpu.memory_space<vmem>>
    %dma_start3A_117 = arith.constant 0 : i32
    %dma_start3A_118 = arith.constant 0 : i32
    %dma_start3A_119 = tpu.memref_slice %arg2[%dma_start3A_117, %dma_start3A_118] : memref<10000x128xf32, #tpu.memory_space<hbm>> -> memref<10000x128xf32, #tpu.memory_space<hbm>>
    tpu.enqueue_indirect_dma source(%dma_start3A_119 : memref<10000x128xf32, #tpu.memory_space<hbm>>) target(%dma_start3A_113 : memref<128x128xf32, #tpu.memory_space<vmem>>) offsets(%dma_start3A_116 : memref<128xi32, #tpu.memory_space<vmem>>) semaphore(%arg12 : memref<!tpu.dma_semaphore, #tpu.memory_space<semaphore_mem>>)
    %sub3A = arith.constant 1 : i32
    %sub3A_120 = arith.subi %select_n3A, %sub3A : i32
    %while3A = arith.constant 0 : i32
    %while3A_121 = arith.constant 0 : i32
    %while3A_122 = arith.subi %sub3A_120, %while3A_121 : i32
    %while3A_123 = arith.addi %while3A_121, %while3A_122 : i32
    %while3A_124 = arith.constant 1 : i32
    %while3A_125 = arith.divsi %while3A_122, %while3A_124 : i32
    %while3A_126 = arith.muli %while3A_125, %while3A_124 : i32
    %while3A_127 = arith.addi %while3A_121, %while3A_126 : i32
    %while3A_128 = arith.constant 1 : i32
    scf.for %while3A_204 = %while3A_121 to %while3A_127 step %while3A_128  : i32 {
      %jit3A_205 = arith.constant 4 : i32
      %eq3A_206 = arith.constant 0 : i32
      %eq3A_207 = arith.cmpi eq, %jit3A_205, %eq3A_206 : i32
      %jit3A_208 = arith.constant 1 : i32
      %select_n3A_209 = arith.select %eq3A_207, %jit3A_208, %jit3A_205 : i32
      %rem3A_210 = arith.remsi %while3A_204, %select_n3A_209 : i32
      %ne3A_211 = arith.constant 0 : i32
      %ne3A_212 = arith.cmpi ne, %rem3A_210, %ne3A_211 : i32
      %lt3A_213 = arith.constant 0 : i32
      %lt3A_214 = arith.cmpi slt, %rem3A_210, %lt3A_213 : i32
      %lt3A_215 = arith.constant 0 : i32
      %lt3A_216 = arith.cmpi slt, %select_n3A_209, %lt3A_215 : i32
      %ne3A_217 = arith.xori %lt3A_214, %lt3A_216 : i1
      %and3A_218 = arith.andi %ne3A_217, %ne3A_212 : i1
      %add3A_219 = arith.addi %rem3A_210, %select_n3A_209 : i32
      %select_n3A_220 = arith.select %and3A_218, %add3A_219, %rem3A_210 : i32
      %jit3A_221 = arith.constant 2 : i32
      %eq3A_222 = arith.constant 0 : i32
      %eq3A_223 = arith.cmpi eq, %jit3A_221, %eq3A_222 : i32
      %jit3A_224 = arith.constant 1 : i32
      %select_n3A_225 = arith.select %eq3A_223, %jit3A_224, %jit3A_221 : i32
      %rem3A_226 = arith.remsi %while3A_204, %select_n3A_225 : i32
      %ne3A_227 = arith.constant 0 : i32
      %ne3A_228 = arith.cmpi ne, %rem3A_226, %ne3A_227 : i32
      %lt3A_229 = arith.constant 0 : i32
      %lt3A_230 = arith.cmpi slt, %rem3A_226, %lt3A_229 : i32
      %lt3A_231 = arith.constant 0 : i32
      %lt3A_232 = arith.cmpi slt, %select_n3A_225, %lt3A_231 : i32
      %ne3A_233 = arith.xori %lt3A_230, %lt3A_232 : i1
      %and3A_234 = arith.andi %ne3A_233, %ne3A_228 : i1
      %add3A_235 = arith.addi %rem3A_226, %select_n3A_225 : i32
      %select_n3A_236 = arith.select %and3A_234, %add3A_235, %rem3A_226 : i32
      %dma_wait3A_237 = arith.constant 0 : i32
      %dma_wait3A_238 = arith.constant 0 : i32
      %dma_wait3A_239 = tpu.memref_slice %arg9[%select_n3A_236, %dma_wait3A_237, %dma_wait3A_238] : memref<2x128x128xf32, #tpu.memory_space<vmem>> -> memref<1x128x128xf32, #tpu.memory_space<vmem>>
      %dma_wait3A_240 = tpu.memref_squeeze %dma_wait3A_239 : memref<1x128x128xf32, #tpu.memory_space<vmem>> -> memref<128x128xf32, #tpu.memory_space<vmem>>
      %dma_wait3A_241 = arith.constant 0 : i32
      %dma_wait3A_242 = tpu.memref_slice %arg7[%select_n3A_220, %dma_wait3A_241] : memref<4x128xi32, #tpu.memory_space<vmem>> -> memref<1x128xi32, #tpu.memory_space<vmem>>
      %dma_wait3A_243 = tpu.memref_squeeze %dma_wait3A_242 : memref<1x128xi32, #tpu.memory_space<vmem>> -> memref<128xi32, #tpu.memory_space<vmem>>
      %dma_wait3A_244 = arith.constant 0 : i32
      %dma_wait3A_245 = arith.constant 0 : i32
      %dma_wait3A_246 = tpu.memref_slice %arg2[%dma_wait3A_244, %dma_wait3A_245] : memref<10000x128xf32, #tpu.memory_space<hbm>> -> memref<10000x128xf32, #tpu.memory_space<hbm>>
      tpu.wait_indirect_dma semaphore(%arg12 : memref<!tpu.dma_semaphore, #tpu.memory_space<semaphore_mem>>) src(%dma_wait3A_246 : memref<10000x128xf32, #tpu.memory_space<hbm>>) dst(%dma_wait3A_240 : memref<128x128xf32, #tpu.memory_space<vmem>>)
      %add3A_247 = arith.constant 1 : i32
      %add3A_248 = arith.addi %while3A_204, %add3A_247 : i32
      %mul3A_249 = arith.constant 128 : i32
      %mul3A_250 = arith.muli %add3A_248, %mul3A_249 : i32
      %add3A_251 = arith.addi %mul3A_14, %mul3A_250 : i32
      %multiple_of3A_252 = tpu.assume_multiple %add3A_251, 128 : i32
      %jit3A_253 = arith.constant 4 : i32
      %eq3A_254 = arith.constant 0 : i32
      %eq3A_255 = arith.cmpi eq, %jit3A_253, %eq3A_254 : i32
      %jit3A_256 = arith.constant 1 : i32
      %select_n3A_257 = arith.select %eq3A_255, %jit3A_256, %jit3A_253 : i32
      %rem3A_258 = arith.remsi %add3A_248, %select_n3A_257 : i32
      %ne3A_259 = arith.constant 0 : i32
      %ne3A_260 = arith.cmpi ne, %rem3A_258, %ne3A_259 : i32
      %lt3A_261 = arith.constant 0 : i32
      %lt3A_262 = arith.cmpi slt, %rem3A_258, %lt3A_261 : i32
      %lt3A_263 = arith.constant 0 : i32
      %lt3A_264 = arith.cmpi slt, %select_n3A_257, %lt3A_263 : i32
      %ne3A_265 = arith.xori %lt3A_262, %lt3A_264 : i1
      %and3A_266 = arith.andi %ne3A_265, %ne3A_260 : i1
      %add3A_267 = arith.addi %rem3A_258, %select_n3A_257 : i32
      %select_n3A_268 = arith.select %and3A_266, %add3A_267, %rem3A_258 : i32
      %dma_wait3A_269 = arith.constant 0 : i32
      %dma_wait3A_270 = tpu.memref_slice %arg7[%select_n3A_268, %dma_wait3A_269] : memref<4x128xi32, #tpu.memory_space<vmem>> -> memref<1x128xi32, #tpu.memory_space<vmem>>
      %dma_wait3A_271 = tpu.memref_squeeze %dma_wait3A_270 : memref<1x128xi32, #tpu.memory_space<vmem>> -> memref<128xi32, #tpu.memory_space<vmem>>
      %dma_wait3A_272 = tpu.memref_slice %arg3[%multiple_of3A_252] : memref<320000xi32, #tpu.memory_space<hbm>> -> memref<128xi32, #tpu.memory_space<hbm>>
      %dma_wait3A_273 = arith.constant 0 : i32
      %dma_wait3A_274 = tpu.memref_slice %arg7[%select_n3A_268, %dma_wait3A_273] : memref<4x128xi32, #tpu.memory_space<vmem>> -> memref<1x128xi32, #tpu.memory_space<vmem>>
      %dma_wait3A_275 = tpu.memref_squeeze %dma_wait3A_274 : memref<1x128xi32, #tpu.memory_space<vmem>> -> memref<128xi32, #tpu.memory_space<vmem>>
      %dma_wait3A_276 = tpu.memref_slice %arg3[%multiple_of3A_252] : memref<320000xi32, #tpu.memory_space<hbm>> -> memref<128xi32, #tpu.memory_space<hbm>>
      tpu.wait_dma2 semaphore(%arg11 : memref<!tpu.dma_semaphore, #tpu.memory_space<semaphore_mem>>) src(%dma_wait3A_276 : memref<128xi32, #tpu.memory_space<hbm>>) dst(%dma_wait3A_275 : memref<128xi32, #tpu.memory_space<vmem>>)
      %add3A_277 = arith.constant 1 : i32
      %add3A_278 = arith.addi %while3A_204, %add3A_277 : i32
      %mul3A_279 = arith.constant 128 : i32
      %mul3A_280 = arith.muli %add3A_278, %mul3A_279 : i32
      %add3A_281 = arith.addi %mul3A_14, %mul3A_280 : i32
      %multiple_of3A_282 = tpu.assume_multiple %add3A_281, 128 : i32
      %jit3A_283 = arith.constant 4 : i32
      %eq3A_284 = arith.constant 0 : i32
      %eq3A_285 = arith.cmpi eq, %jit3A_283, %eq3A_284 : i32
      %jit3A_286 = arith.constant 1 : i32
      %select_n3A_287 = arith.select %eq3A_285, %jit3A_286, %jit3A_283 : i32
      %rem3A_288 = arith.remsi %add3A_278, %select_n3A_287 : i32
      %ne3A_289 = arith.constant 0 : i32
      %ne3A_290 = arith.cmpi ne, %rem3A_288, %ne3A_289 : i32
      %lt3A_291 = arith.constant 0 : i32
      %lt3A_292 = arith.cmpi slt, %rem3A_288, %lt3A_291 : i32
      %lt3A_293 = arith.constant 0 : i32
      %lt3A_294 = arith.cmpi slt, %select_n3A_287, %lt3A_293 : i32
      %ne3A_295 = arith.xori %lt3A_292, %lt3A_294 : i1
      %and3A_296 = arith.andi %ne3A_295, %ne3A_290 : i1
      %add3A_297 = arith.addi %rem3A_288, %select_n3A_287 : i32
      %select_n3A_298 = arith.select %and3A_296, %add3A_297, %rem3A_288 : i32
      %dma_wait3A_299 = arith.constant 0 : i32
      %dma_wait3A_300 = tpu.memref_slice %arg8[%select_n3A_298, %dma_wait3A_299] : memref<4x128xi32, #tpu.memory_space<vmem>> -> memref<1x128xi32, #tpu.memory_space<vmem>>
      %dma_wait3A_301 = tpu.memref_squeeze %dma_wait3A_300 : memref<1x128xi32, #tpu.memory_space<vmem>> -> memref<128xi32, #tpu.memory_space<vmem>>
      %dma_wait3A_302 = tpu.memref_slice %arg4[%multiple_of3A_282] : memref<320000xi32, #tpu.memory_space<hbm>> -> memref<128xi32, #tpu.memory_space<hbm>>
      %dma_wait3A_303 = arith.constant 0 : i32
      %dma_wait3A_304 = tpu.memref_slice %arg8[%select_n3A_298, %dma_wait3A_303] : memref<4x128xi32, #tpu.memory_space<vmem>> -> memref<1x128xi32, #tpu.memory_space<vmem>>
      %dma_wait3A_305 = tpu.memref_squeeze %dma_wait3A_304 : memref<1x128xi32, #tpu.memory_space<vmem>> -> memref<128xi32, #tpu.memory_space<vmem>>
      %dma_wait3A_306 = tpu.memref_slice %arg4[%multiple_of3A_282] : memref<320000xi32, #tpu.memory_space<hbm>> -> memref<128xi32, #tpu.memory_space<hbm>>
      tpu.wait_dma2 semaphore(%arg11 : memref<!tpu.dma_semaphore, #tpu.memory_space<semaphore_mem>>) src(%dma_wait3A_306 : memref<128xi32, #tpu.memory_space<hbm>>) dst(%dma_wait3A_305 : memref<128xi32, #tpu.memory_space<vmem>>)
      %add3A_307 = arith.constant 1 : i32
      %add3A_308 = arith.addi %while3A_204, %add3A_307 : i32
      %jit3A_309 = arith.constant 4 : i32
      %eq3A_310 = arith.constant 0 : i32
      %eq3A_311 = arith.cmpi eq, %jit3A_309, %eq3A_310 : i32
      %jit3A_312 = arith.constant 1 : i32
      %select_n3A_313 = arith.select %eq3A_311, %jit3A_312, %jit3A_309 : i32
      %rem3A_314 = arith.remsi %add3A_308, %select_n3A_313 : i32
      %ne3A_315 = arith.constant 0 : i32
      %ne3A_316 = arith.cmpi ne, %rem3A_314, %ne3A_315 : i32
      %lt3A_317 = arith.constant 0 : i32
      %lt3A_318 = arith.cmpi slt, %rem3A_314, %lt3A_317 : i32
      %lt3A_319 = arith.constant 0 : i32
      %lt3A_320 = arith.cmpi slt, %select_n3A_313, %lt3A_319 : i32
      %ne3A_321 = arith.xori %lt3A_318, %lt3A_320 : i1
      %and3A_322 = arith.andi %ne3A_321, %ne3A_316 : i1
      %add3A_323 = arith.addi %rem3A_314, %select_n3A_313 : i32
      %select_n3A_324 = arith.select %and3A_322, %add3A_323, %rem3A_314 : i32
      %add3A_325 = arith.constant 1 : i32
      %add3A_326 = arith.addi %while3A_204, %add3A_325 : i32
      %jit3A_327 = arith.constant 2 : i32
      %eq3A_328 = arith.constant 0 : i32
      %eq3A_329 = arith.cmpi eq, %jit3A_327, %eq3A_328 : i32
      %jit3A_330 = arith.constant 1 : i32
      %select_n3A_331 = arith.select %eq3A_329, %jit3A_330, %jit3A_327 : i32
      %rem3A_332 = arith.remsi %add3A_326, %select_n3A_331 : i32
      %ne3A_333 = arith.constant 0 : i32
      %ne3A_334 = arith.cmpi ne, %rem3A_332, %ne3A_333 : i32
      %lt3A_335 = arith.constant 0 : i32
      %lt3A_336 = arith.cmpi slt, %rem3A_332, %lt3A_335 : i32
      %lt3A_337 = arith.constant 0 : i32
      %lt3A_338 = arith.cmpi slt, %select_n3A_331, %lt3A_337 : i32
      %ne3A_339 = arith.xori %lt3A_336, %lt3A_338 : i1
      %and3A_340 = arith.andi %ne3A_339, %ne3A_334 : i1
      %add3A_341 = arith.addi %rem3A_332, %select_n3A_331 : i32
      %select_n3A_342 = arith.select %and3A_340, %add3A_341, %rem3A_332 : i32
      %dma_start3A_343 = arith.constant 0 : i32
      %dma_start3A_344 = arith.constant 0 : i32
      %dma_start3A_345 = tpu.memref_slice %arg9[%select_n3A_342, %dma_start3A_343, %dma_start3A_344] : memref<2x128x128xf32, #tpu.memory_space<vmem>> -> memref<1x128x128xf32, #tpu.memory_space<vmem>>
      %dma_start3A_346 = tpu.memref_squeeze %dma_start3A_345 : memref<1x128x128xf32, #tpu.memory_space<vmem>> -> memref<128x128xf32, #tpu.memory_space<vmem>>
      %dma_start3A_347 = arith.constant 0 : i32
      %dma_start3A_348 = tpu.memref_slice %arg7[%select_n3A_324, %dma_start3A_347] : memref<4x128xi32, #tpu.memory_space<vmem>> -> memref<1x128xi32, #tpu.memory_space<vmem>>
      %dma_start3A_349 = tpu.memref_squeeze %dma_start3A_348 : memref<1x128xi32, #tpu.memory_space<vmem>> -> memref<128xi32, #tpu.memory_space<vmem>>
      %dma_start3A_350 = arith.constant 0 : i32
      %dma_start3A_351 = arith.constant 0 : i32
      %dma_start3A_352 = tpu.memref_slice %arg2[%dma_start3A_350, %dma_start3A_351] : memref<10000x128xf32, #tpu.memory_space<hbm>> -> memref<10000x128xf32, #tpu.memory_space<hbm>>
      tpu.enqueue_indirect_dma source(%dma_start3A_352 : memref<10000x128xf32, #tpu.memory_space<hbm>>) target(%dma_start3A_346 : memref<128x128xf32, #tpu.memory_space<vmem>>) offsets(%dma_start3A_349 : memref<128xi32, #tpu.memory_space<vmem>>) semaphore(%arg12 : memref<!tpu.dma_semaphore, #tpu.memory_space<semaphore_mem>>)
      %add3A_353 = arith.constant 2 : i32
      %add3A_354 = arith.addi %while3A_204, %add3A_353 : i32
      %lt3A_355 = arith.cmpi slt, %add3A_354, %select_n3A : i32
      %convert_element_type3A_356 = arith.extui %lt3A_355 : i1 to i32
      %cond3A = arith.constant 0 : i32
      %cond3A_357 = arith.cmpi ne, %convert_element_type3A_356, %cond3A : i32
      scf.if %cond3A_357 {
        %add3A_390 = arith.constant 2 : i32
        %add3A_391 = arith.addi %while3A_204, %add3A_390 : i32
        %mul3A_392 = arith.constant 128 : i32
        %mul3A_393 = arith.muli %add3A_391, %mul3A_392 : i32
        %add3A_394 = arith.addi %mul3A_14, %mul3A_393 : i32
        %multiple_of3A_395 = tpu.assume_multiple %add3A_394, 128 : i32
        %jit3A_396 = arith.constant 4 : i32
        %eq3A_397 = arith.constant 0 : i32
        %eq3A_398 = arith.cmpi eq, %jit3A_396, %eq3A_397 : i32
        %jit3A_399 = arith.constant 1 : i32
        %select_n3A_400 = arith.select %eq3A_398, %jit3A_399, %jit3A_396 : i32
        %rem3A_401 = arith.remsi %add3A_391, %select_n3A_400 : i32
        %ne3A_402 = arith.constant 0 : i32
        %ne3A_403 = arith.cmpi ne, %rem3A_401, %ne3A_402 : i32
        %lt3A_404 = arith.constant 0 : i32
        %lt3A_405 = arith.cmpi slt, %rem3A_401, %lt3A_404 : i32
        %lt3A_406 = arith.constant 0 : i32
        %lt3A_407 = arith.cmpi slt, %select_n3A_400, %lt3A_406 : i32
        %ne3A_408 = arith.xori %lt3A_405, %lt3A_407 : i1
        %and3A_409 = arith.andi %ne3A_408, %ne3A_403 : i1
        %add3A_410 = arith.addi %rem3A_401, %select_n3A_400 : i32
        %select_n3A_411 = arith.select %and3A_409, %add3A_410, %rem3A_401 : i32
        %dma_start3A_412 = arith.constant 0 : i32
        %dma_start3A_413 = tpu.memref_slice %arg7[%select_n3A_411, %dma_start3A_412] : memref<4x128xi32, #tpu.memory_space<vmem>> -> memref<1x128xi32, #tpu.memory_space<vmem>>
        %dma_start3A_414 = tpu.memref_squeeze %dma_start3A_413 : memref<1x128xi32, #tpu.memory_space<vmem>> -> memref<128xi32, #tpu.memory_space<vmem>>
        %dma_start3A_415 = tpu.memref_slice %arg3[%multiple_of3A_395] : memref<320000xi32, #tpu.memory_space<hbm>> -> memref<128xi32, #tpu.memory_space<hbm>>
        %dma_start3A_416 = arith.constant 0 : i32
        %dma_start3A_417 = tpu.memref_slice %arg7[%select_n3A_411, %dma_start3A_416] : memref<4x128xi32, #tpu.memory_space<vmem>> -> memref<1x128xi32, #tpu.memory_space<vmem>>
        %dma_start3A_418 = tpu.memref_squeeze %dma_start3A_417 : memref<1x128xi32, #tpu.memory_space<vmem>> -> memref<128xi32, #tpu.memory_space<vmem>>
        %dma_start3A_419 = tpu.memref_slice %arg3[%multiple_of3A_395] : memref<320000xi32, #tpu.memory_space<hbm>> -> memref<128xi32, #tpu.memory_space<hbm>>
        tpu.enqueue_dma source(%dma_start3A_419 : memref<128xi32, #tpu.memory_space<hbm>>) target(%dma_start3A_418 : memref<128xi32, #tpu.memory_space<vmem>>) target_semaphore(%arg11 : memref<!tpu.dma_semaphore, #tpu.memory_space<semaphore_mem>>)
        %add3A_420 = arith.constant 2 : i32
        %add3A_421 = arith.addi %while3A_204, %add3A_420 : i32
        %mul3A_422 = arith.constant 128 : i32
        %mul3A_423 = arith.muli %add3A_421, %mul3A_422 : i32
        %add3A_424 = arith.addi %mul3A_14, %mul3A_423 : i32
        %multiple_of3A_425 = tpu.assume_multiple %add3A_424, 128 : i32
        %jit3A_426 = arith.constant 4 : i32
        %eq3A_427 = arith.constant 0 : i32
        %eq3A_428 = arith.cmpi eq, %jit3A_426, %eq3A_427 : i32
        %jit3A_429 = arith.constant 1 : i32
        %select_n3A_430 = arith.select %eq3A_428, %jit3A_429, %jit3A_426 : i32
        %rem3A_431 = arith.remsi %add3A_421, %select_n3A_430 : i32
        %ne3A_432 = arith.constant 0 : i32
        %ne3A_433 = arith.cmpi ne, %rem3A_431, %ne3A_432 : i32
        %lt3A_434 = arith.constant 0 : i32
        %lt3A_435 = arith.cmpi slt, %rem3A_431, %lt3A_434 : i32
        %lt3A_436 = arith.constant 0 : i32
        %lt3A_437 = arith.cmpi slt, %select_n3A_430, %lt3A_436 : i32
        %ne3A_438 = arith.xori %lt3A_435, %lt3A_437 : i1
        %and3A_439 = arith.andi %ne3A_438, %ne3A_433 : i1
        %add3A_440 = arith.addi %rem3A_431, %select_n3A_430 : i32
        %select_n3A_441 = arith.select %and3A_439, %add3A_440, %rem3A_431 : i32
        %dma_start3A_442 = arith.constant 0 : i32
        %dma_start3A_443 = tpu.memref_slice %arg8[%select_n3A_441, %dma_start3A_442] : memref<4x128xi32, #tpu.memory_space<vmem>> -> memref<1x128xi32, #tpu.memory_space<vmem>>
        %dma_start3A_444 = tpu.memref_squeeze %dma_start3A_443 : memref<1x128xi32, #tpu.memory_space<vmem>> -> memref<128xi32, #tpu.memory_space<vmem>>
        %dma_start3A_445 = tpu.memref_slice %arg4[%multiple_of3A_425] : memref<320000xi32, #tpu.memory_space<hbm>> -> memref<128xi32, #tpu.memory_space<hbm>>
        %dma_start3A_446 = arith.constant 0 : i32
        %dma_start3A_447 = tpu.memref_slice %arg8[%select_n3A_441, %dma_start3A_446] : memref<4x128xi32, #tpu.memory_space<vmem>> -> memref<1x128xi32, #tpu.memory_space<vmem>>
        %dma_start3A_448 = tpu.memref_squeeze %dma_start3A_447 : memref<1x128xi32, #tpu.memory_space<vmem>> -> memref<128xi32, #tpu.memory_space<vmem>>
        %dma_start3A_449 = tpu.memref_slice %arg4[%multiple_of3A_425] : memref<320000xi32, #tpu.memory_space<hbm>> -> memref<128xi32, #tpu.memory_space<hbm>>
        tpu.enqueue_dma source(%dma_start3A_449 : memref<128xi32, #tpu.memory_space<hbm>>) target(%dma_start3A_448 : memref<128xi32, #tpu.memory_space<vmem>>) target_semaphore(%arg11 : memref<!tpu.dma_semaphore, #tpu.memory_space<semaphore_mem>>)
      } else {
      }
      %jit3A_358 = arith.constant 2 : i32
      %eq3A_359 = arith.constant 0 : i32
      %eq3A_360 = arith.cmpi eq, %jit3A_358, %eq3A_359 : i32
      %jit3A_361 = arith.constant 1 : i32
      %select_n3A_362 = arith.select %eq3A_360, %jit3A_361, %jit3A_358 : i32
      %rem3A_363 = arith.remsi %while3A_204, %select_n3A_362 : i32
      %ne3A_364 = arith.constant 0 : i32
      %ne3A_365 = arith.cmpi ne, %rem3A_363, %ne3A_364 : i32
      %lt3A_366 = arith.constant 0 : i32
      %lt3A_367 = arith.cmpi slt, %rem3A_363, %lt3A_366 : i32
      %lt3A_368 = arith.constant 0 : i32
      %lt3A_369 = arith.cmpi slt, %select_n3A_362, %lt3A_368 : i32
      %ne3A_370 = arith.xori %lt3A_367, %lt3A_369 : i1
      %and3A_371 = arith.andi %ne3A_370, %ne3A_365 : i1
      %add3A_372 = arith.addi %rem3A_363, %select_n3A_362 : i32
      %select_n3A_373 = arith.select %and3A_371, %add3A_372, %rem3A_363 : i32
      %jit3A_374 = arith.constant 4 : i32
      %eq3A_375 = arith.constant 0 : i32
      %eq3A_376 = arith.cmpi eq, %jit3A_374, %eq3A_375 : i32
      %jit3A_377 = arith.constant 1 : i32
      %select_n3A_378 = arith.select %eq3A_376, %jit3A_377, %jit3A_374 : i32
      %rem3A_379 = arith.remsi %while3A_204, %select_n3A_378 : i32
      %ne3A_380 = arith.constant 0 : i32
      %ne3A_381 = arith.cmpi ne, %rem3A_379, %ne3A_380 : i32
      %lt3A_382 = arith.constant 0 : i32
      %lt3A_383 = arith.cmpi slt, %rem3A_379, %lt3A_382 : i32
      %lt3A_384 = arith.constant 0 : i32
      %lt3A_385 = arith.cmpi slt, %select_n3A_378, %lt3A_384 : i32
      %ne3A_386 = arith.xori %lt3A_383, %lt3A_385 : i1
      %and3A_387 = arith.andi %ne3A_386, %ne3A_381 : i1
      %add3A_388 = arith.addi %rem3A_379, %select_n3A_378 : i32
      %select_n3A_389 = arith.select %and3A_387, %add3A_388, %rem3A_379 : i32
      "tpu.region"() ({
        %run_scoped3A_390 = tpu.sem_alloc : memref<!tpu.dma_semaphore, #tpu.memory_space<semaphore_mem>>
        %dma_start3A_391 = arith.constant 0 : i32
        %dma_start3A_392 = arith.constant 0 : i32
        %dma_start3A_393 = tpu.memref_slice %arg9[%select_n3A_373, %dma_start3A_391, %dma_start3A_392] : memref<2x128x128xf32, #tpu.memory_space<vmem>> -> memref<1x128x128xf32, #tpu.memory_space<vmem>>
        %dma_start3A_394 = tpu.memref_squeeze %dma_start3A_393 : memref<1x128x128xf32, #tpu.memory_space<vmem>> -> memref<128x128xf32, #tpu.memory_space<vmem>>
        %dma_start3A_395 = arith.constant 0 : i32
        %dma_start3A_396 = tpu.memref_slice %arg8[%select_n3A_389, %dma_start3A_395] : memref<4x128xi32, #tpu.memory_space<vmem>> -> memref<1x128xi32, #tpu.memory_space<vmem>>
        %dma_start3A_397 = tpu.memref_squeeze %dma_start3A_396 : memref<1x128xi32, #tpu.memory_space<vmem>> -> memref<128xi32, #tpu.memory_space<vmem>>
        %dma_start3A_398 = arith.constant 0 : i32
        %dma_start3A_399 = arith.constant 0 : i32
        %dma_start3A_400 = tpu.memref_slice %arg10[%dma_start3A_398, %dma_start3A_399] : memref<10112x128xf32, #tpu.memory_space<vmem_shared>> -> memref<10112x128xf32, #tpu.memory_space<vmem_shared>>
        tpu.enqueue_indirect_dma source(%dma_start3A_394 : memref<128x128xf32, #tpu.memory_space<vmem>>) target(%dma_start3A_400 : memref<10112x128xf32, #tpu.memory_space<vmem_shared>>) offsets(%dma_start3A_397 : memref<128xi32, #tpu.memory_space<vmem>>) semaphore(%run_scoped3A_390 : memref<!tpu.dma_semaphore, #tpu.memory_space<semaphore_mem>>) {add = true}
        %dma_wait3A_401 = arith.constant 0 : i32
        %dma_wait3A_402 = arith.constant 0 : i32
        %dma_wait3A_403 = tpu.memref_slice %arg9[%select_n3A_373, %dma_wait3A_401, %dma_wait3A_402] : memref<2x128x128xf32, #tpu.memory_space<vmem>> -> memref<1x128x128xf32, #tpu.memory_space<vmem>>
        %dma_wait3A_404 = tpu.memref_squeeze %dma_wait3A_403 : memref<1x128x128xf32, #tpu.memory_space<vmem>> -> memref<128x128xf32, #tpu.memory_space<vmem>>
        %dma_wait3A_405 = arith.constant 0 : i32
        %dma_wait3A_406 = tpu.memref_slice %arg8[%select_n3A_389, %dma_wait3A_405] : memref<4x128xi32, #tpu.memory_space<vmem>> -> memref<1x128xi32, #tpu.memory_space<vmem>>
        %dma_wait3A_407 = tpu.memref_squeeze %dma_wait3A_406 : memref<1x128xi32, #tpu.memory_space<vmem>> -> memref<128xi32, #tpu.memory_space<vmem>>
        %dma_wait3A_408 = arith.constant 0 : i32
        %dma_wait3A_409 = arith.constant 0 : i32
        %dma_wait3A_410 = tpu.memref_slice %arg10[%dma_wait3A_408, %dma_wait3A_409] : memref<10112x128xf32, #tpu.memory_space<vmem_shared>> -> memref<10112x128xf32, #tpu.memory_space<vmem_shared>>
        tpu.wait_indirect_dma semaphore(%run_scoped3A_390 : memref<!tpu.dma_semaphore, #tpu.memory_space<semaphore_mem>>) src(%dma_wait3A_404 : memref<128x128xf32, #tpu.memory_space<vmem>>) dst(%dma_wait3A_410 : memref<10112x128xf32, #tpu.memory_space<vmem_shared>>)
        tpu.yield
      }) : () -> ()
    }
    %while3A_129 = arith.constant 1 : i32
    scf.for %while3A_204 = %while3A_127 to %while3A_123 step %while3A_129  : i32 {
      %jit3A_205 = arith.constant 4 : i32
      %eq3A_206 = arith.constant 0 : i32
      %eq3A_207 = arith.cmpi eq, %jit3A_205, %eq3A_206 : i32
      %jit3A_208 = arith.constant 1 : i32
      %select_n3A_209 = arith.select %eq3A_207, %jit3A_208, %jit3A_205 : i32
      %rem3A_210 = arith.remsi %while3A_204, %select_n3A_209 : i32
      %ne3A_211 = arith.constant 0 : i32
      %ne3A_212 = arith.cmpi ne, %rem3A_210, %ne3A_211 : i32
      %lt3A_213 = arith.constant 0 : i32
      %lt3A_214 = arith.cmpi slt, %rem3A_210, %lt3A_213 : i32
      %lt3A_215 = arith.constant 0 : i32
      %lt3A_216 = arith.cmpi slt, %select_n3A_209, %lt3A_215 : i32
      %ne3A_217 = arith.xori %lt3A_214, %lt3A_216 : i1
      %and3A_218 = arith.andi %ne3A_217, %ne3A_212 : i1
      %add3A_219 = arith.addi %rem3A_210, %select_n3A_209 : i32
      %select_n3A_220 = arith.select %and3A_218, %add3A_219, %rem3A_210 : i32
      %jit3A_221 = arith.constant 2 : i32
      %eq3A_222 = arith.constant 0 : i32
      %eq3A_223 = arith.cmpi eq, %jit3A_221, %eq3A_222 : i32
      %jit3A_224 = arith.constant 1 : i32
      %select_n3A_225 = arith.select %eq3A_223, %jit3A_224, %jit3A_221 : i32
      %rem3A_226 = arith.remsi %while3A_204, %select_n3A_225 : i32
      %ne3A_227 = arith.constant 0 : i32
      %ne3A_228 = arith.cmpi ne, %rem3A_226, %ne3A_227 : i32
      %lt3A_229 = arith.constant 0 : i32
      %lt3A_230 = arith.cmpi slt, %rem3A_226, %lt3A_229 : i32
      %lt3A_231 = arith.constant 0 : i32
      %lt3A_232 = arith.cmpi slt, %select_n3A_225, %lt3A_231 : i32
      %ne3A_233 = arith.xori %lt3A_230, %lt3A_232 : i1
      %and3A_234 = arith.andi %ne3A_233, %ne3A_228 : i1
      %add3A_235 = arith.addi %rem3A_226, %select_n3A_225 : i32
      %select_n3A_236 = arith.select %and3A_234, %add3A_235, %rem3A_226 : i32
      %dma_wait3A_237 = arith.constant 0 : i32
      %dma_wait3A_238 = arith.constant 0 : i32
      %dma_wait3A_239 = tpu.memref_slice %arg9[%select_n3A_236, %dma_wait3A_237, %dma_wait3A_238] : memref<2x128x128xf32, #tpu.memory_space<vmem>> -> memref<1x128x128xf32, #tpu.memory_space<vmem>>
      %dma_wait3A_240 = tpu.memref_squeeze %dma_wait3A_239 : memref<1x128x128xf32, #tpu.memory_space<vmem>> -> memref<128x128xf32, #tpu.memory_space<vmem>>
      %dma_wait3A_241 = arith.constant 0 : i32
      %dma_wait3A_242 = tpu.memref_slice %arg7[%select_n3A_220, %dma_wait3A_241] : memref<4x128xi32, #tpu.memory_space<vmem>> -> memref<1x128xi32, #tpu.memory_space<vmem>>
      %dma_wait3A_243 = tpu.memref_squeeze %dma_wait3A_242 : memref<1x128xi32, #tpu.memory_space<vmem>> -> memref<128xi32, #tpu.memory_space<vmem>>
      %dma_wait3A_244 = arith.constant 0 : i32
      %dma_wait3A_245 = arith.constant 0 : i32
      %dma_wait3A_246 = tpu.memref_slice %arg2[%dma_wait3A_244, %dma_wait3A_245] : memref<10000x128xf32, #tpu.memory_space<hbm>> -> memref<10000x128xf32, #tpu.memory_space<hbm>>
      tpu.wait_indirect_dma semaphore(%arg12 : memref<!tpu.dma_semaphore, #tpu.memory_space<semaphore_mem>>) src(%dma_wait3A_246 : memref<10000x128xf32, #tpu.memory_space<hbm>>) dst(%dma_wait3A_240 : memref<128x128xf32, #tpu.memory_space<vmem>>)
      %add3A_247 = arith.constant 1 : i32
      %add3A_248 = arith.addi %while3A_204, %add3A_247 : i32
      %mul3A_249 = arith.constant 128 : i32
      %mul3A_250 = arith.muli %add3A_248, %mul3A_249 : i32
      %add3A_251 = arith.addi %mul3A_14, %mul3A_250 : i32
      %multiple_of3A_252 = tpu.assume_multiple %add3A_251, 128 : i32
      %jit3A_253 = arith.constant 4 : i32
      %eq3A_254 = arith.constant 0 : i32
      %eq3A_255 = arith.cmpi eq, %jit3A_253, %eq3A_254 : i32
      %jit3A_256 = arith.constant 1 : i32
      %select_n3A_257 = arith.select %eq3A_255, %jit3A_256, %jit3A_253 : i32
      %rem3A_258 = arith.remsi %add3A_248, %select_n3A_257 : i32
      %ne3A_259 = arith.constant 0 : i32
      %ne3A_260 = arith.cmpi ne, %rem3A_258, %ne3A_259 : i32
      %lt3A_261 = arith.constant 0 : i32
      %lt3A_262 = arith.cmpi slt, %rem3A_258, %lt3A_261 : i32
      %lt3A_263 = arith.constant 0 : i32
      %lt3A_264 = arith.cmpi slt, %select_n3A_257, %lt3A_263 : i32
      %ne3A_265 = arith.xori %lt3A_262, %lt3A_264 : i1
      %and3A_266 = arith.andi %ne3A_265, %ne3A_260 : i1
      %add3A_267 = arith.addi %rem3A_258, %select_n3A_257 : i32
      %select_n3A_268 = arith.select %and3A_266, %add3A_267, %rem3A_258 : i32
      %dma_wait3A_269 = arith.constant 0 : i32
      %dma_wait3A_270 = tpu.memref_slice %arg7[%select_n3A_268, %dma_wait3A_269] : memref<4x128xi32, #tpu.memory_space<vmem>> -> memref<1x128xi32, #tpu.memory_space<vmem>>
      %dma_wait3A_271 = tpu.memref_squeeze %dma_wait3A_270 : memref<1x128xi32, #tpu.memory_space<vmem>> -> memref<128xi32, #tpu.memory_space<vmem>>
      %dma_wait3A_272 = tpu.memref_slice %arg3[%multiple_of3A_252] : memref<320000xi32, #tpu.memory_space<hbm>> -> memref<128xi32, #tpu.memory_space<hbm>>
      %dma_wait3A_273 = arith.constant 0 : i32
      %dma_wait3A_274 = tpu.memref_slice %arg7[%select_n3A_268, %dma_wait3A_273] : memref<4x128xi32, #tpu.memory_space<vmem>> -> memref<1x128xi32, #tpu.memory_space<vmem>>
      %dma_wait3A_275 = tpu.memref_squeeze %dma_wait3A_274 : memref<1x128xi32, #tpu.memory_space<vmem>> -> memref<128xi32, #tpu.memory_space<vmem>>
      %dma_wait3A_276 = tpu.memref_slice %arg3[%multiple_of3A_252] : memref<320000xi32, #tpu.memory_space<hbm>> -> memref<128xi32, #tpu.memory_space<hbm>>
      tpu.wait_dma2 semaphore(%arg11 : memref<!tpu.dma_semaphore, #tpu.memory_space<semaphore_mem>>) src(%dma_wait3A_276 : memref<128xi32, #tpu.memory_space<hbm>>) dst(%dma_wait3A_275 : memref<128xi32, #tpu.memory_space<vmem>>)
      %add3A_277 = arith.constant 1 : i32
      %add3A_278 = arith.addi %while3A_204, %add3A_277 : i32
      %mul3A_279 = arith.constant 128 : i32
      %mul3A_280 = arith.muli %add3A_278, %mul3A_279 : i32
      %add3A_281 = arith.addi %mul3A_14, %mul3A_280 : i32
      %multiple_of3A_282 = tpu.assume_multiple %add3A_281, 128 : i32
      %jit3A_283 = arith.constant 4 : i32
      %eq3A_284 = arith.constant 0 : i32
      %eq3A_285 = arith.cmpi eq, %jit3A_283, %eq3A_284 : i32
      %jit3A_286 = arith.constant 1 : i32
      %select_n3A_287 = arith.select %eq3A_285, %jit3A_286, %jit3A_283 : i32
      %rem3A_288 = arith.remsi %add3A_278, %select_n3A_287 : i32
      %ne3A_289 = arith.constant 0 : i32
      %ne3A_290 = arith.cmpi ne, %rem3A_288, %ne3A_289 : i32
      %lt3A_291 = arith.constant 0 : i32
      %lt3A_292 = arith.cmpi slt, %rem3A_288, %lt3A_291 : i32
      %lt3A_293 = arith.constant 0 : i32
      %lt3A_294 = arith.cmpi slt, %select_n3A_287, %lt3A_293 : i32
      %ne3A_295 = arith.xori %lt3A_292, %lt3A_294 : i1
      %and3A_296 = arith.andi %ne3A_295, %ne3A_290 : i1
      %add3A_297 = arith.addi %rem3A_288, %select_n3A_287 : i32
      %select_n3A_298 = arith.select %and3A_296, %add3A_297, %rem3A_288 : i32
      %dma_wait3A_299 = arith.constant 0 : i32
      %dma_wait3A_300 = tpu.memref_slice %arg8[%select_n3A_298, %dma_wait3A_299] : memref<4x128xi32, #tpu.memory_space<vmem>> -> memref<1x128xi32, #tpu.memory_space<vmem>>
      %dma_wait3A_301 = tpu.memref_squeeze %dma_wait3A_300 : memref<1x128xi32, #tpu.memory_space<vmem>> -> memref<128xi32, #tpu.memory_space<vmem>>
      %dma_wait3A_302 = tpu.memref_slice %arg4[%multiple_of3A_282] : memref<320000xi32, #tpu.memory_space<hbm>> -> memref<128xi32, #tpu.memory_space<hbm>>
      %dma_wait3A_303 = arith.constant 0 : i32
      %dma_wait3A_304 = tpu.memref_slice %arg8[%select_n3A_298, %dma_wait3A_303] : memref<4x128xi32, #tpu.memory_space<vmem>> -> memref<1x128xi32, #tpu.memory_space<vmem>>
      %dma_wait3A_305 = tpu.memref_squeeze %dma_wait3A_304 : memref<1x128xi32, #tpu.memory_space<vmem>> -> memref<128xi32, #tpu.memory_space<vmem>>
      %dma_wait3A_306 = tpu.memref_slice %arg4[%multiple_of3A_282] : memref<320000xi32, #tpu.memory_space<hbm>> -> memref<128xi32, #tpu.memory_space<hbm>>
      tpu.wait_dma2 semaphore(%arg11 : memref<!tpu.dma_semaphore, #tpu.memory_space<semaphore_mem>>) src(%dma_wait3A_306 : memref<128xi32, #tpu.memory_space<hbm>>) dst(%dma_wait3A_305 : memref<128xi32, #tpu.memory_space<vmem>>)
      %add3A_307 = arith.constant 1 : i32
      %add3A_308 = arith.addi %while3A_204, %add3A_307 : i32
      %jit3A_309 = arith.constant 4 : i32
      %eq3A_310 = arith.constant 0 : i32
      %eq3A_311 = arith.cmpi eq, %jit3A_309, %eq3A_310 : i32
      %jit3A_312 = arith.constant 1 : i32
      %select_n3A_313 = arith.select %eq3A_311, %jit3A_312, %jit3A_309 : i32
      %rem3A_314 = arith.remsi %add3A_308, %select_n3A_313 : i32
      %ne3A_315 = arith.constant 0 : i32
      %ne3A_316 = arith.cmpi ne, %rem3A_314, %ne3A_315 : i32
      %lt3A_317 = arith.constant 0 : i32
      %lt3A_318 = arith.cmpi slt, %rem3A_314, %lt3A_317 : i32
      %lt3A_319 = arith.constant 0 : i32
      %lt3A_320 = arith.cmpi slt, %select_n3A_313, %lt3A_319 : i32
      %ne3A_321 = arith.xori %lt3A_318, %lt3A_320 : i1
      %and3A_322 = arith.andi %ne3A_321, %ne3A_316 : i1
      %add3A_323 = arith.addi %rem3A_314, %select_n3A_313 : i32
      %select_n3A_324 = arith.select %and3A_322, %add3A_323, %rem3A_314 : i32
      %add3A_325 = arith.constant 1 : i32
      %add3A_326 = arith.addi %while3A_204, %add3A_325 : i32
      %jit3A_327 = arith.constant 2 : i32
      %eq3A_328 = arith.constant 0 : i32
      %eq3A_329 = arith.cmpi eq, %jit3A_327, %eq3A_328 : i32
      %jit3A_330 = arith.constant 1 : i32
      %select_n3A_331 = arith.select %eq3A_329, %jit3A_330, %jit3A_327 : i32
      %rem3A_332 = arith.remsi %add3A_326, %select_n3A_331 : i32
      %ne3A_333 = arith.constant 0 : i32
      %ne3A_334 = arith.cmpi ne, %rem3A_332, %ne3A_333 : i32
      %lt3A_335 = arith.constant 0 : i32
      %lt3A_336 = arith.cmpi slt, %rem3A_332, %lt3A_335 : i32
      %lt3A_337 = arith.constant 0 : i32
      %lt3A_338 = arith.cmpi slt, %select_n3A_331, %lt3A_337 : i32
      %ne3A_339 = arith.xori %lt3A_336, %lt3A_338 : i1
      %and3A_340 = arith.andi %ne3A_339, %ne3A_334 : i1
      %add3A_341 = arith.addi %rem3A_332, %select_n3A_331 : i32
      %select_n3A_342 = arith.select %and3A_340, %add3A_341, %rem3A_332 : i32
      %dma_start3A_343 = arith.constant 0 : i32
      %dma_start3A_344 = arith.constant 0 : i32
      %dma_start3A_345 = tpu.memref_slice %arg9[%select_n3A_342, %dma_start3A_343, %dma_start3A_344] : memref<2x128x128xf32, #tpu.memory_space<vmem>> -> memref<1x128x128xf32, #tpu.memory_space<vmem>>
      %dma_start3A_346 = tpu.memref_squeeze %dma_start3A_345 : memref<1x128x128xf32, #tpu.memory_space<vmem>> -> memref<128x128xf32, #tpu.memory_space<vmem>>
      %dma_start3A_347 = arith.constant 0 : i32
      %dma_start3A_348 = tpu.memref_slice %arg7[%select_n3A_324, %dma_start3A_347] : memref<4x128xi32, #tpu.memory_space<vmem>> -> memref<1x128xi32, #tpu.memory_space<vmem>>
      %dma_start3A_349 = tpu.memref_squeeze %dma_start3A_348 : memref<1x128xi32, #tpu.memory_space<vmem>> -> memref<128xi32, #tpu.memory_space<vmem>>
      %dma_start3A_350 = arith.constant 0 : i32
      %dma_start3A_351 = arith.constant 0 : i32
      %dma_start3A_352 = tpu.memref_slice %arg2[%dma_start3A_350, %dma_start3A_351] : memref<10000x128xf32, #tpu.memory_space<hbm>> -> memref<10000x128xf32, #tpu.memory_space<hbm>>
      tpu.enqueue_indirect_dma source(%dma_start3A_352 : memref<10000x128xf32, #tpu.memory_space<hbm>>) target(%dma_start3A_346 : memref<128x128xf32, #tpu.memory_space<vmem>>) offsets(%dma_start3A_349 : memref<128xi32, #tpu.memory_space<vmem>>) semaphore(%arg12 : memref<!tpu.dma_semaphore, #tpu.memory_space<semaphore_mem>>)
      %add3A_353 = arith.constant 2 : i32
      %add3A_354 = arith.addi %while3A_204, %add3A_353 : i32
      %lt3A_355 = arith.cmpi slt, %add3A_354, %select_n3A : i32
      %convert_element_type3A_356 = arith.extui %lt3A_355 : i1 to i32
      %cond3A = arith.constant 0 : i32
      %cond3A_357 = arith.cmpi ne, %convert_element_type3A_356, %cond3A : i32
      scf.if %cond3A_357 {
        %add3A_390 = arith.constant 2 : i32
        %add3A_391 = arith.addi %while3A_204, %add3A_390 : i32
        %mul3A_392 = arith.constant 128 : i32
        %mul3A_393 = arith.muli %add3A_391, %mul3A_392 : i32
        %add3A_394 = arith.addi %mul3A_14, %mul3A_393 : i32
        %multiple_of3A_395 = tpu.assume_multiple %add3A_394, 128 : i32
        %jit3A_396 = arith.constant 4 : i32
        %eq3A_397 = arith.constant 0 : i32
        %eq3A_398 = arith.cmpi eq, %jit3A_396, %eq3A_397 : i32
        %jit3A_399 = arith.constant 1 : i32
        %select_n3A_400 = arith.select %eq3A_398, %jit3A_399, %jit3A_396 : i32
        %rem3A_401 = arith.remsi %add3A_391, %select_n3A_400 : i32
        %ne3A_402 = arith.constant 0 : i32
        %ne3A_403 = arith.cmpi ne, %rem3A_401, %ne3A_402 : i32
        %lt3A_404 = arith.constant 0 : i32
        %lt3A_405 = arith.cmpi slt, %rem3A_401, %lt3A_404 : i32
        %lt3A_406 = arith.constant 0 : i32
        %lt3A_407 = arith.cmpi slt, %select_n3A_400, %lt3A_406 : i32
        %ne3A_408 = arith.xori %lt3A_405, %lt3A_407 : i1
        %and3A_409 = arith.andi %ne3A_408, %ne3A_403 : i1
        %add3A_410 = arith.addi %rem3A_401, %select_n3A_400 : i32
        %select_n3A_411 = arith.select %and3A_409, %add3A_410, %rem3A_401 : i32
        %dma_start3A_412 = arith.constant 0 : i32
        %dma_start3A_413 = tpu.memref_slice %arg7[%select_n3A_411, %dma_start3A_412] : memref<4x128xi32, #tpu.memory_space<vmem>> -> memref<1x128xi32, #tpu.memory_space<vmem>>
        %dma_start3A_414 = tpu.memref_squeeze %dma_start3A_413 : memref<1x128xi32, #tpu.memory_space<vmem>> -> memref<128xi32, #tpu.memory_space<vmem>>
        %dma_start3A_415 = tpu.memref_slice %arg3[%multiple_of3A_395] : memref<320000xi32, #tpu.memory_space<hbm>> -> memref<128xi32, #tpu.memory_space<hbm>>
        %dma_start3A_416 = arith.constant 0 : i32
        %dma_start3A_417 = tpu.memref_slice %arg7[%select_n3A_411, %dma_start3A_416] : memref<4x128xi32, #tpu.memory_space<vmem>> -> memref<1x128xi32, #tpu.memory_space<vmem>>
        %dma_start3A_418 = tpu.memref_squeeze %dma_start3A_417 : memref<1x128xi32, #tpu.memory_space<vmem>> -> memref<128xi32, #tpu.memory_space<vmem>>
        %dma_start3A_419 = tpu.memref_slice %arg3[%multiple_of3A_395] : memref<320000xi32, #tpu.memory_space<hbm>> -> memref<128xi32, #tpu.memory_space<hbm>>
        tpu.enqueue_dma source(%dma_start3A_419 : memref<128xi32, #tpu.memory_space<hbm>>) target(%dma_start3A_418 : memref<128xi32, #tpu.memory_space<vmem>>) target_semaphore(%arg11 : memref<!tpu.dma_semaphore, #tpu.memory_space<semaphore_mem>>)
        %add3A_420 = arith.constant 2 : i32
        %add3A_421 = arith.addi %while3A_204, %add3A_420 : i32
        %mul3A_422 = arith.constant 128 : i32
        %mul3A_423 = arith.muli %add3A_421, %mul3A_422 : i32
        %add3A_424 = arith.addi %mul3A_14, %mul3A_423 : i32
        %multiple_of3A_425 = tpu.assume_multiple %add3A_424, 128 : i32
        %jit3A_426 = arith.constant 4 : i32
        %eq3A_427 = arith.constant 0 : i32
        %eq3A_428 = arith.cmpi eq, %jit3A_426, %eq3A_427 : i32
        %jit3A_429 = arith.constant 1 : i32
        %select_n3A_430 = arith.select %eq3A_428, %jit3A_429, %jit3A_426 : i32
        %rem3A_431 = arith.remsi %add3A_421, %select_n3A_430 : i32
        %ne3A_432 = arith.constant 0 : i32
        %ne3A_433 = arith.cmpi ne, %rem3A_431, %ne3A_432 : i32
        %lt3A_434 = arith.constant 0 : i32
        %lt3A_435 = arith.cmpi slt, %rem3A_431, %lt3A_434 : i32
        %lt3A_436 = arith.constant 0 : i32
        %lt3A_437 = arith.cmpi slt, %select_n3A_430, %lt3A_436 : i32
        %ne3A_438 = arith.xori %lt3A_435, %lt3A_437 : i1
        %and3A_439 = arith.andi %ne3A_438, %ne3A_433 : i1
        %add3A_440 = arith.addi %rem3A_431, %select_n3A_430 : i32
        %select_n3A_441 = arith.select %and3A_439, %add3A_440, %rem3A_431 : i32
        %dma_start3A_442 = arith.constant 0 : i32
        %dma_start3A_443 = tpu.memref_slice %arg8[%select_n3A_441, %dma_start3A_442] : memref<4x128xi32, #tpu.memory_space<vmem>> -> memref<1x128xi32, #tpu.memory_space<vmem>>
        %dma_start3A_444 = tpu.memref_squeeze %dma_start3A_443 : memref<1x128xi32, #tpu.memory_space<vmem>> -> memref<128xi32, #tpu.memory_space<vmem>>
        %dma_start3A_445 = tpu.memref_slice %arg4[%multiple_of3A_425] : memref<320000xi32, #tpu.memory_space<hbm>> -> memref<128xi32, #tpu.memory_space<hbm>>
        %dma_start3A_446 = arith.constant 0 : i32
        %dma_start3A_447 = tpu.memref_slice %arg8[%select_n3A_441, %dma_start3A_446] : memref<4x128xi32, #tpu.memory_space<vmem>> -> memref<1x128xi32, #tpu.memory_space<vmem>>
        %dma_start3A_448 = tpu.memref_squeeze %dma_start3A_447 : memref<1x128xi32, #tpu.memory_space<vmem>> -> memref<128xi32, #tpu.memory_space<vmem>>
        %dma_start3A_449 = tpu.memref_slice %arg4[%multiple_of3A_425] : memref<320000xi32, #tpu.memory_space<hbm>> -> memref<128xi32, #tpu.memory_space<hbm>>
        tpu.enqueue_dma source(%dma_start3A_449 : memref<128xi32, #tpu.memory_space<hbm>>) target(%dma_start3A_448 : memref<128xi32, #tpu.memory_space<vmem>>) target_semaphore(%arg11 : memref<!tpu.dma_semaphore, #tpu.memory_space<semaphore_mem>>)
      } else {
      }
      %jit3A_358 = arith.constant 2 : i32
      %eq3A_359 = arith.constant 0 : i32
      %eq3A_360 = arith.cmpi eq, %jit3A_358, %eq3A_359 : i32
      %jit3A_361 = arith.constant 1 : i32
      %select_n3A_362 = arith.select %eq3A_360, %jit3A_361, %jit3A_358 : i32
      %rem3A_363 = arith.remsi %while3A_204, %select_n3A_362 : i32
      %ne3A_364 = arith.constant 0 : i32
      %ne3A_365 = arith.cmpi ne, %rem3A_363, %ne3A_364 : i32
      %lt3A_366 = arith.constant 0 : i32
      %lt3A_367 = arith.cmpi slt, %rem3A_363, %lt3A_366 : i32
      %lt3A_368 = arith.constant 0 : i32
      %lt3A_369 = arith.cmpi slt, %select_n3A_362, %lt3A_368 : i32
      %ne3A_370 = arith.xori %lt3A_367, %lt3A_369 : i1
      %and3A_371 = arith.andi %ne3A_370, %ne3A_365 : i1
      %add3A_372 = arith.addi %rem3A_363, %select_n3A_362 : i32
      %select_n3A_373 = arith.select %and3A_371, %add3A_372, %rem3A_363 : i32
      %jit3A_374 = arith.constant 4 : i32
      %eq3A_375 = arith.constant 0 : i32
      %eq3A_376 = arith.cmpi eq, %jit3A_374, %eq3A_375 : i32
      %jit3A_377 = arith.constant 1 : i32
      %select_n3A_378 = arith.select %eq3A_376, %jit3A_377, %jit3A_374 : i32
      %rem3A_379 = arith.remsi %while3A_204, %select_n3A_378 : i32
      %ne3A_380 = arith.constant 0 : i32
      %ne3A_381 = arith.cmpi ne, %rem3A_379, %ne3A_380 : i32
      %lt3A_382 = arith.constant 0 : i32
      %lt3A_383 = arith.cmpi slt, %rem3A_379, %lt3A_382 : i32
      %lt3A_384 = arith.constant 0 : i32
      %lt3A_385 = arith.cmpi slt, %select_n3A_378, %lt3A_384 : i32
      %ne3A_386 = arith.xori %lt3A_383, %lt3A_385 : i1
      %and3A_387 = arith.andi %ne3A_386, %ne3A_381 : i1
      %add3A_388 = arith.addi %rem3A_379, %select_n3A_378 : i32
      %select_n3A_389 = arith.select %and3A_387, %add3A_388, %rem3A_379 : i32
      "tpu.region"() ({
        %run_scoped3A_390 = tpu.sem_alloc : memref<!tpu.dma_semaphore, #tpu.memory_space<semaphore_mem>>
        %dma_start3A_391 = arith.constant 0 : i32
        %dma_start3A_392 = arith.constant 0 : i32
        %dma_start3A_393 = tpu.memref_slice %arg9[%select_n3A_373, %dma_start3A_391, %dma_start3A_392] : memref<2x128x128xf32, #tpu.memory_space<vmem>> -> memref<1x128x128xf32, #tpu.memory_space<vmem>>
        %dma_start3A_394 = tpu.memref_squeeze %dma_start3A_393 : memref<1x128x128xf32, #tpu.memory_space<vmem>> -> memref<128x128xf32, #tpu.memory_space<vmem>>
        %dma_start3A_395 = arith.constant 0 : i32
        %dma_start3A_396 = tpu.memref_slice %arg8[%select_n3A_389, %dma_start3A_395] : memref<4x128xi32, #tpu.memory_space<vmem>> -> memref<1x128xi32, #tpu.memory_space<vmem>>
        %dma_start3A_397 = tpu.memref_squeeze %dma_start3A_396 : memref<1x128xi32, #tpu.memory_space<vmem>> -> memref<128xi32, #tpu.memory_space<vmem>>
        %dma_start3A_398 = arith.constant 0 : i32
        %dma_start3A_399 = arith.constant 0 : i32
        %dma_start3A_400 = tpu.memref_slice %arg10[%dma_start3A_398, %dma_start3A_399] : memref<10112x128xf32, #tpu.memory_space<vmem_shared>> -> memref<10112x128xf32, #tpu.memory_space<vmem_shared>>
        tpu.enqueue_indirect_dma source(%dma_start3A_394 : memref<128x128xf32, #tpu.memory_space<vmem>>) target(%dma_start3A_400 : memref<10112x128xf32, #tpu.memory_space<vmem_shared>>) offsets(%dma_start3A_397 : memref<128xi32, #tpu.memory_space<vmem>>) semaphore(%run_scoped3A_390 : memref<!tpu.dma_semaphore, #tpu.memory_space<semaphore_mem>>) {add = true}
        %dma_wait3A_401 = arith.constant 0 : i32
        %dma_wait3A_402 = arith.constant 0 : i32
        %dma_wait3A_403 = tpu.memref_slice %arg9[%select_n3A_373, %dma_wait3A_401, %dma_wait3A_402] : memref<2x128x128xf32, #tpu.memory_space<vmem>> -> memref<1x128x128xf32, #tpu.memory_space<vmem>>
        %dma_wait3A_404 = tpu.memref_squeeze %dma_wait3A_403 : memref<1x128x128xf32, #tpu.memory_space<vmem>> -> memref<128x128xf32, #tpu.memory_space<vmem>>
        %dma_wait3A_405 = arith.constant 0 : i32
        %dma_wait3A_406 = tpu.memref_slice %arg8[%select_n3A_389, %dma_wait3A_405] : memref<4x128xi32, #tpu.memory_space<vmem>> -> memref<1x128xi32, #tpu.memory_space<vmem>>
        %dma_wait3A_407 = tpu.memref_squeeze %dma_wait3A_406 : memref<1x128xi32, #tpu.memory_space<vmem>> -> memref<128xi32, #tpu.memory_space<vmem>>
        %dma_wait3A_408 = arith.constant 0 : i32
        %dma_wait3A_409 = arith.constant 0 : i32
        %dma_wait3A_410 = tpu.memref_slice %arg10[%dma_wait3A_408, %dma_wait3A_409] : memref<10112x128xf32, #tpu.memory_space<vmem_shared>> -> memref<10112x128xf32, #tpu.memory_space<vmem_shared>>
        tpu.wait_indirect_dma semaphore(%run_scoped3A_390 : memref<!tpu.dma_semaphore, #tpu.memory_space<semaphore_mem>>) src(%dma_wait3A_404 : memref<128x128xf32, #tpu.memory_space<vmem>>) dst(%dma_wait3A_410 : memref<10112x128xf32, #tpu.memory_space<vmem_shared>>)
        tpu.yield
      }) : () -> ()
    }
    %sub3A_130 = arith.constant 1 : i32
    %sub3A_131 = arith.subi %select_n3A, %sub3A_130 : i32
    %jit3A_132 = arith.constant 4 : i32
    %eq3A_133 = arith.constant 0 : i32
    %eq3A_134 = arith.cmpi eq, %jit3A_132, %eq3A_133 : i32
    %jit3A_135 = arith.constant 1 : i32
    %select_n3A_136 = arith.select %eq3A_134, %jit3A_135, %jit3A_132 : i32
    %rem3A = arith.remsi %sub3A_131, %select_n3A_136 : i32
    %ne3A = arith.constant 0 : i32
    %ne3A_137 = arith.cmpi ne, %rem3A, %ne3A : i32
    %lt3A_138 = arith.constant 0 : i32
    %lt3A_139 = arith.cmpi slt, %rem3A, %lt3A_138 : i32
    %lt3A_140 = arith.constant 0 : i32
    %lt3A_141 = arith.cmpi slt, %select_n3A_136, %lt3A_140 : i32
    %ne3A_142 = arith.xori %lt3A_139, %lt3A_141 : i1
    %and3A = arith.andi %ne3A_142, %ne3A_137 : i1
    %add3A_143 = arith.addi %rem3A, %select_n3A_136 : i32
    %select_n3A_144 = arith.select %and3A, %add3A_143, %rem3A : i32
    %jit3A_145 = arith.constant 2 : i32
    %eq3A_146 = arith.constant 0 : i32
    %eq3A_147 = arith.cmpi eq, %jit3A_145, %eq3A_146 : i32
    %jit3A_148 = arith.constant 1 : i32
    %select_n3A_149 = arith.select %eq3A_147, %jit3A_148, %jit3A_145 : i32
    %rem3A_150 = arith.remsi %sub3A_131, %select_n3A_149 : i32
    %ne3A_151 = arith.constant 0 : i32
    %ne3A_152 = arith.cmpi ne, %rem3A_150, %ne3A_151 : i32
    %lt3A_153 = arith.constant 0 : i32
    %lt3A_154 = arith.cmpi slt, %rem3A_150, %lt3A_153 : i32
    %lt3A_155 = arith.constant 0 : i32
    %lt3A_156 = arith.cmpi slt, %select_n3A_149, %lt3A_155 : i32
    %ne3A_157 = arith.xori %lt3A_154, %lt3A_156 : i1
    %and3A_158 = arith.andi %ne3A_157, %ne3A_152 : i1
    %add3A_159 = arith.addi %rem3A_150, %select_n3A_149 : i32
    %select_n3A_160 = arith.select %and3A_158, %add3A_159, %rem3A_150 : i32
    %dma_wait3A_161 = arith.constant 0 : i32
    %dma_wait3A_162 = arith.constant 0 : i32
    %dma_wait3A_163 = tpu.memref_slice %arg9[%select_n3A_160, %dma_wait3A_161, %dma_wait3A_162] : memref<2x128x128xf32, #tpu.memory_space<vmem>> -> memref<1x128x128xf32, #tpu.memory_space<vmem>>
    %dma_wait3A_164 = tpu.memref_squeeze %dma_wait3A_163 : memref<1x128x128xf32, #tpu.memory_space<vmem>> -> memref<128x128xf32, #tpu.memory_space<vmem>>
    %dma_wait3A_165 = arith.constant 0 : i32
    %dma_wait3A_166 = tpu.memref_slice %arg7[%select_n3A_144, %dma_wait3A_165] : memref<4x128xi32, #tpu.memory_space<vmem>> -> memref<1x128xi32, #tpu.memory_space<vmem>>
    %dma_wait3A_167 = tpu.memref_squeeze %dma_wait3A_166 : memref<1x128xi32, #tpu.memory_space<vmem>> -> memref<128xi32, #tpu.memory_space<vmem>>
    %dma_wait3A_168 = arith.constant 0 : i32
    %dma_wait3A_169 = arith.constant 0 : i32
    %dma_wait3A_170 = tpu.memref_slice %arg2[%dma_wait3A_168, %dma_wait3A_169] : memref<10000x128xf32, #tpu.memory_space<hbm>> -> memref<10000x128xf32, #tpu.memory_space<hbm>>
    tpu.wait_indirect_dma semaphore(%arg12 : memref<!tpu.dma_semaphore, #tpu.memory_space<semaphore_mem>>) src(%dma_wait3A_170 : memref<10000x128xf32, #tpu.memory_space<hbm>>) dst(%dma_wait3A_164 : memref<128x128xf32, #tpu.memory_space<vmem>>)
    %jit3A_171 = arith.constant 2 : i32
    %eq3A_172 = arith.constant 0 : i32
    %eq3A_173 = arith.cmpi eq, %jit3A_171, %eq3A_172 : i32
    %jit3A_174 = arith.constant 1 : i32
    %select_n3A_175 = arith.select %eq3A_173, %jit3A_174, %jit3A_171 : i32
    %rem3A_176 = arith.remsi %sub3A_131, %select_n3A_175 : i32
    %ne3A_177 = arith.constant 0 : i32
    %ne3A_178 = arith.cmpi ne, %rem3A_176, %ne3A_177 : i32
    %lt3A_179 = arith.constant 0 : i32
    %lt3A_180 = arith.cmpi slt, %rem3A_176, %lt3A_179 : i32
    %lt3A_181 = arith.constant 0 : i32
    %lt3A_182 = arith.cmpi slt, %select_n3A_175, %lt3A_181 : i32
    %ne3A_183 = arith.xori %lt3A_180, %lt3A_182 : i1
    %and3A_184 = arith.andi %ne3A_183, %ne3A_178 : i1
    %add3A_185 = arith.addi %rem3A_176, %select_n3A_175 : i32
    %select_n3A_186 = arith.select %and3A_184, %add3A_185, %rem3A_176 : i32
    %jit3A_187 = arith.constant 4 : i32
    %eq3A_188 = arith.constant 0 : i32
    %eq3A_189 = arith.cmpi eq, %jit3A_187, %eq3A_188 : i32
    %jit3A_190 = arith.constant 1 : i32
    %select_n3A_191 = arith.select %eq3A_189, %jit3A_190, %jit3A_187 : i32
    %rem3A_192 = arith.remsi %sub3A_131, %select_n3A_191 : i32
    %ne3A_193 = arith.constant 0 : i32
    %ne3A_194 = arith.cmpi ne, %rem3A_192, %ne3A_193 : i32
    %lt3A_195 = arith.constant 0 : i32
    %lt3A_196 = arith.cmpi slt, %rem3A_192, %lt3A_195 : i32
    %lt3A_197 = arith.constant 0 : i32
    %lt3A_198 = arith.cmpi slt, %select_n3A_191, %lt3A_197 : i32
    %ne3A_199 = arith.xori %lt3A_196, %lt3A_198 : i1
    %and3A_200 = arith.andi %ne3A_199, %ne3A_194 : i1
    %add3A_201 = arith.addi %rem3A_192, %select_n3A_191 : i32
    %select_n3A_202 = arith.select %and3A_200, %add3A_201, %rem3A_192 : i32
    "tpu.region"() ({
      %run_scoped3A_204 = tpu.sem_alloc : memref<!tpu.dma_semaphore, #tpu.memory_space<semaphore_mem>>
      %dma_start3A_205 = arith.constant 0 : i32
      %dma_start3A_206 = arith.constant 0 : i32
      %dma_start3A_207 = tpu.memref_slice %arg9[%select_n3A_186, %dma_start3A_205, %dma_start3A_206] : memref<2x128x128xf32, #tpu.memory_space<vmem>> -> memref<1x128x128xf32, #tpu.memory_space<vmem>>
      %dma_start3A_208 = tpu.memref_squeeze %dma_start3A_207 : memref<1x128x128xf32, #tpu.memory_space<vmem>> -> memref<128x128xf32, #tpu.memory_space<vmem>>
      %dma_start3A_209 = arith.constant 0 : i32
      %dma_start3A_210 = tpu.memref_slice %arg8[%select_n3A_202, %dma_start3A_209] : memref<4x128xi32, #tpu.memory_space<vmem>> -> memref<1x128xi32, #tpu.memory_space<vmem>>
      %dma_start3A_211 = tpu.memref_squeeze %dma_start3A_210 : memref<1x128xi32, #tpu.memory_space<vmem>> -> memref<128xi32, #tpu.memory_space<vmem>>
      %dma_start3A_212 = arith.constant 0 : i32
      %dma_start3A_213 = arith.constant 0 : i32
      %dma_start3A_214 = tpu.memref_slice %arg10[%dma_start3A_212, %dma_start3A_213] : memref<10112x128xf32, #tpu.memory_space<vmem_shared>> -> memref<10112x128xf32, #tpu.memory_space<vmem_shared>>
      tpu.enqueue_indirect_dma source(%dma_start3A_208 : memref<128x128xf32, #tpu.memory_space<vmem>>) target(%dma_start3A_214 : memref<10112x128xf32, #tpu.memory_space<vmem_shared>>) offsets(%dma_start3A_211 : memref<128xi32, #tpu.memory_space<vmem>>) semaphore(%run_scoped3A_204 : memref<!tpu.dma_semaphore, #tpu.memory_space<semaphore_mem>>) {add = true}
      %dma_wait3A_215 = arith.constant 0 : i32
      %dma_wait3A_216 = arith.constant 0 : i32
      %dma_wait3A_217 = tpu.memref_slice %arg9[%select_n3A_186, %dma_wait3A_215, %dma_wait3A_216] : memref<2x128x128xf32, #tpu.memory_space<vmem>> -> memref<1x128x128xf32, #tpu.memory_space<vmem>>
      %dma_wait3A_218 = tpu.memref_squeeze %dma_wait3A_217 : memref<1x128x128xf32, #tpu.memory_space<vmem>> -> memref<128x128xf32, #tpu.memory_space<vmem>>
      %dma_wait3A_219 = arith.constant 0 : i32
      %dma_wait3A_220 = tpu.memref_slice %arg8[%select_n3A_202, %dma_wait3A_219] : memref<4x128xi32, #tpu.memory_space<vmem>> -> memref<1x128xi32, #tpu.memory_space<vmem>>
      %dma_wait3A_221 = tpu.memref_squeeze %dma_wait3A_220 : memref<1x128xi32, #tpu.memory_space<vmem>> -> memref<128xi32, #tpu.memory_space<vmem>>
      %dma_wait3A_222 = arith.constant 0 : i32
      %dma_wait3A_223 = arith.constant 0 : i32
      %dma_wait3A_224 = tpu.memref_slice %arg10[%dma_wait3A_222, %dma_wait3A_223] : memref<10112x128xf32, #tpu.memory_space<vmem_shared>> -> memref<10112x128xf32, #tpu.memory_space<vmem_shared>>
      tpu.wait_indirect_dma semaphore(%run_scoped3A_204 : memref<!tpu.dma_semaphore, #tpu.memory_space<semaphore_mem>>) src(%dma_wait3A_218 : memref<128x128xf32, #tpu.memory_space<vmem>>) dst(%dma_wait3A_224 : memref<10112x128xf32, #tpu.memory_space<vmem_shared>>)
      tpu.yield
    }) : () -> ()
    %barrier3A_203 = arith.constant 0 : index
    tpu.barrier barrier_id(%barrier3A_203)
    "tpu.region"() ({
      %run_scoped3A_204 = tpu.sem_alloc : memref<!tpu.dma_semaphore, #tpu.memory_space<semaphore_mem>>
      %dma_start3A_205 = arith.constant 0 : i32
      %dma_start3A_206 = tpu.memref_slice %arg6[%arg0, %mul3A_16, %dma_start3A_205] : memref<2x10112x128xf32, #tpu.memory_space<hbm>> -> memref<1x632x128xf32, #tpu.memory_space<hbm>>
      %dma_start3A_207 = tpu.memref_squeeze %dma_start3A_206 : memref<1x632x128xf32, #tpu.memory_space<hbm>> -> memref<632x128xf32, #tpu.memory_space<hbm>>
      %dma_start3A_208 = arith.constant 0 : i32
      %dma_start3A_209 = tpu.memref_slice %arg10[%mul3A_16, %dma_start3A_208] : memref<10112x128xf32, #tpu.memory_space<vmem_shared>> -> memref<632x128xf32, #tpu.memory_space<vmem_shared>>
      tpu.enqueue_dma source(%dma_start3A_209 : memref<632x128xf32, #tpu.memory_space<vmem_shared>>) target(%dma_start3A_207 : memref<632x128xf32, #tpu.memory_space<hbm>>) target_semaphore(%run_scoped3A_204 : memref<!tpu.dma_semaphore, #tpu.memory_space<semaphore_mem>>)
      %dma_wait3A_210 = arith.constant 0 : i32
      %dma_wait3A_211 = tpu.memref_slice %arg6[%arg0, %mul3A_16, %dma_wait3A_210] : memref<2x10112x128xf32, #tpu.memory_space<hbm>> -> memref<1x632x128xf32, #tpu.memory_space<hbm>>
      %dma_wait3A_212 = tpu.memref_squeeze %dma_wait3A_211 : memref<1x632x128xf32, #tpu.memory_space<hbm>> -> memref<632x128xf32, #tpu.memory_space<hbm>>
      %dma_wait3A_213 = arith.constant 0 : i32
      %dma_wait3A_214 = tpu.memref_slice %arg10[%mul3A_16, %dma_wait3A_213] : memref<10112x128xf32, #tpu.memory_space<vmem_shared>> -> memref<632x128xf32, #tpu.memory_space<vmem_shared>>
      tpu.wait_dma2 semaphore(%run_scoped3A_204 : memref<!tpu.dma_semaphore, #tpu.memory_space<semaphore_mem>>) src(%dma_wait3A_214 : memref<632x128xf32, #tpu.memory_space<vmem_shared>>) dst(%dma_wait3A_212 : memref<632x128xf32, #tpu.memory_space<hbm>>)
      tpu.yield
    }) : () -> ()
    return
  }
}

#map = affine_map<(d0, d1) -> (0, 0)>
#map1 = affine_map<(d0, d1) -> (0)>
#map2 = affine_map<(d0, d1) -> (0, 0, 0)>
module attributes {stable_mosaic.version = 14 : i64} {
  func.func @_sc_agg_body(%arg0: i32, %arg1: i32, %arg2: memref<10000x128xf32, #tpu.memory_space<hbm>>, %arg3: memref<320000xi32, #tpu.memory_space<hbm>>, %arg4: memref<320000xi32, #tpu.memory_space<hbm>>, %arg5: memref<8x128xf32, #tpu.memory_space<hbm>>, %arg6: memref<2x10112x128xf32, #tpu.memory_space<hbm>>, %arg7: memref<4x128xi32, #tpu.memory_space<vmem>>, %arg8: memref<4x128xi32, #tpu.memory_space<vmem>>, %arg9: memref<2x128x128xf32, #tpu.memory_space<vmem>>, %arg10: memref<10112x128xf32, #tpu.memory_space<vmem_shared>>, %arg11: memref<!tpu.dma_semaphore, #tpu.memory_space<semaphore_mem>>, %arg12: memref<!tpu.dma_semaphore, #tpu.memory_space<semaphore_mem>>) attributes {dimension_semantics = [#tpu.dimension_semantics<core_parallel>, #tpu.dimension_semantics<subcore_parallel>], iteration_bounds = array<i64: 2, 16>, scalar_prefetch = 0 : i64, scratch_operands = 6 : i64, tpu.core_type = #tpu.core_type<sc_vector_subcore>, window_params = [{transform_indices = #map}, {transform_indices = #map1}, {transform_indices = #map1}, {transform_indices = #map}, {transform_indices = #map2}]} {
    %eq3A = arith.constant 0 : i32
    %eq3A_0 = arith.cmpi eq, %arg0, %eq3A : i32
    %lt3A = arith.constant 4 : i32
    %lt3A_1 = arith.cmpi slt, %arg1, %lt3A : i32
    %convert_element_type3A = arith.extui %lt3A_1 : i1 to i32
    %add3A = arith.constant 68 : i32
    %add3A_2 = arith.addi %add3A, %convert_element_type3A : i32
    %jit3A = arith.constant 88 : i32
    %select_n3A = arith.select %eq3A_0, %jit3A, %add3A_2 : i32
    %eq3A_3 = arith.constant 0 : i32
    %eq3A_4 = arith.cmpi eq, %arg0, %eq3A_3 : i32
    %mul3A = arith.constant 88 : i32
    %mul3A_5 = arith.muli %arg1, %mul3A : i32
    %mul3A_6 = arith.constant 68 : i32
    %mul3A_7 = arith.muli %arg1, %mul3A_6 : i32
    %add3A_8 = arith.constant 1408 : i32
    %add3A_9 = arith.addi %add3A_8, %mul3A_7 : i32
    %min3A = arith.constant 4 : i32
    %min3A_10 = arith.minsi %arg1, %min3A : i32
    %add3A_11 = arith.addi %add3A_9, %min3A_10 : i32
    %select_n3A_12 = arith.select %eq3A_4, %mul3A_5, %add3A_11 : i32
    %mul3A_13 = arith.constant 128 : i32
    %mul3A_14 = arith.muli %select_n3A_12, %mul3A_13 : i32
    %mul3A_15 = arith.constant 632 : i32
    %mul3A_16 = arith.muli %arg1, %mul3A_15 : i32
    %run_scoped3A = arith.constant 0 : i32
    "tpu.region"() ({
      %run_scoped3A_204 = tpu.sem_alloc : memref<!tpu.dma_semaphore, #tpu.memory_space<semaphore_mem>>
      %dma_start3A_205 = arith.constant 0 : i32
      %dma_start3A_206 = arith.constant 0 : i32
      %dma_start3A_207 = tpu.memref_slice %arg9[%run_scoped3A, %dma_start3A_205, %dma_start3A_206] : memref<2x128x128xf32, #tpu.memory_space<vmem>> -> memref<1x128x128xf32, #tpu.memory_space<vmem>>
      %dma_start3A_208 = tpu.memref_squeeze %dma_start3A_207 : memref<1x128x128xf32, #tpu.memory_space<vmem>> -> memref<128x128xf32, #tpu.memory_space<vmem>>
      %dma_start3A_209 = arith.constant 0 : i32
      %dma_start3A_210 = arith.constant 0 : i32
      %dma_start3A_211 = tpu.memref_slice %dma_start3A_208[%dma_start3A_209, %dma_start3A_210] : memref<128x128xf32, #tpu.memory_space<vmem>> -> memref<8x128xf32, #tpu.memory_space<vmem>>
      %dma_start3A_212 = arith.constant 0 : i32
      %dma_start3A_213 = arith.constant 0 : i32
      %dma_start3A_214 = tpu.memref_slice %arg9[%run_scoped3A, %dma_start3A_212, %dma_start3A_213] : memref<2x128x128xf32, #tpu.memory_space<vmem>> -> memref<1x128x128xf32, #tpu.memory_space<vmem>>
      %dma_start3A_215 = tpu.memref_squeeze %dma_start3A_214 : memref<1x128x128xf32, #tpu.memory_space<vmem>> -> memref<128x128xf32, #tpu.memory_space<vmem>>
      %dma_start3A_216 = arith.constant 0 : i32
      %dma_start3A_217 = arith.constant 0 : i32
      %dma_start3A_218 = tpu.memref_slice %dma_start3A_215[%dma_start3A_216, %dma_start3A_217] : memref<128x128xf32, #tpu.memory_space<vmem>> -> memref<8x128xf32, #tpu.memory_space<vmem>>
      tpu.enqueue_dma source(%arg5 : memref<8x128xf32, #tpu.memory_space<hbm>>) target(%dma_start3A_218 : memref<8x128xf32, #tpu.memory_space<vmem>>) target_semaphore(%run_scoped3A_204 : memref<!tpu.dma_semaphore, #tpu.memory_space<semaphore_mem>>)
      %dma_wait3A_219 = arith.constant 0 : i32
      %dma_wait3A_220 = arith.constant 0 : i32
      %dma_wait3A_221 = tpu.memref_slice %arg9[%run_scoped3A, %dma_wait3A_219, %dma_wait3A_220] : memref<2x128x128xf32, #tpu.memory_space<vmem>> -> memref<1x128x128xf32, #tpu.memory_space<vmem>>
      %dma_wait3A_222 = tpu.memref_squeeze %dma_wait3A_221 : memref<1x128x128xf32, #tpu.memory_space<vmem>> -> memref<128x128xf32, #tpu.memory_space<vmem>>
      %dma_wait3A_223 = arith.constant 0 : i32
      %dma_wait3A_224 = arith.constant 0 : i32
      %dma_wait3A_225 = tpu.memref_slice %dma_wait3A_222[%dma_wait3A_223, %dma_wait3A_224] : memref<128x128xf32, #tpu.memory_space<vmem>> -> memref<8x128xf32, #tpu.memory_space<vmem>>
      %dma_wait3A_226 = arith.constant 0 : i32
      %dma_wait3A_227 = arith.constant 0 : i32
      %dma_wait3A_228 = tpu.memref_slice %arg9[%run_scoped3A, %dma_wait3A_226, %dma_wait3A_227] : memref<2x128x128xf32, #tpu.memory_space<vmem>> -> memref<1x128x128xf32, #tpu.memory_space<vmem>>
      %dma_wait3A_229 = tpu.memref_squeeze %dma_wait3A_228 : memref<1x128x128xf32, #tpu.memory_space<vmem>> -> memref<128x128xf32, #tpu.memory_space<vmem>>
      %dma_wait3A_230 = arith.constant 0 : i32
      %dma_wait3A_231 = arith.constant 0 : i32
      %dma_wait3A_232 = tpu.memref_slice %dma_wait3A_229[%dma_wait3A_230, %dma_wait3A_231] : memref<128x128xf32, #tpu.memory_space<vmem>> -> memref<8x128xf32, #tpu.memory_space<vmem>>
      tpu.wait_dma2 semaphore(%run_scoped3A_204 : memref<!tpu.dma_semaphore, #tpu.memory_space<semaphore_mem>>) src(%arg5 : memref<8x128xf32, #tpu.memory_space<hbm>>) dst(%dma_wait3A_232 : memref<8x128xf32, #tpu.memory_space<vmem>>)
      tpu.yield
    }) : () -> ()
    %broadcast_in_dim3A = arith.constant 0.000000e+00 : f32
    %broadcast_in_dim3A_17 = vector.broadcast %broadcast_in_dim3A : f32 to vector<16xf32>
    %scan3A = arith.constant 0 : i32
    %scan3A_18 = arith.constant 0 : i32
    %scan3A_19 = arith.constant 0 : i32
    %scan3A_20 = arith.constant 128 : i32
    %scan3A_21 = arith.addi %scan3A_19, %scan3A_20 : i32
    %scan3A_22 = arith.constant 1 : i32
    scf.for %scan3A_204 = %scan3A_19 to %scan3A_21 step %scan3A_22  : i32 {
      %swap3A = arith.constant 0 : i32
      %swap3A_205 = arith.constant 0 : i32
      %swap3A_206 = tpu.memref_slice %arg9[%scan3A_18, %swap3A, %swap3A_205] : memref<2x128x128xf32, #tpu.memory_space<vmem>> -> memref<1x128x128xf32, #tpu.memory_space<vmem>>
      %swap3A_207 = tpu.memref_squeeze %swap3A_206 : memref<1x128x128xf32, #tpu.memory_space<vmem>> -> memref<128x128xf32, #tpu.memory_space<vmem>>
      %swap3A_208 = arith.index_cast %scan3A_204 : i32 to index
      %swap3A_209 = arith.constant 0 : index
      %swap3A_210 = tpu.vector_load %swap3A_207[%swap3A_208, %swap3A_209] {strides = array<i32>} : memref<128x128xf32, #tpu.memory_space<vmem>>, vector<1x16xf32>,
      %swap3A_211 = vector.shape_cast %swap3A_210 : vector<1x16xf32> to vector<16xf32>
      %swap3A_212 = vector.shape_cast %broadcast_in_dim3A_17 : vector<16xf32> to vector<1x16xf32>
      tpu.vector_store %swap3A_207[%swap3A_208, %swap3A_209], %swap3A_212 {strides = array<i32>} : memref<128x128xf32, #tpu.memory_space<vmem>>, vector<1x16xf32>,
      %swap3A_213 = arith.constant 0 : i32
      %swap3A_214 = arith.constant 0 : i32
      %swap3A_215 = tpu.memref_slice %arg9[%scan3A_18, %swap3A_213, %swap3A_214] : memref<2x128x128xf32, #tpu.memory_space<vmem>> -> memref<1x128x128xf32, #tpu.memory_space<vmem>>
      %swap3A_216 = tpu.memref_squeeze %swap3A_215 : memref<1x128x128xf32, #tpu.memory_space<vmem>> -> memref<128x128xf32, #tpu.memory_space<vmem>>
      %swap3A_217 = arith.index_cast %scan3A_204 : i32 to index
      %swap3A_218 = arith.constant 16 : index
      %swap3A_219 = tpu.vector_load %swap3A_216[%swap3A_217, %swap3A_218] {strides = array<i32>} : memref<128x128xf32, #tpu.memory_space<vmem>>, vector<1x16xf32>,
      %swap3A_220 = vector.shape_cast %swap3A_219 : vector<1x16xf32> to vector<16xf32>
      %swap3A_221 = vector.shape_cast %broadcast_in_dim3A_17 : vector<16xf32> to vector<1x16xf32>
      tpu.vector_store %swap3A_216[%swap3A_217, %swap3A_218], %swap3A_221 {strides = array<i32>} : memref<128x128xf32, #tpu.memory_space<vmem>>, vector<1x16xf32>,
      %swap3A_222 = arith.constant 0 : i32
      %swap3A_223 = arith.constant 0 : i32
      %swap3A_224 = tpu.memref_slice %arg9[%scan3A_18, %swap3A_222, %swap3A_223] : memref<2x128x128xf32, #tpu.memory_space<vmem>> -> memref<1x128x128xf32, #tpu.memory_space<vmem>>
      %swap3A_225 = tpu.memref_squeeze %swap3A_224 : memref<1x128x128xf32, #tpu.memory_space<vmem>> -> memref<128x128xf32, #tpu.memory_space<vmem>>
      %swap3A_226 = arith.index_cast %scan3A_204 : i32 to index
      %swap3A_227 = arith.constant 32 : index
      %swap3A_228 = tpu.vector_load %swap3A_225[%swap3A_226, %swap3A_227] {strides = array<i32>} : memref<128x128xf32, #tpu.memory_space<vmem>>, vector<1x16xf32>,
      %swap3A_229 = vector.shape_cast %swap3A_228 : vector<1x16xf32> to vector<16xf32>
      %swap3A_230 = vector.shape_cast %broadcast_in_dim3A_17 : vector<16xf32> to vector<1x16xf32>
      tpu.vector_store %swap3A_225[%swap3A_226, %swap3A_227], %swap3A_230 {strides = array<i32>} : memref<128x128xf32, #tpu.memory_space<vmem>>, vector<1x16xf32>,
      %swap3A_231 = arith.constant 0 : i32
      %swap3A_232 = arith.constant 0 : i32
      %swap3A_233 = tpu.memref_slice %arg9[%scan3A_18, %swap3A_231, %swap3A_232] : memref<2x128x128xf32, #tpu.memory_space<vmem>> -> memref<1x128x128xf32, #tpu.memory_space<vmem>>
      %swap3A_234 = tpu.memref_squeeze %swap3A_233 : memref<1x128x128xf32, #tpu.memory_space<vmem>> -> memref<128x128xf32, #tpu.memory_space<vmem>>
      %swap3A_235 = arith.index_cast %scan3A_204 : i32 to index
      %swap3A_236 = arith.constant 48 : index
      %swap3A_237 = tpu.vector_load %swap3A_234[%swap3A_235, %swap3A_236] {strides = array<i32>} : memref<128x128xf32, #tpu.memory_space<vmem>>, vector<1x16xf32>,
      %swap3A_238 = vector.shape_cast %swap3A_237 : vector<1x16xf32> to vector<16xf32>
      %swap3A_239 = vector.shape_cast %broadcast_in_dim3A_17 : vector<16xf32> to vector<1x16xf32>
      tpu.vector_store %swap3A_234[%swap3A_235, %swap3A_236], %swap3A_239 {strides = array<i32>} : memref<128x128xf32, #tpu.memory_space<vmem>>, vector<1x16xf32>,
      %swap3A_240 = arith.constant 0 : i32
      %swap3A_241 = arith.constant 0 : i32
      %swap3A_242 = tpu.memref_slice %arg9[%scan3A_18, %swap3A_240, %swap3A_241] : memref<2x128x128xf32, #tpu.memory_space<vmem>> -> memref<1x128x128xf32, #tpu.memory_space<vmem>>
      %swap3A_243 = tpu.memref_squeeze %swap3A_242 : memref<1x128x128xf32, #tpu.memory_space<vmem>> -> memref<128x128xf32, #tpu.memory_space<vmem>>
      %swap3A_244 = arith.index_cast %scan3A_204 : i32 to index
      %swap3A_245 = arith.constant 64 : index
      %swap3A_246 = tpu.vector_load %swap3A_243[%swap3A_244, %swap3A_245] {strides = array<i32>} : memref<128x128xf32, #tpu.memory_space<vmem>>, vector<1x16xf32>,
      %swap3A_247 = vector.shape_cast %swap3A_246 : vector<1x16xf32> to vector<16xf32>
      %swap3A_248 = vector.shape_cast %broadcast_in_dim3A_17 : vector<16xf32> to vector<1x16xf32>
      tpu.vector_store %swap3A_243[%swap3A_244, %swap3A_245], %swap3A_248 {strides = array<i32>} : memref<128x128xf32, #tpu.memory_space<vmem>>, vector<1x16xf32>,
      %swap3A_249 = arith.constant 0 : i32
      %swap3A_250 = arith.constant 0 : i32
      %swap3A_251 = tpu.memref_slice %arg9[%scan3A_18, %swap3A_249, %swap3A_250] : memref<2x128x128xf32, #tpu.memory_space<vmem>> -> memref<1x128x128xf32, #tpu.memory_space<vmem>>
      %swap3A_252 = tpu.memref_squeeze %swap3A_251 : memref<1x128x128xf32, #tpu.memory_space<vmem>> -> memref<128x128xf32, #tpu.memory_space<vmem>>
      %swap3A_253 = arith.index_cast %scan3A_204 : i32 to index
      %swap3A_254 = arith.constant 80 : index
      %swap3A_255 = tpu.vector_load %swap3A_252[%swap3A_253, %swap3A_254] {strides = array<i32>} : memref<128x128xf32, #tpu.memory_space<vmem>>, vector<1x16xf32>,
      %swap3A_256 = vector.shape_cast %swap3A_255 : vector<1x16xf32> to vector<16xf32>
      %swap3A_257 = vector.shape_cast %broadcast_in_dim3A_17 : vector<16xf32> to vector<1x16xf32>
      tpu.vector_store %swap3A_252[%swap3A_253, %swap3A_254], %swap3A_257 {strides = array<i32>} : memref<128x128xf32, #tpu.memory_space<vmem>>, vector<1x16xf32>,
      %swap3A_258 = arith.constant 0 : i32
      %swap3A_259 = arith.constant 0 : i32
      %swap3A_260 = tpu.memref_slice %arg9[%scan3A_18, %swap3A_258, %swap3A_259] : memref<2x128x128xf32, #tpu.memory_space<vmem>> -> memref<1x128x128xf32, #tpu.memory_space<vmem>>
      %swap3A_261 = tpu.memref_squeeze %swap3A_260 : memref<1x128x128xf32, #tpu.memory_space<vmem>> -> memref<128x128xf32, #tpu.memory_space<vmem>>
      %swap3A_262 = arith.index_cast %scan3A_204 : i32 to index
      %swap3A_263 = arith.constant 96 : index
      %swap3A_264 = tpu.vector_load %swap3A_261[%swap3A_262, %swap3A_263] {strides = array<i32>} : memref<128x128xf32, #tpu.memory_space<vmem>>, vector<1x16xf32>,
      %swap3A_265 = vector.shape_cast %swap3A_264 : vector<1x16xf32> to vector<16xf32>
      %swap3A_266 = vector.shape_cast %broadcast_in_dim3A_17 : vector<16xf32> to vector<1x16xf32>
      tpu.vector_store %swap3A_261[%swap3A_262, %swap3A_263], %swap3A_266 {strides = array<i32>} : memref<128x128xf32, #tpu.memory_space<vmem>>, vector<1x16xf32>,
      %swap3A_267 = arith.constant 0 : i32
      %swap3A_268 = arith.constant 0 : i32
      %swap3A_269 = tpu.memref_slice %arg9[%scan3A_18, %swap3A_267, %swap3A_268] : memref<2x128x128xf32, #tpu.memory_space<vmem>> -> memref<1x128x128xf32, #tpu.memory_space<vmem>>
      %swap3A_270 = tpu.memref_squeeze %swap3A_269 : memref<1x128x128xf32, #tpu.memory_space<vmem>> -> memref<128x128xf32, #tpu.memory_space<vmem>>
      %swap3A_271 = arith.index_cast %scan3A_204 : i32 to index
      %swap3A_272 = arith.constant 112 : index
      %swap3A_273 = tpu.vector_load %swap3A_270[%swap3A_271, %swap3A_272] {strides = array<i32>} : memref<128x128xf32, #tpu.memory_space<vmem>>, vector<1x16xf32>,
      %swap3A_274 = vector.shape_cast %swap3A_273 : vector<1x16xf32> to vector<16xf32>
      %swap3A_275 = vector.shape_cast %broadcast_in_dim3A_17 : vector<16xf32> to vector<1x16xf32>
      tpu.vector_store %swap3A_270[%swap3A_271, %swap3A_272], %swap3A_275 {strides = array<i32>} : memref<128x128xf32, #tpu.memory_space<vmem>>, vector<1x16xf32>,
    }
    %scan3A_23 = arith.constant 128 : i32
    %add3A_24 = arith.constant 0 : i32
    %add3A_25 = arith.addi %mul3A_16, %add3A_24 : i32
    %run_scoped3A_26 = arith.constant 0 : i32
    "tpu.region"() ({
      %run_scoped3A_204 = tpu.sem_alloc : memref<!tpu.dma_semaphore, #tpu.memory_space<semaphore_mem>>
      %dma_start3A_205 = arith.constant 0 : i32
      %dma_start3A_206 = arith.constant 0 : i32
      %dma_start3A_207 = tpu.memref_slice %arg9[%run_scoped3A_26, %dma_start3A_205, %dma_start3A_206] : memref<2x128x128xf32, #tpu.memory_space<vmem>> -> memref<1x128x128xf32, #tpu.memory_space<vmem>>
      %dma_start3A_208 = tpu.memref_squeeze %dma_start3A_207 : memref<1x128x128xf32, #tpu.memory_space<vmem>> -> memref<128x128xf32, #tpu.memory_space<vmem>>
      %dma_start3A_209 = arith.constant 0 : i32
      %dma_start3A_210 = tpu.memref_slice %arg10[%add3A_25, %dma_start3A_209] : memref<10112x128xf32, #tpu.memory_space<vmem_shared>> -> memref<128x128xf32, #tpu.memory_space<vmem_shared>>
      %dma_start3A_211 = arith.constant 0 : i32
      %dma_start3A_212 = tpu.memref_slice %arg10[%add3A_25, %dma_start3A_211] : memref<10112x128xf32, #tpu.memory_space<vmem_shared>> -> memref<128x128xf32, #tpu.memory_space<vmem_shared>>
      %dma_start3A_213 = arith.constant 0 : i32
      %dma_start3A_214 = arith.constant 0 : i32
      %dma_start3A_215 = tpu.memref_slice %arg9[%run_scoped3A_26, %dma_start3A_213, %dma_start3A_214] : memref<2x128x128xf32, #tpu.memory_space<vmem>> -> memref<1x128x128xf32, #tpu.memory_space<vmem>>
      %dma_start3A_216 = tpu.memref_squeeze %dma_start3A_215 : memref<1x128x128xf32, #tpu.memory_space<vmem>> -> memref<128x128xf32, #tpu.memory_space<vmem>>
      tpu.enqueue_dma source(%dma_start3A_216 : memref<128x128xf32, #tpu.memory_space<vmem>>) target(%dma_start3A_212 : memref<128x128xf32, #tpu.memory_space<vmem_shared>>) target_semaphore(%run_scoped3A_204 : memref<!tpu.dma_semaphore, #tpu.memory_space<semaphore_mem>>)
      %dma_wait3A_217 = arith.constant 0 : i32
      %dma_wait3A_218 = arith.constant 0 : i32
      %dma_wait3A_219 = tpu.memref_slice %arg9[%run_scoped3A_26, %dma_wait3A_217, %dma_wait3A_218] : memref<2x128x128xf32, #tpu.memory_space<vmem>> -> memref<1x128x128xf32, #tpu.memory_space<vmem>>
      %dma_wait3A_220 = tpu.memref_squeeze %dma_wait3A_219 : memref<1x128x128xf32, #tpu.memory_space<vmem>> -> memref<128x128xf32, #tpu.memory_space<vmem>>
      %dma_wait3A_221 = arith.constant 0 : i32
      %dma_wait3A_222 = tpu.memref_slice %arg10[%add3A_25, %dma_wait3A_221] : memref<10112x128xf32, #tpu.memory_space<vmem_shared>> -> memref<128x128xf32, #tpu.memory_space<vmem_shared>>
      %dma_wait3A_223 = arith.constant 0 : i32
      %dma_wait3A_224 = tpu.memref_slice %arg10[%add3A_25, %dma_wait3A_223] : memref<10112x128xf32, #tpu.memory_space<vmem_shared>> -> memref<128x128xf32, #tpu.memory_space<vmem_shared>>
      %dma_wait3A_225 = arith.constant 0 : i32
      %dma_wait3A_226 = arith.constant 0 : i32
      %dma_wait3A_227 = tpu.memref_slice %arg9[%run_scoped3A_26, %dma_wait3A_225, %dma_wait3A_226] : memref<2x128x128xf32, #tpu.memory_space<vmem>> -> memref<1x128x128xf32, #tpu.memory_space<vmem>>
      %dma_wait3A_228 = tpu.memref_squeeze %dma_wait3A_227 : memref<1x128x128xf32, #tpu.memory_space<vmem>> -> memref<128x128xf32, #tpu.memory_space<vmem>>
      tpu.wait_dma2 semaphore(%run_scoped3A_204 : memref<!tpu.dma_semaphore, #tpu.memory_space<semaphore_mem>>) src(%dma_wait3A_228 : memref<128x128xf32, #tpu.memory_space<vmem>>) dst(%dma_wait3A_224 : memref<128x128xf32, #tpu.memory_space<vmem_shared>>)
      tpu.yield
    }) : () -> ()
    %add3A_27 = arith.constant 128 : i32
    %add3A_28 = arith.addi %mul3A_16, %add3A_27 : i32
    %run_scoped3A_29 = arith.constant 0 : i32
    "tpu.region"() ({
      %run_scoped3A_204 = tpu.sem_alloc : memref<!tpu.dma_semaphore, #tpu.memory_space<semaphore_mem>>
      %dma_start3A_205 = arith.constant 0 : i32
      %dma_start3A_206 = arith.constant 0 : i32
      %dma_start3A_207 = tpu.memref_slice %arg9[%run_scoped3A_29, %dma_start3A_205, %dma_start3A_206] : memref<2x128x128xf32, #tpu.memory_space<vmem>> -> memref<1x128x128xf32, #tpu.memory_space<vmem>>
      %dma_start3A_208 = tpu.memref_squeeze %dma_start3A_207 : memref<1x128x128xf32, #tpu.memory_space<vmem>> -> memref<128x128xf32, #tpu.memory_space<vmem>>
      %dma_start3A_209 = arith.constant 0 : i32
      %dma_start3A_210 = tpu.memref_slice %arg10[%add3A_28, %dma_start3A_209] : memref<10112x128xf32, #tpu.memory_space<vmem_shared>> -> memref<128x128xf32, #tpu.memory_space<vmem_shared>>
      %dma_start3A_211 = arith.constant 0 : i32
      %dma_start3A_212 = tpu.memref_slice %arg10[%add3A_28, %dma_start3A_211] : memref<10112x128xf32, #tpu.memory_space<vmem_shared>> -> memref<128x128xf32, #tpu.memory_space<vmem_shared>>
      %dma_start3A_213 = arith.constant 0 : i32
      %dma_start3A_214 = arith.constant 0 : i32
      %dma_start3A_215 = tpu.memref_slice %arg9[%run_scoped3A_29, %dma_start3A_213, %dma_start3A_214] : memref<2x128x128xf32, #tpu.memory_space<vmem>> -> memref<1x128x128xf32, #tpu.memory_space<vmem>>
      %dma_start3A_216 = tpu.memref_squeeze %dma_start3A_215 : memref<1x128x128xf32, #tpu.memory_space<vmem>> -> memref<128x128xf32, #tpu.memory_space<vmem>>
      tpu.enqueue_dma source(%dma_start3A_216 : memref<128x128xf32, #tpu.memory_space<vmem>>) target(%dma_start3A_212 : memref<128x128xf32, #tpu.memory_space<vmem_shared>>) target_semaphore(%run_scoped3A_204 : memref<!tpu.dma_semaphore, #tpu.memory_space<semaphore_mem>>)
      %dma_wait3A_217 = arith.constant 0 : i32
      %dma_wait3A_218 = arith.constant 0 : i32
      %dma_wait3A_219 = tpu.memref_slice %arg9[%run_scoped3A_29, %dma_wait3A_217, %dma_wait3A_218] : memref<2x128x128xf32, #tpu.memory_space<vmem>> -> memref<1x128x128xf32, #tpu.memory_space<vmem>>
      %dma_wait3A_220 = tpu.memref_squeeze %dma_wait3A_219 : memref<1x128x128xf32, #tpu.memory_space<vmem>> -> memref<128x128xf32, #tpu.memory_space<vmem>>
      %dma_wait3A_221 = arith.constant 0 : i32
      %dma_wait3A_222 = tpu.memref_slice %arg10[%add3A_28, %dma_wait3A_221] : memref<10112x128xf32, #tpu.memory_space<vmem_shared>> -> memref<128x128xf32, #tpu.memory_space<vmem_shared>>
      %dma_wait3A_223 = arith.constant 0 : i32
      %dma_wait3A_224 = tpu.memref_slice %arg10[%add3A_28, %dma_wait3A_223] : memref<10112x128xf32, #tpu.memory_space<vmem_shared>> -> memref<128x128xf32, #tpu.memory_space<vmem_shared>>
      %dma_wait3A_225 = arith.constant 0 : i32
      %dma_wait3A_226 = arith.constant 0 : i32
      %dma_wait3A_227 = tpu.memref_slice %arg9[%run_scoped3A_29, %dma_wait3A_225, %dma_wait3A_226] : memref<2x128x128xf32, #tpu.memory_space<vmem>> -> memref<1x128x128xf32, #tpu.memory_space<vmem>>
      %dma_wait3A_228 = tpu.memref_squeeze %dma_wait3A_227 : memref<1x128x128xf32, #tpu.memory_space<vmem>> -> memref<128x128xf32, #tpu.memory_space<vmem>>
      tpu.wait_dma2 semaphore(%run_scoped3A_204 : memref<!tpu.dma_semaphore, #tpu.memory_space<semaphore_mem>>) src(%dma_wait3A_228 : memref<128x128xf32, #tpu.memory_space<vmem>>) dst(%dma_wait3A_224 : memref<128x128xf32, #tpu.memory_space<vmem_shared>>)
      tpu.yield
    }) : () -> ()
    %add3A_30 = arith.constant 256 : i32
    %add3A_31 = arith.addi %mul3A_16, %add3A_30 : i32
    %run_scoped3A_32 = arith.constant 0 : i32
    "tpu.region"() ({
      %run_scoped3A_204 = tpu.sem_alloc : memref<!tpu.dma_semaphore, #tpu.memory_space<semaphore_mem>>
      %dma_start3A_205 = arith.constant 0 : i32
      %dma_start3A_206 = arith.constant 0 : i32
      %dma_start3A_207 = tpu.memref_slice %arg9[%run_scoped3A_32, %dma_start3A_205, %dma_start3A_206] : memref<2x128x128xf32, #tpu.memory_space<vmem>> -> memref<1x128x128xf32, #tpu.memory_space<vmem>>
      %dma_start3A_208 = tpu.memref_squeeze %dma_start3A_207 : memref<1x128x128xf32, #tpu.memory_space<vmem>> -> memref<128x128xf32, #tpu.memory_space<vmem>>
      %dma_start3A_209 = arith.constant 0 : i32
      %dma_start3A_210 = tpu.memref_slice %arg10[%add3A_31, %dma_start3A_209] : memref<10112x128xf32, #tpu.memory_space<vmem_shared>> -> memref<128x128xf32, #tpu.memory_space<vmem_shared>>
      %dma_start3A_211 = arith.constant 0 : i32
      %dma_start3A_212 = tpu.memref_slice %arg10[%add3A_31, %dma_start3A_211] : memref<10112x128xf32, #tpu.memory_space<vmem_shared>> -> memref<128x128xf32, #tpu.memory_space<vmem_shared>>
      %dma_start3A_213 = arith.constant 0 : i32
      %dma_start3A_214 = arith.constant 0 : i32
      %dma_start3A_215 = tpu.memref_slice %arg9[%run_scoped3A_32, %dma_start3A_213, %dma_start3A_214] : memref<2x128x128xf32, #tpu.memory_space<vmem>> -> memref<1x128x128xf32, #tpu.memory_space<vmem>>
      %dma_start3A_216 = tpu.memref_squeeze %dma_start3A_215 : memref<1x128x128xf32, #tpu.memory_space<vmem>> -> memref<128x128xf32, #tpu.memory_space<vmem>>
      tpu.enqueue_dma source(%dma_start3A_216 : memref<128x128xf32, #tpu.memory_space<vmem>>) target(%dma_start3A_212 : memref<128x128xf32, #tpu.memory_space<vmem_shared>>) target_semaphore(%run_scoped3A_204 : memref<!tpu.dma_semaphore, #tpu.memory_space<semaphore_mem>>)
      %dma_wait3A_217 = arith.constant 0 : i32
      %dma_wait3A_218 = arith.constant 0 : i32
      %dma_wait3A_219 = tpu.memref_slice %arg9[%run_scoped3A_32, %dma_wait3A_217, %dma_wait3A_218] : memref<2x128x128xf32, #tpu.memory_space<vmem>> -> memref<1x128x128xf32, #tpu.memory_space<vmem>>
      %dma_wait3A_220 = tpu.memref_squeeze %dma_wait3A_219 : memref<1x128x128xf32, #tpu.memory_space<vmem>> -> memref<128x128xf32, #tpu.memory_space<vmem>>
      %dma_wait3A_221 = arith.constant 0 : i32
      %dma_wait3A_222 = tpu.memref_slice %arg10[%add3A_31, %dma_wait3A_221] : memref<10112x128xf32, #tpu.memory_space<vmem_shared>> -> memref<128x128xf32, #tpu.memory_space<vmem_shared>>
      %dma_wait3A_223 = arith.constant 0 : i32
      %dma_wait3A_224 = tpu.memref_slice %arg10[%add3A_31, %dma_wait3A_223] : memref<10112x128xf32, #tpu.memory_space<vmem_shared>> -> memref<128x128xf32, #tpu.memory_space<vmem_shared>>
      %dma_wait3A_225 = arith.constant 0 : i32
      %dma_wait3A_226 = arith.constant 0 : i32
      %dma_wait3A_227 = tpu.memref_slice %arg9[%run_scoped3A_32, %dma_wait3A_225, %dma_wait3A_226] : memref<2x128x128xf32, #tpu.memory_space<vmem>> -> memref<1x128x128xf32, #tpu.memory_space<vmem>>
      %dma_wait3A_228 = tpu.memref_squeeze %dma_wait3A_227 : memref<1x128x128xf32, #tpu.memory_space<vmem>> -> memref<128x128xf32, #tpu.memory_space<vmem>>
      tpu.wait_dma2 semaphore(%run_scoped3A_204 : memref<!tpu.dma_semaphore, #tpu.memory_space<semaphore_mem>>) src(%dma_wait3A_228 : memref<128x128xf32, #tpu.memory_space<vmem>>) dst(%dma_wait3A_224 : memref<128x128xf32, #tpu.memory_space<vmem_shared>>)
      tpu.yield
    }) : () -> ()
    %add3A_33 = arith.constant 384 : i32
    %add3A_34 = arith.addi %mul3A_16, %add3A_33 : i32
    %run_scoped3A_35 = arith.constant 0 : i32
    "tpu.region"() ({
      %run_scoped3A_204 = tpu.sem_alloc : memref<!tpu.dma_semaphore, #tpu.memory_space<semaphore_mem>>
      %dma_start3A_205 = arith.constant 0 : i32
      %dma_start3A_206 = arith.constant 0 : i32
      %dma_start3A_207 = tpu.memref_slice %arg9[%run_scoped3A_35, %dma_start3A_205, %dma_start3A_206] : memref<2x128x128xf32, #tpu.memory_space<vmem>> -> memref<1x128x128xf32, #tpu.memory_space<vmem>>
      %dma_start3A_208 = tpu.memref_squeeze %dma_start3A_207 : memref<1x128x128xf32, #tpu.memory_space<vmem>> -> memref<128x128xf32, #tpu.memory_space<vmem>>
      %dma_start3A_209 = arith.constant 0 : i32
      %dma_start3A_210 = tpu.memref_slice %arg10[%add3A_34, %dma_start3A_209] : memref<10112x128xf32, #tpu.memory_space<vmem_shared>> -> memref<128x128xf32, #tpu.memory_space<vmem_shared>>
      %dma_start3A_211 = arith.constant 0 : i32
      %dma_start3A_212 = tpu.memref_slice %arg10[%add3A_34, %dma_start3A_211] : memref<10112x128xf32, #tpu.memory_space<vmem_shared>> -> memref<128x128xf32, #tpu.memory_space<vmem_shared>>
      %dma_start3A_213 = arith.constant 0 : i32
      %dma_start3A_214 = arith.constant 0 : i32
      %dma_start3A_215 = tpu.memref_slice %arg9[%run_scoped3A_35, %dma_start3A_213, %dma_start3A_214] : memref<2x128x128xf32, #tpu.memory_space<vmem>> -> memref<1x128x128xf32, #tpu.memory_space<vmem>>
      %dma_start3A_216 = tpu.memref_squeeze %dma_start3A_215 : memref<1x128x128xf32, #tpu.memory_space<vmem>> -> memref<128x128xf32, #tpu.memory_space<vmem>>
      tpu.enqueue_dma source(%dma_start3A_216 : memref<128x128xf32, #tpu.memory_space<vmem>>) target(%dma_start3A_212 : memref<128x128xf32, #tpu.memory_space<vmem_shared>>) target_semaphore(%run_scoped3A_204 : memref<!tpu.dma_semaphore, #tpu.memory_space<semaphore_mem>>)
      %dma_wait3A_217 = arith.constant 0 : i32
      %dma_wait3A_218 = arith.constant 0 : i32
      %dma_wait3A_219 = tpu.memref_slice %arg9[%run_scoped3A_35, %dma_wait3A_217, %dma_wait3A_218] : memref<2x128x128xf32, #tpu.memory_space<vmem>> -> memref<1x128x128xf32, #tpu.memory_space<vmem>>
      %dma_wait3A_220 = tpu.memref_squeeze %dma_wait3A_219 : memref<1x128x128xf32, #tpu.memory_space<vmem>> -> memref<128x128xf32, #tpu.memory_space<vmem>>
      %dma_wait3A_221 = arith.constant 0 : i32
      %dma_wait3A_222 = tpu.memref_slice %arg10[%add3A_34, %dma_wait3A_221] : memref<10112x128xf32, #tpu.memory_space<vmem_shared>> -> memref<128x128xf32, #tpu.memory_space<vmem_shared>>
      %dma_wait3A_223 = arith.constant 0 : i32
      %dma_wait3A_224 = tpu.memref_slice %arg10[%add3A_34, %dma_wait3A_223] : memref<10112x128xf32, #tpu.memory_space<vmem_shared>> -> memref<128x128xf32, #tpu.memory_space<vmem_shared>>
      %dma_wait3A_225 = arith.constant 0 : i32
      %dma_wait3A_226 = arith.constant 0 : i32
      %dma_wait3A_227 = tpu.memref_slice %arg9[%run_scoped3A_35, %dma_wait3A_225, %dma_wait3A_226] : memref<2x128x128xf32, #tpu.memory_space<vmem>> -> memref<1x128x128xf32, #tpu.memory_space<vmem>>
      %dma_wait3A_228 = tpu.memref_squeeze %dma_wait3A_227 : memref<1x128x128xf32, #tpu.memory_space<vmem>> -> memref<128x128xf32, #tpu.memory_space<vmem>>
      tpu.wait_dma2 semaphore(%run_scoped3A_204 : memref<!tpu.dma_semaphore, #tpu.memory_space<semaphore_mem>>) src(%dma_wait3A_228 : memref<128x128xf32, #tpu.memory_space<vmem>>) dst(%dma_wait3A_224 : memref<128x128xf32, #tpu.memory_space<vmem_shared>>)
      tpu.yield
    }) : () -> ()
    %add3A_36 = arith.constant 512 : i32
    %add3A_37 = arith.addi %mul3A_16, %add3A_36 : i32
    %run_scoped3A_38 = arith.constant 0 : i32
    "tpu.region"() ({
      %run_scoped3A_204 = tpu.sem_alloc : memref<!tpu.dma_semaphore, #tpu.memory_space<semaphore_mem>>
      %dma_start3A_205 = arith.constant 0 : i32
      %dma_start3A_206 = arith.constant 0 : i32
      %dma_start3A_207 = tpu.memref_slice %arg9[%run_scoped3A_38, %dma_start3A_205, %dma_start3A_206] : memref<2x128x128xf32, #tpu.memory_space<vmem>> -> memref<1x128x128xf32, #tpu.memory_space<vmem>>
      %dma_start3A_208 = tpu.memref_squeeze %dma_start3A_207 : memref<1x128x128xf32, #tpu.memory_space<vmem>> -> memref<128x128xf32, #tpu.memory_space<vmem>>
      %dma_start3A_209 = arith.constant 0 : i32
      %dma_start3A_210 = arith.constant 0 : i32
      %dma_start3A_211 = tpu.memref_slice %dma_start3A_208[%dma_start3A_209, %dma_start3A_210] : memref<128x128xf32, #tpu.memory_space<vmem>> -> memref<120x128xf32, #tpu.memory_space<vmem>>
      %dma_start3A_212 = arith.constant 0 : i32
      %dma_start3A_213 = tpu.memref_slice %arg10[%add3A_37, %dma_start3A_212] : memref<10112x128xf32, #tpu.memory_space<vmem_shared>> -> memref<120x128xf32, #tpu.memory_space<vmem_shared>>
      %dma_start3A_214 = arith.constant 0 : i32
      %dma_start3A_215 = tpu.memref_slice %arg10[%add3A_37, %dma_start3A_214] : memref<10112x128xf32, #tpu.memory_space<vmem_shared>> -> memref<120x128xf32, #tpu.memory_space<vmem_shared>>
      %dma_start3A_216 = arith.constant 0 : i32
      %dma_start3A_217 = arith.constant 0 : i32
      %dma_start3A_218 = tpu.memref_slice %arg9[%run_scoped3A_38, %dma_start3A_216, %dma_start3A_217] : memref<2x128x128xf32, #tpu.memory_space<vmem>> -> memref<1x128x128xf32, #tpu.memory_space<vmem>>
      %dma_start3A_219 = tpu.memref_squeeze %dma_start3A_218 : memref<1x128x128xf32, #tpu.memory_space<vmem>> -> memref<128x128xf32, #tpu.memory_space<vmem>>
      %dma_start3A_220 = arith.constant 0 : i32
      %dma_start3A_221 = arith.constant 0 : i32
      %dma_start3A_222 = tpu.memref_slice %dma_start3A_219[%dma_start3A_220, %dma_start3A_221] : memref<128x128xf32, #tpu.memory_space<vmem>> -> memref<120x128xf32, #tpu.memory_space<vmem>>
      tpu.enqueue_dma source(%dma_start3A_222 : memref<120x128xf32, #tpu.memory_space<vmem>>) target(%dma_start3A_215 : memref<120x128xf32, #tpu.memory_space<vmem_shared>>) target_semaphore(%run_scoped3A_204 : memref<!tpu.dma_semaphore, #tpu.memory_space<semaphore_mem>>)
      %dma_wait3A_223 = arith.constant 0 : i32
      %dma_wait3A_224 = arith.constant 0 : i32
      %dma_wait3A_225 = tpu.memref_slice %arg9[%run_scoped3A_38, %dma_wait3A_223, %dma_wait3A_224] : memref<2x128x128xf32, #tpu.memory_space<vmem>> -> memref<1x128x128xf32, #tpu.memory_space<vmem>>
      %dma_wait3A_226 = tpu.memref_squeeze %dma_wait3A_225 : memref<1x128x128xf32, #tpu.memory_space<vmem>> -> memref<128x128xf32, #tpu.memory_space<vmem>>
      %dma_wait3A_227 = arith.constant 0 : i32
      %dma_wait3A_228 = arith.constant 0 : i32
      %dma_wait3A_229 = tpu.memref_slice %dma_wait3A_226[%dma_wait3A_227, %dma_wait3A_228] : memref<128x128xf32, #tpu.memory_space<vmem>> -> memref<120x128xf32, #tpu.memory_space<vmem>>
      %dma_wait3A_230 = arith.constant 0 : i32
      %dma_wait3A_231 = tpu.memref_slice %arg10[%add3A_37, %dma_wait3A_230] : memref<10112x128xf32, #tpu.memory_space<vmem_shared>> -> memref<120x128xf32, #tpu.memory_space<vmem_shared>>
      %dma_wait3A_232 = arith.constant 0 : i32
      %dma_wait3A_233 = tpu.memref_slice %arg10[%add3A_37, %dma_wait3A_232] : memref<10112x128xf32, #tpu.memory_space<vmem_shared>> -> memref<120x128xf32, #tpu.memory_space<vmem_shared>>
      %dma_wait3A_234 = arith.constant 0 : i32
      %dma_wait3A_235 = arith.constant 0 : i32
      %dma_wait3A_236 = tpu.memref_slice %arg9[%run_scoped3A_38, %dma_wait3A_234, %dma_wait3A_235] : memref<2x128x128xf32, #tpu.memory_space<vmem>> -> memref<1x128x128xf32, #tpu.memory_space<vmem>>
      %dma_wait3A_237 = tpu.memref_squeeze %dma_wait3A_236 : memref<1x128x128xf32, #tpu.memory_space<vmem>> -> memref<128x128xf32, #tpu.memory_space<vmem>>
      %dma_wait3A_238 = arith.constant 0 : i32
      %dma_wait3A_239 = arith.constant 0 : i32
      %dma_wait3A_240 = tpu.memref_slice %dma_wait3A_237[%dma_wait3A_238, %dma_wait3A_239] : memref<128x128xf32, #tpu.memory_space<vmem>> -> memref<120x128xf32, #tpu.memory_space<vmem>>
      tpu.wait_dma2 semaphore(%run_scoped3A_204 : memref<!tpu.dma_semaphore, #tpu.memory_space<semaphore_mem>>) src(%dma_wait3A_240 : memref<120x128xf32, #tpu.memory_space<vmem>>) dst(%dma_wait3A_233 : memref<120x128xf32, #tpu.memory_space<vmem_shared>>)
      tpu.yield
    }) : () -> ()
    %add3A_39 = arith.constant 0 : i32
    %add3A_40 = arith.addi %mul3A_14, %add3A_39 : i32
    %multiple_of3A = tpu.assume_multiple %add3A_40, 128 : i32
    %dma_start3A = arith.constant 0 : i32
    %dma_start3A_41 = arith.constant 0 : i32
    %dma_start3A_42 = tpu.memref_slice %arg7[%dma_start3A, %dma_start3A_41] : memref<4x128xi32, #tpu.memory_space<vmem>> -> memref<1x128xi32, #tpu.memory_space<vmem>>
    %dma_start3A_43 = tpu.memref_squeeze %dma_start3A_42 : memref<1x128xi32, #tpu.memory_space<vmem>> -> memref<128xi32, #tpu.memory_space<vmem>>
    %dma_start3A_44 = tpu.memref_slice %arg3[%multiple_of3A] : memref<320000xi32, #tpu.memory_space<hbm>> -> memref<128xi32, #tpu.memory_space<hbm>>
    %dma_start3A_45 = arith.constant 0 : i32
    %dma_start3A_46 = tpu.memref_slice %arg7[%dma_start3A, %dma_start3A_45] : memref<4x128xi32, #tpu.memory_space<vmem>> -> memref<1x128xi32, #tpu.memory_space<vmem>>
    %dma_start3A_47 = tpu.memref_squeeze %dma_start3A_46 : memref<1x128xi32, #tpu.memory_space<vmem>> -> memref<128xi32, #tpu.memory_space<vmem>>
    %dma_start3A_48 = tpu.memref_slice %arg3[%multiple_of3A] : memref<320000xi32, #tpu.memory_space<hbm>> -> memref<128xi32, #tpu.memory_space<hbm>>
    tpu.enqueue_dma source(%dma_start3A_48 : memref<128xi32, #tpu.memory_space<hbm>>) target(%dma_start3A_47 : memref<128xi32, #tpu.memory_space<vmem>>) target_semaphore(%arg11 : memref<!tpu.dma_semaphore, #tpu.memory_space<semaphore_mem>>)
    %add3A_49 = arith.constant 0 : i32
    %add3A_50 = arith.addi %mul3A_14, %add3A_49 : i32
    %multiple_of3A_51 = tpu.assume_multiple %add3A_50, 128 : i32
    %dma_start3A_52 = arith.constant 0 : i32
    %dma_start3A_53 = arith.constant 0 : i32
    %dma_start3A_54 = tpu.memref_slice %arg8[%dma_start3A_52, %dma_start3A_53] : memref<4x128xi32, #tpu.memory_space<vmem>> -> memref<1x128xi32, #tpu.memory_space<vmem>>
    %dma_start3A_55 = tpu.memref_squeeze %dma_start3A_54 : memref<1x128xi32, #tpu.memory_space<vmem>> -> memref<128xi32, #tpu.memory_space<vmem>>
    %dma_start3A_56 = tpu.memref_slice %arg4[%multiple_of3A_51] : memref<320000xi32, #tpu.memory_space<hbm>> -> memref<128xi32, #tpu.memory_space<hbm>>
    %dma_start3A_57 = arith.constant 0 : i32
    %dma_start3A_58 = tpu.memref_slice %arg8[%dma_start3A_52, %dma_start3A_57] : memref<4x128xi32, #tpu.memory_space<vmem>> -> memref<1x128xi32, #tpu.memory_space<vmem>>
    %dma_start3A_59 = tpu.memref_squeeze %dma_start3A_58 : memref<1x128xi32, #tpu.memory_space<vmem>> -> memref<128xi32, #tpu.memory_space<vmem>>
    %dma_start3A_60 = tpu.memref_slice %arg4[%multiple_of3A_51] : memref<320000xi32, #tpu.memory_space<hbm>> -> memref<128xi32, #tpu.memory_space<hbm>>
    tpu.enqueue_dma source(%dma_start3A_60 : memref<128xi32, #tpu.memory_space<hbm>>) target(%dma_start3A_59 : memref<128xi32, #tpu.memory_space<vmem>>) target_semaphore(%arg11 : memref<!tpu.dma_semaphore, #tpu.memory_space<semaphore_mem>>)
    %add3A_61 = arith.constant 128 : i32
    %add3A_62 = arith.addi %mul3A_14, %add3A_61 : i32
    %multiple_of3A_63 = tpu.assume_multiple %add3A_62, 128 : i32
    %dma_start3A_64 = arith.constant 1 : i32
    %dma_start3A_65 = arith.constant 0 : i32
    %dma_start3A_66 = tpu.memref_slice %arg7[%dma_start3A_64, %dma_start3A_65] : memref<4x128xi32, #tpu.memory_space<vmem>> -> memref<1x128xi32, #tpu.memory_space<vmem>>
    %dma_start3A_67 = tpu.memref_squeeze %dma_start3A_66 : memref<1x128xi32, #tpu.memory_space<vmem>> -> memref<128xi32, #tpu.memory_space<vmem>>
    %dma_start3A_68 = tpu.memref_slice %arg3[%multiple_of3A_63] : memref<320000xi32, #tpu.memory_space<hbm>> -> memref<128xi32, #tpu.memory_space<hbm>>
    %dma_start3A_69 = arith.constant 0 : i32
    %dma_start3A_70 = tpu.memref_slice %arg7[%dma_start3A_64, %dma_start3A_69] : memref<4x128xi32, #tpu.memory_space<vmem>> -> memref<1x128xi32, #tpu.memory_space<vmem>>
    %dma_start3A_71 = tpu.memref_squeeze %dma_start3A_70 : memref<1x128xi32, #tpu.memory_space<vmem>> -> memref<128xi32, #tpu.memory_space<vmem>>
    %dma_start3A_72 = tpu.memref_slice %arg3[%multiple_of3A_63] : memref<320000xi32, #tpu.memory_space<hbm>> -> memref<128xi32, #tpu.memory_space<hbm>>
    tpu.enqueue_dma source(%dma_start3A_72 : memref<128xi32, #tpu.memory_space<hbm>>) target(%dma_start3A_71 : memref<128xi32, #tpu.memory_space<vmem>>) target_semaphore(%arg11 : memref<!tpu.dma_semaphore, #tpu.memory_space<semaphore_mem>>)
    %add3A_73 = arith.constant 128 : i32
    %add3A_74 = arith.addi %mul3A_14, %add3A_73 : i32
    %multiple_of3A_75 = tpu.assume_multiple %add3A_74, 128 : i32
    %dma_start3A_76 = arith.constant 1 : i32
    %dma_start3A_77 = arith.constant 0 : i32
    %dma_start3A_78 = tpu.memref_slice %arg8[%dma_start3A_76, %dma_start3A_77] : memref<4x128xi32, #tpu.memory_space<vmem>> -> memref<1x128xi32, #tpu.memory_space<vmem>>
    %dma_start3A_79 = tpu.memref_squeeze %dma_start3A_78 : memref<1x128xi32, #tpu.memory_space<vmem>> -> memref<128xi32, #tpu.memory_space<vmem>>
    %dma_start3A_80 = tpu.memref_slice %arg4[%multiple_of3A_75] : memref<320000xi32, #tpu.memory_space<hbm>> -> memref<128xi32, #tpu.memory_space<hbm>>
    %dma_start3A_81 = arith.constant 0 : i32
    %dma_start3A_82 = tpu.memref_slice %arg8[%dma_start3A_76, %dma_start3A_81] : memref<4x128xi32, #tpu.memory_space<vmem>> -> memref<1x128xi32, #tpu.memory_space<vmem>>
    %dma_start3A_83 = tpu.memref_squeeze %dma_start3A_82 : memref<1x128xi32, #tpu.memory_space<vmem>> -> memref<128xi32, #tpu.memory_space<vmem>>
    %dma_start3A_84 = tpu.memref_slice %arg4[%multiple_of3A_75] : memref<320000xi32, #tpu.memory_space<hbm>> -> memref<128xi32, #tpu.memory_space<hbm>>
    tpu.enqueue_dma source(%dma_start3A_84 : memref<128xi32, #tpu.memory_space<hbm>>) target(%dma_start3A_83 : memref<128xi32, #tpu.memory_space<vmem>>) target_semaphore(%arg11 : memref<!tpu.dma_semaphore, #tpu.memory_space<semaphore_mem>>)
    %barrier3A = arith.constant 0 : index
    tpu.barrier barrier_id(%barrier3A)
    %add3A_85 = arith.constant 0 : i32
    %add3A_86 = arith.addi %mul3A_14, %add3A_85 : i32
    %multiple_of3A_87 = tpu.assume_multiple %add3A_86, 128 : i32
    %dma_wait3A = arith.constant 0 : i32
    %dma_wait3A_88 = arith.constant 0 : i32
    %dma_wait3A_89 = tpu.memref_slice %arg7[%dma_wait3A, %dma_wait3A_88] : memref<4x128xi32, #tpu.memory_space<vmem>> -> memref<1x128xi32, #tpu.memory_space<vmem>>
    %dma_wait3A_90 = tpu.memref_squeeze %dma_wait3A_89 : memref<1x128xi32, #tpu.memory_space<vmem>> -> memref<128xi32, #tpu.memory_space<vmem>>
    %dma_wait3A_91 = tpu.memref_slice %arg3[%multiple_of3A_87] : memref<320000xi32, #tpu.memory_space<hbm>> -> memref<128xi32, #tpu.memory_space<hbm>>
    %dma_wait3A_92 = arith.constant 0 : i32
    %dma_wait3A_93 = tpu.memref_slice %arg7[%dma_wait3A, %dma_wait3A_92] : memref<4x128xi32, #tpu.memory_space<vmem>> -> memref<1x128xi32, #tpu.memory_space<vmem>>
    %dma_wait3A_94 = tpu.memref_squeeze %dma_wait3A_93 : memref<1x128xi32, #tpu.memory_space<vmem>> -> memref<128xi32, #tpu.memory_space<vmem>>
    %dma_wait3A_95 = tpu.memref_slice %arg3[%multiple_of3A_87] : memref<320000xi32, #tpu.memory_space<hbm>> -> memref<128xi32, #tpu.memory_space<hbm>>
    tpu.wait_dma2 semaphore(%arg11 : memref<!tpu.dma_semaphore, #tpu.memory_space<semaphore_mem>>) src(%dma_wait3A_95 : memref<128xi32, #tpu.memory_space<hbm>>) dst(%dma_wait3A_94 : memref<128xi32, #tpu.memory_space<vmem>>)
    %add3A_96 = arith.constant 0 : i32
    %add3A_97 = arith.addi %mul3A_14, %add3A_96 : i32
    %multiple_of3A_98 = tpu.assume_multiple %add3A_97, 128 : i32
    %dma_wait3A_99 = arith.constant 0 : i32
    %dma_wait3A_100 = arith.constant 0 : i32
    %dma_wait3A_101 = tpu.memref_slice %arg8[%dma_wait3A_99, %dma_wait3A_100] : memref<4x128xi32, #tpu.memory_space<vmem>> -> memref<1x128xi32, #tpu.memory_space<vmem>>
    %dma_wait3A_102 = tpu.memref_squeeze %dma_wait3A_101 : memref<1x128xi32, #tpu.memory_space<vmem>> -> memref<128xi32, #tpu.memory_space<vmem>>
    %dma_wait3A_103 = tpu.memref_slice %arg4[%multiple_of3A_98] : memref<320000xi32, #tpu.memory_space<hbm>> -> memref<128xi32, #tpu.memory_space<hbm>>
    %dma_wait3A_104 = arith.constant 0 : i32
    %dma_wait3A_105 = tpu.memref_slice %arg8[%dma_wait3A_99, %dma_wait3A_104] : memref<4x128xi32, #tpu.memory_space<vmem>> -> memref<1x128xi32, #tpu.memory_space<vmem>>
    %dma_wait3A_106 = tpu.memref_squeeze %dma_wait3A_105 : memref<1x128xi32, #tpu.memory_space<vmem>> -> memref<128xi32, #tpu.memory_space<vmem>>
    %dma_wait3A_107 = tpu.memref_slice %arg4[%multiple_of3A_98] : memref<320000xi32, #tpu.memory_space<hbm>> -> memref<128xi32, #tpu.memory_space<hbm>>
    tpu.wait_dma2 semaphore(%arg11 : memref<!tpu.dma_semaphore, #tpu.memory_space<semaphore_mem>>) src(%dma_wait3A_107 : memref<128xi32, #tpu.memory_space<hbm>>) dst(%dma_wait3A_106 : memref<128xi32, #tpu.memory_space<vmem>>)
    %dma_start3A_108 = arith.constant 0 : i32
    %dma_start3A_109 = arith.constant 0 : i32
    %dma_start3A_110 = arith.constant 0 : i32
    %dma_start3A_111 = arith.constant 0 : i32
    %dma_start3A_112 = tpu.memref_slice %arg9[%dma_start3A_109, %dma_start3A_110, %dma_start3A_111] : memref<2x128x128xf32, #tpu.memory_space<vmem>> -> memref<1x128x128xf32, #tpu.memory_space<vmem>>
    %dma_start3A_113 = tpu.memref_squeeze %dma_start3A_112 : memref<1x128x128xf32, #tpu.memory_space<vmem>> -> memref<128x128xf32, #tpu.memory_space<vmem>>
    %dma_start3A_114 = arith.constant 0 : i32
    %dma_start3A_115 = tpu.memref_slice %arg7[%dma_start3A_108, %dma_start3A_114] : memref<4x128xi32, #tpu.memory_space<vmem>> -> memref<1x128xi32, #tpu.memory_space<vmem>>
    %dma_start3A_116 = tpu.memref_squeeze %dma_start3A_115 : memref<1x128xi32, #tpu.memory_space<vmem>> -> memref<128xi32, #tpu.memory_space<vmem>>
    %dma_start3A_117 = arith.constant 0 : i32
    %dma_start3A_118 = arith.constant 0 : i32
    %dma_start3A_119 = tpu.memref_slice %arg2[%dma_start3A_117, %dma_start3A_118] : memref<10000x128xf32, #tpu.memory_space<hbm>> -> memref<10000x128xf32, #tpu.memory_space<hbm>>
    tpu.enqueue_indirect_dma source(%dma_start3A_119 : memref<10000x128xf32, #tpu.memory_space<hbm>>) target(%dma_start3A_113 : memref<128x128xf32, #tpu.memory_space<vmem>>) offsets(%dma_start3A_116 : memref<128xi32, #tpu.memory_space<vmem>>) semaphore(%arg12 : memref<!tpu.dma_semaphore, #tpu.memory_space<semaphore_mem>>)
    %sub3A = arith.constant 1 : i32
    %sub3A_120 = arith.subi %select_n3A, %sub3A : i32
    %while3A = arith.constant 0 : i32
    %while3A_121 = arith.constant 0 : i32
    %while3A_122 = arith.subi %sub3A_120, %while3A_121 : i32
    %while3A_123 = arith.addi %while3A_121, %while3A_122 : i32
    %while3A_124 = arith.constant 1 : i32
    %while3A_125 = arith.divsi %while3A_122, %while3A_124 : i32
    %while3A_126 = arith.muli %while3A_125, %while3A_124 : i32
    %while3A_127 = arith.addi %while3A_121, %while3A_126 : i32
    %while3A_128 = arith.constant 1 : i32
    scf.for %while3A_204 = %while3A_121 to %while3A_127 step %while3A_128  : i32 {
      %jit3A_205 = arith.constant 4 : i32
      %eq3A_206 = arith.constant 0 : i32
      %eq3A_207 = arith.cmpi eq, %jit3A_205, %eq3A_206 : i32
      %jit3A_208 = arith.constant 1 : i32
      %select_n3A_209 = arith.select %eq3A_207, %jit3A_208, %jit3A_205 : i32
      %rem3A_210 = arith.remsi %while3A_204, %select_n3A_209 : i32
      %ne3A_211 = arith.constant 0 : i32
      %ne3A_212 = arith.cmpi ne, %rem3A_210, %ne3A_211 : i32
      %lt3A_213 = arith.constant 0 : i32
      %lt3A_214 = arith.cmpi slt, %rem3A_210, %lt3A_213 : i32
      %lt3A_215 = arith.constant 0 : i32
      %lt3A_216 = arith.cmpi slt, %select_n3A_209, %lt3A_215 : i32
      %ne3A_217 = arith.xori %lt3A_214, %lt3A_216 : i1
      %and3A_218 = arith.andi %ne3A_217, %ne3A_212 : i1
      %add3A_219 = arith.addi %rem3A_210, %select_n3A_209 : i32
      %select_n3A_220 = arith.select %and3A_218, %add3A_219, %rem3A_210 : i32
      %jit3A_221 = arith.constant 2 : i32
      %eq3A_222 = arith.constant 0 : i32
      %eq3A_223 = arith.cmpi eq, %jit3A_221, %eq3A_222 : i32
      %jit3A_224 = arith.constant 1 : i32
      %select_n3A_225 = arith.select %eq3A_223, %jit3A_224, %jit3A_221 : i32
      %rem3A_226 = arith.remsi %while3A_204, %select_n3A_225 : i32
      %ne3A_227 = arith.constant 0 : i32
      %ne3A_228 = arith.cmpi ne, %rem3A_226, %ne3A_227 : i32
      %lt3A_229 = arith.constant 0 : i32
      %lt3A_230 = arith.cmpi slt, %rem3A_226, %lt3A_229 : i32
      %lt3A_231 = arith.constant 0 : i32
      %lt3A_232 = arith.cmpi slt, %select_n3A_225, %lt3A_231 : i32
      %ne3A_233 = arith.xori %lt3A_230, %lt3A_232 : i1
      %and3A_234 = arith.andi %ne3A_233, %ne3A_228 : i1
      %add3A_235 = arith.addi %rem3A_226, %select_n3A_225 : i32
      %select_n3A_236 = arith.select %and3A_234, %add3A_235, %rem3A_226 : i32
      %dma_wait3A_237 = arith.constant 0 : i32
      %dma_wait3A_238 = arith.constant 0 : i32
      %dma_wait3A_239 = tpu.memref_slice %arg9[%select_n3A_236, %dma_wait3A_237, %dma_wait3A_238] : memref<2x128x128xf32, #tpu.memory_space<vmem>> -> memref<1x128x128xf32, #tpu.memory_space<vmem>>
      %dma_wait3A_240 = tpu.memref_squeeze %dma_wait3A_239 : memref<1x128x128xf32, #tpu.memory_space<vmem>> -> memref<128x128xf32, #tpu.memory_space<vmem>>
      %dma_wait3A_241 = arith.constant 0 : i32
      %dma_wait3A_242 = tpu.memref_slice %arg7[%select_n3A_220, %dma_wait3A_241] : memref<4x128xi32, #tpu.memory_space<vmem>> -> memref<1x128xi32, #tpu.memory_space<vmem>>
      %dma_wait3A_243 = tpu.memref_squeeze %dma_wait3A_242 : memref<1x128xi32, #tpu.memory_space<vmem>> -> memref<128xi32, #tpu.memory_space<vmem>>
      %dma_wait3A_244 = arith.constant 0 : i32
      %dma_wait3A_245 = arith.constant 0 : i32
      %dma_wait3A_246 = tpu.memref_slice %arg2[%dma_wait3A_244, %dma_wait3A_245] : memref<10000x128xf32, #tpu.memory_space<hbm>> -> memref<10000x128xf32, #tpu.memory_space<hbm>>
      tpu.wait_indirect_dma semaphore(%arg12 : memref<!tpu.dma_semaphore, #tpu.memory_space<semaphore_mem>>) src(%dma_wait3A_246 : memref<10000x128xf32, #tpu.memory_space<hbm>>) dst(%dma_wait3A_240 : memref<128x128xf32, #tpu.memory_space<vmem>>)
      %add3A_247 = arith.constant 1 : i32
      %add3A_248 = arith.addi %while3A_204, %add3A_247 : i32
      %mul3A_249 = arith.constant 128 : i32
      %mul3A_250 = arith.muli %add3A_248, %mul3A_249 : i32
      %add3A_251 = arith.addi %mul3A_14, %mul3A_250 : i32
      %multiple_of3A_252 = tpu.assume_multiple %add3A_251, 128 : i32
      %jit3A_253 = arith.constant 4 : i32
      %eq3A_254 = arith.constant 0 : i32
      %eq3A_255 = arith.cmpi eq, %jit3A_253, %eq3A_254 : i32
      %jit3A_256 = arith.constant 1 : i32
      %select_n3A_257 = arith.select %eq3A_255, %jit3A_256, %jit3A_253 : i32
      %rem3A_258 = arith.remsi %add3A_248, %select_n3A_257 : i32
      %ne3A_259 = arith.constant 0 : i32
      %ne3A_260 = arith.cmpi ne, %rem3A_258, %ne3A_259 : i32
      %lt3A_261 = arith.constant 0 : i32
      %lt3A_262 = arith.cmpi slt, %rem3A_258, %lt3A_261 : i32
      %lt3A_263 = arith.constant 0 : i32
      %lt3A_264 = arith.cmpi slt, %select_n3A_257, %lt3A_263 : i32
      %ne3A_265 = arith.xori %lt3A_262, %lt3A_264 : i1
      %and3A_266 = arith.andi %ne3A_265, %ne3A_260 : i1
      %add3A_267 = arith.addi %rem3A_258, %select_n3A_257 : i32
      %select_n3A_268 = arith.select %and3A_266, %add3A_267, %rem3A_258 : i32
      %dma_wait3A_269 = arith.constant 0 : i32
      %dma_wait3A_270 = tpu.memref_slice %arg7[%select_n3A_268, %dma_wait3A_269] : memref<4x128xi32, #tpu.memory_space<vmem>> -> memref<1x128xi32, #tpu.memory_space<vmem>>
      %dma_wait3A_271 = tpu.memref_squeeze %dma_wait3A_270 : memref<1x128xi32, #tpu.memory_space<vmem>> -> memref<128xi32, #tpu.memory_space<vmem>>
      %dma_wait3A_272 = tpu.memref_slice %arg3[%multiple_of3A_252] : memref<320000xi32, #tpu.memory_space<hbm>> -> memref<128xi32, #tpu.memory_space<hbm>>
      %dma_wait3A_273 = arith.constant 0 : i32
      %dma_wait3A_274 = tpu.memref_slice %arg7[%select_n3A_268, %dma_wait3A_273] : memref<4x128xi32, #tpu.memory_space<vmem>> -> memref<1x128xi32, #tpu.memory_space<vmem>>
      %dma_wait3A_275 = tpu.memref_squeeze %dma_wait3A_274 : memref<1x128xi32, #tpu.memory_space<vmem>> -> memref<128xi32, #tpu.memory_space<vmem>>
      %dma_wait3A_276 = tpu.memref_slice %arg3[%multiple_of3A_252] : memref<320000xi32, #tpu.memory_space<hbm>> -> memref<128xi32, #tpu.memory_space<hbm>>
      tpu.wait_dma2 semaphore(%arg11 : memref<!tpu.dma_semaphore, #tpu.memory_space<semaphore_mem>>) src(%dma_wait3A_276 : memref<128xi32, #tpu.memory_space<hbm>>) dst(%dma_wait3A_275 : memref<128xi32, #tpu.memory_space<vmem>>)
      %add3A_277 = arith.constant 1 : i32
      %add3A_278 = arith.addi %while3A_204, %add3A_277 : i32
      %mul3A_279 = arith.constant 128 : i32
      %mul3A_280 = arith.muli %add3A_278, %mul3A_279 : i32
      %add3A_281 = arith.addi %mul3A_14, %mul3A_280 : i32
      %multiple_of3A_282 = tpu.assume_multiple %add3A_281, 128 : i32
      %jit3A_283 = arith.constant 4 : i32
      %eq3A_284 = arith.constant 0 : i32
      %eq3A_285 = arith.cmpi eq, %jit3A_283, %eq3A_284 : i32
      %jit3A_286 = arith.constant 1 : i32
      %select_n3A_287 = arith.select %eq3A_285, %jit3A_286, %jit3A_283 : i32
      %rem3A_288 = arith.remsi %add3A_278, %select_n3A_287 : i32
      %ne3A_289 = arith.constant 0 : i32
      %ne3A_290 = arith.cmpi ne, %rem3A_288, %ne3A_289 : i32
      %lt3A_291 = arith.constant 0 : i32
      %lt3A_292 = arith.cmpi slt, %rem3A_288, %lt3A_291 : i32
      %lt3A_293 = arith.constant 0 : i32
      %lt3A_294 = arith.cmpi slt, %select_n3A_287, %lt3A_293 : i32
      %ne3A_295 = arith.xori %lt3A_292, %lt3A_294 : i1
      %and3A_296 = arith.andi %ne3A_295, %ne3A_290 : i1
      %add3A_297 = arith.addi %rem3A_288, %select_n3A_287 : i32
      %select_n3A_298 = arith.select %and3A_296, %add3A_297, %rem3A_288 : i32
      %dma_wait3A_299 = arith.constant 0 : i32
      %dma_wait3A_300 = tpu.memref_slice %arg8[%select_n3A_298, %dma_wait3A_299] : memref<4x128xi32, #tpu.memory_space<vmem>> -> memref<1x128xi32, #tpu.memory_space<vmem>>
      %dma_wait3A_301 = tpu.memref_squeeze %dma_wait3A_300 : memref<1x128xi32, #tpu.memory_space<vmem>> -> memref<128xi32, #tpu.memory_space<vmem>>
      %dma_wait3A_302 = tpu.memref_slice %arg4[%multiple_of3A_282] : memref<320000xi32, #tpu.memory_space<hbm>> -> memref<128xi32, #tpu.memory_space<hbm>>
      %dma_wait3A_303 = arith.constant 0 : i32
      %dma_wait3A_304 = tpu.memref_slice %arg8[%select_n3A_298, %dma_wait3A_303] : memref<4x128xi32, #tpu.memory_space<vmem>> -> memref<1x128xi32, #tpu.memory_space<vmem>>
      %dma_wait3A_305 = tpu.memref_squeeze %dma_wait3A_304 : memref<1x128xi32, #tpu.memory_space<vmem>> -> memref<128xi32, #tpu.memory_space<vmem>>
      %dma_wait3A_306 = tpu.memref_slice %arg4[%multiple_of3A_282] : memref<320000xi32, #tpu.memory_space<hbm>> -> memref<128xi32, #tpu.memory_space<hbm>>
      tpu.wait_dma2 semaphore(%arg11 : memref<!tpu.dma_semaphore, #tpu.memory_space<semaphore_mem>>) src(%dma_wait3A_306 : memref<128xi32, #tpu.memory_space<hbm>>) dst(%dma_wait3A_305 : memref<128xi32, #tpu.memory_space<vmem>>)
      %add3A_307 = arith.constant 1 : i32
      %add3A_308 = arith.addi %while3A_204, %add3A_307 : i32
      %jit3A_309 = arith.constant 4 : i32
      %eq3A_310 = arith.constant 0 : i32
      %eq3A_311 = arith.cmpi eq, %jit3A_309, %eq3A_310 : i32
      %jit3A_312 = arith.constant 1 : i32
      %select_n3A_313 = arith.select %eq3A_311, %jit3A_312, %jit3A_309 : i32
      %rem3A_314 = arith.remsi %add3A_308, %select_n3A_313 : i32
      %ne3A_315 = arith.constant 0 : i32
      %ne3A_316 = arith.cmpi ne, %rem3A_314, %ne3A_315 : i32
      %lt3A_317 = arith.constant 0 : i32
      %lt3A_318 = arith.cmpi slt, %rem3A_314, %lt3A_317 : i32
      %lt3A_319 = arith.constant 0 : i32
      %lt3A_320 = arith.cmpi slt, %select_n3A_313, %lt3A_319 : i32
      %ne3A_321 = arith.xori %lt3A_318, %lt3A_320 : i1
      %and3A_322 = arith.andi %ne3A_321, %ne3A_316 : i1
      %add3A_323 = arith.addi %rem3A_314, %select_n3A_313 : i32
      %select_n3A_324 = arith.select %and3A_322, %add3A_323, %rem3A_314 : i32
      %add3A_325 = arith.constant 1 : i32
      %add3A_326 = arith.addi %while3A_204, %add3A_325 : i32
      %jit3A_327 = arith.constant 2 : i32
      %eq3A_328 = arith.constant 0 : i32
      %eq3A_329 = arith.cmpi eq, %jit3A_327, %eq3A_328 : i32
      %jit3A_330 = arith.constant 1 : i32
      %select_n3A_331 = arith.select %eq3A_329, %jit3A_330, %jit3A_327 : i32
      %rem3A_332 = arith.remsi %add3A_326, %select_n3A_331 : i32
      %ne3A_333 = arith.constant 0 : i32
      %ne3A_334 = arith.cmpi ne, %rem3A_332, %ne3A_333 : i32
      %lt3A_335 = arith.constant 0 : i32
      %lt3A_336 = arith.cmpi slt, %rem3A_332, %lt3A_335 : i32
      %lt3A_337 = arith.constant 0 : i32
      %lt3A_338 = arith.cmpi slt, %select_n3A_331, %lt3A_337 : i32
      %ne3A_339 = arith.xori %lt3A_336, %lt3A_338 : i1
      %and3A_340 = arith.andi %ne3A_339, %ne3A_334 : i1
      %add3A_341 = arith.addi %rem3A_332, %select_n3A_331 : i32
      %select_n3A_342 = arith.select %and3A_340, %add3A_341, %rem3A_332 : i32
      %dma_start3A_343 = arith.constant 0 : i32
      %dma_start3A_344 = arith.constant 0 : i32
      %dma_start3A_345 = tpu.memref_slice %arg9[%select_n3A_342, %dma_start3A_343, %dma_start3A_344] : memref<2x128x128xf32, #tpu.memory_space<vmem>> -> memref<1x128x128xf32, #tpu.memory_space<vmem>>
      %dma_start3A_346 = tpu.memref_squeeze %dma_start3A_345 : memref<1x128x128xf32, #tpu.memory_space<vmem>> -> memref<128x128xf32, #tpu.memory_space<vmem>>
      %dma_start3A_347 = arith.constant 0 : i32
      %dma_start3A_348 = tpu.memref_slice %arg7[%select_n3A_324, %dma_start3A_347] : memref<4x128xi32, #tpu.memory_space<vmem>> -> memref<1x128xi32, #tpu.memory_space<vmem>>
      %dma_start3A_349 = tpu.memref_squeeze %dma_start3A_348 : memref<1x128xi32, #tpu.memory_space<vmem>> -> memref<128xi32, #tpu.memory_space<vmem>>
      %dma_start3A_350 = arith.constant 0 : i32
      %dma_start3A_351 = arith.constant 0 : i32
      %dma_start3A_352 = tpu.memref_slice %arg2[%dma_start3A_350, %dma_start3A_351] : memref<10000x128xf32, #tpu.memory_space<hbm>> -> memref<10000x128xf32, #tpu.memory_space<hbm>>
      tpu.enqueue_indirect_dma source(%dma_start3A_352 : memref<10000x128xf32, #tpu.memory_space<hbm>>) target(%dma_start3A_346 : memref<128x128xf32, #tpu.memory_space<vmem>>) offsets(%dma_start3A_349 : memref<128xi32, #tpu.memory_space<vmem>>) semaphore(%arg12 : memref<!tpu.dma_semaphore, #tpu.memory_space<semaphore_mem>>)
      %add3A_353 = arith.constant 2 : i32
      %add3A_354 = arith.addi %while3A_204, %add3A_353 : i32
      %lt3A_355 = arith.cmpi slt, %add3A_354, %select_n3A : i32
      %convert_element_type3A_356 = arith.extui %lt3A_355 : i1 to i32
      %cond3A = arith.constant 0 : i32
      %cond3A_357 = arith.cmpi ne, %convert_element_type3A_356, %cond3A : i32
      scf.if %cond3A_357 {
        %add3A_390 = arith.constant 2 : i32
        %add3A_391 = arith.addi %while3A_204, %add3A_390 : i32
        %mul3A_392 = arith.constant 128 : i32
        %mul3A_393 = arith.muli %add3A_391, %mul3A_392 : i32
        %add3A_394 = arith.addi %mul3A_14, %mul3A_393 : i32
        %multiple_of3A_395 = tpu.assume_multiple %add3A_394, 128 : i32
        %jit3A_396 = arith.constant 4 : i32
        %eq3A_397 = arith.constant 0 : i32
        %eq3A_398 = arith.cmpi eq, %jit3A_396, %eq3A_397 : i32
        %jit3A_399 = arith.constant 1 : i32
        %select_n3A_400 = arith.select %eq3A_398, %jit3A_399, %jit3A_396 : i32
        %rem3A_401 = arith.remsi %add3A_391, %select_n3A_400 : i32
        %ne3A_402 = arith.constant 0 : i32
        %ne3A_403 = arith.cmpi ne, %rem3A_401, %ne3A_402 : i32
        %lt3A_404 = arith.constant 0 : i32
        %lt3A_405 = arith.cmpi slt, %rem3A_401, %lt3A_404 : i32
        %lt3A_406 = arith.constant 0 : i32
        %lt3A_407 = arith.cmpi slt, %select_n3A_400, %lt3A_406 : i32
        %ne3A_408 = arith.xori %lt3A_405, %lt3A_407 : i1
        %and3A_409 = arith.andi %ne3A_408, %ne3A_403 : i1
        %add3A_410 = arith.addi %rem3A_401, %select_n3A_400 : i32
        %select_n3A_411 = arith.select %and3A_409, %add3A_410, %rem3A_401 : i32
        %dma_start3A_412 = arith.constant 0 : i32
        %dma_start3A_413 = tpu.memref_slice %arg7[%select_n3A_411, %dma_start3A_412] : memref<4x128xi32, #tpu.memory_space<vmem>> -> memref<1x128xi32, #tpu.memory_space<vmem>>
        %dma_start3A_414 = tpu.memref_squeeze %dma_start3A_413 : memref<1x128xi32, #tpu.memory_space<vmem>> -> memref<128xi32, #tpu.memory_space<vmem>>
        %dma_start3A_415 = tpu.memref_slice %arg3[%multiple_of3A_395] : memref<320000xi32, #tpu.memory_space<hbm>> -> memref<128xi32, #tpu.memory_space<hbm>>
        %dma_start3A_416 = arith.constant 0 : i32
        %dma_start3A_417 = tpu.memref_slice %arg7[%select_n3A_411, %dma_start3A_416] : memref<4x128xi32, #tpu.memory_space<vmem>> -> memref<1x128xi32, #tpu.memory_space<vmem>>
        %dma_start3A_418 = tpu.memref_squeeze %dma_start3A_417 : memref<1x128xi32, #tpu.memory_space<vmem>> -> memref<128xi32, #tpu.memory_space<vmem>>
        %dma_start3A_419 = tpu.memref_slice %arg3[%multiple_of3A_395] : memref<320000xi32, #tpu.memory_space<hbm>> -> memref<128xi32, #tpu.memory_space<hbm>>
        tpu.enqueue_dma source(%dma_start3A_419 : memref<128xi32, #tpu.memory_space<hbm>>) target(%dma_start3A_418 : memref<128xi32, #tpu.memory_space<vmem>>) target_semaphore(%arg11 : memref<!tpu.dma_semaphore, #tpu.memory_space<semaphore_mem>>)
        %add3A_420 = arith.constant 2 : i32
        %add3A_421 = arith.addi %while3A_204, %add3A_420 : i32
        %mul3A_422 = arith.constant 128 : i32
        %mul3A_423 = arith.muli %add3A_421, %mul3A_422 : i32
        %add3A_424 = arith.addi %mul3A_14, %mul3A_423 : i32
        %multiple_of3A_425 = tpu.assume_multiple %add3A_424, 128 : i32
        %jit3A_426 = arith.constant 4 : i32
        %eq3A_427 = arith.constant 0 : i32
        %eq3A_428 = arith.cmpi eq, %jit3A_426, %eq3A_427 : i32
        %jit3A_429 = arith.constant 1 : i32
        %select_n3A_430 = arith.select %eq3A_428, %jit3A_429, %jit3A_426 : i32
        %rem3A_431 = arith.remsi %add3A_421, %select_n3A_430 : i32
        %ne3A_432 = arith.constant 0 : i32
        %ne3A_433 = arith.cmpi ne, %rem3A_431, %ne3A_432 : i32
        %lt3A_434 = arith.constant 0 : i32
        %lt3A_435 = arith.cmpi slt, %rem3A_431, %lt3A_434 : i32
        %lt3A_436 = arith.constant 0 : i32
        %lt3A_437 = arith.cmpi slt, %select_n3A_430, %lt3A_436 : i32
        %ne3A_438 = arith.xori %lt3A_435, %lt3A_437 : i1
        %and3A_439 = arith.andi %ne3A_438, %ne3A_433 : i1
        %add3A_440 = arith.addi %rem3A_431, %select_n3A_430 : i32
        %select_n3A_441 = arith.select %and3A_439, %add3A_440, %rem3A_431 : i32
        %dma_start3A_442 = arith.constant 0 : i32
        %dma_start3A_443 = tpu.memref_slice %arg8[%select_n3A_441, %dma_start3A_442] : memref<4x128xi32, #tpu.memory_space<vmem>> -> memref<1x128xi32, #tpu.memory_space<vmem>>
        %dma_start3A_444 = tpu.memref_squeeze %dma_start3A_443 : memref<1x128xi32, #tpu.memory_space<vmem>> -> memref<128xi32, #tpu.memory_space<vmem>>
        %dma_start3A_445 = tpu.memref_slice %arg4[%multiple_of3A_425] : memref<320000xi32, #tpu.memory_space<hbm>> -> memref<128xi32, #tpu.memory_space<hbm>>
        %dma_start3A_446 = arith.constant 0 : i32
        %dma_start3A_447 = tpu.memref_slice %arg8[%select_n3A_441, %dma_start3A_446] : memref<4x128xi32, #tpu.memory_space<vmem>> -> memref<1x128xi32, #tpu.memory_space<vmem>>
        %dma_start3A_448 = tpu.memref_squeeze %dma_start3A_447 : memref<1x128xi32, #tpu.memory_space<vmem>> -> memref<128xi32, #tpu.memory_space<vmem>>
        %dma_start3A_449 = tpu.memref_slice %arg4[%multiple_of3A_425] : memref<320000xi32, #tpu.memory_space<hbm>> -> memref<128xi32, #tpu.memory_space<hbm>>
        tpu.enqueue_dma source(%dma_start3A_449 : memref<128xi32, #tpu.memory_space<hbm>>) target(%dma_start3A_448 : memref<128xi32, #tpu.memory_space<vmem>>) target_semaphore(%arg11 : memref<!tpu.dma_semaphore, #tpu.memory_space<semaphore_mem>>)
      } else {
      }
      %jit3A_358 = arith.constant 2 : i32
      %eq3A_359 = arith.constant 0 : i32
      %eq3A_360 = arith.cmpi eq, %jit3A_358, %eq3A_359 : i32
      %jit3A_361 = arith.constant 1 : i32
      %select_n3A_362 = arith.select %eq3A_360, %jit3A_361, %jit3A_358 : i32
      %rem3A_363 = arith.remsi %while3A_204, %select_n3A_362 : i32
      %ne3A_364 = arith.constant 0 : i32
      %ne3A_365 = arith.cmpi ne, %rem3A_363, %ne3A_364 : i32
      %lt3A_366 = arith.constant 0 : i32
      %lt3A_367 = arith.cmpi slt, %rem3A_363, %lt3A_366 : i32
      %lt3A_368 = arith.constant 0 : i32
      %lt3A_369 = arith.cmpi slt, %select_n3A_362, %lt3A_368 : i32
      %ne3A_370 = arith.xori %lt3A_367, %lt3A_369 : i1
      %and3A_371 = arith.andi %ne3A_370, %ne3A_365 : i1
      %add3A_372 = arith.addi %rem3A_363, %select_n3A_362 : i32
      %select_n3A_373 = arith.select %and3A_371, %add3A_372, %rem3A_363 : i32
      %jit3A_374 = arith.constant 4 : i32
      %eq3A_375 = arith.constant 0 : i32
      %eq3A_376 = arith.cmpi eq, %jit3A_374, %eq3A_375 : i32
      %jit3A_377 = arith.constant 1 : i32
      %select_n3A_378 = arith.select %eq3A_376, %jit3A_377, %jit3A_374 : i32
      %rem3A_379 = arith.remsi %while3A_204, %select_n3A_378 : i32
      %ne3A_380 = arith.constant 0 : i32
      %ne3A_381 = arith.cmpi ne, %rem3A_379, %ne3A_380 : i32
      %lt3A_382 = arith.constant 0 : i32
      %lt3A_383 = arith.cmpi slt, %rem3A_379, %lt3A_382 : i32
      %lt3A_384 = arith.constant 0 : i32
      %lt3A_385 = arith.cmpi slt, %select_n3A_378, %lt3A_384 : i32
      %ne3A_386 = arith.xori %lt3A_383, %lt3A_385 : i1
      %and3A_387 = arith.andi %ne3A_386, %ne3A_381 : i1
      %add3A_388 = arith.addi %rem3A_379, %select_n3A_378 : i32
      %select_n3A_389 = arith.select %and3A_387, %add3A_388, %rem3A_379 : i32
      "tpu.region"() ({
        %run_scoped3A_390 = tpu.sem_alloc : memref<!tpu.dma_semaphore, #tpu.memory_space<semaphore_mem>>
        %dma_start3A_391 = arith.constant 0 : i32
        %dma_start3A_392 = arith.constant 0 : i32
        %dma_start3A_393 = tpu.memref_slice %arg9[%select_n3A_373, %dma_start3A_391, %dma_start3A_392] : memref<2x128x128xf32, #tpu.memory_space<vmem>> -> memref<1x128x128xf32, #tpu.memory_space<vmem>>
        %dma_start3A_394 = tpu.memref_squeeze %dma_start3A_393 : memref<1x128x128xf32, #tpu.memory_space<vmem>> -> memref<128x128xf32, #tpu.memory_space<vmem>>
        %dma_start3A_395 = arith.constant 0 : i32
        %dma_start3A_396 = tpu.memref_slice %arg8[%select_n3A_389, %dma_start3A_395] : memref<4x128xi32, #tpu.memory_space<vmem>> -> memref<1x128xi32, #tpu.memory_space<vmem>>
        %dma_start3A_397 = tpu.memref_squeeze %dma_start3A_396 : memref<1x128xi32, #tpu.memory_space<vmem>> -> memref<128xi32, #tpu.memory_space<vmem>>
        %dma_start3A_398 = arith.constant 0 : i32
        %dma_start3A_399 = arith.constant 0 : i32
        %dma_start3A_400 = tpu.memref_slice %arg10[%dma_start3A_398, %dma_start3A_399] : memref<10112x128xf32, #tpu.memory_space<vmem_shared>> -> memref<10112x128xf32, #tpu.memory_space<vmem_shared>>
        tpu.enqueue_indirect_dma source(%dma_start3A_394 : memref<128x128xf32, #tpu.memory_space<vmem>>) target(%dma_start3A_400 : memref<10112x128xf32, #tpu.memory_space<vmem_shared>>) offsets(%dma_start3A_397 : memref<128xi32, #tpu.memory_space<vmem>>) semaphore(%run_scoped3A_390 : memref<!tpu.dma_semaphore, #tpu.memory_space<semaphore_mem>>) {add = true}
        %dma_wait3A_401 = arith.constant 0 : i32
        %dma_wait3A_402 = arith.constant 0 : i32
        %dma_wait3A_403 = tpu.memref_slice %arg9[%select_n3A_373, %dma_wait3A_401, %dma_wait3A_402] : memref<2x128x128xf32, #tpu.memory_space<vmem>> -> memref<1x128x128xf32, #tpu.memory_space<vmem>>
        %dma_wait3A_404 = tpu.memref_squeeze %dma_wait3A_403 : memref<1x128x128xf32, #tpu.memory_space<vmem>> -> memref<128x128xf32, #tpu.memory_space<vmem>>
        %dma_wait3A_405 = arith.constant 0 : i32
        %dma_wait3A_406 = tpu.memref_slice %arg8[%select_n3A_389, %dma_wait3A_405] : memref<4x128xi32, #tpu.memory_space<vmem>> -> memref<1x128xi32, #tpu.memory_space<vmem>>
        %dma_wait3A_407 = tpu.memref_squeeze %dma_wait3A_406 : memref<1x128xi32, #tpu.memory_space<vmem>> -> memref<128xi32, #tpu.memory_space<vmem>>
        %dma_wait3A_408 = arith.constant 0 : i32
        %dma_wait3A_409 = arith.constant 0 : i32
        %dma_wait3A_410 = tpu.memref_slice %arg10[%dma_wait3A_408, %dma_wait3A_409] : memref<10112x128xf32, #tpu.memory_space<vmem_shared>> -> memref<10112x128xf32, #tpu.memory_space<vmem_shared>>
        tpu.wait_indirect_dma semaphore(%run_scoped3A_390 : memref<!tpu.dma_semaphore, #tpu.memory_space<semaphore_mem>>) src(%dma_wait3A_404 : memref<128x128xf32, #tpu.memory_space<vmem>>) dst(%dma_wait3A_410 : memref<10112x128xf32, #tpu.memory_space<vmem_shared>>)
        tpu.yield
      }) : () -> ()
    }
    %while3A_129 = arith.constant 1 : i32
    scf.for %while3A_204 = %while3A_127 to %while3A_123 step %while3A_129  : i32 {
      %jit3A_205 = arith.constant 4 : i32
      %eq3A_206 = arith.constant 0 : i32
      %eq3A_207 = arith.cmpi eq, %jit3A_205, %eq3A_206 : i32
      %jit3A_208 = arith.constant 1 : i32
      %select_n3A_209 = arith.select %eq3A_207, %jit3A_208, %jit3A_205 : i32
      %rem3A_210 = arith.remsi %while3A_204, %select_n3A_209 : i32
      %ne3A_211 = arith.constant 0 : i32
      %ne3A_212 = arith.cmpi ne, %rem3A_210, %ne3A_211 : i32
      %lt3A_213 = arith.constant 0 : i32
      %lt3A_214 = arith.cmpi slt, %rem3A_210, %lt3A_213 : i32
      %lt3A_215 = arith.constant 0 : i32
      %lt3A_216 = arith.cmpi slt, %select_n3A_209, %lt3A_215 : i32
      %ne3A_217 = arith.xori %lt3A_214, %lt3A_216 : i1
      %and3A_218 = arith.andi %ne3A_217, %ne3A_212 : i1
      %add3A_219 = arith.addi %rem3A_210, %select_n3A_209 : i32
      %select_n3A_220 = arith.select %and3A_218, %add3A_219, %rem3A_210 : i32
      %jit3A_221 = arith.constant 2 : i32
      %eq3A_222 = arith.constant 0 : i32
      %eq3A_223 = arith.cmpi eq, %jit3A_221, %eq3A_222 : i32
      %jit3A_224 = arith.constant 1 : i32
      %select_n3A_225 = arith.select %eq3A_223, %jit3A_224, %jit3A_221 : i32
      %rem3A_226 = arith.remsi %while3A_204, %select_n3A_225 : i32
      %ne3A_227 = arith.constant 0 : i32
      %ne3A_228 = arith.cmpi ne, %rem3A_226, %ne3A_227 : i32
      %lt3A_229 = arith.constant 0 : i32
      %lt3A_230 = arith.cmpi slt, %rem3A_226, %lt3A_229 : i32
      %lt3A_231 = arith.constant 0 : i32
      %lt3A_232 = arith.cmpi slt, %select_n3A_225, %lt3A_231 : i32
      %ne3A_233 = arith.xori %lt3A_230, %lt3A_232 : i1
      %and3A_234 = arith.andi %ne3A_233, %ne3A_228 : i1
      %add3A_235 = arith.addi %rem3A_226, %select_n3A_225 : i32
      %select_n3A_236 = arith.select %and3A_234, %add3A_235, %rem3A_226 : i32
      %dma_wait3A_237 = arith.constant 0 : i32
      %dma_wait3A_238 = arith.constant 0 : i32
      %dma_wait3A_239 = tpu.memref_slice %arg9[%select_n3A_236, %dma_wait3A_237, %dma_wait3A_238] : memref<2x128x128xf32, #tpu.memory_space<vmem>> -> memref<1x128x128xf32, #tpu.memory_space<vmem>>
      %dma_wait3A_240 = tpu.memref_squeeze %dma_wait3A_239 : memref<1x128x128xf32, #tpu.memory_space<vmem>> -> memref<128x128xf32, #tpu.memory_space<vmem>>
      %dma_wait3A_241 = arith.constant 0 : i32
      %dma_wait3A_242 = tpu.memref_slice %arg7[%select_n3A_220, %dma_wait3A_241] : memref<4x128xi32, #tpu.memory_space<vmem>> -> memref<1x128xi32, #tpu.memory_space<vmem>>
      %dma_wait3A_243 = tpu.memref_squeeze %dma_wait3A_242 : memref<1x128xi32, #tpu.memory_space<vmem>> -> memref<128xi32, #tpu.memory_space<vmem>>
      %dma_wait3A_244 = arith.constant 0 : i32
      %dma_wait3A_245 = arith.constant 0 : i32
      %dma_wait3A_246 = tpu.memref_slice %arg2[%dma_wait3A_244, %dma_wait3A_245] : memref<10000x128xf32, #tpu.memory_space<hbm>> -> memref<10000x128xf32, #tpu.memory_space<hbm>>
      tpu.wait_indirect_dma semaphore(%arg12 : memref<!tpu.dma_semaphore, #tpu.memory_space<semaphore_mem>>) src(%dma_wait3A_246 : memref<10000x128xf32, #tpu.memory_space<hbm>>) dst(%dma_wait3A_240 : memref<128x128xf32, #tpu.memory_space<vmem>>)
      %add3A_247 = arith.constant 1 : i32
      %add3A_248 = arith.addi %while3A_204, %add3A_247 : i32
      %mul3A_249 = arith.constant 128 : i32
      %mul3A_250 = arith.muli %add3A_248, %mul3A_249 : i32
      %add3A_251 = arith.addi %mul3A_14, %mul3A_250 : i32
      %multiple_of3A_252 = tpu.assume_multiple %add3A_251, 128 : i32
      %jit3A_253 = arith.constant 4 : i32
      %eq3A_254 = arith.constant 0 : i32
      %eq3A_255 = arith.cmpi eq, %jit3A_253, %eq3A_254 : i32
      %jit3A_256 = arith.constant 1 : i32
      %select_n3A_257 = arith.select %eq3A_255, %jit3A_256, %jit3A_253 : i32
      %rem3A_258 = arith.remsi %add3A_248, %select_n3A_257 : i32
      %ne3A_259 = arith.constant 0 : i32
      %ne3A_260 = arith.cmpi ne, %rem3A_258, %ne3A_259 : i32
      %lt3A_261 = arith.constant 0 : i32
      %lt3A_262 = arith.cmpi slt, %rem3A_258, %lt3A_261 : i32
      %lt3A_263 = arith.constant 0 : i32
      %lt3A_264 = arith.cmpi slt, %select_n3A_257, %lt3A_263 : i32
      %ne3A_265 = arith.xori %lt3A_262, %lt3A_264 : i1
      %and3A_266 = arith.andi %ne3A_265, %ne3A_260 : i1
      %add3A_267 = arith.addi %rem3A_258, %select_n3A_257 : i32
      %select_n3A_268 = arith.select %and3A_266, %add3A_267, %rem3A_258 : i32
      %dma_wait3A_269 = arith.constant 0 : i32
      %dma_wait3A_270 = tpu.memref_slice %arg7[%select_n3A_268, %dma_wait3A_269] : memref<4x128xi32, #tpu.memory_space<vmem>> -> memref<1x128xi32, #tpu.memory_space<vmem>>
      %dma_wait3A_271 = tpu.memref_squeeze %dma_wait3A_270 : memref<1x128xi32, #tpu.memory_space<vmem>> -> memref<128xi32, #tpu.memory_space<vmem>>
      %dma_wait3A_272 = tpu.memref_slice %arg3[%multiple_of3A_252] : memref<320000xi32, #tpu.memory_space<hbm>> -> memref<128xi32, #tpu.memory_space<hbm>>
      %dma_wait3A_273 = arith.constant 0 : i32
      %dma_wait3A_274 = tpu.memref_slice %arg7[%select_n3A_268, %dma_wait3A_273] : memref<4x128xi32, #tpu.memory_space<vmem>> -> memref<1x128xi32, #tpu.memory_space<vmem>>
      %dma_wait3A_275 = tpu.memref_squeeze %dma_wait3A_274 : memref<1x128xi32, #tpu.memory_space<vmem>> -> memref<128xi32, #tpu.memory_space<vmem>>
      %dma_wait3A_276 = tpu.memref_slice %arg3[%multiple_of3A_252] : memref<320000xi32, #tpu.memory_space<hbm>> -> memref<128xi32, #tpu.memory_space<hbm>>
      tpu.wait_dma2 semaphore(%arg11 : memref<!tpu.dma_semaphore, #tpu.memory_space<semaphore_mem>>) src(%dma_wait3A_276 : memref<128xi32, #tpu.memory_space<hbm>>) dst(%dma_wait3A_275 : memref<128xi32, #tpu.memory_space<vmem>>)
      %add3A_277 = arith.constant 1 : i32
      %add3A_278 = arith.addi %while3A_204, %add3A_277 : i32
      %mul3A_279 = arith.constant 128 : i32
      %mul3A_280 = arith.muli %add3A_278, %mul3A_279 : i32
      %add3A_281 = arith.addi %mul3A_14, %mul3A_280 : i32
      %multiple_of3A_282 = tpu.assume_multiple %add3A_281, 128 : i32
      %jit3A_283 = arith.constant 4 : i32
      %eq3A_284 = arith.constant 0 : i32
      %eq3A_285 = arith.cmpi eq, %jit3A_283, %eq3A_284 : i32
      %jit3A_286 = arith.constant 1 : i32
      %select_n3A_287 = arith.select %eq3A_285, %jit3A_286, %jit3A_283 : i32
      %rem3A_288 = arith.remsi %add3A_278, %select_n3A_287 : i32
      %ne3A_289 = arith.constant 0 : i32
      %ne3A_290 = arith.cmpi ne, %rem3A_288, %ne3A_289 : i32
      %lt3A_291 = arith.constant 0 : i32
      %lt3A_292 = arith.cmpi slt, %rem3A_288, %lt3A_291 : i32
      %lt3A_293 = arith.constant 0 : i32
      %lt3A_294 = arith.cmpi slt, %select_n3A_287, %lt3A_293 : i32
      %ne3A_295 = arith.xori %lt3A_292, %lt3A_294 : i1
      %and3A_296 = arith.andi %ne3A_295, %ne3A_290 : i1
      %add3A_297 = arith.addi %rem3A_288, %select_n3A_287 : i32
      %select_n3A_298 = arith.select %and3A_296, %add3A_297, %rem3A_288 : i32
      %dma_wait3A_299 = arith.constant 0 : i32
      %dma_wait3A_300 = tpu.memref_slice %arg8[%select_n3A_298, %dma_wait3A_299] : memref<4x128xi32, #tpu.memory_space<vmem>> -> memref<1x128xi32, #tpu.memory_space<vmem>>
      %dma_wait3A_301 = tpu.memref_squeeze %dma_wait3A_300 : memref<1x128xi32, #tpu.memory_space<vmem>> -> memref<128xi32, #tpu.memory_space<vmem>>
      %dma_wait3A_302 = tpu.memref_slice %arg4[%multiple_of3A_282] : memref<320000xi32, #tpu.memory_space<hbm>> -> memref<128xi32, #tpu.memory_space<hbm>>
      %dma_wait3A_303 = arith.constant 0 : i32
      %dma_wait3A_304 = tpu.memref_slice %arg8[%select_n3A_298, %dma_wait3A_303] : memref<4x128xi32, #tpu.memory_space<vmem>> -> memref<1x128xi32, #tpu.memory_space<vmem>>
      %dma_wait3A_305 = tpu.memref_squeeze %dma_wait3A_304 : memref<1x128xi32, #tpu.memory_space<vmem>> -> memref<128xi32, #tpu.memory_space<vmem>>
      %dma_wait3A_306 = tpu.memref_slice %arg4[%multiple_of3A_282] : memref<320000xi32, #tpu.memory_space<hbm>> -> memref<128xi32, #tpu.memory_space<hbm>>
      tpu.wait_dma2 semaphore(%arg11 : memref<!tpu.dma_semaphore, #tpu.memory_space<semaphore_mem>>) src(%dma_wait3A_306 : memref<128xi32, #tpu.memory_space<hbm>>) dst(%dma_wait3A_305 : memref<128xi32, #tpu.memory_space<vmem>>)
      %add3A_307 = arith.constant 1 : i32
      %add3A_308 = arith.addi %while3A_204, %add3A_307 : i32
      %jit3A_309 = arith.constant 4 : i32
      %eq3A_310 = arith.constant 0 : i32
      %eq3A_311 = arith.cmpi eq, %jit3A_309, %eq3A_310 : i32
      %jit3A_312 = arith.constant 1 : i32
      %select_n3A_313 = arith.select %eq3A_311, %jit3A_312, %jit3A_309 : i32
      %rem3A_314 = arith.remsi %add3A_308, %select_n3A_313 : i32
      %ne3A_315 = arith.constant 0 : i32
      %ne3A_316 = arith.cmpi ne, %rem3A_314, %ne3A_315 : i32
      %lt3A_317 = arith.constant 0 : i32
      %lt3A_318 = arith.cmpi slt, %rem3A_314, %lt3A_317 : i32
      %lt3A_319 = arith.constant 0 : i32
      %lt3A_320 = arith.cmpi slt, %select_n3A_313, %lt3A_319 : i32
      %ne3A_321 = arith.xori %lt3A_318, %lt3A_320 : i1
      %and3A_322 = arith.andi %ne3A_321, %ne3A_316 : i1
      %add3A_323 = arith.addi %rem3A_314, %select_n3A_313 : i32
      %select_n3A_324 = arith.select %and3A_322, %add3A_323, %rem3A_314 : i32
      %add3A_325 = arith.constant 1 : i32
      %add3A_326 = arith.addi %while3A_204, %add3A_325 : i32
      %jit3A_327 = arith.constant 2 : i32
      %eq3A_328 = arith.constant 0 : i32
      %eq3A_329 = arith.cmpi eq, %jit3A_327, %eq3A_328 : i32
      %jit3A_330 = arith.constant 1 : i32
      %select_n3A_331 = arith.select %eq3A_329, %jit3A_330, %jit3A_327 : i32
      %rem3A_332 = arith.remsi %add3A_326, %select_n3A_331 : i32
      %ne3A_333 = arith.constant 0 : i32
      %ne3A_334 = arith.cmpi ne, %rem3A_332, %ne3A_333 : i32
      %lt3A_335 = arith.constant 0 : i32
      %lt3A_336 = arith.cmpi slt, %rem3A_332, %lt3A_335 : i32
      %lt3A_337 = arith.constant 0 : i32
      %lt3A_338 = arith.cmpi slt, %select_n3A_331, %lt3A_337 : i32
      %ne3A_339 = arith.xori %lt3A_336, %lt3A_338 : i1
      %and3A_340 = arith.andi %ne3A_339, %ne3A_334 : i1
      %add3A_341 = arith.addi %rem3A_332, %select_n3A_331 : i32
      %select_n3A_342 = arith.select %and3A_340, %add3A_341, %rem3A_332 : i32
      %dma_start3A_343 = arith.constant 0 : i32
      %dma_start3A_344 = arith.constant 0 : i32
      %dma_start3A_345 = tpu.memref_slice %arg9[%select_n3A_342, %dma_start3A_343, %dma_start3A_344] : memref<2x128x128xf32, #tpu.memory_space<vmem>> -> memref<1x128x128xf32, #tpu.memory_space<vmem>>
      %dma_start3A_346 = tpu.memref_squeeze %dma_start3A_345 : memref<1x128x128xf32, #tpu.memory_space<vmem>> -> memref<128x128xf32, #tpu.memory_space<vmem>>
      %dma_start3A_347 = arith.constant 0 : i32
      %dma_start3A_348 = tpu.memref_slice %arg7[%select_n3A_324, %dma_start3A_347] : memref<4x128xi32, #tpu.memory_space<vmem>> -> memref<1x128xi32, #tpu.memory_space<vmem>>
      %dma_start3A_349 = tpu.memref_squeeze %dma_start3A_348 : memref<1x128xi32, #tpu.memory_space<vmem>> -> memref<128xi32, #tpu.memory_space<vmem>>
      %dma_start3A_350 = arith.constant 0 : i32
      %dma_start3A_351 = arith.constant 0 : i32
      %dma_start3A_352 = tpu.memref_slice %arg2[%dma_start3A_350, %dma_start3A_351] : memref<10000x128xf32, #tpu.memory_space<hbm>> -> memref<10000x128xf32, #tpu.memory_space<hbm>>
      tpu.enqueue_indirect_dma source(%dma_start3A_352 : memref<10000x128xf32, #tpu.memory_space<hbm>>) target(%dma_start3A_346 : memref<128x128xf32, #tpu.memory_space<vmem>>) offsets(%dma_start3A_349 : memref<128xi32, #tpu.memory_space<vmem>>) semaphore(%arg12 : memref<!tpu.dma_semaphore, #tpu.memory_space<semaphore_mem>>)
      %add3A_353 = arith.constant 2 : i32
      %add3A_354 = arith.addi %while3A_204, %add3A_353 : i32
      %lt3A_355 = arith.cmpi slt, %add3A_354, %select_n3A : i32
      %convert_element_type3A_356 = arith.extui %lt3A_355 : i1 to i32
      %cond3A = arith.constant 0 : i32
      %cond3A_357 = arith.cmpi ne, %convert_element_type3A_356, %cond3A : i32
      scf.if %cond3A_357 {
        %add3A_390 = arith.constant 2 : i32
        %add3A_391 = arith.addi %while3A_204, %add3A_390 : i32
        %mul3A_392 = arith.constant 128 : i32
        %mul3A_393 = arith.muli %add3A_391, %mul3A_392 : i32
        %add3A_394 = arith.addi %mul3A_14, %mul3A_393 : i32
        %multiple_of3A_395 = tpu.assume_multiple %add3A_394, 128 : i32
        %jit3A_396 = arith.constant 4 : i32
        %eq3A_397 = arith.constant 0 : i32
        %eq3A_398 = arith.cmpi eq, %jit3A_396, %eq3A_397 : i32
        %jit3A_399 = arith.constant 1 : i32
        %select_n3A_400 = arith.select %eq3A_398, %jit3A_399, %jit3A_396 : i32
        %rem3A_401 = arith.remsi %add3A_391, %select_n3A_400 : i32
        %ne3A_402 = arith.constant 0 : i32
        %ne3A_403 = arith.cmpi ne, %rem3A_401, %ne3A_402 : i32
        %lt3A_404 = arith.constant 0 : i32
        %lt3A_405 = arith.cmpi slt, %rem3A_401, %lt3A_404 : i32
        %lt3A_406 = arith.constant 0 : i32
        %lt3A_407 = arith.cmpi slt, %select_n3A_400, %lt3A_406 : i32
        %ne3A_408 = arith.xori %lt3A_405, %lt3A_407 : i1
        %and3A_409 = arith.andi %ne3A_408, %ne3A_403 : i1
        %add3A_410 = arith.addi %rem3A_401, %select_n3A_400 : i32
        %select_n3A_411 = arith.select %and3A_409, %add3A_410, %rem3A_401 : i32
        %dma_start3A_412 = arith.constant 0 : i32
        %dma_start3A_413 = tpu.memref_slice %arg7[%select_n3A_411, %dma_start3A_412] : memref<4x128xi32, #tpu.memory_space<vmem>> -> memref<1x128xi32, #tpu.memory_space<vmem>>
        %dma_start3A_414 = tpu.memref_squeeze %dma_start3A_413 : memref<1x128xi32, #tpu.memory_space<vmem>> -> memref<128xi32, #tpu.memory_space<vmem>>
        %dma_start3A_415 = tpu.memref_slice %arg3[%multiple_of3A_395] : memref<320000xi32, #tpu.memory_space<hbm>> -> memref<128xi32, #tpu.memory_space<hbm>>
        %dma_start3A_416 = arith.constant 0 : i32
        %dma_start3A_417 = tpu.memref_slice %arg7[%select_n3A_411, %dma_start3A_416] : memref<4x128xi32, #tpu.memory_space<vmem>> -> memref<1x128xi32, #tpu.memory_space<vmem>>
        %dma_start3A_418 = tpu.memref_squeeze %dma_start3A_417 : memref<1x128xi32, #tpu.memory_space<vmem>> -> memref<128xi32, #tpu.memory_space<vmem>>
        %dma_start3A_419 = tpu.memref_slice %arg3[%multiple_of3A_395] : memref<320000xi32, #tpu.memory_space<hbm>> -> memref<128xi32, #tpu.memory_space<hbm>>
        tpu.enqueue_dma source(%dma_start3A_419 : memref<128xi32, #tpu.memory_space<hbm>>) target(%dma_start3A_418 : memref<128xi32, #tpu.memory_space<vmem>>) target_semaphore(%arg11 : memref<!tpu.dma_semaphore, #tpu.memory_space<semaphore_mem>>)
        %add3A_420 = arith.constant 2 : i32
        %add3A_421 = arith.addi %while3A_204, %add3A_420 : i32
        %mul3A_422 = arith.constant 128 : i32
        %mul3A_423 = arith.muli %add3A_421, %mul3A_422 : i32
        %add3A_424 = arith.addi %mul3A_14, %mul3A_423 : i32
        %multiple_of3A_425 = tpu.assume_multiple %add3A_424, 128 : i32
        %jit3A_426 = arith.constant 4 : i32
        %eq3A_427 = arith.constant 0 : i32
        %eq3A_428 = arith.cmpi eq, %jit3A_426, %eq3A_427 : i32
        %jit3A_429 = arith.constant 1 : i32
        %select_n3A_430 = arith.select %eq3A_428, %jit3A_429, %jit3A_426 : i32
        %rem3A_431 = arith.remsi %add3A_421, %select_n3A_430 : i32
        %ne3A_432 = arith.constant 0 : i32
        %ne3A_433 = arith.cmpi ne, %rem3A_431, %ne3A_432 : i32
        %lt3A_434 = arith.constant 0 : i32
        %lt3A_435 = arith.cmpi slt, %rem3A_431, %lt3A_434 : i32
        %lt3A_436 = arith.constant 0 : i32
        %lt3A_437 = arith.cmpi slt, %select_n3A_430, %lt3A_436 : i32
        %ne3A_438 = arith.xori %lt3A_435, %lt3A_437 : i1
        %and3A_439 = arith.andi %ne3A_438, %ne3A_433 : i1
        %add3A_440 = arith.addi %rem3A_431, %select_n3A_430 : i32
        %select_n3A_441 = arith.select %and3A_439, %add3A_440, %rem3A_431 : i32
        %dma_start3A_442 = arith.constant 0 : i32
        %dma_start3A_443 = tpu.memref_slice %arg8[%select_n3A_441, %dma_start3A_442] : memref<4x128xi32, #tpu.memory_space<vmem>> -> memref<1x128xi32, #tpu.memory_space<vmem>>
        %dma_start3A_444 = tpu.memref_squeeze %dma_start3A_443 : memref<1x128xi32, #tpu.memory_space<vmem>> -> memref<128xi32, #tpu.memory_space<vmem>>
        %dma_start3A_445 = tpu.memref_slice %arg4[%multiple_of3A_425] : memref<320000xi32, #tpu.memory_space<hbm>> -> memref<128xi32, #tpu.memory_space<hbm>>
        %dma_start3A_446 = arith.constant 0 : i32
        %dma_start3A_447 = tpu.memref_slice %arg8[%select_n3A_441, %dma_start3A_446] : memref<4x128xi32, #tpu.memory_space<vmem>> -> memref<1x128xi32, #tpu.memory_space<vmem>>
        %dma_start3A_448 = tpu.memref_squeeze %dma_start3A_447 : memref<1x128xi32, #tpu.memory_space<vmem>> -> memref<128xi32, #tpu.memory_space<vmem>>
        %dma_start3A_449 = tpu.memref_slice %arg4[%multiple_of3A_425] : memref<320000xi32, #tpu.memory_space<hbm>> -> memref<128xi32, #tpu.memory_space<hbm>>
        tpu.enqueue_dma source(%dma_start3A_449 : memref<128xi32, #tpu.memory_space<hbm>>) target(%dma_start3A_448 : memref<128xi32, #tpu.memory_space<vmem>>) target_semaphore(%arg11 : memref<!tpu.dma_semaphore, #tpu.memory_space<semaphore_mem>>)
      } else {
      }
      %jit3A_358 = arith.constant 2 : i32
      %eq3A_359 = arith.constant 0 : i32
      %eq3A_360 = arith.cmpi eq, %jit3A_358, %eq3A_359 : i32
      %jit3A_361 = arith.constant 1 : i32
      %select_n3A_362 = arith.select %eq3A_360, %jit3A_361, %jit3A_358 : i32
      %rem3A_363 = arith.remsi %while3A_204, %select_n3A_362 : i32
      %ne3A_364 = arith.constant 0 : i32
      %ne3A_365 = arith.cmpi ne, %rem3A_363, %ne3A_364 : i32
      %lt3A_366 = arith.constant 0 : i32
      %lt3A_367 = arith.cmpi slt, %rem3A_363, %lt3A_366 : i32
      %lt3A_368 = arith.constant 0 : i32
      %lt3A_369 = arith.cmpi slt, %select_n3A_362, %lt3A_368 : i32
      %ne3A_370 = arith.xori %lt3A_367, %lt3A_369 : i1
      %and3A_371 = arith.andi %ne3A_370, %ne3A_365 : i1
      %add3A_372 = arith.addi %rem3A_363, %select_n3A_362 : i32
      %select_n3A_373 = arith.select %and3A_371, %add3A_372, %rem3A_363 : i32
      %jit3A_374 = arith.constant 4 : i32
      %eq3A_375 = arith.constant 0 : i32
      %eq3A_376 = arith.cmpi eq, %jit3A_374, %eq3A_375 : i32
      %jit3A_377 = arith.constant 1 : i32
      %select_n3A_378 = arith.select %eq3A_376, %jit3A_377, %jit3A_374 : i32
      %rem3A_379 = arith.remsi %while3A_204, %select_n3A_378 : i32
      %ne3A_380 = arith.constant 0 : i32
      %ne3A_381 = arith.cmpi ne, %rem3A_379, %ne3A_380 : i32
      %lt3A_382 = arith.constant 0 : i32
      %lt3A_383 = arith.cmpi slt, %rem3A_379, %lt3A_382 : i32
      %lt3A_384 = arith.constant 0 : i32
      %lt3A_385 = arith.cmpi slt, %select_n3A_378, %lt3A_384 : i32
      %ne3A_386 = arith.xori %lt3A_383, %lt3A_385 : i1
      %and3A_387 = arith.andi %ne3A_386, %ne3A_381 : i1
      %add3A_388 = arith.addi %rem3A_379, %select_n3A_378 : i32
      %select_n3A_389 = arith.select %and3A_387, %add3A_388, %rem3A_379 : i32
      "tpu.region"() ({
        %run_scoped3A_390 = tpu.sem_alloc : memref<!tpu.dma_semaphore, #tpu.memory_space<semaphore_mem>>
        %dma_start3A_391 = arith.constant 0 : i32
        %dma_start3A_392 = arith.constant 0 : i32
        %dma_start3A_393 = tpu.memref_slice %arg9[%select_n3A_373, %dma_start3A_391, %dma_start3A_392] : memref<2x128x128xf32, #tpu.memory_space<vmem>> -> memref<1x128x128xf32, #tpu.memory_space<vmem>>
        %dma_start3A_394 = tpu.memref_squeeze %dma_start3A_393 : memref<1x128x128xf32, #tpu.memory_space<vmem>> -> memref<128x128xf32, #tpu.memory_space<vmem>>
        %dma_start3A_395 = arith.constant 0 : i32
        %dma_start3A_396 = tpu.memref_slice %arg8[%select_n3A_389, %dma_start3A_395] : memref<4x128xi32, #tpu.memory_space<vmem>> -> memref<1x128xi32, #tpu.memory_space<vmem>>
        %dma_start3A_397 = tpu.memref_squeeze %dma_start3A_396 : memref<1x128xi32, #tpu.memory_space<vmem>> -> memref<128xi32, #tpu.memory_space<vmem>>
        %dma_start3A_398 = arith.constant 0 : i32
        %dma_start3A_399 = arith.constant 0 : i32
        %dma_start3A_400 = tpu.memref_slice %arg10[%dma_start3A_398, %dma_start3A_399] : memref<10112x128xf32, #tpu.memory_space<vmem_shared>> -> memref<10112x128xf32, #tpu.memory_space<vmem_shared>>
        tpu.enqueue_indirect_dma source(%dma_start3A_394 : memref<128x128xf32, #tpu.memory_space<vmem>>) target(%dma_start3A_400 : memref<10112x128xf32, #tpu.memory_space<vmem_shared>>) offsets(%dma_start3A_397 : memref<128xi32, #tpu.memory_space<vmem>>) semaphore(%run_scoped3A_390 : memref<!tpu.dma_semaphore, #tpu.memory_space<semaphore_mem>>) {add = true}
        %dma_wait3A_401 = arith.constant 0 : i32
        %dma_wait3A_402 = arith.constant 0 : i32
        %dma_wait3A_403 = tpu.memref_slice %arg9[%select_n3A_373, %dma_wait3A_401, %dma_wait3A_402] : memref<2x128x128xf32, #tpu.memory_space<vmem>> -> memref<1x128x128xf32, #tpu.memory_space<vmem>>
        %dma_wait3A_404 = tpu.memref_squeeze %dma_wait3A_403 : memref<1x128x128xf32, #tpu.memory_space<vmem>> -> memref<128x128xf32, #tpu.memory_space<vmem>>
        %dma_wait3A_405 = arith.constant 0 : i32
        %dma_wait3A_406 = tpu.memref_slice %arg8[%select_n3A_389, %dma_wait3A_405] : memref<4x128xi32, #tpu.memory_space<vmem>> -> memref<1x128xi32, #tpu.memory_space<vmem>>
        %dma_wait3A_407 = tpu.memref_squeeze %dma_wait3A_406 : memref<1x128xi32, #tpu.memory_space<vmem>> -> memref<128xi32, #tpu.memory_space<vmem>>
        %dma_wait3A_408 = arith.constant 0 : i32
        %dma_wait3A_409 = arith.constant 0 : i32
        %dma_wait3A_410 = tpu.memref_slice %arg10[%dma_wait3A_408, %dma_wait3A_409] : memref<10112x128xf32, #tpu.memory_space<vmem_shared>> -> memref<10112x128xf32, #tpu.memory_space<vmem_shared>>
        tpu.wait_indirect_dma semaphore(%run_scoped3A_390 : memref<!tpu.dma_semaphore, #tpu.memory_space<semaphore_mem>>) src(%dma_wait3A_404 : memref<128x128xf32, #tpu.memory_space<vmem>>) dst(%dma_wait3A_410 : memref<10112x128xf32, #tpu.memory_space<vmem_shared>>)
        tpu.yield
      }) : () -> ()
    }
    %sub3A_130 = arith.constant 1 : i32
    %sub3A_131 = arith.subi %select_n3A, %sub3A_130 : i32
    %jit3A_132 = arith.constant 4 : i32
    %eq3A_133 = arith.constant 0 : i32
    %eq3A_134 = arith.cmpi eq, %jit3A_132, %eq3A_133 : i32
    %jit3A_135 = arith.constant 1 : i32
    %select_n3A_136 = arith.select %eq3A_134, %jit3A_135, %jit3A_132 : i32
    %rem3A = arith.remsi %sub3A_131, %select_n3A_136 : i32
    %ne3A = arith.constant 0 : i32
    %ne3A_137 = arith.cmpi ne, %rem3A, %ne3A : i32
    %lt3A_138 = arith.constant 0 : i32
    %lt3A_139 = arith.cmpi slt, %rem3A, %lt3A_138 : i32
    %lt3A_140 = arith.constant 0 : i32
    %lt3A_141 = arith.cmpi slt, %select_n3A_136, %lt3A_140 : i32
    %ne3A_142 = arith.xori %lt3A_139, %lt3A_141 : i1
    %and3A = arith.andi %ne3A_142, %ne3A_137 : i1
    %add3A_143 = arith.addi %rem3A, %select_n3A_136 : i32
    %select_n3A_144 = arith.select %and3A, %add3A_143, %rem3A : i32
    %jit3A_145 = arith.constant 2 : i32
    %eq3A_146 = arith.constant 0 : i32
    %eq3A_147 = arith.cmpi eq, %jit3A_145, %eq3A_146 : i32
    %jit3A_148 = arith.constant 1 : i32
    %select_n3A_149 = arith.select %eq3A_147, %jit3A_148, %jit3A_145 : i32
    %rem3A_150 = arith.remsi %sub3A_131, %select_n3A_149 : i32
    %ne3A_151 = arith.constant 0 : i32
    %ne3A_152 = arith.cmpi ne, %rem3A_150, %ne3A_151 : i32
    %lt3A_153 = arith.constant 0 : i32
    %lt3A_154 = arith.cmpi slt, %rem3A_150, %lt3A_153 : i32
    %lt3A_155 = arith.constant 0 : i32
    %lt3A_156 = arith.cmpi slt, %select_n3A_149, %lt3A_155 : i32
    %ne3A_157 = arith.xori %lt3A_154, %lt3A_156 : i1
    %and3A_158 = arith.andi %ne3A_157, %ne3A_152 : i1
    %add3A_159 = arith.addi %rem3A_150, %select_n3A_149 : i32
    %select_n3A_160 = arith.select %and3A_158, %add3A_159, %rem3A_150 : i32
    %dma_wait3A_161 = arith.constant 0 : i32
    %dma_wait3A_162 = arith.constant 0 : i32
    %dma_wait3A_163 = tpu.memref_slice %arg9[%select_n3A_160, %dma_wait3A_161, %dma_wait3A_162] : memref<2x128x128xf32, #tpu.memory_space<vmem>> -> memref<1x128x128xf32, #tpu.memory_space<vmem>>
    %dma_wait3A_164 = tpu.memref_squeeze %dma_wait3A_163 : memref<1x128x128xf32, #tpu.memory_space<vmem>> -> memref<128x128xf32, #tpu.memory_space<vmem>>
    %dma_wait3A_165 = arith.constant 0 : i32
    %dma_wait3A_166 = tpu.memref_slice %arg7[%select_n3A_144, %dma_wait3A_165] : memref<4x128xi32, #tpu.memory_space<vmem>> -> memref<1x128xi32, #tpu.memory_space<vmem>>
    %dma_wait3A_167 = tpu.memref_squeeze %dma_wait3A_166 : memref<1x128xi32, #tpu.memory_space<vmem>> -> memref<128xi32, #tpu.memory_space<vmem>>
    %dma_wait3A_168 = arith.constant 0 : i32
    %dma_wait3A_169 = arith.constant 0 : i32
    %dma_wait3A_170 = tpu.memref_slice %arg2[%dma_wait3A_168, %dma_wait3A_169] : memref<10000x128xf32, #tpu.memory_space<hbm>> -> memref<10000x128xf32, #tpu.memory_space<hbm>>
    tpu.wait_indirect_dma semaphore(%arg12 : memref<!tpu.dma_semaphore, #tpu.memory_space<semaphore_mem>>) src(%dma_wait3A_170 : memref<10000x128xf32, #tpu.memory_space<hbm>>) dst(%dma_wait3A_164 : memref<128x128xf32, #tpu.memory_space<vmem>>)
    %jit3A_171 = arith.constant 2 : i32
    %eq3A_172 = arith.constant 0 : i32
    %eq3A_173 = arith.cmpi eq, %jit3A_171, %eq3A_172 : i32
    %jit3A_174 = arith.constant 1 : i32
    %select_n3A_175 = arith.select %eq3A_173, %jit3A_174, %jit3A_171 : i32
    %rem3A_176 = arith.remsi %sub3A_131, %select_n3A_175 : i32
    %ne3A_177 = arith.constant 0 : i32
    %ne3A_178 = arith.cmpi ne, %rem3A_176, %ne3A_177 : i32
    %lt3A_179 = arith.constant 0 : i32
    %lt3A_180 = arith.cmpi slt, %rem3A_176, %lt3A_179 : i32
    %lt3A_181 = arith.constant 0 : i32
    %lt3A_182 = arith.cmpi slt, %select_n3A_175, %lt3A_181 : i32
    %ne3A_183 = arith.xori %lt3A_180, %lt3A_182 : i1
    %and3A_184 = arith.andi %ne3A_183, %ne3A_178 : i1
    %add3A_185 = arith.addi %rem3A_176, %select_n3A_175 : i32
    %select_n3A_186 = arith.select %and3A_184, %add3A_185, %rem3A_176 : i32
    %jit3A_187 = arith.constant 4 : i32
    %eq3A_188 = arith.constant 0 : i32
    %eq3A_189 = arith.cmpi eq, %jit3A_187, %eq3A_188 : i32
    %jit3A_190 = arith.constant 1 : i32
    %select_n3A_191 = arith.select %eq3A_189, %jit3A_190, %jit3A_187 : i32
    %rem3A_192 = arith.remsi %sub3A_131, %select_n3A_191 : i32
    %ne3A_193 = arith.constant 0 : i32
    %ne3A_194 = arith.cmpi ne, %rem3A_192, %ne3A_193 : i32
    %lt3A_195 = arith.constant 0 : i32
    %lt3A_196 = arith.cmpi slt, %rem3A_192, %lt3A_195 : i32
    %lt3A_197 = arith.constant 0 : i32
    %lt3A_198 = arith.cmpi slt, %select_n3A_191, %lt3A_197 : i32
    %ne3A_199 = arith.xori %lt3A_196, %lt3A_198 : i1
    %and3A_200 = arith.andi %ne3A_199, %ne3A_194 : i1
    %add3A_201 = arith.addi %rem3A_192, %select_n3A_191 : i32
    %select_n3A_202 = arith.select %and3A_200, %add3A_201, %rem3A_192 : i32
    "tpu.region"() ({
      %run_scoped3A_204 = tpu.sem_alloc : memref<!tpu.dma_semaphore, #tpu.memory_space<semaphore_mem>>
      %dma_start3A_205 = arith.constant 0 : i32
      %dma_start3A_206 = arith.constant 0 : i32
      %dma_start3A_207 = tpu.memref_slice %arg9[%select_n3A_186, %dma_start3A_205, %dma_start3A_206] : memref<2x128x128xf32, #tpu.memory_space<vmem>> -> memref<1x128x128xf32, #tpu.memory_space<vmem>>
      %dma_start3A_208 = tpu.memref_squeeze %dma_start3A_207 : memref<1x128x128xf32, #tpu.memory_space<vmem>> -> memref<128x128xf32, #tpu.memory_space<vmem>>
      %dma_start3A_209 = arith.constant 0 : i32
      %dma_start3A_210 = tpu.memref_slice %arg8[%select_n3A_202, %dma_start3A_209] : memref<4x128xi32, #tpu.memory_space<vmem>> -> memref<1x128xi32, #tpu.memory_space<vmem>>
      %dma_start3A_211 = tpu.memref_squeeze %dma_start3A_210 : memref<1x128xi32, #tpu.memory_space<vmem>> -> memref<128xi32, #tpu.memory_space<vmem>>
      %dma_start3A_212 = arith.constant 0 : i32
      %dma_start3A_213 = arith.constant 0 : i32
      %dma_start3A_214 = tpu.memref_slice %arg10[%dma_start3A_212, %dma_start3A_213] : memref<10112x128xf32, #tpu.memory_space<vmem_shared>> -> memref<10112x128xf32, #tpu.memory_space<vmem_shared>>
      tpu.enqueue_indirect_dma source(%dma_start3A_208 : memref<128x128xf32, #tpu.memory_space<vmem>>) target(%dma_start3A_214 : memref<10112x128xf32, #tpu.memory_space<vmem_shared>>) offsets(%dma_start3A_211 : memref<128xi32, #tpu.memory_space<vmem>>) semaphore(%run_scoped3A_204 : memref<!tpu.dma_semaphore, #tpu.memory_space<semaphore_mem>>) {add = true}
      %dma_wait3A_215 = arith.constant 0 : i32
      %dma_wait3A_216 = arith.constant 0 : i32
      %dma_wait3A_217 = tpu.memref_slice %arg9[%select_n3A_186, %dma_wait3A_215, %dma_wait3A_216] : memref<2x128x128xf32, #tpu.memory_space<vmem>> -> memref<1x128x128xf32, #tpu.memory_space<vmem>>
      %dma_wait3A_218 = tpu.memref_squeeze %dma_wait3A_217 : memref<1x128x128xf32, #tpu.memory_space<vmem>> -> memref<128x128xf32, #tpu.memory_space<vmem>>
      %dma_wait3A_219 = arith.constant 0 : i32
      %dma_wait3A_220 = tpu.memref_slice %arg8[%select_n3A_202, %dma_wait3A_219] : memref<4x128xi32, #tpu.memory_space<vmem>> -> memref<1x128xi32, #tpu.memory_space<vmem>>
      %dma_wait3A_221 = tpu.memref_squeeze %dma_wait3A_220 : memref<1x128xi32, #tpu.memory_space<vmem>> -> memref<128xi32, #tpu.memory_space<vmem>>
      %dma_wait3A_222 = arith.constant 0 : i32
      %dma_wait3A_223 = arith.constant 0 : i32
      %dma_wait3A_224 = tpu.memref_slice %arg10[%dma_wait3A_222, %dma_wait3A_223] : memref<10112x128xf32, #tpu.memory_space<vmem_shared>> -> memref<10112x128xf32, #tpu.memory_space<vmem_shared>>
      tpu.wait_indirect_dma semaphore(%run_scoped3A_204 : memref<!tpu.dma_semaphore, #tpu.memory_space<semaphore_mem>>) src(%dma_wait3A_218 : memref<128x128xf32, #tpu.memory_space<vmem>>) dst(%dma_wait3A_224 : memref<10112x128xf32, #tpu.memory_space<vmem_shared>>)
      tpu.yield
    }) : () -> ()
    %barrier3A_203 = arith.constant 0 : index
    tpu.barrier barrier_id(%barrier3A_203)
    "tpu.region"() ({
      %run_scoped3A_204 = tpu.sem_alloc : memref<!tpu.dma_semaphore, #tpu.memory_space<semaphore_mem>>
      %dma_start3A_205 = arith.constant 0 : i32
      %dma_start3A_206 = tpu.memref_slice %arg6[%arg0, %mul3A_16, %dma_start3A_205] : memref<2x10112x128xf32, #tpu.memory_space<hbm>> -> memref<1x632x128xf32, #tpu.memory_space<hbm>>
      %dma_start3A_207 = tpu.memref_squeeze %dma_start3A_206 : memref<1x632x128xf32, #tpu.memory_space<hbm>> -> memref<632x128xf32, #tpu.memory_space<hbm>>
      %dma_start3A_208 = arith.constant 0 : i32
      %dma_start3A_209 = tpu.memref_slice %arg10[%mul3A_16, %dma_start3A_208] : memref<10112x128xf32, #tpu.memory_space<vmem_shared>> -> memref<632x128xf32, #tpu.memory_space<vmem_shared>>
      tpu.enqueue_dma source(%dma_start3A_209 : memref<632x128xf32, #tpu.memory_space<vmem_shared>>) target(%dma_start3A_207 : memref<632x128xf32, #tpu.memory_space<hbm>>) target_semaphore(%run_scoped3A_204 : memref<!tpu.dma_semaphore, #tpu.memory_space<semaphore_mem>>)
      %dma_wait3A_210 = arith.constant 0 : i32
      %dma_wait3A_211 = tpu.memref_slice %arg6[%arg0, %mul3A_16, %dma_wait3A_210] : memref<2x10112x128xf32, #tpu.memory_space<hbm>> -> memref<1x632x128xf32, #tpu.memory_space<hbm>>
      %dma_wait3A_212 = tpu.memref_squeeze %dma_wait3A_211 : memref<1x632x128xf32, #tpu.memory_space<hbm>> -> memref<632x128xf32, #tpu.memory_space<hbm>>
      %dma_wait3A_213 = arith.constant 0 : i32
      %dma_wait3A_214 = tpu.memref_slice %arg10[%mul3A_16, %dma_wait3A_213] : memref<10112x128xf32, #tpu.memory_space<vmem_shared>> -> memref<632x128xf32, #tpu.memory_space<vmem_shared>>
      tpu.wait_dma2 semaphore(%run_scoped3A_204 : memref<!tpu.dma_semaphore, #tpu.memory_space<semaphore_mem>>) src(%dma_wait3A_214 : memref<632x128xf32, #tpu.memory_space<vmem_shared>>) dst(%dma_wait3A_212 : memref<632x128xf32, #tpu.memory_space<hbm>>)
      tpu.yield
    }) : () -> ()
    return
  }
}

#map = affine_map<(d0, d1) -> (0)>
#map1 = affine_map<(d0, d1) -> (0, 0)>
#map2 = affine_map<(d0, d1) -> (0, 0, 0)>
module attributes {stable_mosaic.version = 14 : i64} {
  func.func @_sc_deg_body(%arg0: i32, %arg1: i32, %arg2: memref<320000xi32, #tpu.memory_space<hbm>>, %arg3: memref<8x128xf32, #tpu.memory_space<hbm>>, %arg4: memref<128x128xf32, #tpu.memory_space<hbm>>, %arg5: memref<2x10112x128xf32, #tpu.memory_space<hbm>>, %arg6: memref<4x128xi32, #tpu.memory_space<vmem>>, %arg7: memref<128x128xf32, #tpu.memory_space<vmem>>, %arg8: memref<128x128xf32, #tpu.memory_space<vmem>>, %arg9: memref<10112x128xf32, #tpu.memory_space<vmem_shared>>, %arg10: memref<!tpu.dma_semaphore, #tpu.memory_space<semaphore_mem>>) attributes {dimension_semantics = [#tpu.dimension_semantics<core_parallel>, #tpu.dimension_semantics<subcore_parallel>], iteration_bounds = array<i64: 2, 16>, scalar_prefetch = 0 : i64, scratch_operands = 5 : i64, tpu.core_type = #tpu.core_type<sc_vector_subcore>, window_params = [{transform_indices = #map}, {transform_indices = #map1}, {transform_indices = #map1}, {transform_indices = #map2}]} {
    %mul3A = arith.constant 16 : i32
    %mul3A_0 = arith.muli %arg0, %mul3A : i32
    %add3A = arith.addi %mul3A_0, %arg1 : i32
    %lt3A = arith.constant 4 : i32
    %lt3A_1 = arith.cmpi slt, %add3A, %lt3A : i32
    %convert_element_type3A = arith.extui %lt3A_1 : i1 to i32
    %add3A_2 = arith.constant 78 : i32
    %add3A_3 = arith.addi %add3A_2, %convert_element_type3A : i32
    %mul3A_4 = arith.constant 78 : i32
    %mul3A_5 = arith.muli %add3A, %mul3A_4 : i32
    %min3A = arith.constant 4 : i32
    %min3A_6 = arith.minsi %add3A, %min3A : i32
    %add3A_7 = arith.addi %mul3A_5, %min3A_6 : i32
    %mul3A_8 = arith.constant 128 : i32
    %mul3A_9 = arith.muli %add3A_7, %mul3A_8 : i32
    %mul3A_10 = arith.constant 632 : i32
    %mul3A_11 = arith.muli %arg1, %mul3A_10 : i32
    "tpu.region"() ({
      %run_scoped3A = tpu.sem_alloc : memref<!tpu.dma_semaphore, #tpu.memory_space<semaphore_mem>>
      %dma_start3A_60 = arith.constant 0 : i32
      %dma_start3A_61 = arith.constant 0 : i32
      %dma_start3A_62 = tpu.memref_slice %arg8[%dma_start3A_60, %dma_start3A_61] : memref<128x128xf32, #tpu.memory_space<vmem>> -> memref<8x128xf32, #tpu.memory_space<vmem>>
      %dma_start3A_63 = arith.constant 0 : i32
      %dma_start3A_64 = arith.constant 0 : i32
      %dma_start3A_65 = tpu.memref_slice %arg8[%dma_start3A_63, %dma_start3A_64] : memref<128x128xf32, #tpu.memory_space<vmem>> -> memref<8x128xf32, #tpu.memory_space<vmem>>
      tpu.enqueue_dma source(%arg3 : memref<8x128xf32, #tpu.memory_space<hbm>>) target(%dma_start3A_65 : memref<8x128xf32, #tpu.memory_space<vmem>>) target_semaphore(%run_scoped3A : memref<!tpu.dma_semaphore, #tpu.memory_space<semaphore_mem>>)
      %dma_wait3A = arith.constant 0 : i32
      %dma_wait3A_66 = arith.constant 0 : i32
      %dma_wait3A_67 = tpu.memref_slice %arg8[%dma_wait3A, %dma_wait3A_66] : memref<128x128xf32, #tpu.memory_space<vmem>> -> memref<8x128xf32, #tpu.memory_space<vmem>>
      %dma_wait3A_68 = arith.constant 0 : i32
      %dma_wait3A_69 = arith.constant 0 : i32
      %dma_wait3A_70 = tpu.memref_slice %arg8[%dma_wait3A_68, %dma_wait3A_69] : memref<128x128xf32, #tpu.memory_space<vmem>> -> memref<8x128xf32, #tpu.memory_space<vmem>>
      tpu.wait_dma2 semaphore(%run_scoped3A : memref<!tpu.dma_semaphore, #tpu.memory_space<semaphore_mem>>) src(%arg3 : memref<8x128xf32, #tpu.memory_space<hbm>>) dst(%dma_wait3A_70 : memref<8x128xf32, #tpu.memory_space<vmem>>)
      tpu.yield
    }) : () -> ()
    %broadcast_in_dim3A = arith.constant 0.000000e+00 : f32
    %broadcast_in_dim3A_12 = vector.broadcast %broadcast_in_dim3A : f32 to vector<16xf32>
    %scan3A = arith.constant 0 : i32
    %scan3A_13 = arith.constant 0 : i32
    %scan3A_14 = arith.constant 128 : i32
    %scan3A_15 = arith.addi %scan3A_13, %scan3A_14 : i32
    %scan3A_16 = arith.constant 1 : i32
    scf.for %scan3A_60 = %scan3A_13 to %scan3A_15 step %scan3A_16  : i32 {
      %swap3A = arith.index_cast %scan3A_60 : i32 to index
      %swap3A_61 = arith.constant 0 : index
      %swap3A_62 = tpu.vector_load %arg8[%swap3A, %swap3A_61] {strides = array<i32>} : memref<128x128xf32, #tpu.memory_space<vmem>>, vector<1x16xf32>,
      %swap3A_63 = vector.shape_cast %swap3A_62 : vector<1x16xf32> to vector<16xf32>
      %swap3A_64 = vector.shape_cast %broadcast_in_dim3A_12 : vector<16xf32> to vector<1x16xf32>
      tpu.vector_store %arg8[%swap3A, %swap3A_61], %swap3A_64 {strides = array<i32>} : memref<128x128xf32, #tpu.memory_space<vmem>>, vector<1x16xf32>,
      %swap3A_65 = arith.index_cast %scan3A_60 : i32 to index
      %swap3A_66 = arith.constant 16 : index
      %swap3A_67 = tpu.vector_load %arg8[%swap3A_65, %swap3A_66] {strides = array<i32>} : memref<128x128xf32, #tpu.memory_space<vmem>>, vector<1x16xf32>,
      %swap3A_68 = vector.shape_cast %swap3A_67 : vector<1x16xf32> to vector<16xf32>
      %swap3A_69 = vector.shape_cast %broadcast_in_dim3A_12 : vector<16xf32> to vector<1x16xf32>
      tpu.vector_store %arg8[%swap3A_65, %swap3A_66], %swap3A_69 {strides = array<i32>} : memref<128x128xf32, #tpu.memory_space<vmem>>, vector<1x16xf32>,
      %swap3A_70 = arith.index_cast %scan3A_60 : i32 to index
      %swap3A_71 = arith.constant 32 : index
      %swap3A_72 = tpu.vector_load %arg8[%swap3A_70, %swap3A_71] {strides = array<i32>} : memref<128x128xf32, #tpu.memory_space<vmem>>, vector<1x16xf32>,
      %swap3A_73 = vector.shape_cast %swap3A_72 : vector<1x16xf32> to vector<16xf32>
      %swap3A_74 = vector.shape_cast %broadcast_in_dim3A_12 : vector<16xf32> to vector<1x16xf32>
      tpu.vector_store %arg8[%swap3A_70, %swap3A_71], %swap3A_74 {strides = array<i32>} : memref<128x128xf32, #tpu.memory_space<vmem>>, vector<1x16xf32>,
      %swap3A_75 = arith.index_cast %scan3A_60 : i32 to index
      %swap3A_76 = arith.constant 48 : index
      %swap3A_77 = tpu.vector_load %arg8[%swap3A_75, %swap3A_76] {strides = array<i32>} : memref<128x128xf32, #tpu.memory_space<vmem>>, vector<1x16xf32>,
      %swap3A_78 = vector.shape_cast %swap3A_77 : vector<1x16xf32> to vector<16xf32>
      %swap3A_79 = vector.shape_cast %broadcast_in_dim3A_12 : vector<16xf32> to vector<1x16xf32>
      tpu.vector_store %arg8[%swap3A_75, %swap3A_76], %swap3A_79 {strides = array<i32>} : memref<128x128xf32, #tpu.memory_space<vmem>>, vector<1x16xf32>,
      %swap3A_80 = arith.index_cast %scan3A_60 : i32 to index
      %swap3A_81 = arith.constant 64 : index
      %swap3A_82 = tpu.vector_load %arg8[%swap3A_80, %swap3A_81] {strides = array<i32>} : memref<128x128xf32, #tpu.memory_space<vmem>>, vector<1x16xf32>,
      %swap3A_83 = vector.shape_cast %swap3A_82 : vector<1x16xf32> to vector<16xf32>
      %swap3A_84 = vector.shape_cast %broadcast_in_dim3A_12 : vector<16xf32> to vector<1x16xf32>
      tpu.vector_store %arg8[%swap3A_80, %swap3A_81], %swap3A_84 {strides = array<i32>} : memref<128x128xf32, #tpu.memory_space<vmem>>, vector<1x16xf32>,
      %swap3A_85 = arith.index_cast %scan3A_60 : i32 to index
      %swap3A_86 = arith.constant 80 : index
      %swap3A_87 = tpu.vector_load %arg8[%swap3A_85, %swap3A_86] {strides = array<i32>} : memref<128x128xf32, #tpu.memory_space<vmem>>, vector<1x16xf32>,
      %swap3A_88 = vector.shape_cast %swap3A_87 : vector<1x16xf32> to vector<16xf32>
      %swap3A_89 = vector.shape_cast %broadcast_in_dim3A_12 : vector<16xf32> to vector<1x16xf32>
      tpu.vector_store %arg8[%swap3A_85, %swap3A_86], %swap3A_89 {strides = array<i32>} : memref<128x128xf32, #tpu.memory_space<vmem>>, vector<1x16xf32>,
      %swap3A_90 = arith.index_cast %scan3A_60 : i32 to index
      %swap3A_91 = arith.constant 96 : index
      %swap3A_92 = tpu.vector_load %arg8[%swap3A_90, %swap3A_91] {strides = array<i32>} : memref<128x128xf32, #tpu.memory_space<vmem>>, vector<1x16xf32>,
      %swap3A_93 = vector.shape_cast %swap3A_92 : vector<1x16xf32> to vector<16xf32>
      %swap3A_94 = vector.shape_cast %broadcast_in_dim3A_12 : vector<16xf32> to vector<1x16xf32>
      tpu.vector_store %arg8[%swap3A_90, %swap3A_91], %swap3A_94 {strides = array<i32>} : memref<128x128xf32, #tpu.memory_space<vmem>>, vector<1x16xf32>,
      %swap3A_95 = arith.index_cast %scan3A_60 : i32 to index
      %swap3A_96 = arith.constant 112 : index
      %swap3A_97 = tpu.vector_load %arg8[%swap3A_95, %swap3A_96] {strides = array<i32>} : memref<128x128xf32, #tpu.memory_space<vmem>>, vector<1x16xf32>,
      %swap3A_98 = vector.shape_cast %swap3A_97 : vector<1x16xf32> to vector<16xf32>
      %swap3A_99 = vector.shape_cast %broadcast_in_dim3A_12 : vector<16xf32> to vector<1x16xf32>
      tpu.vector_store %arg8[%swap3A_95, %swap3A_96], %swap3A_99 {strides = array<i32>} : memref<128x128xf32, #tpu.memory_space<vmem>>, vector<1x16xf32>,
    }
    %scan3A_17 = arith.constant 128 : i32
    %add3A_18 = arith.constant 0 : i32
    %add3A_19 = arith.addi %mul3A_11, %add3A_18 : i32
    "tpu.region"() ({
      %run_scoped3A = tpu.sem_alloc : memref<!tpu.dma_semaphore, #tpu.memory_space<semaphore_mem>>
      %dma_start3A_60 = arith.constant 0 : i32
      %dma_start3A_61 = tpu.memref_slice %arg9[%add3A_19, %dma_start3A_60] : memref<10112x128xf32, #tpu.memory_space<vmem_shared>> -> memref<128x128xf32, #tpu.memory_space<vmem_shared>>
      %dma_start3A_62 = arith.constant 0 : i32
      %dma_start3A_63 = tpu.memref_slice %arg9[%add3A_19, %dma_start3A_62] : memref<10112x128xf32, #tpu.memory_space<vmem_shared>> -> memref<128x128xf32, #tpu.memory_space<vmem_shared>>
      tpu.enqueue_dma source(%arg8 : memref<128x128xf32, #tpu.memory_space<vmem>>) target(%dma_start3A_63 : memref<128x128xf32, #tpu.memory_space<vmem_shared>>) target_semaphore(%run_scoped3A : memref<!tpu.dma_semaphore, #tpu.memory_space<semaphore_mem>>)
      %dma_wait3A = arith.constant 0 : i32
      %dma_wait3A_64 = tpu.memref_slice %arg9[%add3A_19, %dma_wait3A] : memref<10112x128xf32, #tpu.memory_space<vmem_shared>> -> memref<128x128xf32, #tpu.memory_space<vmem_shared>>
      %dma_wait3A_65 = arith.constant 0 : i32
      %dma_wait3A_66 = tpu.memref_slice %arg9[%add3A_19, %dma_wait3A_65] : memref<10112x128xf32, #tpu.memory_space<vmem_shared>> -> memref<128x128xf32, #tpu.memory_space<vmem_shared>>
      tpu.wait_dma2 semaphore(%run_scoped3A : memref<!tpu.dma_semaphore, #tpu.memory_space<semaphore_mem>>) src(%arg8 : memref<128x128xf32, #tpu.memory_space<vmem>>) dst(%dma_wait3A_66 : memref<128x128xf32, #tpu.memory_space<vmem_shared>>)
      tpu.yield
    }) : () -> ()
    %add3A_20 = arith.constant 128 : i32
    %add3A_21 = arith.addi %mul3A_11, %add3A_20 : i32
    "tpu.region"() ({
      %run_scoped3A = tpu.sem_alloc : memref<!tpu.dma_semaphore, #tpu.memory_space<semaphore_mem>>
      %dma_start3A_60 = arith.constant 0 : i32
      %dma_start3A_61 = tpu.memref_slice %arg9[%add3A_21, %dma_start3A_60] : memref<10112x128xf32, #tpu.memory_space<vmem_shared>> -> memref<128x128xf32, #tpu.memory_space<vmem_shared>>
      %dma_start3A_62 = arith.constant 0 : i32
      %dma_start3A_63 = tpu.memref_slice %arg9[%add3A_21, %dma_start3A_62] : memref<10112x128xf32, #tpu.memory_space<vmem_shared>> -> memref<128x128xf32, #tpu.memory_space<vmem_shared>>
      tpu.enqueue_dma source(%arg8 : memref<128x128xf32, #tpu.memory_space<vmem>>) target(%dma_start3A_63 : memref<128x128xf32, #tpu.memory_space<vmem_shared>>) target_semaphore(%run_scoped3A : memref<!tpu.dma_semaphore, #tpu.memory_space<semaphore_mem>>)
      %dma_wait3A = arith.constant 0 : i32
      %dma_wait3A_64 = tpu.memref_slice %arg9[%add3A_21, %dma_wait3A] : memref<10112x128xf32, #tpu.memory_space<vmem_shared>> -> memref<128x128xf32, #tpu.memory_space<vmem_shared>>
      %dma_wait3A_65 = arith.constant 0 : i32
      %dma_wait3A_66 = tpu.memref_slice %arg9[%add3A_21, %dma_wait3A_65] : memref<10112x128xf32, #tpu.memory_space<vmem_shared>> -> memref<128x128xf32, #tpu.memory_space<vmem_shared>>
      tpu.wait_dma2 semaphore(%run_scoped3A : memref<!tpu.dma_semaphore, #tpu.memory_space<semaphore_mem>>) src(%arg8 : memref<128x128xf32, #tpu.memory_space<vmem>>) dst(%dma_wait3A_66 : memref<128x128xf32, #tpu.memory_space<vmem_shared>>)
      tpu.yield
    }) : () -> ()
    %add3A_22 = arith.constant 256 : i32
    %add3A_23 = arith.addi %mul3A_11, %add3A_22 : i32
    "tpu.region"() ({
      %run_scoped3A = tpu.sem_alloc : memref<!tpu.dma_semaphore, #tpu.memory_space<semaphore_mem>>
      %dma_start3A_60 = arith.constant 0 : i32
      %dma_start3A_61 = tpu.memref_slice %arg9[%add3A_23, %dma_start3A_60] : memref<10112x128xf32, #tpu.memory_space<vmem_shared>> -> memref<128x128xf32, #tpu.memory_space<vmem_shared>>
      %dma_start3A_62 = arith.constant 0 : i32
      %dma_start3A_63 = tpu.memref_slice %arg9[%add3A_23, %dma_start3A_62] : memref<10112x128xf32, #tpu.memory_space<vmem_shared>> -> memref<128x128xf32, #tpu.memory_space<vmem_shared>>
      tpu.enqueue_dma source(%arg8 : memref<128x128xf32, #tpu.memory_space<vmem>>) target(%dma_start3A_63 : memref<128x128xf32, #tpu.memory_space<vmem_shared>>) target_semaphore(%run_scoped3A : memref<!tpu.dma_semaphore, #tpu.memory_space<semaphore_mem>>)
      %dma_wait3A = arith.constant 0 : i32
      %dma_wait3A_64 = tpu.memref_slice %arg9[%add3A_23, %dma_wait3A] : memref<10112x128xf32, #tpu.memory_space<vmem_shared>> -> memref<128x128xf32, #tpu.memory_space<vmem_shared>>
      %dma_wait3A_65 = arith.constant 0 : i32
      %dma_wait3A_66 = tpu.memref_slice %arg9[%add3A_23, %dma_wait3A_65] : memref<10112x128xf32, #tpu.memory_space<vmem_shared>> -> memref<128x128xf32, #tpu.memory_space<vmem_shared>>
      tpu.wait_dma2 semaphore(%run_scoped3A : memref<!tpu.dma_semaphore, #tpu.memory_space<semaphore_mem>>) src(%arg8 : memref<128x128xf32, #tpu.memory_space<vmem>>) dst(%dma_wait3A_66 : memref<128x128xf32, #tpu.memory_space<vmem_shared>>)
      tpu.yield
    }) : () -> ()
    %add3A_24 = arith.constant 384 : i32
    %add3A_25 = arith.addi %mul3A_11, %add3A_24 : i32
    "tpu.region"() ({
      %run_scoped3A = tpu.sem_alloc : memref<!tpu.dma_semaphore, #tpu.memory_space<semaphore_mem>>
      %dma_start3A_60 = arith.constant 0 : i32
      %dma_start3A_61 = tpu.memref_slice %arg9[%add3A_25, %dma_start3A_60] : memref<10112x128xf32, #tpu.memory_space<vmem_shared>> -> memref<128x128xf32, #tpu.memory_space<vmem_shared>>
      %dma_start3A_62 = arith.constant 0 : i32
      %dma_start3A_63 = tpu.memref_slice %arg9[%add3A_25, %dma_start3A_62] : memref<10112x128xf32, #tpu.memory_space<vmem_shared>> -> memref<128x128xf32, #tpu.memory_space<vmem_shared>>
      tpu.enqueue_dma source(%arg8 : memref<128x128xf32, #tpu.memory_space<vmem>>) target(%dma_start3A_63 : memref<128x128xf32, #tpu.memory_space<vmem_shared>>) target_semaphore(%run_scoped3A : memref<!tpu.dma_semaphore, #tpu.memory_space<semaphore_mem>>)
      %dma_wait3A = arith.constant 0 : i32
      %dma_wait3A_64 = tpu.memref_slice %arg9[%add3A_25, %dma_wait3A] : memref<10112x128xf32, #tpu.memory_space<vmem_shared>> -> memref<128x128xf32, #tpu.memory_space<vmem_shared>>
      %dma_wait3A_65 = arith.constant 0 : i32
      %dma_wait3A_66 = tpu.memref_slice %arg9[%add3A_25, %dma_wait3A_65] : memref<10112x128xf32, #tpu.memory_space<vmem_shared>> -> memref<128x128xf32, #tpu.memory_space<vmem_shared>>
      tpu.wait_dma2 semaphore(%run_scoped3A : memref<!tpu.dma_semaphore, #tpu.memory_space<semaphore_mem>>) src(%arg8 : memref<128x128xf32, #tpu.memory_space<vmem>>) dst(%dma_wait3A_66 : memref<128x128xf32, #tpu.memory_space<vmem_shared>>)
      tpu.yield
    }) : () -> ()
    %add3A_26 = arith.constant 512 : i32
    %add3A_27 = arith.addi %mul3A_11, %add3A_26 : i32
    "tpu.region"() ({
      %run_scoped3A = tpu.sem_alloc : memref<!tpu.dma_semaphore, #tpu.memory_space<semaphore_mem>>
      %dma_start3A_60 = arith.constant 0 : i32
      %dma_start3A_61 = arith.constant 0 : i32
      %dma_start3A_62 = tpu.memref_slice %arg8[%dma_start3A_60, %dma_start3A_61] : memref<128x128xf32, #tpu.memory_space<vmem>> -> memref<120x128xf32, #tpu.memory_space<vmem>>
      %dma_start3A_63 = arith.constant 0 : i32
      %dma_start3A_64 = tpu.memref_slice %arg9[%add3A_27, %dma_start3A_63] : memref<10112x128xf32, #tpu.memory_space<vmem_shared>> -> memref<120x128xf32, #tpu.memory_space<vmem_shared>>
      %dma_start3A_65 = arith.constant 0 : i32
      %dma_start3A_66 = tpu.memref_slice %arg9[%add3A_27, %dma_start3A_65] : memref<10112x128xf32, #tpu.memory_space<vmem_shared>> -> memref<120x128xf32, #tpu.memory_space<vmem_shared>>
      %dma_start3A_67 = arith.constant 0 : i32
      %dma_start3A_68 = arith.constant 0 : i32
      %dma_start3A_69 = tpu.memref_slice %arg8[%dma_start3A_67, %dma_start3A_68] : memref<128x128xf32, #tpu.memory_space<vmem>> -> memref<120x128xf32, #tpu.memory_space<vmem>>
      tpu.enqueue_dma source(%dma_start3A_69 : memref<120x128xf32, #tpu.memory_space<vmem>>) target(%dma_start3A_66 : memref<120x128xf32, #tpu.memory_space<vmem_shared>>) target_semaphore(%run_scoped3A : memref<!tpu.dma_semaphore, #tpu.memory_space<semaphore_mem>>)
      %dma_wait3A = arith.constant 0 : i32
      %dma_wait3A_70 = arith.constant 0 : i32
      %dma_wait3A_71 = tpu.memref_slice %arg8[%dma_wait3A, %dma_wait3A_70] : memref<128x128xf32, #tpu.memory_space<vmem>> -> memref<120x128xf32, #tpu.memory_space<vmem>>
      %dma_wait3A_72 = arith.constant 0 : i32
      %dma_wait3A_73 = tpu.memref_slice %arg9[%add3A_27, %dma_wait3A_72] : memref<10112x128xf32, #tpu.memory_space<vmem_shared>> -> memref<120x128xf32, #tpu.memory_space<vmem_shared>>
      %dma_wait3A_74 = arith.constant 0 : i32
      %dma_wait3A_75 = tpu.memref_slice %arg9[%add3A_27, %dma_wait3A_74] : memref<10112x128xf32, #tpu.memory_space<vmem_shared>> -> memref<120x128xf32, #tpu.memory_space<vmem_shared>>
      %dma_wait3A_76 = arith.constant 0 : i32
      %dma_wait3A_77 = arith.constant 0 : i32
      %dma_wait3A_78 = tpu.memref_slice %arg8[%dma_wait3A_76, %dma_wait3A_77] : memref<128x128xf32, #tpu.memory_space<vmem>> -> memref<120x128xf32, #tpu.memory_space<vmem>>
      tpu.wait_dma2 semaphore(%run_scoped3A : memref<!tpu.dma_semaphore, #tpu.memory_space<semaphore_mem>>) src(%dma_wait3A_78 : memref<120x128xf32, #tpu.memory_space<vmem>>) dst(%dma_wait3A_75 : memref<120x128xf32, #tpu.memory_space<vmem_shared>>)
      tpu.yield
    }) : () -> ()
    "tpu.region"() ({
      %run_scoped3A = tpu.sem_alloc : memref<!tpu.dma_semaphore, #tpu.memory_space<semaphore_mem>>
      tpu.enqueue_dma source(%arg4 : memref<128x128xf32, #tpu.memory_space<hbm>>) target(%arg7 : memref<128x128xf32, #tpu.memory_space<vmem>>) target_semaphore(%run_scoped3A : memref<!tpu.dma_semaphore, #tpu.memory_space<semaphore_mem>>)
      tpu.wait_dma2 semaphore(%run_scoped3A : memref<!tpu.dma_semaphore, #tpu.memory_space<semaphore_mem>>) src(%arg4 : memref<128x128xf32, #tpu.memory_space<hbm>>) dst(%arg7 : memref<128x128xf32, #tpu.memory_space<vmem>>)
      tpu.yield
    }) : () -> ()
    %add3A_28 = arith.constant 0 : i32
    %add3A_29 = arith.addi %mul3A_9, %add3A_28 : i32
    %multiple_of3A = tpu.assume_multiple %add3A_29, 128 : i32
    %dma_start3A = arith.constant 0 : i32
    %dma_start3A_30 = arith.constant 0 : i32
    %dma_start3A_31 = tpu.memref_slice %arg6[%dma_start3A, %dma_start3A_30] : memref<4x128xi32, #tpu.memory_space<vmem>> -> memref<1x128xi32, #tpu.memory_space<vmem>>
    %dma_start3A_32 = tpu.memref_squeeze %dma_start3A_31 : memref<1x128xi32, #tpu.memory_space<vmem>> -> memref<128xi32, #tpu.memory_space<vmem>>
    %dma_start3A_33 = tpu.memref_slice %arg2[%multiple_of3A] : memref<320000xi32, #tpu.memory_space<hbm>> -> memref<128xi32, #tpu.memory_space<hbm>>
    %dma_start3A_34 = arith.constant 0 : i32
    %dma_start3A_35 = tpu.memref_slice %arg6[%dma_start3A, %dma_start3A_34] : memref<4x128xi32, #tpu.memory_space<vmem>> -> memref<1x128xi32, #tpu.memory_space<vmem>>
    %dma_start3A_36 = tpu.memref_squeeze %dma_start3A_35 : memref<1x128xi32, #tpu.memory_space<vmem>> -> memref<128xi32, #tpu.memory_space<vmem>>
    %dma_start3A_37 = tpu.memref_slice %arg2[%multiple_of3A] : memref<320000xi32, #tpu.memory_space<hbm>> -> memref<128xi32, #tpu.memory_space<hbm>>
    tpu.enqueue_dma source(%dma_start3A_37 : memref<128xi32, #tpu.memory_space<hbm>>) target(%dma_start3A_36 : memref<128xi32, #tpu.memory_space<vmem>>) target_semaphore(%arg10 : memref<!tpu.dma_semaphore, #tpu.memory_space<semaphore_mem>>)
    %add3A_38 = arith.constant 128 : i32
    %add3A_39 = arith.addi %mul3A_9, %add3A_38 : i32
    %multiple_of3A_40 = tpu.assume_multiple %add3A_39, 128 : i32
    %dma_start3A_41 = arith.constant 1 : i32
    %dma_start3A_42 = arith.constant 0 : i32
    %dma_start3A_43 = tpu.memref_slice %arg6[%dma_start3A_41, %dma_start3A_42] : memref<4x128xi32, #tpu.memory_space<vmem>> -> memref<1x128xi32, #tpu.memory_space<vmem>>
    %dma_start3A_44 = tpu.memref_squeeze %dma_start3A_43 : memref<1x128xi32, #tpu.memory_space<vmem>> -> memref<128xi32, #tpu.memory_space<vmem>>
    %dma_start3A_45 = tpu.memref_slice %arg2[%multiple_of3A_40] : memref<320000xi32, #tpu.memory_space<hbm>> -> memref<128xi32, #tpu.memory_space<hbm>>
    %dma_start3A_46 = arith.constant 0 : i32
    %dma_start3A_47 = tpu.memref_slice %arg6[%dma_start3A_41, %dma_start3A_46] : memref<4x128xi32, #tpu.memory_space<vmem>> -> memref<1x128xi32, #tpu.memory_space<vmem>>
    %dma_start3A_48 = tpu.memref_squeeze %dma_start3A_47 : memref<1x128xi32, #tpu.memory_space<vmem>> -> memref<128xi32, #tpu.memory_space<vmem>>
    %dma_start3A_49 = tpu.memref_slice %arg2[%multiple_of3A_40] : memref<320000xi32, #tpu.memory_space<hbm>> -> memref<128xi32, #tpu.memory_space<hbm>>
    tpu.enqueue_dma source(%dma_start3A_49 : memref<128xi32, #tpu.memory_space<hbm>>) target(%dma_start3A_48 : memref<128xi32, #tpu.memory_space<vmem>>) target_semaphore(%arg10 : memref<!tpu.dma_semaphore, #tpu.memory_space<semaphore_mem>>)
    %barrier3A = arith.constant 0 : index
    tpu.barrier barrier_id(%barrier3A)
    %while3A = arith.constant 0 : i32
    %while3A_50 = arith.constant 0 : i32
    %while3A_51 = arith.subi %add3A_3, %while3A_50 : i32
    %while3A_52 = arith.addi %while3A_50, %while3A_51 : i32
    %while3A_53 = arith.constant 1 : i32
    %while3A_54 = arith.divsi %while3A_51, %while3A_53 : i32
    %while3A_55 = arith.muli %while3A_54, %while3A_53 : i32
    %while3A_56 = arith.addi %while3A_50, %while3A_55 : i32
    %while3A_57 = arith.constant 1 : i32
    scf.for %while3A_60 = %while3A_50 to %while3A_56 step %while3A_57  : i32 {
      %mul3A_61 = arith.constant 128 : i32
      %mul3A_62 = arith.muli %while3A_60, %mul3A_61 : i32
      %add3A_63 = arith.addi %mul3A_9, %mul3A_62 : i32
      %multiple_of3A_64 = tpu.assume_multiple %add3A_63, 128 : i32
      %jit3A = arith.constant 4 : i32
      %eq3A = arith.constant 0 : i32
      %eq3A_65 = arith.cmpi eq, %jit3A, %eq3A : i32
      %jit3A_66 = arith.constant 1 : i32
      %select_n3A = arith.select %eq3A_65, %jit3A_66, %jit3A : i32
      %rem3A = arith.remsi %while3A_60, %select_n3A : i32
      %ne3A = arith.constant 0 : i32
      %ne3A_67 = arith.cmpi ne, %rem3A, %ne3A : i32
      %lt3A_68 = arith.constant 0 : i32
      %lt3A_69 = arith.cmpi slt, %rem3A, %lt3A_68 : i32
      %lt3A_70 = arith.constant 0 : i32
      %lt3A_71 = arith.cmpi slt, %select_n3A, %lt3A_70 : i32
      %ne3A_72 = arith.xori %lt3A_69, %lt3A_71 : i1
      %and3A = arith.andi %ne3A_72, %ne3A_67 : i1
      %add3A_73 = arith.addi %rem3A, %select_n3A : i32
      %select_n3A_74 = arith.select %and3A, %add3A_73, %rem3A : i32
      %dma_wait3A = arith.constant 0 : i32
      %dma_wait3A_75 = tpu.memref_slice %arg6[%select_n3A_74, %dma_wait3A] : memref<4x128xi32, #tpu.memory_space<vmem>> -> memref<1x128xi32, #tpu.memory_space<vmem>>
      %dma_wait3A_76 = tpu.memref_squeeze %dma_wait3A_75 : memref<1x128xi32, #tpu.memory_space<vmem>> -> memref<128xi32, #tpu.memory_space<vmem>>
      %dma_wait3A_77 = tpu.memref_slice %arg2[%multiple_of3A_64] : memref<320000xi32, #tpu.memory_space<hbm>> -> memref<128xi32, #tpu.memory_space<hbm>>
      %dma_wait3A_78 = arith.constant 0 : i32
      %dma_wait3A_79 = tpu.memref_slice %arg6[%select_n3A_74, %dma_wait3A_78] : memref<4x128xi32, #tpu.memory_space<vmem>> -> memref<1x128xi32, #tpu.memory_space<vmem>>
      %dma_wait3A_80 = tpu.memref_squeeze %dma_wait3A_79 : memref<1x128xi32, #tpu.memory_space<vmem>> -> memref<128xi32, #tpu.memory_space<vmem>>
      %dma_wait3A_81 = tpu.memref_slice %arg2[%multiple_of3A_64] : memref<320000xi32, #tpu.memory_space<hbm>> -> memref<128xi32, #tpu.memory_space<hbm>>
      tpu.wait_dma2 semaphore(%arg10 : memref<!tpu.dma_semaphore, #tpu.memory_space<semaphore_mem>>) src(%dma_wait3A_81 : memref<128xi32, #tpu.memory_space<hbm>>) dst(%dma_wait3A_80 : memref<128xi32, #tpu.memory_space<vmem>>)
      %add3A_82 = arith.constant 2 : i32
      %add3A_83 = arith.addi %while3A_60, %add3A_82 : i32
      %lt3A_84 = arith.cmpi slt, %add3A_83, %add3A_3 : i32
      %convert_element_type3A_85 = arith.extui %lt3A_84 : i1 to i32
      %cond3A = arith.constant 0 : i32
      %cond3A_86 = arith.cmpi ne, %convert_element_type3A_85, %cond3A : i32
      scf.if %cond3A_86 {
        %add3A_103 = arith.constant 2 : i32
        %add3A_104 = arith.addi %while3A_60, %add3A_103 : i32
        %mul3A_105 = arith.constant 128 : i32
        %mul3A_106 = arith.muli %add3A_104, %mul3A_105 : i32
        %add3A_107 = arith.addi %mul3A_9, %mul3A_106 : i32
        %multiple_of3A_108 = tpu.assume_multiple %add3A_107, 128 : i32
        %jit3A_109 = arith.constant 4 : i32
        %eq3A_110 = arith.constant 0 : i32
        %eq3A_111 = arith.cmpi eq, %jit3A_109, %eq3A_110 : i32
        %jit3A_112 = arith.constant 1 : i32
        %select_n3A_113 = arith.select %eq3A_111, %jit3A_112, %jit3A_109 : i32
        %rem3A_114 = arith.remsi %add3A_104, %select_n3A_113 : i32
        %ne3A_115 = arith.constant 0 : i32
        %ne3A_116 = arith.cmpi ne, %rem3A_114, %ne3A_115 : i32
        %lt3A_117 = arith.constant 0 : i32
        %lt3A_118 = arith.cmpi slt, %rem3A_114, %lt3A_117 : i32
        %lt3A_119 = arith.constant 0 : i32
        %lt3A_120 = arith.cmpi slt, %select_n3A_113, %lt3A_119 : i32
        %ne3A_121 = arith.xori %lt3A_118, %lt3A_120 : i1
        %and3A_122 = arith.andi %ne3A_121, %ne3A_116 : i1
        %add3A_123 = arith.addi %rem3A_114, %select_n3A_113 : i32
        %select_n3A_124 = arith.select %and3A_122, %add3A_123, %rem3A_114 : i32
        %dma_start3A_125 = arith.constant 0 : i32
        %dma_start3A_126 = tpu.memref_slice %arg6[%select_n3A_124, %dma_start3A_125] : memref<4x128xi32, #tpu.memory_space<vmem>> -> memref<1x128xi32, #tpu.memory_space<vmem>>
        %dma_start3A_127 = tpu.memref_squeeze %dma_start3A_126 : memref<1x128xi32, #tpu.memory_space<vmem>> -> memref<128xi32, #tpu.memory_space<vmem>>
        %dma_start3A_128 = tpu.memref_slice %arg2[%multiple_of3A_108] : memref<320000xi32, #tpu.memory_space<hbm>> -> memref<128xi32, #tpu.memory_space<hbm>>
        %dma_start3A_129 = arith.constant 0 : i32
        %dma_start3A_130 = tpu.memref_slice %arg6[%select_n3A_124, %dma_start3A_129] : memref<4x128xi32, #tpu.memory_space<vmem>> -> memref<1x128xi32, #tpu.memory_space<vmem>>
        %dma_start3A_131 = tpu.memref_squeeze %dma_start3A_130 : memref<1x128xi32, #tpu.memory_space<vmem>> -> memref<128xi32, #tpu.memory_space<vmem>>
        %dma_start3A_132 = tpu.memref_slice %arg2[%multiple_of3A_108] : memref<320000xi32, #tpu.memory_space<hbm>> -> memref<128xi32, #tpu.memory_space<hbm>>
        tpu.enqueue_dma source(%dma_start3A_132 : memref<128xi32, #tpu.memory_space<hbm>>) target(%dma_start3A_131 : memref<128xi32, #tpu.memory_space<vmem>>) target_semaphore(%arg10 : memref<!tpu.dma_semaphore, #tpu.memory_space<semaphore_mem>>)
      } else {
      }
      %jit3A_87 = arith.constant 4 : i32
      %eq3A_88 = arith.constant 0 : i32
      %eq3A_89 = arith.cmpi eq, %jit3A_87, %eq3A_88 : i32
      %jit3A_90 = arith.constant 1 : i32
      %select_n3A_91 = arith.select %eq3A_89, %jit3A_90, %jit3A_87 : i32
      %rem3A_92 = arith.remsi %while3A_60, %select_n3A_91 : i32
      %ne3A_93 = arith.constant 0 : i32
      %ne3A_94 = arith.cmpi ne, %rem3A_92, %ne3A_93 : i32
      %lt3A_95 = arith.constant 0 : i32
      %lt3A_96 = arith.cmpi slt, %rem3A_92, %lt3A_95 : i32
      %lt3A_97 = arith.constant 0 : i32
      %lt3A_98 = arith.cmpi slt, %select_n3A_91, %lt3A_97 : i32
      %ne3A_99 = arith.xori %lt3A_96, %lt3A_98 : i1
      %and3A_100 = arith.andi %ne3A_99, %ne3A_94 : i1
      %add3A_101 = arith.addi %rem3A_92, %select_n3A_91 : i32
      %select_n3A_102 = arith.select %and3A_100, %add3A_101, %rem3A_92 : i32
      "tpu.region"() ({
        %run_scoped3A = tpu.sem_alloc : memref<!tpu.dma_semaphore, #tpu.memory_space<semaphore_mem>>
        %dma_start3A_103 = arith.constant 0 : i32
        %dma_start3A_104 = tpu.memref_slice %arg6[%select_n3A_102, %dma_start3A_103] : memref<4x128xi32, #tpu.memory_space<vmem>> -> memref<1x128xi32, #tpu.memory_space<vmem>>
        %dma_start3A_105 = tpu.memref_squeeze %dma_start3A_104 : memref<1x128xi32, #tpu.memory_space<vmem>> -> memref<128xi32, #tpu.memory_space<vmem>>
        %dma_start3A_106 = arith.constant 0 : i32
        %dma_start3A_107 = arith.constant 0 : i32
        %dma_start3A_108 = tpu.memref_slice %arg9[%dma_start3A_106, %dma_start3A_107] : memref<10112x128xf32, #tpu.memory_space<vmem_shared>> -> memref<10112x128xf32, #tpu.memory_space<vmem_shared>>
        tpu.enqueue_indirect_dma source(%arg7 : memref<128x128xf32, #tpu.memory_space<vmem>>) target(%dma_start3A_108 : memref<10112x128xf32, #tpu.memory_space<vmem_shared>>) offsets(%dma_start3A_105 : memref<128xi32, #tpu.memory_space<vmem>>) semaphore(%run_scoped3A : memref<!tpu.dma_semaphore, #tpu.memory_space<semaphore_mem>>) {add = true}
        %dma_wait3A_109 = arith.constant 0 : i32
        %dma_wait3A_110 = tpu.memref_slice %arg6[%select_n3A_102, %dma_wait3A_109] : memref<4x128xi32, #tpu.memory_space<vmem>> -> memref<1x128xi32, #tpu.memory_space<vmem>>
        %dma_wait3A_111 = tpu.memref_squeeze %dma_wait3A_110 : memref<1x128xi32, #tpu.memory_space<vmem>> -> memref<128xi32, #tpu.memory_space<vmem>>
        %dma_wait3A_112 = arith.constant 0 : i32
        %dma_wait3A_113 = arith.constant 0 : i32
        %dma_wait3A_114 = tpu.memref_slice %arg9[%dma_wait3A_112, %dma_wait3A_113] : memref<10112x128xf32, #tpu.memory_space<vmem_shared>> -> memref<10112x128xf32, #tpu.memory_space<vmem_shared>>
        tpu.wait_indirect_dma semaphore(%run_scoped3A : memref<!tpu.dma_semaphore, #tpu.memory_space<semaphore_mem>>) src(%arg7 : memref<128x128xf32, #tpu.memory_space<vmem>>) dst(%dma_wait3A_114 : memref<10112x128xf32, #tpu.memory_space<vmem_shared>>)
        tpu.yield
      }) : () -> ()
    }
    %while3A_58 = arith.constant 1 : i32
    scf.for %while3A_60 = %while3A_56 to %while3A_52 step %while3A_58  : i32 {
      %mul3A_61 = arith.constant 128 : i32
      %mul3A_62 = arith.muli %while3A_60, %mul3A_61 : i32
      %add3A_63 = arith.addi %mul3A_9, %mul3A_62 : i32
      %multiple_of3A_64 = tpu.assume_multiple %add3A_63, 128 : i32
      %jit3A = arith.constant 4 : i32
      %eq3A = arith.constant 0 : i32
      %eq3A_65 = arith.cmpi eq, %jit3A, %eq3A : i32
      %jit3A_66 = arith.constant 1 : i32
      %select_n3A = arith.select %eq3A_65, %jit3A_66, %jit3A : i32
      %rem3A = arith.remsi %while3A_60, %select_n3A : i32
      %ne3A = arith.constant 0 : i32
      %ne3A_67 = arith.cmpi ne, %rem3A, %ne3A : i32
      %lt3A_68 = arith.constant 0 : i32
      %lt3A_69 = arith.cmpi slt, %rem3A, %lt3A_68 : i32
      %lt3A_70 = arith.constant 0 : i32
      %lt3A_71 = arith.cmpi slt, %select_n3A, %lt3A_70 : i32
      %ne3A_72 = arith.xori %lt3A_69, %lt3A_71 : i1
      %and3A = arith.andi %ne3A_72, %ne3A_67 : i1
      %add3A_73 = arith.addi %rem3A, %select_n3A : i32
      %select_n3A_74 = arith.select %and3A, %add3A_73, %rem3A : i32
      %dma_wait3A = arith.constant 0 : i32
      %dma_wait3A_75 = tpu.memref_slice %arg6[%select_n3A_74, %dma_wait3A] : memref<4x128xi32, #tpu.memory_space<vmem>> -> memref<1x128xi32, #tpu.memory_space<vmem>>
      %dma_wait3A_76 = tpu.memref_squeeze %dma_wait3A_75 : memref<1x128xi32, #tpu.memory_space<vmem>> -> memref<128xi32, #tpu.memory_space<vmem>>
      %dma_wait3A_77 = tpu.memref_slice %arg2[%multiple_of3A_64] : memref<320000xi32, #tpu.memory_space<hbm>> -> memref<128xi32, #tpu.memory_space<hbm>>
      %dma_wait3A_78 = arith.constant 0 : i32
      %dma_wait3A_79 = tpu.memref_slice %arg6[%select_n3A_74, %dma_wait3A_78] : memref<4x128xi32, #tpu.memory_space<vmem>> -> memref<1x128xi32, #tpu.memory_space<vmem>>
      %dma_wait3A_80 = tpu.memref_squeeze %dma_wait3A_79 : memref<1x128xi32, #tpu.memory_space<vmem>> -> memref<128xi32, #tpu.memory_space<vmem>>
      %dma_wait3A_81 = tpu.memref_slice %arg2[%multiple_of3A_64] : memref<320000xi32, #tpu.memory_space<hbm>> -> memref<128xi32, #tpu.memory_space<hbm>>
      tpu.wait_dma2 semaphore(%arg10 : memref<!tpu.dma_semaphore, #tpu.memory_space<semaphore_mem>>) src(%dma_wait3A_81 : memref<128xi32, #tpu.memory_space<hbm>>) dst(%dma_wait3A_80 : memref<128xi32, #tpu.memory_space<vmem>>)
      %add3A_82 = arith.constant 2 : i32
      %add3A_83 = arith.addi %while3A_60, %add3A_82 : i32
      %lt3A_84 = arith.cmpi slt, %add3A_83, %add3A_3 : i32
      %convert_element_type3A_85 = arith.extui %lt3A_84 : i1 to i32
      %cond3A = arith.constant 0 : i32
      %cond3A_86 = arith.cmpi ne, %convert_element_type3A_85, %cond3A : i32
      scf.if %cond3A_86 {
        %add3A_103 = arith.constant 2 : i32
        %add3A_104 = arith.addi %while3A_60, %add3A_103 : i32
        %mul3A_105 = arith.constant 128 : i32
        %mul3A_106 = arith.muli %add3A_104, %mul3A_105 : i32
        %add3A_107 = arith.addi %mul3A_9, %mul3A_106 : i32
        %multiple_of3A_108 = tpu.assume_multiple %add3A_107, 128 : i32
        %jit3A_109 = arith.constant 4 : i32
        %eq3A_110 = arith.constant 0 : i32
        %eq3A_111 = arith.cmpi eq, %jit3A_109, %eq3A_110 : i32
        %jit3A_112 = arith.constant 1 : i32
        %select_n3A_113 = arith.select %eq3A_111, %jit3A_112, %jit3A_109 : i32
        %rem3A_114 = arith.remsi %add3A_104, %select_n3A_113 : i32
        %ne3A_115 = arith.constant 0 : i32
        %ne3A_116 = arith.cmpi ne, %rem3A_114, %ne3A_115 : i32
        %lt3A_117 = arith.constant 0 : i32
        %lt3A_118 = arith.cmpi slt, %rem3A_114, %lt3A_117 : i32
        %lt3A_119 = arith.constant 0 : i32
        %lt3A_120 = arith.cmpi slt, %select_n3A_113, %lt3A_119 : i32
        %ne3A_121 = arith.xori %lt3A_118, %lt3A_120 : i1
        %and3A_122 = arith.andi %ne3A_121, %ne3A_116 : i1
        %add3A_123 = arith.addi %rem3A_114, %select_n3A_113 : i32
        %select_n3A_124 = arith.select %and3A_122, %add3A_123, %rem3A_114 : i32
        %dma_start3A_125 = arith.constant 0 : i32
        %dma_start3A_126 = tpu.memref_slice %arg6[%select_n3A_124, %dma_start3A_125] : memref<4x128xi32, #tpu.memory_space<vmem>> -> memref<1x128xi32, #tpu.memory_space<vmem>>
        %dma_start3A_127 = tpu.memref_squeeze %dma_start3A_126 : memref<1x128xi32, #tpu.memory_space<vmem>> -> memref<128xi32, #tpu.memory_space<vmem>>
        %dma_start3A_128 = tpu.memref_slice %arg2[%multiple_of3A_108] : memref<320000xi32, #tpu.memory_space<hbm>> -> memref<128xi32, #tpu.memory_space<hbm>>
        %dma_start3A_129 = arith.constant 0 : i32
        %dma_start3A_130 = tpu.memref_slice %arg6[%select_n3A_124, %dma_start3A_129] : memref<4x128xi32, #tpu.memory_space<vmem>> -> memref<1x128xi32, #tpu.memory_space<vmem>>
        %dma_start3A_131 = tpu.memref_squeeze %dma_start3A_130 : memref<1x128xi32, #tpu.memory_space<vmem>> -> memref<128xi32, #tpu.memory_space<vmem>>
        %dma_start3A_132 = tpu.memref_slice %arg2[%multiple_of3A_108] : memref<320000xi32, #tpu.memory_space<hbm>> -> memref<128xi32, #tpu.memory_space<hbm>>
        tpu.enqueue_dma source(%dma_start3A_132 : memref<128xi32, #tpu.memory_space<hbm>>) target(%dma_start3A_131 : memref<128xi32, #tpu.memory_space<vmem>>) target_semaphore(%arg10 : memref<!tpu.dma_semaphore, #tpu.memory_space<semaphore_mem>>)
      } else {
      }
      %jit3A_87 = arith.constant 4 : i32
      %eq3A_88 = arith.constant 0 : i32
      %eq3A_89 = arith.cmpi eq, %jit3A_87, %eq3A_88 : i32
      %jit3A_90 = arith.constant 1 : i32
      %select_n3A_91 = arith.select %eq3A_89, %jit3A_90, %jit3A_87 : i32
      %rem3A_92 = arith.remsi %while3A_60, %select_n3A_91 : i32
      %ne3A_93 = arith.constant 0 : i32
      %ne3A_94 = arith.cmpi ne, %rem3A_92, %ne3A_93 : i32
      %lt3A_95 = arith.constant 0 : i32
      %lt3A_96 = arith.cmpi slt, %rem3A_92, %lt3A_95 : i32
      %lt3A_97 = arith.constant 0 : i32
      %lt3A_98 = arith.cmpi slt, %select_n3A_91, %lt3A_97 : i32
      %ne3A_99 = arith.xori %lt3A_96, %lt3A_98 : i1
      %and3A_100 = arith.andi %ne3A_99, %ne3A_94 : i1
      %add3A_101 = arith.addi %rem3A_92, %select_n3A_91 : i32
      %select_n3A_102 = arith.select %and3A_100, %add3A_101, %rem3A_92 : i32
      "tpu.region"() ({
        %run_scoped3A = tpu.sem_alloc : memref<!tpu.dma_semaphore, #tpu.memory_space<semaphore_mem>>
        %dma_start3A_103 = arith.constant 0 : i32
        %dma_start3A_104 = tpu.memref_slice %arg6[%select_n3A_102, %dma_start3A_103] : memref<4x128xi32, #tpu.memory_space<vmem>> -> memref<1x128xi32, #tpu.memory_space<vmem>>
        %dma_start3A_105 = tpu.memref_squeeze %dma_start3A_104 : memref<1x128xi32, #tpu.memory_space<vmem>> -> memref<128xi32, #tpu.memory_space<vmem>>
        %dma_start3A_106 = arith.constant 0 : i32
        %dma_start3A_107 = arith.constant 0 : i32
        %dma_start3A_108 = tpu.memref_slice %arg9[%dma_start3A_106, %dma_start3A_107] : memref<10112x128xf32, #tpu.memory_space<vmem_shared>> -> memref<10112x128xf32, #tpu.memory_space<vmem_shared>>
        tpu.enqueue_indirect_dma source(%arg7 : memref<128x128xf32, #tpu.memory_space<vmem>>) target(%dma_start3A_108 : memref<10112x128xf32, #tpu.memory_space<vmem_shared>>) offsets(%dma_start3A_105 : memref<128xi32, #tpu.memory_space<vmem>>) semaphore(%run_scoped3A : memref<!tpu.dma_semaphore, #tpu.memory_space<semaphore_mem>>) {add = true}
        %dma_wait3A_109 = arith.constant 0 : i32
        %dma_wait3A_110 = tpu.memref_slice %arg6[%select_n3A_102, %dma_wait3A_109] : memref<4x128xi32, #tpu.memory_space<vmem>> -> memref<1x128xi32, #tpu.memory_space<vmem>>
        %dma_wait3A_111 = tpu.memref_squeeze %dma_wait3A_110 : memref<1x128xi32, #tpu.memory_space<vmem>> -> memref<128xi32, #tpu.memory_space<vmem>>
        %dma_wait3A_112 = arith.constant 0 : i32
        %dma_wait3A_113 = arith.constant 0 : i32
        %dma_wait3A_114 = tpu.memref_slice %arg9[%dma_wait3A_112, %dma_wait3A_113] : memref<10112x128xf32, #tpu.memory_space<vmem_shared>> -> memref<10112x128xf32, #tpu.memory_space<vmem_shared>>
        tpu.wait_indirect_dma semaphore(%run_scoped3A : memref<!tpu.dma_semaphore, #tpu.memory_space<semaphore_mem>>) src(%arg7 : memref<128x128xf32, #tpu.memory_space<vmem>>) dst(%dma_wait3A_114 : memref<10112x128xf32, #tpu.memory_space<vmem_shared>>)
        tpu.yield
      }) : () -> ()
    }
    %barrier3A_59 = arith.constant 0 : index
    tpu.barrier barrier_id(%barrier3A_59)
    "tpu.region"() ({
      %run_scoped3A = tpu.sem_alloc : memref<!tpu.dma_semaphore, #tpu.memory_space<semaphore_mem>>
      %dma_start3A_60 = arith.constant 0 : i32
      %dma_start3A_61 = tpu.memref_slice %arg5[%arg0, %mul3A_11, %dma_start3A_60] : memref<2x10112x128xf32, #tpu.memory_space<hbm>> -> memref<1x632x128xf32, #tpu.memory_space<hbm>>
      %dma_start3A_62 = tpu.memref_squeeze %dma_start3A_61 : memref<1x632x128xf32, #tpu.memory_space<hbm>> -> memref<632x128xf32, #tpu.memory_space<hbm>>
      %dma_start3A_63 = arith.constant 0 : i32
      %dma_start3A_64 = tpu.memref_slice %arg9[%mul3A_11, %dma_start3A_63] : memref<10112x128xf32, #tpu.memory_space<vmem_shared>> -> memref<632x128xf32, #tpu.memory_space<vmem_shared>>
      tpu.enqueue_dma source(%dma_start3A_64 : memref<632x128xf32, #tpu.memory_space<vmem_shared>>) target(%dma_start3A_62 : memref<632x128xf32, #tpu.memory_space<hbm>>) target_semaphore(%run_scoped3A : memref<!tpu.dma_semaphore, #tpu.memory_space<semaphore_mem>>)
      %dma_wait3A = arith.constant 0 : i32
      %dma_wait3A_65 = tpu.memref_slice %arg5[%arg0, %mul3A_11, %dma_wait3A] : memref<2x10112x128xf32, #tpu.memory_space<hbm>> -> memref<1x632x128xf32, #tpu.memory_space<hbm>>
      %dma_wait3A_66 = tpu.memref_squeeze %dma_wait3A_65 : memref<1x632x128xf32, #tpu.memory_space<hbm>> -> memref<632x128xf32, #tpu.memory_space<hbm>>
      %dma_wait3A_67 = arith.constant 0 : i32
      %dma_wait3A_68 = tpu.memref_slice %arg9[%mul3A_11, %dma_wait3A_67] : memref<10112x128xf32, #tpu.memory_space<vmem_shared>> -> memref<632x128xf32, #tpu.memory_space<vmem_shared>>
      tpu.wait_dma2 semaphore(%run_scoped3A : memref<!tpu.dma_semaphore, #tpu.memory_space<semaphore_mem>>) src(%dma_wait3A_68 : memref<632x128xf32, #tpu.memory_space<vmem_shared>>) dst(%dma_wait3A_66 : memref<632x128xf32, #tpu.memory_space<hbm>>)
      tpu.yield
    }) : () -> ()
    return
  }
}

#map = affine_map<(d0, d1) -> (0, 0)>
#map1 = affine_map<(d0, d1) -> (0)>
#map2 = affine_map<(d0, d1) -> (0, 0, 0)>
module attributes {stable_mosaic.version = 14 : i64} {
  func.func @_sc_agg_body(%arg0: i32, %arg1: i32, %arg2: memref<10000x128xf32, #tpu.memory_space<hbm>>, %arg3: memref<320000xi32, #tpu.memory_space<hbm>>, %arg4: memref<320000xi32, #tpu.memory_space<hbm>>, %arg5: memref<8x128xf32, #tpu.memory_space<hbm>>, %arg6: memref<2x10112x128xf32, #tpu.memory_space<hbm>>, %arg7: memref<4x128xi32, #tpu.memory_space<vmem>>, %arg8: memref<4x128xi32, #tpu.memory_space<vmem>>, %arg9: memref<2x128x128xf32, #tpu.memory_space<vmem>>, %arg10: memref<10112x128xf32, #tpu.memory_space<vmem_shared>>, %arg11: memref<!tpu.dma_semaphore, #tpu.memory_space<semaphore_mem>>, %arg12: memref<!tpu.dma_semaphore, #tpu.memory_space<semaphore_mem>>) attributes {dimension_semantics = [#tpu.dimension_semantics<core_parallel>, #tpu.dimension_semantics<subcore_parallel>], iteration_bounds = array<i64: 2, 16>, scalar_prefetch = 0 : i64, scratch_operands = 6 : i64, tpu.core_type = #tpu.core_type<sc_vector_subcore>, window_params = [{transform_indices = #map}, {transform_indices = #map1}, {transform_indices = #map1}, {transform_indices = #map}, {transform_indices = #map2}]} {
    %eq3A = arith.constant 0 : i32
    %eq3A_0 = arith.cmpi eq, %arg0, %eq3A : i32
    %lt3A = arith.constant 4 : i32
    %lt3A_1 = arith.cmpi slt, %arg1, %lt3A : i32
    %convert_element_type3A = arith.extui %lt3A_1 : i1 to i32
    %add3A = arith.constant 68 : i32
    %add3A_2 = arith.addi %add3A, %convert_element_type3A : i32
    %jit3A = arith.constant 88 : i32
    %select_n3A = arith.select %eq3A_0, %jit3A, %add3A_2 : i32
    %eq3A_3 = arith.constant 0 : i32
    %eq3A_4 = arith.cmpi eq, %arg0, %eq3A_3 : i32
    %mul3A = arith.constant 88 : i32
    %mul3A_5 = arith.muli %arg1, %mul3A : i32
    %mul3A_6 = arith.constant 68 : i32
    %mul3A_7 = arith.muli %arg1, %mul3A_6 : i32
    %add3A_8 = arith.constant 1408 : i32
    %add3A_9 = arith.addi %add3A_8, %mul3A_7 : i32
    %min3A = arith.constant 4 : i32
    %min3A_10 = arith.minsi %arg1, %min3A : i32
    %add3A_11 = arith.addi %add3A_9, %min3A_10 : i32
    %select_n3A_12 = arith.select %eq3A_4, %mul3A_5, %add3A_11 : i32
    %mul3A_13 = arith.constant 128 : i32
    %mul3A_14 = arith.muli %select_n3A_12, %mul3A_13 : i32
    %mul3A_15 = arith.constant 632 : i32
    %mul3A_16 = arith.muli %arg1, %mul3A_15 : i32
    %run_scoped3A = arith.constant 0 : i32
    "tpu.region"() ({
      %run_scoped3A_204 = tpu.sem_alloc : memref<!tpu.dma_semaphore, #tpu.memory_space<semaphore_mem>>
      %dma_start3A_205 = arith.constant 0 : i32
      %dma_start3A_206 = arith.constant 0 : i32
      %dma_start3A_207 = tpu.memref_slice %arg9[%run_scoped3A, %dma_start3A_205, %dma_start3A_206] : memref<2x128x128xf32, #tpu.memory_space<vmem>> -> memref<1x128x128xf32, #tpu.memory_space<vmem>>
      %dma_start3A_208 = tpu.memref_squeeze %dma_start3A_207 : memref<1x128x128xf32, #tpu.memory_space<vmem>> -> memref<128x128xf32, #tpu.memory_space<vmem>>
      %dma_start3A_209 = arith.constant 0 : i32
      %dma_start3A_210 = arith.constant 0 : i32
      %dma_start3A_211 = tpu.memref_slice %dma_start3A_208[%dma_start3A_209, %dma_start3A_210] : memref<128x128xf32, #tpu.memory_space<vmem>> -> memref<8x128xf32, #tpu.memory_space<vmem>>
      %dma_start3A_212 = arith.constant 0 : i32
      %dma_start3A_213 = arith.constant 0 : i32
      %dma_start3A_214 = tpu.memref_slice %arg9[%run_scoped3A, %dma_start3A_212, %dma_start3A_213] : memref<2x128x128xf32, #tpu.memory_space<vmem>> -> memref<1x128x128xf32, #tpu.memory_space<vmem>>
      %dma_start3A_215 = tpu.memref_squeeze %dma_start3A_214 : memref<1x128x128xf32, #tpu.memory_space<vmem>> -> memref<128x128xf32, #tpu.memory_space<vmem>>
      %dma_start3A_216 = arith.constant 0 : i32
      %dma_start3A_217 = arith.constant 0 : i32
      %dma_start3A_218 = tpu.memref_slice %dma_start3A_215[%dma_start3A_216, %dma_start3A_217] : memref<128x128xf32, #tpu.memory_space<vmem>> -> memref<8x128xf32, #tpu.memory_space<vmem>>
      tpu.enqueue_dma source(%arg5 : memref<8x128xf32, #tpu.memory_space<hbm>>) target(%dma_start3A_218 : memref<8x128xf32, #tpu.memory_space<vmem>>) target_semaphore(%run_scoped3A_204 : memref<!tpu.dma_semaphore, #tpu.memory_space<semaphore_mem>>)
      %dma_wait3A_219 = arith.constant 0 : i32
      %dma_wait3A_220 = arith.constant 0 : i32
      %dma_wait3A_221 = tpu.memref_slice %arg9[%run_scoped3A, %dma_wait3A_219, %dma_wait3A_220] : memref<2x128x128xf32, #tpu.memory_space<vmem>> -> memref<1x128x128xf32, #tpu.memory_space<vmem>>
      %dma_wait3A_222 = tpu.memref_squeeze %dma_wait3A_221 : memref<1x128x128xf32, #tpu.memory_space<vmem>> -> memref<128x128xf32, #tpu.memory_space<vmem>>
      %dma_wait3A_223 = arith.constant 0 : i32
      %dma_wait3A_224 = arith.constant 0 : i32
      %dma_wait3A_225 = tpu.memref_slice %dma_wait3A_222[%dma_wait3A_223, %dma_wait3A_224] : memref<128x128xf32, #tpu.memory_space<vmem>> -> memref<8x128xf32, #tpu.memory_space<vmem>>
      %dma_wait3A_226 = arith.constant 0 : i32
      %dma_wait3A_227 = arith.constant 0 : i32
      %dma_wait3A_228 = tpu.memref_slice %arg9[%run_scoped3A, %dma_wait3A_226, %dma_wait3A_227] : memref<2x128x128xf32, #tpu.memory_space<vmem>> -> memref<1x128x128xf32, #tpu.memory_space<vmem>>
      %dma_wait3A_229 = tpu.memref_squeeze %dma_wait3A_228 : memref<1x128x128xf32, #tpu.memory_space<vmem>> -> memref<128x128xf32, #tpu.memory_space<vmem>>
      %dma_wait3A_230 = arith.constant 0 : i32
      %dma_wait3A_231 = arith.constant 0 : i32
      %dma_wait3A_232 = tpu.memref_slice %dma_wait3A_229[%dma_wait3A_230, %dma_wait3A_231] : memref<128x128xf32, #tpu.memory_space<vmem>> -> memref<8x128xf32, #tpu.memory_space<vmem>>
      tpu.wait_dma2 semaphore(%run_scoped3A_204 : memref<!tpu.dma_semaphore, #tpu.memory_space<semaphore_mem>>) src(%arg5 : memref<8x128xf32, #tpu.memory_space<hbm>>) dst(%dma_wait3A_232 : memref<8x128xf32, #tpu.memory_space<vmem>>)
      tpu.yield
    }) : () -> ()
    %broadcast_in_dim3A = arith.constant 0.000000e+00 : f32
    %broadcast_in_dim3A_17 = vector.broadcast %broadcast_in_dim3A : f32 to vector<16xf32>
    %scan3A = arith.constant 0 : i32
    %scan3A_18 = arith.constant 0 : i32
    %scan3A_19 = arith.constant 0 : i32
    %scan3A_20 = arith.constant 128 : i32
    %scan3A_21 = arith.addi %scan3A_19, %scan3A_20 : i32
    %scan3A_22 = arith.constant 1 : i32
    scf.for %scan3A_204 = %scan3A_19 to %scan3A_21 step %scan3A_22  : i32 {
      %swap3A = arith.constant 0 : i32
      %swap3A_205 = arith.constant 0 : i32
      %swap3A_206 = tpu.memref_slice %arg9[%scan3A_18, %swap3A, %swap3A_205] : memref<2x128x128xf32, #tpu.memory_space<vmem>> -> memref<1x128x128xf32, #tpu.memory_space<vmem>>
      %swap3A_207 = tpu.memref_squeeze %swap3A_206 : memref<1x128x128xf32, #tpu.memory_space<vmem>> -> memref<128x128xf32, #tpu.memory_space<vmem>>
      %swap3A_208 = arith.index_cast %scan3A_204 : i32 to index
      %swap3A_209 = arith.constant 0 : index
      %swap3A_210 = tpu.vector_load %swap3A_207[%swap3A_208, %swap3A_209] {strides = array<i32>} : memref<128x128xf32, #tpu.memory_space<vmem>>, vector<1x16xf32>,
      %swap3A_211 = vector.shape_cast %swap3A_210 : vector<1x16xf32> to vector<16xf32>
      %swap3A_212 = vector.shape_cast %broadcast_in_dim3A_17 : vector<16xf32> to vector<1x16xf32>
      tpu.vector_store %swap3A_207[%swap3A_208, %swap3A_209], %swap3A_212 {strides = array<i32>} : memref<128x128xf32, #tpu.memory_space<vmem>>, vector<1x16xf32>,
      %swap3A_213 = arith.constant 0 : i32
      %swap3A_214 = arith.constant 0 : i32
      %swap3A_215 = tpu.memref_slice %arg9[%scan3A_18, %swap3A_213, %swap3A_214] : memref<2x128x128xf32, #tpu.memory_space<vmem>> -> memref<1x128x128xf32, #tpu.memory_space<vmem>>
      %swap3A_216 = tpu.memref_squeeze %swap3A_215 : memref<1x128x128xf32, #tpu.memory_space<vmem>> -> memref<128x128xf32, #tpu.memory_space<vmem>>
      %swap3A_217 = arith.index_cast %scan3A_204 : i32 to index
      %swap3A_218 = arith.constant 16 : index
      %swap3A_219 = tpu.vector_load %swap3A_216[%swap3A_217, %swap3A_218] {strides = array<i32>} : memref<128x128xf32, #tpu.memory_space<vmem>>, vector<1x16xf32>,
      %swap3A_220 = vector.shape_cast %swap3A_219 : vector<1x16xf32> to vector<16xf32>
      %swap3A_221 = vector.shape_cast %broadcast_in_dim3A_17 : vector<16xf32> to vector<1x16xf32>
      tpu.vector_store %swap3A_216[%swap3A_217, %swap3A_218], %swap3A_221 {strides = array<i32>} : memref<128x128xf32, #tpu.memory_space<vmem>>, vector<1x16xf32>,
      %swap3A_222 = arith.constant 0 : i32
      %swap3A_223 = arith.constant 0 : i32
      %swap3A_224 = tpu.memref_slice %arg9[%scan3A_18, %swap3A_222, %swap3A_223] : memref<2x128x128xf32, #tpu.memory_space<vmem>> -> memref<1x128x128xf32, #tpu.memory_space<vmem>>
      %swap3A_225 = tpu.memref_squeeze %swap3A_224 : memref<1x128x128xf32, #tpu.memory_space<vmem>> -> memref<128x128xf32, #tpu.memory_space<vmem>>
      %swap3A_226 = arith.index_cast %scan3A_204 : i32 to index
      %swap3A_227 = arith.constant 32 : index
      %swap3A_228 = tpu.vector_load %swap3A_225[%swap3A_226, %swap3A_227] {strides = array<i32>} : memref<128x128xf32, #tpu.memory_space<vmem>>, vector<1x16xf32>,
      %swap3A_229 = vector.shape_cast %swap3A_228 : vector<1x16xf32> to vector<16xf32>
      %swap3A_230 = vector.shape_cast %broadcast_in_dim3A_17 : vector<16xf32> to vector<1x16xf32>
      tpu.vector_store %swap3A_225[%swap3A_226, %swap3A_227], %swap3A_230 {strides = array<i32>} : memref<128x128xf32, #tpu.memory_space<vmem>>, vector<1x16xf32>,
      %swap3A_231 = arith.constant 0 : i32
      %swap3A_232 = arith.constant 0 : i32
      %swap3A_233 = tpu.memref_slice %arg9[%scan3A_18, %swap3A_231, %swap3A_232] : memref<2x128x128xf32, #tpu.memory_space<vmem>> -> memref<1x128x128xf32, #tpu.memory_space<vmem>>
      %swap3A_234 = tpu.memref_squeeze %swap3A_233 : memref<1x128x128xf32, #tpu.memory_space<vmem>> -> memref<128x128xf32, #tpu.memory_space<vmem>>
      %swap3A_235 = arith.index_cast %scan3A_204 : i32 to index
      %swap3A_236 = arith.constant 48 : index
      %swap3A_237 = tpu.vector_load %swap3A_234[%swap3A_235, %swap3A_236] {strides = array<i32>} : memref<128x128xf32, #tpu.memory_space<vmem>>, vector<1x16xf32>,
      %swap3A_238 = vector.shape_cast %swap3A_237 : vector<1x16xf32> to vector<16xf32>
      %swap3A_239 = vector.shape_cast %broadcast_in_dim3A_17 : vector<16xf32> to vector<1x16xf32>
      tpu.vector_store %swap3A_234[%swap3A_235, %swap3A_236], %swap3A_239 {strides = array<i32>} : memref<128x128xf32, #tpu.memory_space<vmem>>, vector<1x16xf32>,
      %swap3A_240 = arith.constant 0 : i32
      %swap3A_241 = arith.constant 0 : i32
      %swap3A_242 = tpu.memref_slice %arg9[%scan3A_18, %swap3A_240, %swap3A_241] : memref<2x128x128xf32, #tpu.memory_space<vmem>> -> memref<1x128x128xf32, #tpu.memory_space<vmem>>
      %swap3A_243 = tpu.memref_squeeze %swap3A_242 : memref<1x128x128xf32, #tpu.memory_space<vmem>> -> memref<128x128xf32, #tpu.memory_space<vmem>>
      %swap3A_244 = arith.index_cast %scan3A_204 : i32 to index
      %swap3A_245 = arith.constant 64 : index
      %swap3A_246 = tpu.vector_load %swap3A_243[%swap3A_244, %swap3A_245] {strides = array<i32>} : memref<128x128xf32, #tpu.memory_space<vmem>>, vector<1x16xf32>,
      %swap3A_247 = vector.shape_cast %swap3A_246 : vector<1x16xf32> to vector<16xf32>
      %swap3A_248 = vector.shape_cast %broadcast_in_dim3A_17 : vector<16xf32> to vector<1x16xf32>
      tpu.vector_store %swap3A_243[%swap3A_244, %swap3A_245], %swap3A_248 {strides = array<i32>} : memref<128x128xf32, #tpu.memory_space<vmem>>, vector<1x16xf32>,
      %swap3A_249 = arith.constant 0 : i32
      %swap3A_250 = arith.constant 0 : i32
      %swap3A_251 = tpu.memref_slice %arg9[%scan3A_18, %swap3A_249, %swap3A_250] : memref<2x128x128xf32, #tpu.memory_space<vmem>> -> memref<1x128x128xf32, #tpu.memory_space<vmem>>
      %swap3A_252 = tpu.memref_squeeze %swap3A_251 : memref<1x128x128xf32, #tpu.memory_space<vmem>> -> memref<128x128xf32, #tpu.memory_space<vmem>>
      %swap3A_253 = arith.index_cast %scan3A_204 : i32 to index
      %swap3A_254 = arith.constant 80 : index
      %swap3A_255 = tpu.vector_load %swap3A_252[%swap3A_253, %swap3A_254] {strides = array<i32>} : memref<128x128xf32, #tpu.memory_space<vmem>>, vector<1x16xf32>,
      %swap3A_256 = vector.shape_cast %swap3A_255 : vector<1x16xf32> to vector<16xf32>
      %swap3A_257 = vector.shape_cast %broadcast_in_dim3A_17 : vector<16xf32> to vector<1x16xf32>
      tpu.vector_store %swap3A_252[%swap3A_253, %swap3A_254], %swap3A_257 {strides = array<i32>} : memref<128x128xf32, #tpu.memory_space<vmem>>, vector<1x16xf32>,
      %swap3A_258 = arith.constant 0 : i32
      %swap3A_259 = arith.constant 0 : i32
      %swap3A_260 = tpu.memref_slice %arg9[%scan3A_18, %swap3A_258, %swap3A_259] : memref<2x128x128xf32, #tpu.memory_space<vmem>> -> memref<1x128x128xf32, #tpu.memory_space<vmem>>
      %swap3A_261 = tpu.memref_squeeze %swap3A_260 : memref<1x128x128xf32, #tpu.memory_space<vmem>> -> memref<128x128xf32, #tpu.memory_space<vmem>>
      %swap3A_262 = arith.index_cast %scan3A_204 : i32 to index
      %swap3A_263 = arith.constant 96 : index
      %swap3A_264 = tpu.vector_load %swap3A_261[%swap3A_262, %swap3A_263] {strides = array<i32>} : memref<128x128xf32, #tpu.memory_space<vmem>>, vector<1x16xf32>,
      %swap3A_265 = vector.shape_cast %swap3A_264 : vector<1x16xf32> to vector<16xf32>
      %swap3A_266 = vector.shape_cast %broadcast_in_dim3A_17 : vector<16xf32> to vector<1x16xf32>
      tpu.vector_store %swap3A_261[%swap3A_262, %swap3A_263], %swap3A_266 {strides = array<i32>} : memref<128x128xf32, #tpu.memory_space<vmem>>, vector<1x16xf32>,
      %swap3A_267 = arith.constant 0 : i32
      %swap3A_268 = arith.constant 0 : i32
      %swap3A_269 = tpu.memref_slice %arg9[%scan3A_18, %swap3A_267, %swap3A_268] : memref<2x128x128xf32, #tpu.memory_space<vmem>> -> memref<1x128x128xf32, #tpu.memory_space<vmem>>
      %swap3A_270 = tpu.memref_squeeze %swap3A_269 : memref<1x128x128xf32, #tpu.memory_space<vmem>> -> memref<128x128xf32, #tpu.memory_space<vmem>>
      %swap3A_271 = arith.index_cast %scan3A_204 : i32 to index
      %swap3A_272 = arith.constant 112 : index
      %swap3A_273 = tpu.vector_load %swap3A_270[%swap3A_271, %swap3A_272] {strides = array<i32>} : memref<128x128xf32, #tpu.memory_space<vmem>>, vector<1x16xf32>,
      %swap3A_274 = vector.shape_cast %swap3A_273 : vector<1x16xf32> to vector<16xf32>
      %swap3A_275 = vector.shape_cast %broadcast_in_dim3A_17 : vector<16xf32> to vector<1x16xf32>
      tpu.vector_store %swap3A_270[%swap3A_271, %swap3A_272], %swap3A_275 {strides = array<i32>} : memref<128x128xf32, #tpu.memory_space<vmem>>, vector<1x16xf32>,
    }
    %scan3A_23 = arith.constant 128 : i32
    %add3A_24 = arith.constant 0 : i32
    %add3A_25 = arith.addi %mul3A_16, %add3A_24 : i32
    %run_scoped3A_26 = arith.constant 0 : i32
    "tpu.region"() ({
      %run_scoped3A_204 = tpu.sem_alloc : memref<!tpu.dma_semaphore, #tpu.memory_space<semaphore_mem>>
      %dma_start3A_205 = arith.constant 0 : i32
      %dma_start3A_206 = arith.constant 0 : i32
      %dma_start3A_207 = tpu.memref_slice %arg9[%run_scoped3A_26, %dma_start3A_205, %dma_start3A_206] : memref<2x128x128xf32, #tpu.memory_space<vmem>> -> memref<1x128x128xf32, #tpu.memory_space<vmem>>
      %dma_start3A_208 = tpu.memref_squeeze %dma_start3A_207 : memref<1x128x128xf32, #tpu.memory_space<vmem>> -> memref<128x128xf32, #tpu.memory_space<vmem>>
      %dma_start3A_209 = arith.constant 0 : i32
      %dma_start3A_210 = tpu.memref_slice %arg10[%add3A_25, %dma_start3A_209] : memref<10112x128xf32, #tpu.memory_space<vmem_shared>> -> memref<128x128xf32, #tpu.memory_space<vmem_shared>>
      %dma_start3A_211 = arith.constant 0 : i32
      %dma_start3A_212 = tpu.memref_slice %arg10[%add3A_25, %dma_start3A_211] : memref<10112x128xf32, #tpu.memory_space<vmem_shared>> -> memref<128x128xf32, #tpu.memory_space<vmem_shared>>
      %dma_start3A_213 = arith.constant 0 : i32
      %dma_start3A_214 = arith.constant 0 : i32
      %dma_start3A_215 = tpu.memref_slice %arg9[%run_scoped3A_26, %dma_start3A_213, %dma_start3A_214] : memref<2x128x128xf32, #tpu.memory_space<vmem>> -> memref<1x128x128xf32, #tpu.memory_space<vmem>>
      %dma_start3A_216 = tpu.memref_squeeze %dma_start3A_215 : memref<1x128x128xf32, #tpu.memory_space<vmem>> -> memref<128x128xf32, #tpu.memory_space<vmem>>
      tpu.enqueue_dma source(%dma_start3A_216 : memref<128x128xf32, #tpu.memory_space<vmem>>) target(%dma_start3A_212 : memref<128x128xf32, #tpu.memory_space<vmem_shared>>) target_semaphore(%run_scoped3A_204 : memref<!tpu.dma_semaphore, #tpu.memory_space<semaphore_mem>>)
      %dma_wait3A_217 = arith.constant 0 : i32
      %dma_wait3A_218 = arith.constant 0 : i32
      %dma_wait3A_219 = tpu.memref_slice %arg9[%run_scoped3A_26, %dma_wait3A_217, %dma_wait3A_218] : memref<2x128x128xf32, #tpu.memory_space<vmem>> -> memref<1x128x128xf32, #tpu.memory_space<vmem>>
      %dma_wait3A_220 = tpu.memref_squeeze %dma_wait3A_219 : memref<1x128x128xf32, #tpu.memory_space<vmem>> -> memref<128x128xf32, #tpu.memory_space<vmem>>
      %dma_wait3A_221 = arith.constant 0 : i32
      %dma_wait3A_222 = tpu.memref_slice %arg10[%add3A_25, %dma_wait3A_221] : memref<10112x128xf32, #tpu.memory_space<vmem_shared>> -> memref<128x128xf32, #tpu.memory_space<vmem_shared>>
      %dma_wait3A_223 = arith.constant 0 : i32
      %dma_wait3A_224 = tpu.memref_slice %arg10[%add3A_25, %dma_wait3A_223] : memref<10112x128xf32, #tpu.memory_space<vmem_shared>> -> memref<128x128xf32, #tpu.memory_space<vmem_shared>>
      %dma_wait3A_225 = arith.constant 0 : i32
      %dma_wait3A_226 = arith.constant 0 : i32
      %dma_wait3A_227 = tpu.memref_slice %arg9[%run_scoped3A_26, %dma_wait3A_225, %dma_wait3A_226] : memref<2x128x128xf32, #tpu.memory_space<vmem>> -> memref<1x128x128xf32, #tpu.memory_space<vmem>>
      %dma_wait3A_228 = tpu.memref_squeeze %dma_wait3A_227 : memref<1x128x128xf32, #tpu.memory_space<vmem>> -> memref<128x128xf32, #tpu.memory_space<vmem>>
      tpu.wait_dma2 semaphore(%run_scoped3A_204 : memref<!tpu.dma_semaphore, #tpu.memory_space<semaphore_mem>>) src(%dma_wait3A_228 : memref<128x128xf32, #tpu.memory_space<vmem>>) dst(%dma_wait3A_224 : memref<128x128xf32, #tpu.memory_space<vmem_shared>>)
      tpu.yield
    }) : () -> ()
    %add3A_27 = arith.constant 128 : i32
    %add3A_28 = arith.addi %mul3A_16, %add3A_27 : i32
    %run_scoped3A_29 = arith.constant 0 : i32
    "tpu.region"() ({
      %run_scoped3A_204 = tpu.sem_alloc : memref<!tpu.dma_semaphore, #tpu.memory_space<semaphore_mem>>
      %dma_start3A_205 = arith.constant 0 : i32
      %dma_start3A_206 = arith.constant 0 : i32
      %dma_start3A_207 = tpu.memref_slice %arg9[%run_scoped3A_29, %dma_start3A_205, %dma_start3A_206] : memref<2x128x128xf32, #tpu.memory_space<vmem>> -> memref<1x128x128xf32, #tpu.memory_space<vmem>>
      %dma_start3A_208 = tpu.memref_squeeze %dma_start3A_207 : memref<1x128x128xf32, #tpu.memory_space<vmem>> -> memref<128x128xf32, #tpu.memory_space<vmem>>
      %dma_start3A_209 = arith.constant 0 : i32
      %dma_start3A_210 = tpu.memref_slice %arg10[%add3A_28, %dma_start3A_209] : memref<10112x128xf32, #tpu.memory_space<vmem_shared>> -> memref<128x128xf32, #tpu.memory_space<vmem_shared>>
      %dma_start3A_211 = arith.constant 0 : i32
      %dma_start3A_212 = tpu.memref_slice %arg10[%add3A_28, %dma_start3A_211] : memref<10112x128xf32, #tpu.memory_space<vmem_shared>> -> memref<128x128xf32, #tpu.memory_space<vmem_shared>>
      %dma_start3A_213 = arith.constant 0 : i32
      %dma_start3A_214 = arith.constant 0 : i32
      %dma_start3A_215 = tpu.memref_slice %arg9[%run_scoped3A_29, %dma_start3A_213, %dma_start3A_214] : memref<2x128x128xf32, #tpu.memory_space<vmem>> -> memref<1x128x128xf32, #tpu.memory_space<vmem>>
      %dma_start3A_216 = tpu.memref_squeeze %dma_start3A_215 : memref<1x128x128xf32, #tpu.memory_space<vmem>> -> memref<128x128xf32, #tpu.memory_space<vmem>>
      tpu.enqueue_dma source(%dma_start3A_216 : memref<128x128xf32, #tpu.memory_space<vmem>>) target(%dma_start3A_212 : memref<128x128xf32, #tpu.memory_space<vmem_shared>>) target_semaphore(%run_scoped3A_204 : memref<!tpu.dma_semaphore, #tpu.memory_space<semaphore_mem>>)
      %dma_wait3A_217 = arith.constant 0 : i32
      %dma_wait3A_218 = arith.constant 0 : i32
      %dma_wait3A_219 = tpu.memref_slice %arg9[%run_scoped3A_29, %dma_wait3A_217, %dma_wait3A_218] : memref<2x128x128xf32, #tpu.memory_space<vmem>> -> memref<1x128x128xf32, #tpu.memory_space<vmem>>
      %dma_wait3A_220 = tpu.memref_squeeze %dma_wait3A_219 : memref<1x128x128xf32, #tpu.memory_space<vmem>> -> memref<128x128xf32, #tpu.memory_space<vmem>>
      %dma_wait3A_221 = arith.constant 0 : i32
      %dma_wait3A_222 = tpu.memref_slice %arg10[%add3A_28, %dma_wait3A_221] : memref<10112x128xf32, #tpu.memory_space<vmem_shared>> -> memref<128x128xf32, #tpu.memory_space<vmem_shared>>
      %dma_wait3A_223 = arith.constant 0 : i32
      %dma_wait3A_224 = tpu.memref_slice %arg10[%add3A_28, %dma_wait3A_223] : memref<10112x128xf32, #tpu.memory_space<vmem_shared>> -> memref<128x128xf32, #tpu.memory_space<vmem_shared>>
      %dma_wait3A_225 = arith.constant 0 : i32
      %dma_wait3A_226 = arith.constant 0 : i32
      %dma_wait3A_227 = tpu.memref_slice %arg9[%run_scoped3A_29, %dma_wait3A_225, %dma_wait3A_226] : memref<2x128x128xf32, #tpu.memory_space<vmem>> -> memref<1x128x128xf32, #tpu.memory_space<vmem>>
      %dma_wait3A_228 = tpu.memref_squeeze %dma_wait3A_227 : memref<1x128x128xf32, #tpu.memory_space<vmem>> -> memref<128x128xf32, #tpu.memory_space<vmem>>
      tpu.wait_dma2 semaphore(%run_scoped3A_204 : memref<!tpu.dma_semaphore, #tpu.memory_space<semaphore_mem>>) src(%dma_wait3A_228 : memref<128x128xf32, #tpu.memory_space<vmem>>) dst(%dma_wait3A_224 : memref<128x128xf32, #tpu.memory_space<vmem_shared>>)
      tpu.yield
    }) : () -> ()
    %add3A_30 = arith.constant 256 : i32
    %add3A_31 = arith.addi %mul3A_16, %add3A_30 : i32
    %run_scoped3A_32 = arith.constant 0 : i32
    "tpu.region"() ({
      %run_scoped3A_204 = tpu.sem_alloc : memref<!tpu.dma_semaphore, #tpu.memory_space<semaphore_mem>>
      %dma_start3A_205 = arith.constant 0 : i32
      %dma_start3A_206 = arith.constant 0 : i32
      %dma_start3A_207 = tpu.memref_slice %arg9[%run_scoped3A_32, %dma_start3A_205, %dma_start3A_206] : memref<2x128x128xf32, #tpu.memory_space<vmem>> -> memref<1x128x128xf32, #tpu.memory_space<vmem>>
      %dma_start3A_208 = tpu.memref_squeeze %dma_start3A_207 : memref<1x128x128xf32, #tpu.memory_space<vmem>> -> memref<128x128xf32, #tpu.memory_space<vmem>>
      %dma_start3A_209 = arith.constant 0 : i32
      %dma_start3A_210 = tpu.memref_slice %arg10[%add3A_31, %dma_start3A_209] : memref<10112x128xf32, #tpu.memory_space<vmem_shared>> -> memref<128x128xf32, #tpu.memory_space<vmem_shared>>
      %dma_start3A_211 = arith.constant 0 : i32
      %dma_start3A_212 = tpu.memref_slice %arg10[%add3A_31, %dma_start3A_211] : memref<10112x128xf32, #tpu.memory_space<vmem_shared>> -> memref<128x128xf32, #tpu.memory_space<vmem_shared>>
      %dma_start3A_213 = arith.constant 0 : i32
      %dma_start3A_214 = arith.constant 0 : i32
      %dma_start3A_215 = tpu.memref_slice %arg9[%run_scoped3A_32, %dma_start3A_213, %dma_start3A_214] : memref<2x128x128xf32, #tpu.memory_space<vmem>> -> memref<1x128x128xf32, #tpu.memory_space<vmem>>
      %dma_start3A_216 = tpu.memref_squeeze %dma_start3A_215 : memref<1x128x128xf32, #tpu.memory_space<vmem>> -> memref<128x128xf32, #tpu.memory_space<vmem>>
      tpu.enqueue_dma source(%dma_start3A_216 : memref<128x128xf32, #tpu.memory_space<vmem>>) target(%dma_start3A_212 : memref<128x128xf32, #tpu.memory_space<vmem_shared>>) target_semaphore(%run_scoped3A_204 : memref<!tpu.dma_semaphore, #tpu.memory_space<semaphore_mem>>)
      %dma_wait3A_217 = arith.constant 0 : i32
      %dma_wait3A_218 = arith.constant 0 : i32
      %dma_wait3A_219 = tpu.memref_slice %arg9[%run_scoped3A_32, %dma_wait3A_217, %dma_wait3A_218] : memref<2x128x128xf32, #tpu.memory_space<vmem>> -> memref<1x128x128xf32, #tpu.memory_space<vmem>>
      %dma_wait3A_220 = tpu.memref_squeeze %dma_wait3A_219 : memref<1x128x128xf32, #tpu.memory_space<vmem>> -> memref<128x128xf32, #tpu.memory_space<vmem>>
      %dma_wait3A_221 = arith.constant 0 : i32
      %dma_wait3A_222 = tpu.memref_slice %arg10[%add3A_31, %dma_wait3A_221] : memref<10112x128xf32, #tpu.memory_space<vmem_shared>> -> memref<128x128xf32, #tpu.memory_space<vmem_shared>>
      %dma_wait3A_223 = arith.constant 0 : i32
      %dma_wait3A_224 = tpu.memref_slice %arg10[%add3A_31, %dma_wait3A_223] : memref<10112x128xf32, #tpu.memory_space<vmem_shared>> -> memref<128x128xf32, #tpu.memory_space<vmem_shared>>
      %dma_wait3A_225 = arith.constant 0 : i32
      %dma_wait3A_226 = arith.constant 0 : i32
      %dma_wait3A_227 = tpu.memref_slice %arg9[%run_scoped3A_32, %dma_wait3A_225, %dma_wait3A_226] : memref<2x128x128xf32, #tpu.memory_space<vmem>> -> memref<1x128x128xf32, #tpu.memory_space<vmem>>
      %dma_wait3A_228 = tpu.memref_squeeze %dma_wait3A_227 : memref<1x128x128xf32, #tpu.memory_space<vmem>> -> memref<128x128xf32, #tpu.memory_space<vmem>>
      tpu.wait_dma2 semaphore(%run_scoped3A_204 : memref<!tpu.dma_semaphore, #tpu.memory_space<semaphore_mem>>) src(%dma_wait3A_228 : memref<128x128xf32, #tpu.memory_space<vmem>>) dst(%dma_wait3A_224 : memref<128x128xf32, #tpu.memory_space<vmem_shared>>)
      tpu.yield
    }) : () -> ()
    %add3A_33 = arith.constant 384 : i32
    %add3A_34 = arith.addi %mul3A_16, %add3A_33 : i32
    %run_scoped3A_35 = arith.constant 0 : i32
    "tpu.region"() ({
      %run_scoped3A_204 = tpu.sem_alloc : memref<!tpu.dma_semaphore, #tpu.memory_space<semaphore_mem>>
      %dma_start3A_205 = arith.constant 0 : i32
      %dma_start3A_206 = arith.constant 0 : i32
      %dma_start3A_207 = tpu.memref_slice %arg9[%run_scoped3A_35, %dma_start3A_205, %dma_start3A_206] : memref<2x128x128xf32, #tpu.memory_space<vmem>> -> memref<1x128x128xf32, #tpu.memory_space<vmem>>
      %dma_start3A_208 = tpu.memref_squeeze %dma_start3A_207 : memref<1x128x128xf32, #tpu.memory_space<vmem>> -> memref<128x128xf32, #tpu.memory_space<vmem>>
      %dma_start3A_209 = arith.constant 0 : i32
      %dma_start3A_210 = tpu.memref_slice %arg10[%add3A_34, %dma_start3A_209] : memref<10112x128xf32, #tpu.memory_space<vmem_shared>> -> memref<128x128xf32, #tpu.memory_space<vmem_shared>>
      %dma_start3A_211 = arith.constant 0 : i32
      %dma_start3A_212 = tpu.memref_slice %arg10[%add3A_34, %dma_start3A_211] : memref<10112x128xf32, #tpu.memory_space<vmem_shared>> -> memref<128x128xf32, #tpu.memory_space<vmem_shared>>
      %dma_start3A_213 = arith.constant 0 : i32
      %dma_start3A_214 = arith.constant 0 : i32
      %dma_start3A_215 = tpu.memref_slice %arg9[%run_scoped3A_35, %dma_start3A_213, %dma_start3A_214] : memref<2x128x128xf32, #tpu.memory_space<vmem>> -> memref<1x128x128xf32, #tpu.memory_space<vmem>>
      %dma_start3A_216 = tpu.memref_squeeze %dma_start3A_215 : memref<1x128x128xf32, #tpu.memory_space<vmem>> -> memref<128x128xf32, #tpu.memory_space<vmem>>
      tpu.enqueue_dma source(%dma_start3A_216 : memref<128x128xf32, #tpu.memory_space<vmem>>) target(%dma_start3A_212 : memref<128x128xf32, #tpu.memory_space<vmem_shared>>) target_semaphore(%run_scoped3A_204 : memref<!tpu.dma_semaphore, #tpu.memory_space<semaphore_mem>>)
      %dma_wait3A_217 = arith.constant 0 : i32
      %dma_wait3A_218 = arith.constant 0 : i32
      %dma_wait3A_219 = tpu.memref_slice %arg9[%run_scoped3A_35, %dma_wait3A_217, %dma_wait3A_218] : memref<2x128x128xf32, #tpu.memory_space<vmem>> -> memref<1x128x128xf32, #tpu.memory_space<vmem>>
      %dma_wait3A_220 = tpu.memref_squeeze %dma_wait3A_219 : memref<1x128x128xf32, #tpu.memory_space<vmem>> -> memref<128x128xf32, #tpu.memory_space<vmem>>
      %dma_wait3A_221 = arith.constant 0 : i32
      %dma_wait3A_222 = tpu.memref_slice %arg10[%add3A_34, %dma_wait3A_221] : memref<10112x128xf32, #tpu.memory_space<vmem_shared>> -> memref<128x128xf32, #tpu.memory_space<vmem_shared>>
      %dma_wait3A_223 = arith.constant 0 : i32
      %dma_wait3A_224 = tpu.memref_slice %arg10[%add3A_34, %dma_wait3A_223] : memref<10112x128xf32, #tpu.memory_space<vmem_shared>> -> memref<128x128xf32, #tpu.memory_space<vmem_shared>>
      %dma_wait3A_225 = arith.constant 0 : i32
      %dma_wait3A_226 = arith.constant 0 : i32
      %dma_wait3A_227 = tpu.memref_slice %arg9[%run_scoped3A_35, %dma_wait3A_225, %dma_wait3A_226] : memref<2x128x128xf32, #tpu.memory_space<vmem>> -> memref<1x128x128xf32, #tpu.memory_space<vmem>>
      %dma_wait3A_228 = tpu.memref_squeeze %dma_wait3A_227 : memref<1x128x128xf32, #tpu.memory_space<vmem>> -> memref<128x128xf32, #tpu.memory_space<vmem>>
      tpu.wait_dma2 semaphore(%run_scoped3A_204 : memref<!tpu.dma_semaphore, #tpu.memory_space<semaphore_mem>>) src(%dma_wait3A_228 : memref<128x128xf32, #tpu.memory_space<vmem>>) dst(%dma_wait3A_224 : memref<128x128xf32, #tpu.memory_space<vmem_shared>>)
      tpu.yield
    }) : () -> ()
    %add3A_36 = arith.constant 512 : i32
    %add3A_37 = arith.addi %mul3A_16, %add3A_36 : i32
    %run_scoped3A_38 = arith.constant 0 : i32
    "tpu.region"() ({
      %run_scoped3A_204 = tpu.sem_alloc : memref<!tpu.dma_semaphore, #tpu.memory_space<semaphore_mem>>
      %dma_start3A_205 = arith.constant 0 : i32
      %dma_start3A_206 = arith.constant 0 : i32
      %dma_start3A_207 = tpu.memref_slice %arg9[%run_scoped3A_38, %dma_start3A_205, %dma_start3A_206] : memref<2x128x128xf32, #tpu.memory_space<vmem>> -> memref<1x128x128xf32, #tpu.memory_space<vmem>>
      %dma_start3A_208 = tpu.memref_squeeze %dma_start3A_207 : memref<1x128x128xf32, #tpu.memory_space<vmem>> -> memref<128x128xf32, #tpu.memory_space<vmem>>
      %dma_start3A_209 = arith.constant 0 : i32
      %dma_start3A_210 = arith.constant 0 : i32
      %dma_start3A_211 = tpu.memref_slice %dma_start3A_208[%dma_start3A_209, %dma_start3A_210] : memref<128x128xf32, #tpu.memory_space<vmem>> -> memref<120x128xf32, #tpu.memory_space<vmem>>
      %dma_start3A_212 = arith.constant 0 : i32
      %dma_start3A_213 = tpu.memref_slice %arg10[%add3A_37, %dma_start3A_212] : memref<10112x128xf32, #tpu.memory_space<vmem_shared>> -> memref<120x128xf32, #tpu.memory_space<vmem_shared>>
      %dma_start3A_214 = arith.constant 0 : i32
      %dma_start3A_215 = tpu.memref_slice %arg10[%add3A_37, %dma_start3A_214] : memref<10112x128xf32, #tpu.memory_space<vmem_shared>> -> memref<120x128xf32, #tpu.memory_space<vmem_shared>>
      %dma_start3A_216 = arith.constant 0 : i32
      %dma_start3A_217 = arith.constant 0 : i32
      %dma_start3A_218 = tpu.memref_slice %arg9[%run_scoped3A_38, %dma_start3A_216, %dma_start3A_217] : memref<2x128x128xf32, #tpu.memory_space<vmem>> -> memref<1x128x128xf32, #tpu.memory_space<vmem>>
      %dma_start3A_219 = tpu.memref_squeeze %dma_start3A_218 : memref<1x128x128xf32, #tpu.memory_space<vmem>> -> memref<128x128xf32, #tpu.memory_space<vmem>>
      %dma_start3A_220 = arith.constant 0 : i32
      %dma_start3A_221 = arith.constant 0 : i32
      %dma_start3A_222 = tpu.memref_slice %dma_start3A_219[%dma_start3A_220, %dma_start3A_221] : memref<128x128xf32, #tpu.memory_space<vmem>> -> memref<120x128xf32, #tpu.memory_space<vmem>>
      tpu.enqueue_dma source(%dma_start3A_222 : memref<120x128xf32, #tpu.memory_space<vmem>>) target(%dma_start3A_215 : memref<120x128xf32, #tpu.memory_space<vmem_shared>>) target_semaphore(%run_scoped3A_204 : memref<!tpu.dma_semaphore, #tpu.memory_space<semaphore_mem>>)
      %dma_wait3A_223 = arith.constant 0 : i32
      %dma_wait3A_224 = arith.constant 0 : i32
      %dma_wait3A_225 = tpu.memref_slice %arg9[%run_scoped3A_38, %dma_wait3A_223, %dma_wait3A_224] : memref<2x128x128xf32, #tpu.memory_space<vmem>> -> memref<1x128x128xf32, #tpu.memory_space<vmem>>
      %dma_wait3A_226 = tpu.memref_squeeze %dma_wait3A_225 : memref<1x128x128xf32, #tpu.memory_space<vmem>> -> memref<128x128xf32, #tpu.memory_space<vmem>>
      %dma_wait3A_227 = arith.constant 0 : i32
      %dma_wait3A_228 = arith.constant 0 : i32
      %dma_wait3A_229 = tpu.memref_slice %dma_wait3A_226[%dma_wait3A_227, %dma_wait3A_228] : memref<128x128xf32, #tpu.memory_space<vmem>> -> memref<120x128xf32, #tpu.memory_space<vmem>>
      %dma_wait3A_230 = arith.constant 0 : i32
      %dma_wait3A_231 = tpu.memref_slice %arg10[%add3A_37, %dma_wait3A_230] : memref<10112x128xf32, #tpu.memory_space<vmem_shared>> -> memref<120x128xf32, #tpu.memory_space<vmem_shared>>
      %dma_wait3A_232 = arith.constant 0 : i32
      %dma_wait3A_233 = tpu.memref_slice %arg10[%add3A_37, %dma_wait3A_232] : memref<10112x128xf32, #tpu.memory_space<vmem_shared>> -> memref<120x128xf32, #tpu.memory_space<vmem_shared>>
      %dma_wait3A_234 = arith.constant 0 : i32
      %dma_wait3A_235 = arith.constant 0 : i32
      %dma_wait3A_236 = tpu.memref_slice %arg9[%run_scoped3A_38, %dma_wait3A_234, %dma_wait3A_235] : memref<2x128x128xf32, #tpu.memory_space<vmem>> -> memref<1x128x128xf32, #tpu.memory_space<vmem>>
      %dma_wait3A_237 = tpu.memref_squeeze %dma_wait3A_236 : memref<1x128x128xf32, #tpu.memory_space<vmem>> -> memref<128x128xf32, #tpu.memory_space<vmem>>
      %dma_wait3A_238 = arith.constant 0 : i32
      %dma_wait3A_239 = arith.constant 0 : i32
      %dma_wait3A_240 = tpu.memref_slice %dma_wait3A_237[%dma_wait3A_238, %dma_wait3A_239] : memref<128x128xf32, #tpu.memory_space<vmem>> -> memref<120x128xf32, #tpu.memory_space<vmem>>
      tpu.wait_dma2 semaphore(%run_scoped3A_204 : memref<!tpu.dma_semaphore, #tpu.memory_space<semaphore_mem>>) src(%dma_wait3A_240 : memref<120x128xf32, #tpu.memory_space<vmem>>) dst(%dma_wait3A_233 : memref<120x128xf32, #tpu.memory_space<vmem_shared>>)
      tpu.yield
    }) : () -> ()
    %add3A_39 = arith.constant 0 : i32
    %add3A_40 = arith.addi %mul3A_14, %add3A_39 : i32
    %multiple_of3A = tpu.assume_multiple %add3A_40, 128 : i32
    %dma_start3A = arith.constant 0 : i32
    %dma_start3A_41 = arith.constant 0 : i32
    %dma_start3A_42 = tpu.memref_slice %arg7[%dma_start3A, %dma_start3A_41] : memref<4x128xi32, #tpu.memory_space<vmem>> -> memref<1x128xi32, #tpu.memory_space<vmem>>
    %dma_start3A_43 = tpu.memref_squeeze %dma_start3A_42 : memref<1x128xi32, #tpu.memory_space<vmem>> -> memref<128xi32, #tpu.memory_space<vmem>>
    %dma_start3A_44 = tpu.memref_slice %arg3[%multiple_of3A] : memref<320000xi32, #tpu.memory_space<hbm>> -> memref<128xi32, #tpu.memory_space<hbm>>
    %dma_start3A_45 = arith.constant 0 : i32
    %dma_start3A_46 = tpu.memref_slice %arg7[%dma_start3A, %dma_start3A_45] : memref<4x128xi32, #tpu.memory_space<vmem>> -> memref<1x128xi32, #tpu.memory_space<vmem>>
    %dma_start3A_47 = tpu.memref_squeeze %dma_start3A_46 : memref<1x128xi32, #tpu.memory_space<vmem>> -> memref<128xi32, #tpu.memory_space<vmem>>
    %dma_start3A_48 = tpu.memref_slice %arg3[%multiple_of3A] : memref<320000xi32, #tpu.memory_space<hbm>> -> memref<128xi32, #tpu.memory_space<hbm>>
    tpu.enqueue_dma source(%dma_start3A_48 : memref<128xi32, #tpu.memory_space<hbm>>) target(%dma_start3A_47 : memref<128xi32, #tpu.memory_space<vmem>>) target_semaphore(%arg11 : memref<!tpu.dma_semaphore, #tpu.memory_space<semaphore_mem>>)
    %add3A_49 = arith.constant 0 : i32
    %add3A_50 = arith.addi %mul3A_14, %add3A_49 : i32
    %multiple_of3A_51 = tpu.assume_multiple %add3A_50, 128 : i32
    %dma_start3A_52 = arith.constant 0 : i32
    %dma_start3A_53 = arith.constant 0 : i32
    %dma_start3A_54 = tpu.memref_slice %arg8[%dma_start3A_52, %dma_start3A_53] : memref<4x128xi32, #tpu.memory_space<vmem>> -> memref<1x128xi32, #tpu.memory_space<vmem>>
    %dma_start3A_55 = tpu.memref_squeeze %dma_start3A_54 : memref<1x128xi32, #tpu.memory_space<vmem>> -> memref<128xi32, #tpu.memory_space<vmem>>
    %dma_start3A_56 = tpu.memref_slice %arg4[%multiple_of3A_51] : memref<320000xi32, #tpu.memory_space<hbm>> -> memref<128xi32, #tpu.memory_space<hbm>>
    %dma_start3A_57 = arith.constant 0 : i32
    %dma_start3A_58 = tpu.memref_slice %arg8[%dma_start3A_52, %dma_start3A_57] : memref<4x128xi32, #tpu.memory_space<vmem>> -> memref<1x128xi32, #tpu.memory_space<vmem>>
    %dma_start3A_59 = tpu.memref_squeeze %dma_start3A_58 : memref<1x128xi32, #tpu.memory_space<vmem>> -> memref<128xi32, #tpu.memory_space<vmem>>
    %dma_start3A_60 = tpu.memref_slice %arg4[%multiple_of3A_51] : memref<320000xi32, #tpu.memory_space<hbm>> -> memref<128xi32, #tpu.memory_space<hbm>>
    tpu.enqueue_dma source(%dma_start3A_60 : memref<128xi32, #tpu.memory_space<hbm>>) target(%dma_start3A_59 : memref<128xi32, #tpu.memory_space<vmem>>) target_semaphore(%arg11 : memref<!tpu.dma_semaphore, #tpu.memory_space<semaphore_mem>>)
    %add3A_61 = arith.constant 128 : i32
    %add3A_62 = arith.addi %mul3A_14, %add3A_61 : i32
    %multiple_of3A_63 = tpu.assume_multiple %add3A_62, 128 : i32
    %dma_start3A_64 = arith.constant 1 : i32
    %dma_start3A_65 = arith.constant 0 : i32
    %dma_start3A_66 = tpu.memref_slice %arg7[%dma_start3A_64, %dma_start3A_65] : memref<4x128xi32, #tpu.memory_space<vmem>> -> memref<1x128xi32, #tpu.memory_space<vmem>>
    %dma_start3A_67 = tpu.memref_squeeze %dma_start3A_66 : memref<1x128xi32, #tpu.memory_space<vmem>> -> memref<128xi32, #tpu.memory_space<vmem>>
    %dma_start3A_68 = tpu.memref_slice %arg3[%multiple_of3A_63] : memref<320000xi32, #tpu.memory_space<hbm>> -> memref<128xi32, #tpu.memory_space<hbm>>
    %dma_start3A_69 = arith.constant 0 : i32
    %dma_start3A_70 = tpu.memref_slice %arg7[%dma_start3A_64, %dma_start3A_69] : memref<4x128xi32, #tpu.memory_space<vmem>> -> memref<1x128xi32, #tpu.memory_space<vmem>>
    %dma_start3A_71 = tpu.memref_squeeze %dma_start3A_70 : memref<1x128xi32, #tpu.memory_space<vmem>> -> memref<128xi32, #tpu.memory_space<vmem>>
    %dma_start3A_72 = tpu.memref_slice %arg3[%multiple_of3A_63] : memref<320000xi32, #tpu.memory_space<hbm>> -> memref<128xi32, #tpu.memory_space<hbm>>
    tpu.enqueue_dma source(%dma_start3A_72 : memref<128xi32, #tpu.memory_space<hbm>>) target(%dma_start3A_71 : memref<128xi32, #tpu.memory_space<vmem>>) target_semaphore(%arg11 : memref<!tpu.dma_semaphore, #tpu.memory_space<semaphore_mem>>)
    %add3A_73 = arith.constant 128 : i32
    %add3A_74 = arith.addi %mul3A_14, %add3A_73 : i32
    %multiple_of3A_75 = tpu.assume_multiple %add3A_74, 128 : i32
    %dma_start3A_76 = arith.constant 1 : i32
    %dma_start3A_77 = arith.constant 0 : i32
    %dma_start3A_78 = tpu.memref_slice %arg8[%dma_start3A_76, %dma_start3A_77] : memref<4x128xi32, #tpu.memory_space<vmem>> -> memref<1x128xi32, #tpu.memory_space<vmem>>
    %dma_start3A_79 = tpu.memref_squeeze %dma_start3A_78 : memref<1x128xi32, #tpu.memory_space<vmem>> -> memref<128xi32, #tpu.memory_space<vmem>>
    %dma_start3A_80 = tpu.memref_slice %arg4[%multiple_of3A_75] : memref<320000xi32, #tpu.memory_space<hbm>> -> memref<128xi32, #tpu.memory_space<hbm>>
    %dma_start3A_81 = arith.constant 0 : i32
    %dma_start3A_82 = tpu.memref_slice %arg8[%dma_start3A_76, %dma_start3A_81] : memref<4x128xi32, #tpu.memory_space<vmem>> -> memref<1x128xi32, #tpu.memory_space<vmem>>
    %dma_start3A_83 = tpu.memref_squeeze %dma_start3A_82 : memref<1x128xi32, #tpu.memory_space<vmem>> -> memref<128xi32, #tpu.memory_space<vmem>>
    %dma_start3A_84 = tpu.memref_slice %arg4[%multiple_of3A_75] : memref<320000xi32, #tpu.memory_space<hbm>> -> memref<128xi32, #tpu.memory_space<hbm>>
    tpu.enqueue_dma source(%dma_start3A_84 : memref<128xi32, #tpu.memory_space<hbm>>) target(%dma_start3A_83 : memref<128xi32, #tpu.memory_space<vmem>>) target_semaphore(%arg11 : memref<!tpu.dma_semaphore, #tpu.memory_space<semaphore_mem>>)
    %barrier3A = arith.constant 0 : index
    tpu.barrier barrier_id(%barrier3A)
    %add3A_85 = arith.constant 0 : i32
    %add3A_86 = arith.addi %mul3A_14, %add3A_85 : i32
    %multiple_of3A_87 = tpu.assume_multiple %add3A_86, 128 : i32
    %dma_wait3A = arith.constant 0 : i32
    %dma_wait3A_88 = arith.constant 0 : i32
    %dma_wait3A_89 = tpu.memref_slice %arg7[%dma_wait3A, %dma_wait3A_88] : memref<4x128xi32, #tpu.memory_space<vmem>> -> memref<1x128xi32, #tpu.memory_space<vmem>>
    %dma_wait3A_90 = tpu.memref_squeeze %dma_wait3A_89 : memref<1x128xi32, #tpu.memory_space<vmem>> -> memref<128xi32, #tpu.memory_space<vmem>>
    %dma_wait3A_91 = tpu.memref_slice %arg3[%multiple_of3A_87] : memref<320000xi32, #tpu.memory_space<hbm>> -> memref<128xi32, #tpu.memory_space<hbm>>
    %dma_wait3A_92 = arith.constant 0 : i32
    %dma_wait3A_93 = tpu.memref_slice %arg7[%dma_wait3A, %dma_wait3A_92] : memref<4x128xi32, #tpu.memory_space<vmem>> -> memref<1x128xi32, #tpu.memory_space<vmem>>
    %dma_wait3A_94 = tpu.memref_squeeze %dma_wait3A_93 : memref<1x128xi32, #tpu.memory_space<vmem>> -> memref<128xi32, #tpu.memory_space<vmem>>
    %dma_wait3A_95 = tpu.memref_slice %arg3[%multiple_of3A_87] : memref<320000xi32, #tpu.memory_space<hbm>> -> memref<128xi32, #tpu.memory_space<hbm>>
    tpu.wait_dma2 semaphore(%arg11 : memref<!tpu.dma_semaphore, #tpu.memory_space<semaphore_mem>>) src(%dma_wait3A_95 : memref<128xi32, #tpu.memory_space<hbm>>) dst(%dma_wait3A_94 : memref<128xi32, #tpu.memory_space<vmem>>)
    %add3A_96 = arith.constant 0 : i32
    %add3A_97 = arith.addi %mul3A_14, %add3A_96 : i32
    %multiple_of3A_98 = tpu.assume_multiple %add3A_97, 128 : i32
    %dma_wait3A_99 = arith.constant 0 : i32
    %dma_wait3A_100 = arith.constant 0 : i32
    %dma_wait3A_101 = tpu.memref_slice %arg8[%dma_wait3A_99, %dma_wait3A_100] : memref<4x128xi32, #tpu.memory_space<vmem>> -> memref<1x128xi32, #tpu.memory_space<vmem>>
    %dma_wait3A_102 = tpu.memref_squeeze %dma_wait3A_101 : memref<1x128xi32, #tpu.memory_space<vmem>> -> memref<128xi32, #tpu.memory_space<vmem>>
    %dma_wait3A_103 = tpu.memref_slice %arg4[%multiple_of3A_98] : memref<320000xi32, #tpu.memory_space<hbm>> -> memref<128xi32, #tpu.memory_space<hbm>>
    %dma_wait3A_104 = arith.constant 0 : i32
    %dma_wait3A_105 = tpu.memref_slice %arg8[%dma_wait3A_99, %dma_wait3A_104] : memref<4x128xi32, #tpu.memory_space<vmem>> -> memref<1x128xi32, #tpu.memory_space<vmem>>
    %dma_wait3A_106 = tpu.memref_squeeze %dma_wait3A_105 : memref<1x128xi32, #tpu.memory_space<vmem>> -> memref<128xi32, #tpu.memory_space<vmem>>
    %dma_wait3A_107 = tpu.memref_slice %arg4[%multiple_of3A_98] : memref<320000xi32, #tpu.memory_space<hbm>> -> memref<128xi32, #tpu.memory_space<hbm>>
    tpu.wait_dma2 semaphore(%arg11 : memref<!tpu.dma_semaphore, #tpu.memory_space<semaphore_mem>>) src(%dma_wait3A_107 : memref<128xi32, #tpu.memory_space<hbm>>) dst(%dma_wait3A_106 : memref<128xi32, #tpu.memory_space<vmem>>)
    %dma_start3A_108 = arith.constant 0 : i32
    %dma_start3A_109 = arith.constant 0 : i32
    %dma_start3A_110 = arith.constant 0 : i32
    %dma_start3A_111 = arith.constant 0 : i32
    %dma_start3A_112 = tpu.memref_slice %arg9[%dma_start3A_109, %dma_start3A_110, %dma_start3A_111] : memref<2x128x128xf32, #tpu.memory_space<vmem>> -> memref<1x128x128xf32, #tpu.memory_space<vmem>>
    %dma_start3A_113 = tpu.memref_squeeze %dma_start3A_112 : memref<1x128x128xf32, #tpu.memory_space<vmem>> -> memref<128x128xf32, #tpu.memory_space<vmem>>
    %dma_start3A_114 = arith.constant 0 : i32
    %dma_start3A_115 = tpu.memref_slice %arg7[%dma_start3A_108, %dma_start3A_114] : memref<4x128xi32, #tpu.memory_space<vmem>> -> memref<1x128xi32, #tpu.memory_space<vmem>>
    %dma_start3A_116 = tpu.memref_squeeze %dma_start3A_115 : memref<1x128xi32, #tpu.memory_space<vmem>> -> memref<128xi32, #tpu.memory_space<vmem>>
    %dma_start3A_117 = arith.constant 0 : i32
    %dma_start3A_118 = arith.constant 0 : i32
    %dma_start3A_119 = tpu.memref_slice %arg2[%dma_start3A_117, %dma_start3A_118] : memref<10000x128xf32, #tpu.memory_space<hbm>> -> memref<10000x128xf32, #tpu.memory_space<hbm>>
    tpu.enqueue_indirect_dma source(%dma_start3A_119 : memref<10000x128xf32, #tpu.memory_space<hbm>>) target(%dma_start3A_113 : memref<128x128xf32, #tpu.memory_space<vmem>>) offsets(%dma_start3A_116 : memref<128xi32, #tpu.memory_space<vmem>>) semaphore(%arg12 : memref<!tpu.dma_semaphore, #tpu.memory_space<semaphore_mem>>)
    %sub3A = arith.constant 1 : i32
    %sub3A_120 = arith.subi %select_n3A, %sub3A : i32
    %while3A = arith.constant 0 : i32
    %while3A_121 = arith.constant 0 : i32
    %while3A_122 = arith.subi %sub3A_120, %while3A_121 : i32
    %while3A_123 = arith.addi %while3A_121, %while3A_122 : i32
    %while3A_124 = arith.constant 1 : i32
    %while3A_125 = arith.divsi %while3A_122, %while3A_124 : i32
    %while3A_126 = arith.muli %while3A_125, %while3A_124 : i32
    %while3A_127 = arith.addi %while3A_121, %while3A_126 : i32
    %while3A_128 = arith.constant 1 : i32
    scf.for %while3A_204 = %while3A_121 to %while3A_127 step %while3A_128  : i32 {
      %jit3A_205 = arith.constant 4 : i32
      %eq3A_206 = arith.constant 0 : i32
      %eq3A_207 = arith.cmpi eq, %jit3A_205, %eq3A_206 : i32
      %jit3A_208 = arith.constant 1 : i32
      %select_n3A_209 = arith.select %eq3A_207, %jit3A_208, %jit3A_205 : i32
      %rem3A_210 = arith.remsi %while3A_204, %select_n3A_209 : i32
      %ne3A_211 = arith.constant 0 : i32
      %ne3A_212 = arith.cmpi ne, %rem3A_210, %ne3A_211 : i32
      %lt3A_213 = arith.constant 0 : i32
      %lt3A_214 = arith.cmpi slt, %rem3A_210, %lt3A_213 : i32
      %lt3A_215 = arith.constant 0 : i32
      %lt3A_216 = arith.cmpi slt, %select_n3A_209, %lt3A_215 : i32
      %ne3A_217 = arith.xori %lt3A_214, %lt3A_216 : i1
      %and3A_218 = arith.andi %ne3A_217, %ne3A_212 : i1
      %add3A_219 = arith.addi %rem3A_210, %select_n3A_209 : i32
      %select_n3A_220 = arith.select %and3A_218, %add3A_219, %rem3A_210 : i32
      %jit3A_221 = arith.constant 2 : i32
      %eq3A_222 = arith.constant 0 : i32
      %eq3A_223 = arith.cmpi eq, %jit3A_221, %eq3A_222 : i32
      %jit3A_224 = arith.constant 1 : i32
      %select_n3A_225 = arith.select %eq3A_223, %jit3A_224, %jit3A_221 : i32
      %rem3A_226 = arith.remsi %while3A_204, %select_n3A_225 : i32
      %ne3A_227 = arith.constant 0 : i32
      %ne3A_228 = arith.cmpi ne, %rem3A_226, %ne3A_227 : i32
      %lt3A_229 = arith.constant 0 : i32
      %lt3A_230 = arith.cmpi slt, %rem3A_226, %lt3A_229 : i32
      %lt3A_231 = arith.constant 0 : i32
      %lt3A_232 = arith.cmpi slt, %select_n3A_225, %lt3A_231 : i32
      %ne3A_233 = arith.xori %lt3A_230, %lt3A_232 : i1
      %and3A_234 = arith.andi %ne3A_233, %ne3A_228 : i1
      %add3A_235 = arith.addi %rem3A_226, %select_n3A_225 : i32
      %select_n3A_236 = arith.select %and3A_234, %add3A_235, %rem3A_226 : i32
      %dma_wait3A_237 = arith.constant 0 : i32
      %dma_wait3A_238 = arith.constant 0 : i32
      %dma_wait3A_239 = tpu.memref_slice %arg9[%select_n3A_236, %dma_wait3A_237, %dma_wait3A_238] : memref<2x128x128xf32, #tpu.memory_space<vmem>> -> memref<1x128x128xf32, #tpu.memory_space<vmem>>
      %dma_wait3A_240 = tpu.memref_squeeze %dma_wait3A_239 : memref<1x128x128xf32, #tpu.memory_space<vmem>> -> memref<128x128xf32, #tpu.memory_space<vmem>>
      %dma_wait3A_241 = arith.constant 0 : i32
      %dma_wait3A_242 = tpu.memref_slice %arg7[%select_n3A_220, %dma_wait3A_241] : memref<4x128xi32, #tpu.memory_space<vmem>> -> memref<1x128xi32, #tpu.memory_space<vmem>>
      %dma_wait3A_243 = tpu.memref_squeeze %dma_wait3A_242 : memref<1x128xi32, #tpu.memory_space<vmem>> -> memref<128xi32, #tpu.memory_space<vmem>>
      %dma_wait3A_244 = arith.constant 0 : i32
      %dma_wait3A_245 = arith.constant 0 : i32
      %dma_wait3A_246 = tpu.memref_slice %arg2[%dma_wait3A_244, %dma_wait3A_245] : memref<10000x128xf32, #tpu.memory_space<hbm>> -> memref<10000x128xf32, #tpu.memory_space<hbm>>
      tpu.wait_indirect_dma semaphore(%arg12 : memref<!tpu.dma_semaphore, #tpu.memory_space<semaphore_mem>>) src(%dma_wait3A_246 : memref<10000x128xf32, #tpu.memory_space<hbm>>) dst(%dma_wait3A_240 : memref<128x128xf32, #tpu.memory_space<vmem>>)
      %add3A_247 = arith.constant 1 : i32
      %add3A_248 = arith.addi %while3A_204, %add3A_247 : i32
      %mul3A_249 = arith.constant 128 : i32
      %mul3A_250 = arith.muli %add3A_248, %mul3A_249 : i32
      %add3A_251 = arith.addi %mul3A_14, %mul3A_250 : i32
      %multiple_of3A_252 = tpu.assume_multiple %add3A_251, 128 : i32
      %jit3A_253 = arith.constant 4 : i32
      %eq3A_254 = arith.constant 0 : i32
      %eq3A_255 = arith.cmpi eq, %jit3A_253, %eq3A_254 : i32
      %jit3A_256 = arith.constant 1 : i32
      %select_n3A_257 = arith.select %eq3A_255, %jit3A_256, %jit3A_253 : i32
      %rem3A_258 = arith.remsi %add3A_248, %select_n3A_257 : i32
      %ne3A_259 = arith.constant 0 : i32
      %ne3A_260 = arith.cmpi ne, %rem3A_258, %ne3A_259 : i32
      %lt3A_261 = arith.constant 0 : i32
      %lt3A_262 = arith.cmpi slt, %rem3A_258, %lt3A_261 : i32
      %lt3A_263 = arith.constant 0 : i32
      %lt3A_264 = arith.cmpi slt, %select_n3A_257, %lt3A_263 : i32
      %ne3A_265 = arith.xori %lt3A_262, %lt3A_264 : i1
      %and3A_266 = arith.andi %ne3A_265, %ne3A_260 : i1
      %add3A_267 = arith.addi %rem3A_258, %select_n3A_257 : i32
      %select_n3A_268 = arith.select %and3A_266, %add3A_267, %rem3A_258 : i32
      %dma_wait3A_269 = arith.constant 0 : i32
      %dma_wait3A_270 = tpu.memref_slice %arg7[%select_n3A_268, %dma_wait3A_269] : memref<4x128xi32, #tpu.memory_space<vmem>> -> memref<1x128xi32, #tpu.memory_space<vmem>>
      %dma_wait3A_271 = tpu.memref_squeeze %dma_wait3A_270 : memref<1x128xi32, #tpu.memory_space<vmem>> -> memref<128xi32, #tpu.memory_space<vmem>>
      %dma_wait3A_272 = tpu.memref_slice %arg3[%multiple_of3A_252] : memref<320000xi32, #tpu.memory_space<hbm>> -> memref<128xi32, #tpu.memory_space<hbm>>
      %dma_wait3A_273 = arith.constant 0 : i32
      %dma_wait3A_274 = tpu.memref_slice %arg7[%select_n3A_268, %dma_wait3A_273] : memref<4x128xi32, #tpu.memory_space<vmem>> -> memref<1x128xi32, #tpu.memory_space<vmem>>
      %dma_wait3A_275 = tpu.memref_squeeze %dma_wait3A_274 : memref<1x128xi32, #tpu.memory_space<vmem>> -> memref<128xi32, #tpu.memory_space<vmem>>
      %dma_wait3A_276 = tpu.memref_slice %arg3[%multiple_of3A_252] : memref<320000xi32, #tpu.memory_space<hbm>> -> memref<128xi32, #tpu.memory_space<hbm>>
      tpu.wait_dma2 semaphore(%arg11 : memref<!tpu.dma_semaphore, #tpu.memory_space<semaphore_mem>>) src(%dma_wait3A_276 : memref<128xi32, #tpu.memory_space<hbm>>) dst(%dma_wait3A_275 : memref<128xi32, #tpu.memory_space<vmem>>)
      %add3A_277 = arith.constant 1 : i32
      %add3A_278 = arith.addi %while3A_204, %add3A_277 : i32
      %mul3A_279 = arith.constant 128 : i32
      %mul3A_280 = arith.muli %add3A_278, %mul3A_279 : i32
      %add3A_281 = arith.addi %mul3A_14, %mul3A_280 : i32
      %multiple_of3A_282 = tpu.assume_multiple %add3A_281, 128 : i32
      %jit3A_283 = arith.constant 4 : i32
      %eq3A_284 = arith.constant 0 : i32
      %eq3A_285 = arith.cmpi eq, %jit3A_283, %eq3A_284 : i32
      %jit3A_286 = arith.constant 1 : i32
      %select_n3A_287 = arith.select %eq3A_285, %jit3A_286, %jit3A_283 : i32
      %rem3A_288 = arith.remsi %add3A_278, %select_n3A_287 : i32
      %ne3A_289 = arith.constant 0 : i32
      %ne3A_290 = arith.cmpi ne, %rem3A_288, %ne3A_289 : i32
      %lt3A_291 = arith.constant 0 : i32
      %lt3A_292 = arith.cmpi slt, %rem3A_288, %lt3A_291 : i32
      %lt3A_293 = arith.constant 0 : i32
      %lt3A_294 = arith.cmpi slt, %select_n3A_287, %lt3A_293 : i32
      %ne3A_295 = arith.xori %lt3A_292, %lt3A_294 : i1
      %and3A_296 = arith.andi %ne3A_295, %ne3A_290 : i1
      %add3A_297 = arith.addi %rem3A_288, %select_n3A_287 : i32
      %select_n3A_298 = arith.select %and3A_296, %add3A_297, %rem3A_288 : i32
      %dma_wait3A_299 = arith.constant 0 : i32
      %dma_wait3A_300 = tpu.memref_slice %arg8[%select_n3A_298, %dma_wait3A_299] : memref<4x128xi32, #tpu.memory_space<vmem>> -> memref<1x128xi32, #tpu.memory_space<vmem>>
      %dma_wait3A_301 = tpu.memref_squeeze %dma_wait3A_300 : memref<1x128xi32, #tpu.memory_space<vmem>> -> memref<128xi32, #tpu.memory_space<vmem>>
      %dma_wait3A_302 = tpu.memref_slice %arg4[%multiple_of3A_282] : memref<320000xi32, #tpu.memory_space<hbm>> -> memref<128xi32, #tpu.memory_space<hbm>>
      %dma_wait3A_303 = arith.constant 0 : i32
      %dma_wait3A_304 = tpu.memref_slice %arg8[%select_n3A_298, %dma_wait3A_303] : memref<4x128xi32, #tpu.memory_space<vmem>> -> memref<1x128xi32, #tpu.memory_space<vmem>>
      %dma_wait3A_305 = tpu.memref_squeeze %dma_wait3A_304 : memref<1x128xi32, #tpu.memory_space<vmem>> -> memref<128xi32, #tpu.memory_space<vmem>>
      %dma_wait3A_306 = tpu.memref_slice %arg4[%multiple_of3A_282] : memref<320000xi32, #tpu.memory_space<hbm>> -> memref<128xi32, #tpu.memory_space<hbm>>
      tpu.wait_dma2 semaphore(%arg11 : memref<!tpu.dma_semaphore, #tpu.memory_space<semaphore_mem>>) src(%dma_wait3A_306 : memref<128xi32, #tpu.memory_space<hbm>>) dst(%dma_wait3A_305 : memref<128xi32, #tpu.memory_space<vmem>>)
      %add3A_307 = arith.constant 1 : i32
      %add3A_308 = arith.addi %while3A_204, %add3A_307 : i32
      %jit3A_309 = arith.constant 4 : i32
      %eq3A_310 = arith.constant 0 : i32
      %eq3A_311 = arith.cmpi eq, %jit3A_309, %eq3A_310 : i32
      %jit3A_312 = arith.constant 1 : i32
      %select_n3A_313 = arith.select %eq3A_311, %jit3A_312, %jit3A_309 : i32
      %rem3A_314 = arith.remsi %add3A_308, %select_n3A_313 : i32
      %ne3A_315 = arith.constant 0 : i32
      %ne3A_316 = arith.cmpi ne, %rem3A_314, %ne3A_315 : i32
      %lt3A_317 = arith.constant 0 : i32
      %lt3A_318 = arith.cmpi slt, %rem3A_314, %lt3A_317 : i32
      %lt3A_319 = arith.constant 0 : i32
      %lt3A_320 = arith.cmpi slt, %select_n3A_313, %lt3A_319 : i32
      %ne3A_321 = arith.xori %lt3A_318, %lt3A_320 : i1
      %and3A_322 = arith.andi %ne3A_321, %ne3A_316 : i1
      %add3A_323 = arith.addi %rem3A_314, %select_n3A_313 : i32
      %select_n3A_324 = arith.select %and3A_322, %add3A_323, %rem3A_314 : i32
      %add3A_325 = arith.constant 1 : i32
      %add3A_326 = arith.addi %while3A_204, %add3A_325 : i32
      %jit3A_327 = arith.constant 2 : i32
      %eq3A_328 = arith.constant 0 : i32
      %eq3A_329 = arith.cmpi eq, %jit3A_327, %eq3A_328 : i32
      %jit3A_330 = arith.constant 1 : i32
      %select_n3A_331 = arith.select %eq3A_329, %jit3A_330, %jit3A_327 : i32
      %rem3A_332 = arith.remsi %add3A_326, %select_n3A_331 : i32
      %ne3A_333 = arith.constant 0 : i32
      %ne3A_334 = arith.cmpi ne, %rem3A_332, %ne3A_333 : i32
      %lt3A_335 = arith.constant 0 : i32
      %lt3A_336 = arith.cmpi slt, %rem3A_332, %lt3A_335 : i32
      %lt3A_337 = arith.constant 0 : i32
      %lt3A_338 = arith.cmpi slt, %select_n3A_331, %lt3A_337 : i32
      %ne3A_339 = arith.xori %lt3A_336, %lt3A_338 : i1
      %and3A_340 = arith.andi %ne3A_339, %ne3A_334 : i1
      %add3A_341 = arith.addi %rem3A_332, %select_n3A_331 : i32
      %select_n3A_342 = arith.select %and3A_340, %add3A_341, %rem3A_332 : i32
      %dma_start3A_343 = arith.constant 0 : i32
      %dma_start3A_344 = arith.constant 0 : i32
      %dma_start3A_345 = tpu.memref_slice %arg9[%select_n3A_342, %dma_start3A_343, %dma_start3A_344] : memref<2x128x128xf32, #tpu.memory_space<vmem>> -> memref<1x128x128xf32, #tpu.memory_space<vmem>>
      %dma_start3A_346 = tpu.memref_squeeze %dma_start3A_345 : memref<1x128x128xf32, #tpu.memory_space<vmem>> -> memref<128x128xf32, #tpu.memory_space<vmem>>
      %dma_start3A_347 = arith.constant 0 : i32
      %dma_start3A_348 = tpu.memref_slice %arg7[%select_n3A_324, %dma_start3A_347] : memref<4x128xi32, #tpu.memory_space<vmem>> -> memref<1x128xi32, #tpu.memory_space<vmem>>
      %dma_start3A_349 = tpu.memref_squeeze %dma_start3A_348 : memref<1x128xi32, #tpu.memory_space<vmem>> -> memref<128xi32, #tpu.memory_space<vmem>>
      %dma_start3A_350 = arith.constant 0 : i32
      %dma_start3A_351 = arith.constant 0 : i32
      %dma_start3A_352 = tpu.memref_slice %arg2[%dma_start3A_350, %dma_start3A_351] : memref<10000x128xf32, #tpu.memory_space<hbm>> -> memref<10000x128xf32, #tpu.memory_space<hbm>>
      tpu.enqueue_indirect_dma source(%dma_start3A_352 : memref<10000x128xf32, #tpu.memory_space<hbm>>) target(%dma_start3A_346 : memref<128x128xf32, #tpu.memory_space<vmem>>) offsets(%dma_start3A_349 : memref<128xi32, #tpu.memory_space<vmem>>) semaphore(%arg12 : memref<!tpu.dma_semaphore, #tpu.memory_space<semaphore_mem>>)
      %add3A_353 = arith.constant 2 : i32
      %add3A_354 = arith.addi %while3A_204, %add3A_353 : i32
      %lt3A_355 = arith.cmpi slt, %add3A_354, %select_n3A : i32
      %convert_element_type3A_356 = arith.extui %lt3A_355 : i1 to i32
      %cond3A = arith.constant 0 : i32
      %cond3A_357 = arith.cmpi ne, %convert_element_type3A_356, %cond3A : i32
      scf.if %cond3A_357 {
        %add3A_390 = arith.constant 2 : i32
        %add3A_391 = arith.addi %while3A_204, %add3A_390 : i32
        %mul3A_392 = arith.constant 128 : i32
        %mul3A_393 = arith.muli %add3A_391, %mul3A_392 : i32
        %add3A_394 = arith.addi %mul3A_14, %mul3A_393 : i32
        %multiple_of3A_395 = tpu.assume_multiple %add3A_394, 128 : i32
        %jit3A_396 = arith.constant 4 : i32
        %eq3A_397 = arith.constant 0 : i32
        %eq3A_398 = arith.cmpi eq, %jit3A_396, %eq3A_397 : i32
        %jit3A_399 = arith.constant 1 : i32
        %select_n3A_400 = arith.select %eq3A_398, %jit3A_399, %jit3A_396 : i32
        %rem3A_401 = arith.remsi %add3A_391, %select_n3A_400 : i32
        %ne3A_402 = arith.constant 0 : i32
        %ne3A_403 = arith.cmpi ne, %rem3A_401, %ne3A_402 : i32
        %lt3A_404 = arith.constant 0 : i32
        %lt3A_405 = arith.cmpi slt, %rem3A_401, %lt3A_404 : i32
        %lt3A_406 = arith.constant 0 : i32
        %lt3A_407 = arith.cmpi slt, %select_n3A_400, %lt3A_406 : i32
        %ne3A_408 = arith.xori %lt3A_405, %lt3A_407 : i1
        %and3A_409 = arith.andi %ne3A_408, %ne3A_403 : i1
        %add3A_410 = arith.addi %rem3A_401, %select_n3A_400 : i32
        %select_n3A_411 = arith.select %and3A_409, %add3A_410, %rem3A_401 : i32
        %dma_start3A_412 = arith.constant 0 : i32
        %dma_start3A_413 = tpu.memref_slice %arg7[%select_n3A_411, %dma_start3A_412] : memref<4x128xi32, #tpu.memory_space<vmem>> -> memref<1x128xi32, #tpu.memory_space<vmem>>
        %dma_start3A_414 = tpu.memref_squeeze %dma_start3A_413 : memref<1x128xi32, #tpu.memory_space<vmem>> -> memref<128xi32, #tpu.memory_space<vmem>>
        %dma_start3A_415 = tpu.memref_slice %arg3[%multiple_of3A_395] : memref<320000xi32, #tpu.memory_space<hbm>> -> memref<128xi32, #tpu.memory_space<hbm>>
        %dma_start3A_416 = arith.constant 0 : i32
        %dma_start3A_417 = tpu.memref_slice %arg7[%select_n3A_411, %dma_start3A_416] : memref<4x128xi32, #tpu.memory_space<vmem>> -> memref<1x128xi32, #tpu.memory_space<vmem>>
        %dma_start3A_418 = tpu.memref_squeeze %dma_start3A_417 : memref<1x128xi32, #tpu.memory_space<vmem>> -> memref<128xi32, #tpu.memory_space<vmem>>
        %dma_start3A_419 = tpu.memref_slice %arg3[%multiple_of3A_395] : memref<320000xi32, #tpu.memory_space<hbm>> -> memref<128xi32, #tpu.memory_space<hbm>>
        tpu.enqueue_dma source(%dma_start3A_419 : memref<128xi32, #tpu.memory_space<hbm>>) target(%dma_start3A_418 : memref<128xi32, #tpu.memory_space<vmem>>) target_semaphore(%arg11 : memref<!tpu.dma_semaphore, #tpu.memory_space<semaphore_mem>>)
        %add3A_420 = arith.constant 2 : i32
        %add3A_421 = arith.addi %while3A_204, %add3A_420 : i32
        %mul3A_422 = arith.constant 128 : i32
        %mul3A_423 = arith.muli %add3A_421, %mul3A_422 : i32
        %add3A_424 = arith.addi %mul3A_14, %mul3A_423 : i32
        %multiple_of3A_425 = tpu.assume_multiple %add3A_424, 128 : i32
        %jit3A_426 = arith.constant 4 : i32
        %eq3A_427 = arith.constant 0 : i32
        %eq3A_428 = arith.cmpi eq, %jit3A_426, %eq3A_427 : i32
        %jit3A_429 = arith.constant 1 : i32
        %select_n3A_430 = arith.select %eq3A_428, %jit3A_429, %jit3A_426 : i32
        %rem3A_431 = arith.remsi %add3A_421, %select_n3A_430 : i32
        %ne3A_432 = arith.constant 0 : i32
        %ne3A_433 = arith.cmpi ne, %rem3A_431, %ne3A_432 : i32
        %lt3A_434 = arith.constant 0 : i32
        %lt3A_435 = arith.cmpi slt, %rem3A_431, %lt3A_434 : i32
        %lt3A_436 = arith.constant 0 : i32
        %lt3A_437 = arith.cmpi slt, %select_n3A_430, %lt3A_436 : i32
        %ne3A_438 = arith.xori %lt3A_435, %lt3A_437 : i1
        %and3A_439 = arith.andi %ne3A_438, %ne3A_433 : i1
        %add3A_440 = arith.addi %rem3A_431, %select_n3A_430 : i32
        %select_n3A_441 = arith.select %and3A_439, %add3A_440, %rem3A_431 : i32
        %dma_start3A_442 = arith.constant 0 : i32
        %dma_start3A_443 = tpu.memref_slice %arg8[%select_n3A_441, %dma_start3A_442] : memref<4x128xi32, #tpu.memory_space<vmem>> -> memref<1x128xi32, #tpu.memory_space<vmem>>
        %dma_start3A_444 = tpu.memref_squeeze %dma_start3A_443 : memref<1x128xi32, #tpu.memory_space<vmem>> -> memref<128xi32, #tpu.memory_space<vmem>>
        %dma_start3A_445 = tpu.memref_slice %arg4[%multiple_of3A_425] : memref<320000xi32, #tpu.memory_space<hbm>> -> memref<128xi32, #tpu.memory_space<hbm>>
        %dma_start3A_446 = arith.constant 0 : i32
        %dma_start3A_447 = tpu.memref_slice %arg8[%select_n3A_441, %dma_start3A_446] : memref<4x128xi32, #tpu.memory_space<vmem>> -> memref<1x128xi32, #tpu.memory_space<vmem>>
        %dma_start3A_448 = tpu.memref_squeeze %dma_start3A_447 : memref<1x128xi32, #tpu.memory_space<vmem>> -> memref<128xi32, #tpu.memory_space<vmem>>
        %dma_start3A_449 = tpu.memref_slice %arg4[%multiple_of3A_425] : memref<320000xi32, #tpu.memory_space<hbm>> -> memref<128xi32, #tpu.memory_space<hbm>>
        tpu.enqueue_dma source(%dma_start3A_449 : memref<128xi32, #tpu.memory_space<hbm>>) target(%dma_start3A_448 : memref<128xi32, #tpu.memory_space<vmem>>) target_semaphore(%arg11 : memref<!tpu.dma_semaphore, #tpu.memory_space<semaphore_mem>>)
      } else {
      }
      %jit3A_358 = arith.constant 2 : i32
      %eq3A_359 = arith.constant 0 : i32
      %eq3A_360 = arith.cmpi eq, %jit3A_358, %eq3A_359 : i32
      %jit3A_361 = arith.constant 1 : i32
      %select_n3A_362 = arith.select %eq3A_360, %jit3A_361, %jit3A_358 : i32
      %rem3A_363 = arith.remsi %while3A_204, %select_n3A_362 : i32
      %ne3A_364 = arith.constant 0 : i32
      %ne3A_365 = arith.cmpi ne, %rem3A_363, %ne3A_364 : i32
      %lt3A_366 = arith.constant 0 : i32
      %lt3A_367 = arith.cmpi slt, %rem3A_363, %lt3A_366 : i32
      %lt3A_368 = arith.constant 0 : i32
      %lt3A_369 = arith.cmpi slt, %select_n3A_362, %lt3A_368 : i32
      %ne3A_370 = arith.xori %lt3A_367, %lt3A_369 : i1
      %and3A_371 = arith.andi %ne3A_370, %ne3A_365 : i1
      %add3A_372 = arith.addi %rem3A_363, %select_n3A_362 : i32
      %select_n3A_373 = arith.select %and3A_371, %add3A_372, %rem3A_363 : i32
      %jit3A_374 = arith.constant 4 : i32
      %eq3A_375 = arith.constant 0 : i32
      %eq3A_376 = arith.cmpi eq, %jit3A_374, %eq3A_375 : i32
      %jit3A_377 = arith.constant 1 : i32
      %select_n3A_378 = arith.select %eq3A_376, %jit3A_377, %jit3A_374 : i32
      %rem3A_379 = arith.remsi %while3A_204, %select_n3A_378 : i32
      %ne3A_380 = arith.constant 0 : i32
      %ne3A_381 = arith.cmpi ne, %rem3A_379, %ne3A_380 : i32
      %lt3A_382 = arith.constant 0 : i32
      %lt3A_383 = arith.cmpi slt, %rem3A_379, %lt3A_382 : i32
      %lt3A_384 = arith.constant 0 : i32
      %lt3A_385 = arith.cmpi slt, %select_n3A_378, %lt3A_384 : i32
      %ne3A_386 = arith.xori %lt3A_383, %lt3A_385 : i1
      %and3A_387 = arith.andi %ne3A_386, %ne3A_381 : i1
      %add3A_388 = arith.addi %rem3A_379, %select_n3A_378 : i32
      %select_n3A_389 = arith.select %and3A_387, %add3A_388, %rem3A_379 : i32
      "tpu.region"() ({
        %run_scoped3A_390 = tpu.sem_alloc : memref<!tpu.dma_semaphore, #tpu.memory_space<semaphore_mem>>
        %dma_start3A_391 = arith.constant 0 : i32
        %dma_start3A_392 = arith.constant 0 : i32
        %dma_start3A_393 = tpu.memref_slice %arg9[%select_n3A_373, %dma_start3A_391, %dma_start3A_392] : memref<2x128x128xf32, #tpu.memory_space<vmem>> -> memref<1x128x128xf32, #tpu.memory_space<vmem>>
        %dma_start3A_394 = tpu.memref_squeeze %dma_start3A_393 : memref<1x128x128xf32, #tpu.memory_space<vmem>> -> memref<128x128xf32, #tpu.memory_space<vmem>>
        %dma_start3A_395 = arith.constant 0 : i32
        %dma_start3A_396 = tpu.memref_slice %arg8[%select_n3A_389, %dma_start3A_395] : memref<4x128xi32, #tpu.memory_space<vmem>> -> memref<1x128xi32, #tpu.memory_space<vmem>>
        %dma_start3A_397 = tpu.memref_squeeze %dma_start3A_396 : memref<1x128xi32, #tpu.memory_space<vmem>> -> memref<128xi32, #tpu.memory_space<vmem>>
        %dma_start3A_398 = arith.constant 0 : i32
        %dma_start3A_399 = arith.constant 0 : i32
        %dma_start3A_400 = tpu.memref_slice %arg10[%dma_start3A_398, %dma_start3A_399] : memref<10112x128xf32, #tpu.memory_space<vmem_shared>> -> memref<10112x128xf32, #tpu.memory_space<vmem_shared>>
        tpu.enqueue_indirect_dma source(%dma_start3A_394 : memref<128x128xf32, #tpu.memory_space<vmem>>) target(%dma_start3A_400 : memref<10112x128xf32, #tpu.memory_space<vmem_shared>>) offsets(%dma_start3A_397 : memref<128xi32, #tpu.memory_space<vmem>>) semaphore(%run_scoped3A_390 : memref<!tpu.dma_semaphore, #tpu.memory_space<semaphore_mem>>) {add = true}
        %dma_wait3A_401 = arith.constant 0 : i32
        %dma_wait3A_402 = arith.constant 0 : i32
        %dma_wait3A_403 = tpu.memref_slice %arg9[%select_n3A_373, %dma_wait3A_401, %dma_wait3A_402] : memref<2x128x128xf32, #tpu.memory_space<vmem>> -> memref<1x128x128xf32, #tpu.memory_space<vmem>>
        %dma_wait3A_404 = tpu.memref_squeeze %dma_wait3A_403 : memref<1x128x128xf32, #tpu.memory_space<vmem>> -> memref<128x128xf32, #tpu.memory_space<vmem>>
        %dma_wait3A_405 = arith.constant 0 : i32
        %dma_wait3A_406 = tpu.memref_slice %arg8[%select_n3A_389, %dma_wait3A_405] : memref<4x128xi32, #tpu.memory_space<vmem>> -> memref<1x128xi32, #tpu.memory_space<vmem>>
        %dma_wait3A_407 = tpu.memref_squeeze %dma_wait3A_406 : memref<1x128xi32, #tpu.memory_space<vmem>> -> memref<128xi32, #tpu.memory_space<vmem>>
        %dma_wait3A_408 = arith.constant 0 : i32
        %dma_wait3A_409 = arith.constant 0 : i32
        %dma_wait3A_410 = tpu.memref_slice %arg10[%dma_wait3A_408, %dma_wait3A_409] : memref<10112x128xf32, #tpu.memory_space<vmem_shared>> -> memref<10112x128xf32, #tpu.memory_space<vmem_shared>>
        tpu.wait_indirect_dma semaphore(%run_scoped3A_390 : memref<!tpu.dma_semaphore, #tpu.memory_space<semaphore_mem>>) src(%dma_wait3A_404 : memref<128x128xf32, #tpu.memory_space<vmem>>) dst(%dma_wait3A_410 : memref<10112x128xf32, #tpu.memory_space<vmem_shared>>)
        tpu.yield
      }) : () -> ()
    }
    %while3A_129 = arith.constant 1 : i32
    scf.for %while3A_204 = %while3A_127 to %while3A_123 step %while3A_129  : i32 {
      %jit3A_205 = arith.constant 4 : i32
      %eq3A_206 = arith.constant 0 : i32
      %eq3A_207 = arith.cmpi eq, %jit3A_205, %eq3A_206 : i32
      %jit3A_208 = arith.constant 1 : i32
      %select_n3A_209 = arith.select %eq3A_207, %jit3A_208, %jit3A_205 : i32
      %rem3A_210 = arith.remsi %while3A_204, %select_n3A_209 : i32
      %ne3A_211 = arith.constant 0 : i32
      %ne3A_212 = arith.cmpi ne, %rem3A_210, %ne3A_211 : i32
      %lt3A_213 = arith.constant 0 : i32
      %lt3A_214 = arith.cmpi slt, %rem3A_210, %lt3A_213 : i32
      %lt3A_215 = arith.constant 0 : i32
      %lt3A_216 = arith.cmpi slt, %select_n3A_209, %lt3A_215 : i32
      %ne3A_217 = arith.xori %lt3A_214, %lt3A_216 : i1
      %and3A_218 = arith.andi %ne3A_217, %ne3A_212 : i1
      %add3A_219 = arith.addi %rem3A_210, %select_n3A_209 : i32
      %select_n3A_220 = arith.select %and3A_218, %add3A_219, %rem3A_210 : i32
      %jit3A_221 = arith.constant 2 : i32
      %eq3A_222 = arith.constant 0 : i32
      %eq3A_223 = arith.cmpi eq, %jit3A_221, %eq3A_222 : i32
      %jit3A_224 = arith.constant 1 : i32
      %select_n3A_225 = arith.select %eq3A_223, %jit3A_224, %jit3A_221 : i32
      %rem3A_226 = arith.remsi %while3A_204, %select_n3A_225 : i32
      %ne3A_227 = arith.constant 0 : i32
      %ne3A_228 = arith.cmpi ne, %rem3A_226, %ne3A_227 : i32
      %lt3A_229 = arith.constant 0 : i32
      %lt3A_230 = arith.cmpi slt, %rem3A_226, %lt3A_229 : i32
      %lt3A_231 = arith.constant 0 : i32
      %lt3A_232 = arith.cmpi slt, %select_n3A_225, %lt3A_231 : i32
      %ne3A_233 = arith.xori %lt3A_230, %lt3A_232 : i1
      %and3A_234 = arith.andi %ne3A_233, %ne3A_228 : i1
      %add3A_235 = arith.addi %rem3A_226, %select_n3A_225 : i32
      %select_n3A_236 = arith.select %and3A_234, %add3A_235, %rem3A_226 : i32
      %dma_wait3A_237 = arith.constant 0 : i32
      %dma_wait3A_238 = arith.constant 0 : i32
      %dma_wait3A_239 = tpu.memref_slice %arg9[%select_n3A_236, %dma_wait3A_237, %dma_wait3A_238] : memref<2x128x128xf32, #tpu.memory_space<vmem>> -> memref<1x128x128xf32, #tpu.memory_space<vmem>>
      %dma_wait3A_240 = tpu.memref_squeeze %dma_wait3A_239 : memref<1x128x128xf32, #tpu.memory_space<vmem>> -> memref<128x128xf32, #tpu.memory_space<vmem>>
      %dma_wait3A_241 = arith.constant 0 : i32
      %dma_wait3A_242 = tpu.memref_slice %arg7[%select_n3A_220, %dma_wait3A_241] : memref<4x128xi32, #tpu.memory_space<vmem>> -> memref<1x128xi32, #tpu.memory_space<vmem>>
      %dma_wait3A_243 = tpu.memref_squeeze %dma_wait3A_242 : memref<1x128xi32, #tpu.memory_space<vmem>> -> memref<128xi32, #tpu.memory_space<vmem>>
      %dma_wait3A_244 = arith.constant 0 : i32
      %dma_wait3A_245 = arith.constant 0 : i32
      %dma_wait3A_246 = tpu.memref_slice %arg2[%dma_wait3A_244, %dma_wait3A_245] : memref<10000x128xf32, #tpu.memory_space<hbm>> -> memref<10000x128xf32, #tpu.memory_space<hbm>>
      tpu.wait_indirect_dma semaphore(%arg12 : memref<!tpu.dma_semaphore, #tpu.memory_space<semaphore_mem>>) src(%dma_wait3A_246 : memref<10000x128xf32, #tpu.memory_space<hbm>>) dst(%dma_wait3A_240 : memref<128x128xf32, #tpu.memory_space<vmem>>)
      %add3A_247 = arith.constant 1 : i32
      %add3A_248 = arith.addi %while3A_204, %add3A_247 : i32
      %mul3A_249 = arith.constant 128 : i32
      %mul3A_250 = arith.muli %add3A_248, %mul3A_249 : i32
      %add3A_251 = arith.addi %mul3A_14, %mul3A_250 : i32
      %multiple_of3A_252 = tpu.assume_multiple %add3A_251, 128 : i32
      %jit3A_253 = arith.constant 4 : i32
      %eq3A_254 = arith.constant 0 : i32
      %eq3A_255 = arith.cmpi eq, %jit3A_253, %eq3A_254 : i32
      %jit3A_256 = arith.constant 1 : i32
      %select_n3A_257 = arith.select %eq3A_255, %jit3A_256, %jit3A_253 : i32
      %rem3A_258 = arith.remsi %add3A_248, %select_n3A_257 : i32
      %ne3A_259 = arith.constant 0 : i32
      %ne3A_260 = arith.cmpi ne, %rem3A_258, %ne3A_259 : i32
      %lt3A_261 = arith.constant 0 : i32
      %lt3A_262 = arith.cmpi slt, %rem3A_258, %lt3A_261 : i32
      %lt3A_263 = arith.constant 0 : i32
      %lt3A_264 = arith.cmpi slt, %select_n3A_257, %lt3A_263 : i32
      %ne3A_265 = arith.xori %lt3A_262, %lt3A_264 : i1
      %and3A_266 = arith.andi %ne3A_265, %ne3A_260 : i1
      %add3A_267 = arith.addi %rem3A_258, %select_n3A_257 : i32
      %select_n3A_268 = arith.select %and3A_266, %add3A_267, %rem3A_258 : i32
      %dma_wait3A_269 = arith.constant 0 : i32
      %dma_wait3A_270 = tpu.memref_slice %arg7[%select_n3A_268, %dma_wait3A_269] : memref<4x128xi32, #tpu.memory_space<vmem>> -> memref<1x128xi32, #tpu.memory_space<vmem>>
      %dma_wait3A_271 = tpu.memref_squeeze %dma_wait3A_270 : memref<1x128xi32, #tpu.memory_space<vmem>> -> memref<128xi32, #tpu.memory_space<vmem>>
      %dma_wait3A_272 = tpu.memref_slice %arg3[%multiple_of3A_252] : memref<320000xi32, #tpu.memory_space<hbm>> -> memref<128xi32, #tpu.memory_space<hbm>>
      %dma_wait3A_273 = arith.constant 0 : i32
      %dma_wait3A_274 = tpu.memref_slice %arg7[%select_n3A_268, %dma_wait3A_273] : memref<4x128xi32, #tpu.memory_space<vmem>> -> memref<1x128xi32, #tpu.memory_space<vmem>>
      %dma_wait3A_275 = tpu.memref_squeeze %dma_wait3A_274 : memref<1x128xi32, #tpu.memory_space<vmem>> -> memref<128xi32, #tpu.memory_space<vmem>>
      %dma_wait3A_276 = tpu.memref_slice %arg3[%multiple_of3A_252] : memref<320000xi32, #tpu.memory_space<hbm>> -> memref<128xi32, #tpu.memory_space<hbm>>
      tpu.wait_dma2 semaphore(%arg11 : memref<!tpu.dma_semaphore, #tpu.memory_space<semaphore_mem>>) src(%dma_wait3A_276 : memref<128xi32, #tpu.memory_space<hbm>>) dst(%dma_wait3A_275 : memref<128xi32, #tpu.memory_space<vmem>>)
      %add3A_277 = arith.constant 1 : i32
      %add3A_278 = arith.addi %while3A_204, %add3A_277 : i32
      %mul3A_279 = arith.constant 128 : i32
      %mul3A_280 = arith.muli %add3A_278, %mul3A_279 : i32
      %add3A_281 = arith.addi %mul3A_14, %mul3A_280 : i32
      %multiple_of3A_282 = tpu.assume_multiple %add3A_281, 128 : i32
      %jit3A_283 = arith.constant 4 : i32
      %eq3A_284 = arith.constant 0 : i32
      %eq3A_285 = arith.cmpi eq, %jit3A_283, %eq3A_284 : i32
      %jit3A_286 = arith.constant 1 : i32
      %select_n3A_287 = arith.select %eq3A_285, %jit3A_286, %jit3A_283 : i32
      %rem3A_288 = arith.remsi %add3A_278, %select_n3A_287 : i32
      %ne3A_289 = arith.constant 0 : i32
      %ne3A_290 = arith.cmpi ne, %rem3A_288, %ne3A_289 : i32
      %lt3A_291 = arith.constant 0 : i32
      %lt3A_292 = arith.cmpi slt, %rem3A_288, %lt3A_291 : i32
      %lt3A_293 = arith.constant 0 : i32
      %lt3A_294 = arith.cmpi slt, %select_n3A_287, %lt3A_293 : i32
      %ne3A_295 = arith.xori %lt3A_292, %lt3A_294 : i1
      %and3A_296 = arith.andi %ne3A_295, %ne3A_290 : i1
      %add3A_297 = arith.addi %rem3A_288, %select_n3A_287 : i32
      %select_n3A_298 = arith.select %and3A_296, %add3A_297, %rem3A_288 : i32
      %dma_wait3A_299 = arith.constant 0 : i32
      %dma_wait3A_300 = tpu.memref_slice %arg8[%select_n3A_298, %dma_wait3A_299] : memref<4x128xi32, #tpu.memory_space<vmem>> -> memref<1x128xi32, #tpu.memory_space<vmem>>
      %dma_wait3A_301 = tpu.memref_squeeze %dma_wait3A_300 : memref<1x128xi32, #tpu.memory_space<vmem>> -> memref<128xi32, #tpu.memory_space<vmem>>
      %dma_wait3A_302 = tpu.memref_slice %arg4[%multiple_of3A_282] : memref<320000xi32, #tpu.memory_space<hbm>> -> memref<128xi32, #tpu.memory_space<hbm>>
      %dma_wait3A_303 = arith.constant 0 : i32
      %dma_wait3A_304 = tpu.memref_slice %arg8[%select_n3A_298, %dma_wait3A_303] : memref<4x128xi32, #tpu.memory_space<vmem>> -> memref<1x128xi32, #tpu.memory_space<vmem>>
      %dma_wait3A_305 = tpu.memref_squeeze %dma_wait3A_304 : memref<1x128xi32, #tpu.memory_space<vmem>> -> memref<128xi32, #tpu.memory_space<vmem>>
      %dma_wait3A_306 = tpu.memref_slice %arg4[%multiple_of3A_282] : memref<320000xi32, #tpu.memory_space<hbm>> -> memref<128xi32, #tpu.memory_space<hbm>>
      tpu.wait_dma2 semaphore(%arg11 : memref<!tpu.dma_semaphore, #tpu.memory_space<semaphore_mem>>) src(%dma_wait3A_306 : memref<128xi32, #tpu.memory_space<hbm>>) dst(%dma_wait3A_305 : memref<128xi32, #tpu.memory_space<vmem>>)
      %add3A_307 = arith.constant 1 : i32
      %add3A_308 = arith.addi %while3A_204, %add3A_307 : i32
      %jit3A_309 = arith.constant 4 : i32
      %eq3A_310 = arith.constant 0 : i32
      %eq3A_311 = arith.cmpi eq, %jit3A_309, %eq3A_310 : i32
      %jit3A_312 = arith.constant 1 : i32
      %select_n3A_313 = arith.select %eq3A_311, %jit3A_312, %jit3A_309 : i32
      %rem3A_314 = arith.remsi %add3A_308, %select_n3A_313 : i32
      %ne3A_315 = arith.constant 0 : i32
      %ne3A_316 = arith.cmpi ne, %rem3A_314, %ne3A_315 : i32
      %lt3A_317 = arith.constant 0 : i32
      %lt3A_318 = arith.cmpi slt, %rem3A_314, %lt3A_317 : i32
      %lt3A_319 = arith.constant 0 : i32
      %lt3A_320 = arith.cmpi slt, %select_n3A_313, %lt3A_319 : i32
      %ne3A_321 = arith.xori %lt3A_318, %lt3A_320 : i1
      %and3A_322 = arith.andi %ne3A_321, %ne3A_316 : i1
      %add3A_323 = arith.addi %rem3A_314, %select_n3A_313 : i32
      %select_n3A_324 = arith.select %and3A_322, %add3A_323, %rem3A_314 : i32
      %add3A_325 = arith.constant 1 : i32
      %add3A_326 = arith.addi %while3A_204, %add3A_325 : i32
      %jit3A_327 = arith.constant 2 : i32
      %eq3A_328 = arith.constant 0 : i32
      %eq3A_329 = arith.cmpi eq, %jit3A_327, %eq3A_328 : i32
      %jit3A_330 = arith.constant 1 : i32
      %select_n3A_331 = arith.select %eq3A_329, %jit3A_330, %jit3A_327 : i32
      %rem3A_332 = arith.remsi %add3A_326, %select_n3A_331 : i32
      %ne3A_333 = arith.constant 0 : i32
      %ne3A_334 = arith.cmpi ne, %rem3A_332, %ne3A_333 : i32
      %lt3A_335 = arith.constant 0 : i32
      %lt3A_336 = arith.cmpi slt, %rem3A_332, %lt3A_335 : i32
      %lt3A_337 = arith.constant 0 : i32
      %lt3A_338 = arith.cmpi slt, %select_n3A_331, %lt3A_337 : i32
      %ne3A_339 = arith.xori %lt3A_336, %lt3A_338 : i1
      %and3A_340 = arith.andi %ne3A_339, %ne3A_334 : i1
      %add3A_341 = arith.addi %rem3A_332, %select_n3A_331 : i32
      %select_n3A_342 = arith.select %and3A_340, %add3A_341, %rem3A_332 : i32
      %dma_start3A_343 = arith.constant 0 : i32
      %dma_start3A_344 = arith.constant 0 : i32
      %dma_start3A_345 = tpu.memref_slice %arg9[%select_n3A_342, %dma_start3A_343, %dma_start3A_344] : memref<2x128x128xf32, #tpu.memory_space<vmem>> -> memref<1x128x128xf32, #tpu.memory_space<vmem>>
      %dma_start3A_346 = tpu.memref_squeeze %dma_start3A_345 : memref<1x128x128xf32, #tpu.memory_space<vmem>> -> memref<128x128xf32, #tpu.memory_space<vmem>>
      %dma_start3A_347 = arith.constant 0 : i32
      %dma_start3A_348 = tpu.memref_slice %arg7[%select_n3A_324, %dma_start3A_347] : memref<4x128xi32, #tpu.memory_space<vmem>> -> memref<1x128xi32, #tpu.memory_space<vmem>>
      %dma_start3A_349 = tpu.memref_squeeze %dma_start3A_348 : memref<1x128xi32, #tpu.memory_space<vmem>> -> memref<128xi32, #tpu.memory_space<vmem>>
      %dma_start3A_350 = arith.constant 0 : i32
      %dma_start3A_351 = arith.constant 0 : i32
      %dma_start3A_352 = tpu.memref_slice %arg2[%dma_start3A_350, %dma_start3A_351] : memref<10000x128xf32, #tpu.memory_space<hbm>> -> memref<10000x128xf32, #tpu.memory_space<hbm>>
      tpu.enqueue_indirect_dma source(%dma_start3A_352 : memref<10000x128xf32, #tpu.memory_space<hbm>>) target(%dma_start3A_346 : memref<128x128xf32, #tpu.memory_space<vmem>>) offsets(%dma_start3A_349 : memref<128xi32, #tpu.memory_space<vmem>>) semaphore(%arg12 : memref<!tpu.dma_semaphore, #tpu.memory_space<semaphore_mem>>)
      %add3A_353 = arith.constant 2 : i32
      %add3A_354 = arith.addi %while3A_204, %add3A_353 : i32
      %lt3A_355 = arith.cmpi slt, %add3A_354, %select_n3A : i32
      %convert_element_type3A_356 = arith.extui %lt3A_355 : i1 to i32
      %cond3A = arith.constant 0 : i32
      %cond3A_357 = arith.cmpi ne, %convert_element_type3A_356, %cond3A : i32
      scf.if %cond3A_357 {
        %add3A_390 = arith.constant 2 : i32
        %add3A_391 = arith.addi %while3A_204, %add3A_390 : i32
        %mul3A_392 = arith.constant 128 : i32
        %mul3A_393 = arith.muli %add3A_391, %mul3A_392 : i32
        %add3A_394 = arith.addi %mul3A_14, %mul3A_393 : i32
        %multiple_of3A_395 = tpu.assume_multiple %add3A_394, 128 : i32
        %jit3A_396 = arith.constant 4 : i32
        %eq3A_397 = arith.constant 0 : i32
        %eq3A_398 = arith.cmpi eq, %jit3A_396, %eq3A_397 : i32
        %jit3A_399 = arith.constant 1 : i32
        %select_n3A_400 = arith.select %eq3A_398, %jit3A_399, %jit3A_396 : i32
        %rem3A_401 = arith.remsi %add3A_391, %select_n3A_400 : i32
        %ne3A_402 = arith.constant 0 : i32
        %ne3A_403 = arith.cmpi ne, %rem3A_401, %ne3A_402 : i32
        %lt3A_404 = arith.constant 0 : i32
        %lt3A_405 = arith.cmpi slt, %rem3A_401, %lt3A_404 : i32
        %lt3A_406 = arith.constant 0 : i32
        %lt3A_407 = arith.cmpi slt, %select_n3A_400, %lt3A_406 : i32
        %ne3A_408 = arith.xori %lt3A_405, %lt3A_407 : i1
        %and3A_409 = arith.andi %ne3A_408, %ne3A_403 : i1
        %add3A_410 = arith.addi %rem3A_401, %select_n3A_400 : i32
        %select_n3A_411 = arith.select %and3A_409, %add3A_410, %rem3A_401 : i32
        %dma_start3A_412 = arith.constant 0 : i32
        %dma_start3A_413 = tpu.memref_slice %arg7[%select_n3A_411, %dma_start3A_412] : memref<4x128xi32, #tpu.memory_space<vmem>> -> memref<1x128xi32, #tpu.memory_space<vmem>>
        %dma_start3A_414 = tpu.memref_squeeze %dma_start3A_413 : memref<1x128xi32, #tpu.memory_space<vmem>> -> memref<128xi32, #tpu.memory_space<vmem>>
        %dma_start3A_415 = tpu.memref_slice %arg3[%multiple_of3A_395] : memref<320000xi32, #tpu.memory_space<hbm>> -> memref<128xi32, #tpu.memory_space<hbm>>
        %dma_start3A_416 = arith.constant 0 : i32
        %dma_start3A_417 = tpu.memref_slice %arg7[%select_n3A_411, %dma_start3A_416] : memref<4x128xi32, #tpu.memory_space<vmem>> -> memref<1x128xi32, #tpu.memory_space<vmem>>
        %dma_start3A_418 = tpu.memref_squeeze %dma_start3A_417 : memref<1x128xi32, #tpu.memory_space<vmem>> -> memref<128xi32, #tpu.memory_space<vmem>>
        %dma_start3A_419 = tpu.memref_slice %arg3[%multiple_of3A_395] : memref<320000xi32, #tpu.memory_space<hbm>> -> memref<128xi32, #tpu.memory_space<hbm>>
        tpu.enqueue_dma source(%dma_start3A_419 : memref<128xi32, #tpu.memory_space<hbm>>) target(%dma_start3A_418 : memref<128xi32, #tpu.memory_space<vmem>>) target_semaphore(%arg11 : memref<!tpu.dma_semaphore, #tpu.memory_space<semaphore_mem>>)
        %add3A_420 = arith.constant 2 : i32
        %add3A_421 = arith.addi %while3A_204, %add3A_420 : i32
        %mul3A_422 = arith.constant 128 : i32
        %mul3A_423 = arith.muli %add3A_421, %mul3A_422 : i32
        %add3A_424 = arith.addi %mul3A_14, %mul3A_423 : i32
        %multiple_of3A_425 = tpu.assume_multiple %add3A_424, 128 : i32
        %jit3A_426 = arith.constant 4 : i32
        %eq3A_427 = arith.constant 0 : i32
        %eq3A_428 = arith.cmpi eq, %jit3A_426, %eq3A_427 : i32
        %jit3A_429 = arith.constant 1 : i32
        %select_n3A_430 = arith.select %eq3A_428, %jit3A_429, %jit3A_426 : i32
        %rem3A_431 = arith.remsi %add3A_421, %select_n3A_430 : i32
        %ne3A_432 = arith.constant 0 : i32
        %ne3A_433 = arith.cmpi ne, %rem3A_431, %ne3A_432 : i32
        %lt3A_434 = arith.constant 0 : i32
        %lt3A_435 = arith.cmpi slt, %rem3A_431, %lt3A_434 : i32
        %lt3A_436 = arith.constant 0 : i32
        %lt3A_437 = arith.cmpi slt, %select_n3A_430, %lt3A_436 : i32
        %ne3A_438 = arith.xori %lt3A_435, %lt3A_437 : i1
        %and3A_439 = arith.andi %ne3A_438, %ne3A_433 : i1
        %add3A_440 = arith.addi %rem3A_431, %select_n3A_430 : i32
        %select_n3A_441 = arith.select %and3A_439, %add3A_440, %rem3A_431 : i32
        %dma_start3A_442 = arith.constant 0 : i32
        %dma_start3A_443 = tpu.memref_slice %arg8[%select_n3A_441, %dma_start3A_442] : memref<4x128xi32, #tpu.memory_space<vmem>> -> memref<1x128xi32, #tpu.memory_space<vmem>>
        %dma_start3A_444 = tpu.memref_squeeze %dma_start3A_443 : memref<1x128xi32, #tpu.memory_space<vmem>> -> memref<128xi32, #tpu.memory_space<vmem>>
        %dma_start3A_445 = tpu.memref_slice %arg4[%multiple_of3A_425] : memref<320000xi32, #tpu.memory_space<hbm>> -> memref<128xi32, #tpu.memory_space<hbm>>
        %dma_start3A_446 = arith.constant 0 : i32
        %dma_start3A_447 = tpu.memref_slice %arg8[%select_n3A_441, %dma_start3A_446] : memref<4x128xi32, #tpu.memory_space<vmem>> -> memref<1x128xi32, #tpu.memory_space<vmem>>
        %dma_start3A_448 = tpu.memref_squeeze %dma_start3A_447 : memref<1x128xi32, #tpu.memory_space<vmem>> -> memref<128xi32, #tpu.memory_space<vmem>>
        %dma_start3A_449 = tpu.memref_slice %arg4[%multiple_of3A_425] : memref<320000xi32, #tpu.memory_space<hbm>> -> memref<128xi32, #tpu.memory_space<hbm>>
        tpu.enqueue_dma source(%dma_start3A_449 : memref<128xi32, #tpu.memory_space<hbm>>) target(%dma_start3A_448 : memref<128xi32, #tpu.memory_space<vmem>>) target_semaphore(%arg11 : memref<!tpu.dma_semaphore, #tpu.memory_space<semaphore_mem>>)
      } else {
      }
      %jit3A_358 = arith.constant 2 : i32
      %eq3A_359 = arith.constant 0 : i32
      %eq3A_360 = arith.cmpi eq, %jit3A_358, %eq3A_359 : i32
      %jit3A_361 = arith.constant 1 : i32
      %select_n3A_362 = arith.select %eq3A_360, %jit3A_361, %jit3A_358 : i32
      %rem3A_363 = arith.remsi %while3A_204, %select_n3A_362 : i32
      %ne3A_364 = arith.constant 0 : i32
      %ne3A_365 = arith.cmpi ne, %rem3A_363, %ne3A_364 : i32
      %lt3A_366 = arith.constant 0 : i32
      %lt3A_367 = arith.cmpi slt, %rem3A_363, %lt3A_366 : i32
      %lt3A_368 = arith.constant 0 : i32
      %lt3A_369 = arith.cmpi slt, %select_n3A_362, %lt3A_368 : i32
      %ne3A_370 = arith.xori %lt3A_367, %lt3A_369 : i1
      %and3A_371 = arith.andi %ne3A_370, %ne3A_365 : i1
      %add3A_372 = arith.addi %rem3A_363, %select_n3A_362 : i32
      %select_n3A_373 = arith.select %and3A_371, %add3A_372, %rem3A_363 : i32
      %jit3A_374 = arith.constant 4 : i32
      %eq3A_375 = arith.constant 0 : i32
      %eq3A_376 = arith.cmpi eq, %jit3A_374, %eq3A_375 : i32
      %jit3A_377 = arith.constant 1 : i32
      %select_n3A_378 = arith.select %eq3A_376, %jit3A_377, %jit3A_374 : i32
      %rem3A_379 = arith.remsi %while3A_204, %select_n3A_378 : i32
      %ne3A_380 = arith.constant 0 : i32
      %ne3A_381 = arith.cmpi ne, %rem3A_379, %ne3A_380 : i32
      %lt3A_382 = arith.constant 0 : i32
      %lt3A_383 = arith.cmpi slt, %rem3A_379, %lt3A_382 : i32
      %lt3A_384 = arith.constant 0 : i32
      %lt3A_385 = arith.cmpi slt, %select_n3A_378, %lt3A_384 : i32
      %ne3A_386 = arith.xori %lt3A_383, %lt3A_385 : i1
      %and3A_387 = arith.andi %ne3A_386, %ne3A_381 : i1
      %add3A_388 = arith.addi %rem3A_379, %select_n3A_378 : i32
      %select_n3A_389 = arith.select %and3A_387, %add3A_388, %rem3A_379 : i32
      "tpu.region"() ({
        %run_scoped3A_390 = tpu.sem_alloc : memref<!tpu.dma_semaphore, #tpu.memory_space<semaphore_mem>>
        %dma_start3A_391 = arith.constant 0 : i32
        %dma_start3A_392 = arith.constant 0 : i32
        %dma_start3A_393 = tpu.memref_slice %arg9[%select_n3A_373, %dma_start3A_391, %dma_start3A_392] : memref<2x128x128xf32, #tpu.memory_space<vmem>> -> memref<1x128x128xf32, #tpu.memory_space<vmem>>
        %dma_start3A_394 = tpu.memref_squeeze %dma_start3A_393 : memref<1x128x128xf32, #tpu.memory_space<vmem>> -> memref<128x128xf32, #tpu.memory_space<vmem>>
        %dma_start3A_395 = arith.constant 0 : i32
        %dma_start3A_396 = tpu.memref_slice %arg8[%select_n3A_389, %dma_start3A_395] : memref<4x128xi32, #tpu.memory_space<vmem>> -> memref<1x128xi32, #tpu.memory_space<vmem>>
        %dma_start3A_397 = tpu.memref_squeeze %dma_start3A_396 : memref<1x128xi32, #tpu.memory_space<vmem>> -> memref<128xi32, #tpu.memory_space<vmem>>
        %dma_start3A_398 = arith.constant 0 : i32
        %dma_start3A_399 = arith.constant 0 : i32
        %dma_start3A_400 = tpu.memref_slice %arg10[%dma_start3A_398, %dma_start3A_399] : memref<10112x128xf32, #tpu.memory_space<vmem_shared>> -> memref<10112x128xf32, #tpu.memory_space<vmem_shared>>
        tpu.enqueue_indirect_dma source(%dma_start3A_394 : memref<128x128xf32, #tpu.memory_space<vmem>>) target(%dma_start3A_400 : memref<10112x128xf32, #tpu.memory_space<vmem_shared>>) offsets(%dma_start3A_397 : memref<128xi32, #tpu.memory_space<vmem>>) semaphore(%run_scoped3A_390 : memref<!tpu.dma_semaphore, #tpu.memory_space<semaphore_mem>>) {add = true}
        %dma_wait3A_401 = arith.constant 0 : i32
        %dma_wait3A_402 = arith.constant 0 : i32
        %dma_wait3A_403 = tpu.memref_slice %arg9[%select_n3A_373, %dma_wait3A_401, %dma_wait3A_402] : memref<2x128x128xf32, #tpu.memory_space<vmem>> -> memref<1x128x128xf32, #tpu.memory_space<vmem>>
        %dma_wait3A_404 = tpu.memref_squeeze %dma_wait3A_403 : memref<1x128x128xf32, #tpu.memory_space<vmem>> -> memref<128x128xf32, #tpu.memory_space<vmem>>
        %dma_wait3A_405 = arith.constant 0 : i32
        %dma_wait3A_406 = tpu.memref_slice %arg8[%select_n3A_389, %dma_wait3A_405] : memref<4x128xi32, #tpu.memory_space<vmem>> -> memref<1x128xi32, #tpu.memory_space<vmem>>
        %dma_wait3A_407 = tpu.memref_squeeze %dma_wait3A_406 : memref<1x128xi32, #tpu.memory_space<vmem>> -> memref<128xi32, #tpu.memory_space<vmem>>
        %dma_wait3A_408 = arith.constant 0 : i32
        %dma_wait3A_409 = arith.constant 0 : i32
        %dma_wait3A_410 = tpu.memref_slice %arg10[%dma_wait3A_408, %dma_wait3A_409] : memref<10112x128xf32, #tpu.memory_space<vmem_shared>> -> memref<10112x128xf32, #tpu.memory_space<vmem_shared>>
        tpu.wait_indirect_dma semaphore(%run_scoped3A_390 : memref<!tpu.dma_semaphore, #tpu.memory_space<semaphore_mem>>) src(%dma_wait3A_404 : memref<128x128xf32, #tpu.memory_space<vmem>>) dst(%dma_wait3A_410 : memref<10112x128xf32, #tpu.memory_space<vmem_shared>>)
        tpu.yield
      }) : () -> ()
    }
    %sub3A_130 = arith.constant 1 : i32
    %sub3A_131 = arith.subi %select_n3A, %sub3A_130 : i32
    %jit3A_132 = arith.constant 4 : i32
    %eq3A_133 = arith.constant 0 : i32
    %eq3A_134 = arith.cmpi eq, %jit3A_132, %eq3A_133 : i32
    %jit3A_135 = arith.constant 1 : i32
    %select_n3A_136 = arith.select %eq3A_134, %jit3A_135, %jit3A_132 : i32
    %rem3A = arith.remsi %sub3A_131, %select_n3A_136 : i32
    %ne3A = arith.constant 0 : i32
    %ne3A_137 = arith.cmpi ne, %rem3A, %ne3A : i32
    %lt3A_138 = arith.constant 0 : i32
    %lt3A_139 = arith.cmpi slt, %rem3A, %lt3A_138 : i32
    %lt3A_140 = arith.constant 0 : i32
    %lt3A_141 = arith.cmpi slt, %select_n3A_136, %lt3A_140 : i32
    %ne3A_142 = arith.xori %lt3A_139, %lt3A_141 : i1
    %and3A = arith.andi %ne3A_142, %ne3A_137 : i1
    %add3A_143 = arith.addi %rem3A, %select_n3A_136 : i32
    %select_n3A_144 = arith.select %and3A, %add3A_143, %rem3A : i32
    %jit3A_145 = arith.constant 2 : i32
    %eq3A_146 = arith.constant 0 : i32
    %eq3A_147 = arith.cmpi eq, %jit3A_145, %eq3A_146 : i32
    %jit3A_148 = arith.constant 1 : i32
    %select_n3A_149 = arith.select %eq3A_147, %jit3A_148, %jit3A_145 : i32
    %rem3A_150 = arith.remsi %sub3A_131, %select_n3A_149 : i32
    %ne3A_151 = arith.constant 0 : i32
    %ne3A_152 = arith.cmpi ne, %rem3A_150, %ne3A_151 : i32
    %lt3A_153 = arith.constant 0 : i32
    %lt3A_154 = arith.cmpi slt, %rem3A_150, %lt3A_153 : i32
    %lt3A_155 = arith.constant 0 : i32
    %lt3A_156 = arith.cmpi slt, %select_n3A_149, %lt3A_155 : i32
    %ne3A_157 = arith.xori %lt3A_154, %lt3A_156 : i1
    %and3A_158 = arith.andi %ne3A_157, %ne3A_152 : i1
    %add3A_159 = arith.addi %rem3A_150, %select_n3A_149 : i32
    %select_n3A_160 = arith.select %and3A_158, %add3A_159, %rem3A_150 : i32
    %dma_wait3A_161 = arith.constant 0 : i32
    %dma_wait3A_162 = arith.constant 0 : i32
    %dma_wait3A_163 = tpu.memref_slice %arg9[%select_n3A_160, %dma_wait3A_161, %dma_wait3A_162] : memref<2x128x128xf32, #tpu.memory_space<vmem>> -> memref<1x128x128xf32, #tpu.memory_space<vmem>>
    %dma_wait3A_164 = tpu.memref_squeeze %dma_wait3A_163 : memref<1x128x128xf32, #tpu.memory_space<vmem>> -> memref<128x128xf32, #tpu.memory_space<vmem>>
    %dma_wait3A_165 = arith.constant 0 : i32
    %dma_wait3A_166 = tpu.memref_slice %arg7[%select_n3A_144, %dma_wait3A_165] : memref<4x128xi32, #tpu.memory_space<vmem>> -> memref<1x128xi32, #tpu.memory_space<vmem>>
    %dma_wait3A_167 = tpu.memref_squeeze %dma_wait3A_166 : memref<1x128xi32, #tpu.memory_space<vmem>> -> memref<128xi32, #tpu.memory_space<vmem>>
    %dma_wait3A_168 = arith.constant 0 : i32
    %dma_wait3A_169 = arith.constant 0 : i32
    %dma_wait3A_170 = tpu.memref_slice %arg2[%dma_wait3A_168, %dma_wait3A_169] : memref<10000x128xf32, #tpu.memory_space<hbm>> -> memref<10000x128xf32, #tpu.memory_space<hbm>>
    tpu.wait_indirect_dma semaphore(%arg12 : memref<!tpu.dma_semaphore, #tpu.memory_space<semaphore_mem>>) src(%dma_wait3A_170 : memref<10000x128xf32, #tpu.memory_space<hbm>>) dst(%dma_wait3A_164 : memref<128x128xf32, #tpu.memory_space<vmem>>)
    %jit3A_171 = arith.constant 2 : i32
    %eq3A_172 = arith.constant 0 : i32
    %eq3A_173 = arith.cmpi eq, %jit3A_171, %eq3A_172 : i32
    %jit3A_174 = arith.constant 1 : i32
    %select_n3A_175 = arith.select %eq3A_173, %jit3A_174, %jit3A_171 : i32
    %rem3A_176 = arith.remsi %sub3A_131, %select_n3A_175 : i32
    %ne3A_177 = arith.constant 0 : i32
    %ne3A_178 = arith.cmpi ne, %rem3A_176, %ne3A_177 : i32
    %lt3A_179 = arith.constant 0 : i32
    %lt3A_180 = arith.cmpi slt, %rem3A_176, %lt3A_179 : i32
    %lt3A_181 = arith.constant 0 : i32
    %lt3A_182 = arith.cmpi slt, %select_n3A_175, %lt3A_181 : i32
    %ne3A_183 = arith.xori %lt3A_180, %lt3A_182 : i1
    %and3A_184 = arith.andi %ne3A_183, %ne3A_178 : i1
    %add3A_185 = arith.addi %rem3A_176, %select_n3A_175 : i32
    %select_n3A_186 = arith.select %and3A_184, %add3A_185, %rem3A_176 : i32
    %jit3A_187 = arith.constant 4 : i32
    %eq3A_188 = arith.constant 0 : i32
    %eq3A_189 = arith.cmpi eq, %jit3A_187, %eq3A_188 : i32
    %jit3A_190 = arith.constant 1 : i32
    %select_n3A_191 = arith.select %eq3A_189, %jit3A_190, %jit3A_187 : i32
    %rem3A_192 = arith.remsi %sub3A_131, %select_n3A_191 : i32
    %ne3A_193 = arith.constant 0 : i32
    %ne3A_194 = arith.cmpi ne, %rem3A_192, %ne3A_193 : i32
    %lt3A_195 = arith.constant 0 : i32
    %lt3A_196 = arith.cmpi slt, %rem3A_192, %lt3A_195 : i32
    %lt3A_197 = arith.constant 0 : i32
    %lt3A_198 = arith.cmpi slt, %select_n3A_191, %lt3A_197 : i32
    %ne3A_199 = arith.xori %lt3A_196, %lt3A_198 : i1
    %and3A_200 = arith.andi %ne3A_199, %ne3A_194 : i1
    %add3A_201 = arith.addi %rem3A_192, %select_n3A_191 : i32
    %select_n3A_202 = arith.select %and3A_200, %add3A_201, %rem3A_192 : i32
    "tpu.region"() ({
      %run_scoped3A_204 = tpu.sem_alloc : memref<!tpu.dma_semaphore, #tpu.memory_space<semaphore_mem>>
      %dma_start3A_205 = arith.constant 0 : i32
      %dma_start3A_206 = arith.constant 0 : i32
      %dma_start3A_207 = tpu.memref_slice %arg9[%select_n3A_186, %dma_start3A_205, %dma_start3A_206] : memref<2x128x128xf32, #tpu.memory_space<vmem>> -> memref<1x128x128xf32, #tpu.memory_space<vmem>>
      %dma_start3A_208 = tpu.memref_squeeze %dma_start3A_207 : memref<1x128x128xf32, #tpu.memory_space<vmem>> -> memref<128x128xf32, #tpu.memory_space<vmem>>
      %dma_start3A_209 = arith.constant 0 : i32
      %dma_start3A_210 = tpu.memref_slice %arg8[%select_n3A_202, %dma_start3A_209] : memref<4x128xi32, #tpu.memory_space<vmem>> -> memref<1x128xi32, #tpu.memory_space<vmem>>
      %dma_start3A_211 = tpu.memref_squeeze %dma_start3A_210 : memref<1x128xi32, #tpu.memory_space<vmem>> -> memref<128xi32, #tpu.memory_space<vmem>>
      %dma_start3A_212 = arith.constant 0 : i32
      %dma_start3A_213 = arith.constant 0 : i32
      %dma_start3A_214 = tpu.memref_slice %arg10[%dma_start3A_212, %dma_start3A_213] : memref<10112x128xf32, #tpu.memory_space<vmem_shared>> -> memref<10112x128xf32, #tpu.memory_space<vmem_shared>>
      tpu.enqueue_indirect_dma source(%dma_start3A_208 : memref<128x128xf32, #tpu.memory_space<vmem>>) target(%dma_start3A_214 : memref<10112x128xf32, #tpu.memory_space<vmem_shared>>) offsets(%dma_start3A_211 : memref<128xi32, #tpu.memory_space<vmem>>) semaphore(%run_scoped3A_204 : memref<!tpu.dma_semaphore, #tpu.memory_space<semaphore_mem>>) {add = true}
      %dma_wait3A_215 = arith.constant 0 : i32
      %dma_wait3A_216 = arith.constant 0 : i32
      %dma_wait3A_217 = tpu.memref_slice %arg9[%select_n3A_186, %dma_wait3A_215, %dma_wait3A_216] : memref<2x128x128xf32, #tpu.memory_space<vmem>> -> memref<1x128x128xf32, #tpu.memory_space<vmem>>
      %dma_wait3A_218 = tpu.memref_squeeze %dma_wait3A_217 : memref<1x128x128xf32, #tpu.memory_space<vmem>> -> memref<128x128xf32, #tpu.memory_space<vmem>>
      %dma_wait3A_219 = arith.constant 0 : i32
      %dma_wait3A_220 = tpu.memref_slice %arg8[%select_n3A_202, %dma_wait3A_219] : memref<4x128xi32, #tpu.memory_space<vmem>> -> memref<1x128xi32, #tpu.memory_space<vmem>>
      %dma_wait3A_221 = tpu.memref_squeeze %dma_wait3A_220 : memref<1x128xi32, #tpu.memory_space<vmem>> -> memref<128xi32, #tpu.memory_space<vmem>>
      %dma_wait3A_222 = arith.constant 0 : i32
      %dma_wait3A_223 = arith.constant 0 : i32
      %dma_wait3A_224 = tpu.memref_slice %arg10[%dma_wait3A_222, %dma_wait3A_223] : memref<10112x128xf32, #tpu.memory_space<vmem_shared>> -> memref<10112x128xf32, #tpu.memory_space<vmem_shared>>
      tpu.wait_indirect_dma semaphore(%run_scoped3A_204 : memref<!tpu.dma_semaphore, #tpu.memory_space<semaphore_mem>>) src(%dma_wait3A_218 : memref<128x128xf32, #tpu.memory_space<vmem>>) dst(%dma_wait3A_224 : memref<10112x128xf32, #tpu.memory_space<vmem_shared>>)
      tpu.yield
    }) : () -> ()
    %barrier3A_203 = arith.constant 0 : index
    tpu.barrier barrier_id(%barrier3A_203)
    "tpu.region"() ({
      %run_scoped3A_204 = tpu.sem_alloc : memref<!tpu.dma_semaphore, #tpu.memory_space<semaphore_mem>>
      %dma_start3A_205 = arith.constant 0 : i32
      %dma_start3A_206 = tpu.memref_slice %arg6[%arg0, %mul3A_16, %dma_start3A_205] : memref<2x10112x128xf32, #tpu.memory_space<hbm>> -> memref<1x632x128xf32, #tpu.memory_space<hbm>>
      %dma_start3A_207 = tpu.memref_squeeze %dma_start3A_206 : memref<1x632x128xf32, #tpu.memory_space<hbm>> -> memref<632x128xf32, #tpu.memory_space<hbm>>
      %dma_start3A_208 = arith.constant 0 : i32
      %dma_start3A_209 = tpu.memref_slice %arg10[%mul3A_16, %dma_start3A_208] : memref<10112x128xf32, #tpu.memory_space<vmem_shared>> -> memref<632x128xf32, #tpu.memory_space<vmem_shared>>
      tpu.enqueue_dma source(%dma_start3A_209 : memref<632x128xf32, #tpu.memory_space<vmem_shared>>) target(%dma_start3A_207 : memref<632x128xf32, #tpu.memory_space<hbm>>) target_semaphore(%run_scoped3A_204 : memref<!tpu.dma_semaphore, #tpu.memory_space<semaphore_mem>>)
      %dma_wait3A_210 = arith.constant 0 : i32
      %dma_wait3A_211 = tpu.memref_slice %arg6[%arg0, %mul3A_16, %dma_wait3A_210] : memref<2x10112x128xf32, #tpu.memory_space<hbm>> -> memref<1x632x128xf32, #tpu.memory_space<hbm>>
      %dma_wait3A_212 = tpu.memref_squeeze %dma_wait3A_211 : memref<1x632x128xf32, #tpu.memory_space<hbm>> -> memref<632x128xf32, #tpu.memory_space<hbm>>
      %dma_wait3A_213 = arith.constant 0 : i32
      %dma_wait3A_214 = tpu.memref_slice %arg10[%mul3A_16, %dma_wait3A_213] : memref<10112x128xf32, #tpu.memory_space<vmem_shared>> -> memref<632x128xf32, #tpu.memory_space<vmem_shared>>
      tpu.wait_dma2 semaphore(%run_scoped3A_204 : memref<!tpu.dma_semaphore, #tpu.memory_space<semaphore_mem>>) src(%dma_wait3A_214 : memref<632x128xf32, #tpu.memory_space<vmem_shared>>) dst(%dma_wait3A_212 : memref<632x128xf32, #tpu.memory_space<hbm>>)
      tpu.yield
    }) : () -> ()
    return
  }
}

module attributes {stable_mosaic.version = 14 : i64} {
  func.func @_tc_in_body(%arg0: i32, %arg1: memref<1000x128xf32, #tpu.memory_space<vmem>>, %arg2: memref<128x128xf32, #tpu.memory_space<vmem>>, %arg3: memref<1x128xf32, #tpu.memory_space<vmem>>, %arg4: memref<1000x128xf32, #tpu.memory_space<vmem>>) attributes {dimension_semantics = [#tpu.dimension_semantics<arbitrary>], iteration_bounds = array<i64: 10>, scalar_prefetch = 0 : i64, scratch_operands = 0 : i64, tpu.core_type = #tpu.core_type<tc>, window_params = [{transform_indices = @transform_0, window_bounds = array<i64: 1000, 128>}, {pipeline_mode = #tpu.pipeline_mode<synchronous>, transform_indices = @transform_1, window_bounds = array<i64: 128, 128>}, {pipeline_mode = #tpu.pipeline_mode<synchronous>, transform_indices = @transform_2, window_bounds = array<i64: 1, 128>}, {transform_indices = @transform_3, window_bounds = array<i64: 1000, 128>}]} {
    %get3A = arith.constant 0 : index
    %get3A_0 = arith.constant 0 : index
    %get3A_1 = vector.load %arg1[%get3A, %get3A_0] : memref<1000x128xf32, #tpu.memory_space<vmem>>, vector<1000x128xf32>
    %get3A_2 = arith.constant 0 : index
    %get3A_3 = arith.constant 0 : index
    %get3A_4 = vector.load %arg2[%get3A_2, %get3A_3] : memref<128x128xf32, #tpu.memory_space<vmem>>, vector<128x128xf32>
    %dot_general3A = arith.constant dense<0.000000e+00> : vector<1000x128xf32>
    %dot_general3A_5 = tpu.matmul %get3A_1, %get3A_4, %dot_general3A {dimension_numbers = #tpu.dot_dimension_numbers<[1], [0], [0], [1], [0, 0, 1, 1], [], []>, precision = #tpu.contract_precision<fp32>, transpose_lhs_hint = false} : vector<1000x128xf32>, vector<128x128xf32>, vector<1000x128xf32> -> vector<1000x128xf32>
    %get3A_6 = arith.constant 0 : index
    %get3A_7 = arith.constant 0 : index
    %get3A_8 = vector.load %arg3[%get3A_6, %get3A_7] : memref<1x128xf32, #tpu.memory_space<vmem>>, vector<1x128xf32>
    %add3A = vector.broadcast %get3A_8 : vector<1x128xf32> to vector<1000x128xf32>
    %add3A_9 = arith.addf %dot_general3A_5, %add3A : vector<1000x128xf32>
    %swap3A = arith.constant 0 : index
    %swap3A_10 = arith.constant 0 : index
    %swap3A_11 = vector.load %arg4[%swap3A, %swap3A_10] : memref<1000x128xf32, #tpu.memory_space<vmem>>, vector<1000x128xf32>
    tpu.vector_store %arg4[%swap3A, %swap3A_10], %add3A_9 {strides = array<i32>} : memref<1000x128xf32, #tpu.memory_space<vmem>>, vector<1000x128xf32>,
    return
  }
  func.func @transform_0(%arg0: i32) -> (i32, i32) {
    %c0_i32 = arith.constant 0 : i32
    %c0_i32_0 = arith.constant 0 : i32
    return %arg0, %c0_i32 : i32, i32
  }
  func.func @transform_1(%arg0: i32) -> (i32, i32) {
    %c0_i32 = arith.constant 0 : i32
    %c0_i32_0 = arith.constant 0 : i32
    %c0_i32_1 = arith.constant 0 : i32
    return %c0_i32, %c0_i32_0 : i32, i32
  }
  func.func @transform_2(%arg0: i32) -> (i32, i32) {
    %c0_i32 = arith.constant 0 : i32
    %c0_i32_0 = arith.constant 0 : i32
    %c0_i32_1 = arith.constant 0 : i32
    return %c0_i32, %c0_i32_0 : i32, i32
  }
  func.func @transform_3(%arg0: i32) -> (i32, i32) {
    %c0_i32 = arith.constant 0 : i32
    %c0_i32_0 = arith.constant 0 : i32
    return %arg0, %c0_i32 : i32, i32
  }
}

module attributes {stable_mosaic.version = 14 : i64} {
  func.func @_tc_layer_body(%arg0: i32, %arg1: memref<1000x128xf32, #tpu.memory_space<vmem>>, %arg2: memref<1x1000x128xf32, #tpu.memory_space<vmem>>, %arg3: memref<1x1000x128xf32, #tpu.memory_space<vmem>>, %arg4: memref<1x1000x128xf32, #tpu.memory_space<vmem>>, %arg5: memref<1x1000x128xf32, #tpu.memory_space<vmem>>, %arg6: memref<128x128xf32, #tpu.memory_space<vmem>>, %arg7: memref<1x128xf32, #tpu.memory_space<vmem>>, %arg8: memref<1x128xf32, #tpu.memory_space<vmem>>, %arg9: memref<1x128xf32, #tpu.memory_space<vmem>>, %arg10: memref<1000x128xf32, #tpu.memory_space<vmem>>) attributes {dimension_semantics = [#tpu.dimension_semantics<arbitrary>], iteration_bounds = array<i64: 10>, scalar_prefetch = 0 : i64, scratch_operands = 0 : i64, tpu.core_type = #tpu.core_type<tc>, window_params = [{transform_indices = @transform_0, window_bounds = array<i64: 1000, 128>}, {transform_indices = @transform_1, window_bounds = array<i64: 1, 1000, 128>}, {transform_indices = @transform_2, window_bounds = array<i64: 1, 1000, 128>}, {transform_indices = @transform_3, window_bounds = array<i64: 1, 1000, 128>}, {transform_indices = @transform_4, window_bounds = array<i64: 1, 1000, 128>}, {pipeline_mode = #tpu.pipeline_mode<synchronous>, transform_indices = @transform_5, window_bounds = array<i64: 128, 128>}, {pipeline_mode = #tpu.pipeline_mode<synchronous>, transform_indices = @transform_6, window_bounds = array<i64: 1, 128>}, {pipeline_mode = #tpu.pipeline_mode<synchronous>, transform_indices = @transform_7, window_bounds = array<i64: 1, 128>}, {pipeline_mode = #tpu.pipeline_mode<synchronous>, transform_indices = @transform_8, window_bounds = array<i64: 1, 128>}, {transform_indices = @transform_9, window_bounds = array<i64: 1000, 128>}]} {
    %get3A = arith.constant 0 : index
    %get3A_0 = arith.constant 0 : index
    %get3A_1 = arith.constant 0 : index
    %get3A_2 = vector.load %arg4[%get3A, %get3A_0, %get3A_1] : memref<1x1000x128xf32, #tpu.memory_space<vmem>>, vector<1x1000x1xf32>
    %get3A_3 = vector.shape_cast %get3A_2 : vector<1x1000x1xf32> to vector<1000x1xf32>
    %get3A_4 = arith.constant 0 : index
    %get3A_5 = arith.constant 0 : index
    %get3A_6 = arith.constant 0 : index
    %get3A_7 = vector.load %arg5[%get3A_4, %get3A_5, %get3A_6] : memref<1x1000x128xf32, #tpu.memory_space<vmem>>, vector<1x1000x1xf32>
    %get3A_8 = vector.shape_cast %get3A_7 : vector<1x1000x1xf32> to vector<1000x1xf32>
    %add3A = arith.addf %get3A_3, %get3A_8 : vector<1000x1xf32>
    %get3A_9 = arith.constant 0 : index
    %get3A_10 = arith.constant 0 : index
    %get3A_11 = vector.load %arg1[%get3A_9, %get3A_10] : memref<1000x128xf32, #tpu.memory_space<vmem>>, vector<1000x128xf32>
    %get3A_12 = arith.constant 0 : index
    %get3A_13 = arith.constant 0 : index
    %get3A_14 = arith.constant 0 : index
    %get3A_15 = vector.load %arg2[%get3A_12, %get3A_13, %get3A_14] : memref<1x1000x128xf32, #tpu.memory_space<vmem>>, vector<1x1000x128xf32>
    %get3A_16 = vector.shape_cast %get3A_15 : vector<1x1000x128xf32> to vector<1000x128xf32>
    %add3A_17 = arith.addf %get3A_11, %get3A_16 : vector<1000x128xf32>
    %get3A_18 = arith.constant 0 : index
    %get3A_19 = arith.constant 0 : index
    %get3A_20 = arith.constant 0 : index
    %get3A_21 = vector.load %arg3[%get3A_18, %get3A_19, %get3A_20] : memref<1x1000x128xf32, #tpu.memory_space<vmem>>, vector<1x1000x128xf32>
    %get3A_22 = vector.shape_cast %get3A_21 : vector<1x1000x128xf32> to vector<1000x128xf32>
    %add3A_23 = arith.addf %add3A_17, %get3A_22 : vector<1000x128xf32>
    %add3A_24 = arith.constant 1.000000e+00 : f32
    %add3A_25 = vector.broadcast %add3A_24 : f32 to vector<1000x1xf32>
    %add3A_26 = arith.addf %add3A, %add3A_25 : vector<1000x1xf32>
    %div3A = vector.broadcast %add3A_26 : vector<1000x1xf32> to vector<1000x128xf32>
    %div3A_27 = arith.divf %add3A_23, %div3A : vector<1000x128xf32>
    %get3A_28 = arith.constant 0 : index
    %get3A_29 = arith.constant 0 : index
    %get3A_30 = vector.load %arg6[%get3A_28, %get3A_29] : memref<128x128xf32, #tpu.memory_space<vmem>>, vector<128x128xf32>
    %dot_general3A = arith.constant dense<0.000000e+00> : vector<1000x128xf32>
    %dot_general3A_31 = tpu.matmul %div3A_27, %get3A_30, %dot_general3A {dimension_numbers = #tpu.dot_dimension_numbers<[1], [0], [0], [1], [0, 0, 1, 1], [], []>, precision = #tpu.contract_precision<fp32>, transpose_lhs_hint = false} : vector<1000x128xf32>, vector<128x128xf32>, vector<1000x128xf32> -> vector<1000x128xf32>
    %get3A_32 = arith.constant 0 : index
    %get3A_33 = arith.constant 0 : index
    %get3A_34 = vector.load %arg7[%get3A_32, %get3A_33] : memref<1x128xf32, #tpu.memory_space<vmem>>, vector<1x128xf32>
    %add3A_35 = vector.broadcast %get3A_34 : vector<1x128xf32> to vector<1000x128xf32>
    %add3A_36 = arith.addf %dot_general3A_31, %add3A_35 : vector<1000x128xf32>
    %max3A = arith.constant 0.000000e+00 : f32
    %max3A_37 = vector.broadcast %max3A : f32 to vector<1000x128xf32>
    %max3A_38 = arith.maximumf %add3A_36, %max3A_37 : vector<1000x128xf32>
    %reduce_sum3A = arith.constant dense<0.000000e+00> : vector<1000xf32>
    %reduce_sum3A_39 = vector.multi_reduction <add>, %max3A_38, %reduce_sum3A [1] : vector<1000x128xf32> to vector<1000xf32>
    %broadcast_in_dim3A = vector.shape_cast %reduce_sum3A_39 : vector<1000xf32> to vector<1000x1xf32>
    %div3A_40 = arith.constant 1.280000e+02 : f32
    %div3A_41 = vector.broadcast %div3A_40 : f32 to vector<1000x1xf32>
    %div3A_42 = arith.divf %broadcast_in_dim3A, %div3A_41 : vector<1000x1xf32>
    %sub3A = vector.broadcast %div3A_42 : vector<1000x1xf32> to vector<1000x128xf32>
    %sub3A_43 = arith.subf %max3A_38, %sub3A : vector<1000x128xf32>
    %mul3A = arith.mulf %sub3A_43, %sub3A_43 : vector<1000x128xf32>
    %reduce_sum3A_44 = arith.constant dense<0.000000e+00> : vector<1000xf32>
    %reduce_sum3A_45 = vector.multi_reduction <add>, %mul3A, %reduce_sum3A_44 [1] : vector<1000x128xf32> to vector<1000xf32>
    %broadcast_in_dim3A_46 = vector.shape_cast %reduce_sum3A_45 : vector<1000xf32> to vector<1000x1xf32>
    %div3A_47 = arith.constant 1.280000e+02 : f32
    %div3A_48 = vector.broadcast %div3A_47 : f32 to vector<1000x1xf32>
    %div3A_49 = arith.divf %broadcast_in_dim3A_46, %div3A_48 : vector<1000x1xf32>
    %add3A_50 = arith.constant 9.99999974E-6 : f32
    %add3A_51 = vector.broadcast %add3A_50 : f32 to vector<1000x1xf32>
    %add3A_52 = arith.addf %div3A_49, %add3A_51 : vector<1000x1xf32>
    %rsqrt3A = math.rsqrt %add3A_52 : vector<1000x1xf32>
    %mul3A_53 = vector.broadcast %rsqrt3A : vector<1000x1xf32> to vector<1000x128xf32>
    %mul3A_54 = arith.mulf %sub3A_43, %mul3A_53 : vector<1000x128xf32>
    %get3A_55 = arith.constant 0 : index
    %get3A_56 = arith.constant 0 : index
    %get3A_57 = vector.load %arg8[%get3A_55, %get3A_56] : memref<1x128xf32, #tpu.memory_space<vmem>>, vector<1x128xf32>
    %mul3A_58 = vector.broadcast %get3A_57 : vector<1x128xf32> to vector<1000x128xf32>
    %mul3A_59 = arith.mulf %mul3A_54, %mul3A_58 : vector<1000x128xf32>
    %get3A_60 = arith.constant 0 : index
    %get3A_61 = arith.constant 0 : index
    %get3A_62 = vector.load %arg9[%get3A_60, %get3A_61] : memref<1x128xf32, #tpu.memory_space<vmem>>, vector<1x128xf32>
    %add3A_63 = vector.broadcast %get3A_62 : vector<1x128xf32> to vector<1000x128xf32>
    %add3A_64 = arith.addf %mul3A_59, %add3A_63 : vector<1000x128xf32>
    %swap3A = arith.constant 0 : index
    %swap3A_65 = arith.constant 0 : index
    %swap3A_66 = vector.load %arg10[%swap3A, %swap3A_65] : memref<1000x128xf32, #tpu.memory_space<vmem>>, vector<1000x128xf32>
    tpu.vector_store %arg10[%swap3A, %swap3A_65], %add3A_64 {strides = array<i32>} : memref<1000x128xf32, #tpu.memory_space<vmem>>, vector<1000x128xf32>,
    return
  }
  func.func @transform_0(%arg0: i32) -> (i32, i32) {
    %c0_i32 = arith.constant 0 : i32
    %c0_i32_0 = arith.constant 0 : i32
    return %arg0, %c0_i32 : i32, i32
  }
  func.func @transform_1(%arg0: i32) -> (i32, i32, i32) {
    %c0_i32 = arith.constant 0 : i32
    %c0_i32_0 = arith.constant 0 : i32
    %c0_i32_1 = arith.constant 0 : i32
    return %c0_i32, %arg0, %c0_i32_0 : i32, i32, i32
  }
  func.func @transform_2(%arg0: i32) -> (i32, i32, i32) {
    %c1_i32 = arith.constant 1 : i32
    %c0_i32 = arith.constant 0 : i32
    %c0_i32_0 = arith.constant 0 : i32
    return %c1_i32, %arg0, %c0_i32 : i32, i32, i32
  }
  func.func @transform_3(%arg0: i32) -> (i32, i32, i32) {
    %c0_i32 = arith.constant 0 : i32
    %c0_i32_0 = arith.constant 0 : i32
    %c0_i32_1 = arith.constant 0 : i32
    return %c0_i32, %arg0, %c0_i32_0 : i32, i32, i32
  }
  func.func @transform_4(%arg0: i32) -> (i32, i32, i32) {
    %c1_i32 = arith.constant 1 : i32
    %c0_i32 = arith.constant 0 : i32
    %c0_i32_0 = arith.constant 0 : i32
    return %c1_i32, %arg0, %c0_i32 : i32, i32, i32
  }
  func.func @transform_5(%arg0: i32) -> (i32, i32) {
    %c0_i32 = arith.constant 0 : i32
    %c0_i32_0 = arith.constant 0 : i32
    %c0_i32_1 = arith.constant 0 : i32
    return %c0_i32, %c0_i32_0 : i32, i32
  }
  func.func @transform_6(%arg0: i32) -> (i32, i32) {
    %c0_i32 = arith.constant 0 : i32
    %c0_i32_0 = arith.constant 0 : i32
    %c0_i32_1 = arith.constant 0 : i32
    return %c0_i32, %c0_i32_0 : i32, i32
  }
  func.func @transform_7(%arg0: i32) -> (i32, i32) {
    %c0_i32 = arith.constant 0 : i32
    %c0_i32_0 = arith.constant 0 : i32
    %c0_i32_1 = arith.constant 0 : i32
    return %c0_i32, %c0_i32_0 : i32, i32
  }
  func.func @transform_8(%arg0: i32) -> (i32, i32) {
    %c0_i32 = arith.constant 0 : i32
    %c0_i32_0 = arith.constant 0 : i32
    %c0_i32_1 = arith.constant 0 : i32
    return %c0_i32, %c0_i32_0 : i32, i32
  }
  func.func @transform_9(%arg0: i32) -> (i32, i32) {
    %c0_i32 = arith.constant 0 : i32
    %c0_i32_0 = arith.constant 0 : i32
    return %arg0, %c0_i32 : i32, i32
  }
}

module attributes {stable_mosaic.version = 14 : i64} {
  func.func @_tc_last_body(%arg0: i32, %arg1: memref<1000x128xf32, #tpu.memory_space<vmem>>, %arg2: memref<1x1000x128xf32, #tpu.memory_space<vmem>>, %arg3: memref<1x1000x128xf32, #tpu.memory_space<vmem>>, %arg4: memref<1x1000x128xf32, #tpu.memory_space<vmem>>, %arg5: memref<1x1000x128xf32, #tpu.memory_space<vmem>>, %arg6: memref<128x128xf32, #tpu.memory_space<vmem>>, %arg7: memref<1x128xf32, #tpu.memory_space<vmem>>, %arg8: memref<1x128xf32, #tpu.memory_space<vmem>>, %arg9: memref<1x128xf32, #tpu.memory_space<vmem>>, %arg10: memref<128x64xf32, #tpu.memory_space<vmem>>, %arg11: memref<1x64xf32, #tpu.memory_space<vmem>>, %arg12: memref<1000x64xf32, #tpu.memory_space<vmem>>) attributes {dimension_semantics = [#tpu.dimension_semantics<arbitrary>], iteration_bounds = array<i64: 10>, scalar_prefetch = 0 : i64, scratch_operands = 0 : i64, tpu.core_type = #tpu.core_type<tc>, window_params = [{transform_indices = @transform_0, window_bounds = array<i64: 1000, 128>}, {transform_indices = @transform_1, window_bounds = array<i64: 1, 1000, 128>}, {transform_indices = @transform_2, window_bounds = array<i64: 1, 1000, 128>}, {transform_indices = @transform_3, window_bounds = array<i64: 1, 1000, 128>}, {transform_indices = @transform_4, window_bounds = array<i64: 1, 1000, 128>}, {pipeline_mode = #tpu.pipeline_mode<synchronous>, transform_indices = @transform_5, window_bounds = array<i64: 128, 128>}, {pipeline_mode = #tpu.pipeline_mode<synchronous>, transform_indices = @transform_6, window_bounds = array<i64: 1, 128>}, {pipeline_mode = #tpu.pipeline_mode<synchronous>, transform_indices = @transform_7, window_bounds = array<i64: 1, 128>}, {pipeline_mode = #tpu.pipeline_mode<synchronous>, transform_indices = @transform_8, window_bounds = array<i64: 1, 128>}, {pipeline_mode = #tpu.pipeline_mode<synchronous>, transform_indices = @transform_9, window_bounds = array<i64: 128, 64>}, {pipeline_mode = #tpu.pipeline_mode<synchronous>, transform_indices = @transform_10, window_bounds = array<i64: 1, 64>}, {transform_indices = @transform_11, window_bounds = array<i64: 1000, 64>}]} {
    %get3A = arith.constant 0 : index
    %get3A_0 = arith.constant 0 : index
    %get3A_1 = arith.constant 0 : index
    %get3A_2 = vector.load %arg4[%get3A, %get3A_0, %get3A_1] : memref<1x1000x128xf32, #tpu.memory_space<vmem>>, vector<1x1000x1xf32>
    %get3A_3 = vector.shape_cast %get3A_2 : vector<1x1000x1xf32> to vector<1000x1xf32>
    %get3A_4 = arith.constant 0 : index
    %get3A_5 = arith.constant 0 : index
    %get3A_6 = arith.constant 0 : index
    %get3A_7 = vector.load %arg5[%get3A_4, %get3A_5, %get3A_6] : memref<1x1000x128xf32, #tpu.memory_space<vmem>>, vector<1x1000x1xf32>
    %get3A_8 = vector.shape_cast %get3A_7 : vector<1x1000x1xf32> to vector<1000x1xf32>
    %add3A = arith.addf %get3A_3, %get3A_8 : vector<1000x1xf32>
    %get3A_9 = arith.constant 0 : index
    %get3A_10 = arith.constant 0 : index
    %get3A_11 = vector.load %arg1[%get3A_9, %get3A_10] : memref<1000x128xf32, #tpu.memory_space<vmem>>, vector<1000x128xf32>
    %get3A_12 = arith.constant 0 : index
    %get3A_13 = arith.constant 0 : index
    %get3A_14 = arith.constant 0 : index
    %get3A_15 = vector.load %arg2[%get3A_12, %get3A_13, %get3A_14] : memref<1x1000x128xf32, #tpu.memory_space<vmem>>, vector<1x1000x128xf32>
    %get3A_16 = vector.shape_cast %get3A_15 : vector<1x1000x128xf32> to vector<1000x128xf32>
    %add3A_17 = arith.addf %get3A_11, %get3A_16 : vector<1000x128xf32>
    %get3A_18 = arith.constant 0 : index
    %get3A_19 = arith.constant 0 : index
    %get3A_20 = arith.constant 0 : index
    %get3A_21 = vector.load %arg3[%get3A_18, %get3A_19, %get3A_20] : memref<1x1000x128xf32, #tpu.memory_space<vmem>>, vector<1x1000x128xf32>
    %get3A_22 = vector.shape_cast %get3A_21 : vector<1x1000x128xf32> to vector<1000x128xf32>
    %add3A_23 = arith.addf %add3A_17, %get3A_22 : vector<1000x128xf32>
    %add3A_24 = arith.constant 1.000000e+00 : f32
    %add3A_25 = vector.broadcast %add3A_24 : f32 to vector<1000x1xf32>
    %add3A_26 = arith.addf %add3A, %add3A_25 : vector<1000x1xf32>
    %div3A = vector.broadcast %add3A_26 : vector<1000x1xf32> to vector<1000x128xf32>
    %div3A_27 = arith.divf %add3A_23, %div3A : vector<1000x128xf32>
    %get3A_28 = arith.constant 0 : index
    %get3A_29 = arith.constant 0 : index
    %get3A_30 = vector.load %arg6[%get3A_28, %get3A_29] : memref<128x128xf32, #tpu.memory_space<vmem>>, vector<128x128xf32>
    %dot_general3A = arith.constant dense<0.000000e+00> : vector<1000x128xf32>
    %dot_general3A_31 = tpu.matmul %div3A_27, %get3A_30, %dot_general3A {dimension_numbers = #tpu.dot_dimension_numbers<[1], [0], [0], [1], [0, 0, 1, 1], [], []>, precision = #tpu.contract_precision<fp32>, transpose_lhs_hint = false} : vector<1000x128xf32>, vector<128x128xf32>, vector<1000x128xf32> -> vector<1000x128xf32>
    %get3A_32 = arith.constant 0 : index
    %get3A_33 = arith.constant 0 : index
    %get3A_34 = vector.load %arg7[%get3A_32, %get3A_33] : memref<1x128xf32, #tpu.memory_space<vmem>>, vector<1x128xf32>
    %add3A_35 = vector.broadcast %get3A_34 : vector<1x128xf32> to vector<1000x128xf32>
    %add3A_36 = arith.addf %dot_general3A_31, %add3A_35 : vector<1000x128xf32>
    %max3A = arith.constant 0.000000e+00 : f32
    %max3A_37 = vector.broadcast %max3A : f32 to vector<1000x128xf32>
    %max3A_38 = arith.maximumf %add3A_36, %max3A_37 : vector<1000x128xf32>
    %reduce_sum3A = arith.constant dense<0.000000e+00> : vector<1000xf32>
    %reduce_sum3A_39 = vector.multi_reduction <add>, %max3A_38, %reduce_sum3A [1] : vector<1000x128xf32> to vector<1000xf32>
    %broadcast_in_dim3A = vector.shape_cast %reduce_sum3A_39 : vector<1000xf32> to vector<1000x1xf32>
    %div3A_40 = arith.constant 1.280000e+02 : f32
    %div3A_41 = vector.broadcast %div3A_40 : f32 to vector<1000x1xf32>
    %div3A_42 = arith.divf %broadcast_in_dim3A, %div3A_41 : vector<1000x1xf32>
    %sub3A = vector.broadcast %div3A_42 : vector<1000x1xf32> to vector<1000x128xf32>
    %sub3A_43 = arith.subf %max3A_38, %sub3A : vector<1000x128xf32>
    %mul3A = arith.mulf %sub3A_43, %sub3A_43 : vector<1000x128xf32>
    %reduce_sum3A_44 = arith.constant dense<0.000000e+00> : vector<1000xf32>
    %reduce_sum3A_45 = vector.multi_reduction <add>, %mul3A, %reduce_sum3A_44 [1] : vector<1000x128xf32> to vector<1000xf32>
    %broadcast_in_dim3A_46 = vector.shape_cast %reduce_sum3A_45 : vector<1000xf32> to vector<1000x1xf32>
    %div3A_47 = arith.constant 1.280000e+02 : f32
    %div3A_48 = vector.broadcast %div3A_47 : f32 to vector<1000x1xf32>
    %div3A_49 = arith.divf %broadcast_in_dim3A_46, %div3A_48 : vector<1000x1xf32>
    %add3A_50 = arith.constant 9.99999974E-6 : f32
    %add3A_51 = vector.broadcast %add3A_50 : f32 to vector<1000x1xf32>
    %add3A_52 = arith.addf %div3A_49, %add3A_51 : vector<1000x1xf32>
    %rsqrt3A = math.rsqrt %add3A_52 : vector<1000x1xf32>
    %mul3A_53 = vector.broadcast %rsqrt3A : vector<1000x1xf32> to vector<1000x128xf32>
    %mul3A_54 = arith.mulf %sub3A_43, %mul3A_53 : vector<1000x128xf32>
    %get3A_55 = arith.constant 0 : index
    %get3A_56 = arith.constant 0 : index
    %get3A_57 = vector.load %arg8[%get3A_55, %get3A_56] : memref<1x128xf32, #tpu.memory_space<vmem>>, vector<1x128xf32>
    %mul3A_58 = vector.broadcast %get3A_57 : vector<1x128xf32> to vector<1000x128xf32>
    %mul3A_59 = arith.mulf %mul3A_54, %mul3A_58 : vector<1000x128xf32>
    %get3A_60 = arith.constant 0 : index
    %get3A_61 = arith.constant 0 : index
    %get3A_62 = vector.load %arg9[%get3A_60, %get3A_61] : memref<1x128xf32, #tpu.memory_space<vmem>>, vector<1x128xf32>
    %add3A_63 = vector.broadcast %get3A_62 : vector<1x128xf32> to vector<1000x128xf32>
    %add3A_64 = arith.addf %mul3A_59, %add3A_63 : vector<1000x128xf32>
    %get3A_65 = arith.constant 0 : index
    %get3A_66 = arith.constant 0 : index
    %get3A_67 = vector.load %arg10[%get3A_65, %get3A_66] : memref<128x64xf32, #tpu.memory_space<vmem>>, vector<128x64xf32>
    %dot_general3A_68 = arith.constant dense<0.000000e+00> : vector<1000x64xf32>
    %dot_general3A_69 = tpu.matmul %add3A_64, %get3A_67, %dot_general3A_68 {dimension_numbers = #tpu.dot_dimension_numbers<[1], [0], [0], [1], [0, 0, 1, 1], [], []>, precision = #tpu.contract_precision<fp32>, transpose_lhs_hint = false} : vector<1000x128xf32>, vector<128x64xf32>, vector<1000x64xf32> -> vector<1000x64xf32>
    %get3A_70 = arith.constant 0 : index
    %get3A_71 = arith.constant 0 : index
    %get3A_72 = vector.load %arg11[%get3A_70, %get3A_71] : memref<1x64xf32, #tpu.memory_space<vmem>>, vector<1x64xf32>
    %add3A_73 = vector.broadcast %get3A_72 : vector<1x64xf32> to vector<1000x64xf32>
    %add3A_74 = arith.addf %dot_general3A_69, %add3A_73 : vector<1000x64xf32>
    %swap3A = arith.constant 0 : index
    %swap3A_75 = arith.constant 0 : index
    %swap3A_76 = vector.load %arg12[%swap3A, %swap3A_75] : memref<1000x64xf32, #tpu.memory_space<vmem>>, vector<1000x64xf32>
    tpu.vector_store %arg12[%swap3A, %swap3A_75], %add3A_74 {strides = array<i32>} : memref<1000x64xf32, #tpu.memory_space<vmem>>, vector<1000x64xf32>,
    return
  }
  func.func @transform_0(%arg0: i32) -> (i32, i32) {
    %c0_i32 = arith.constant 0 : i32
    %c0_i32_0 = arith.constant 0 : i32
    return %arg0, %c0_i32 : i32, i32
  }
  func.func @transform_1(%arg0: i32) -> (i32, i32, i32) {
    %c0_i32 = arith.constant 0 : i32
    %c0_i32_0 = arith.constant 0 : i32
    %c0_i32_1 = arith.constant 0 : i32
    return %c0_i32, %arg0, %c0_i32_0 : i32, i32, i32
  }
  func.func @transform_2(%arg0: i32) -> (i32, i32, i32) {
    %c1_i32 = arith.constant 1 : i32
    %c0_i32 = arith.constant 0 : i32
    %c0_i32_0 = arith.constant 0 : i32
    return %c1_i32, %arg0, %c0_i32 : i32, i32, i32
  }
  func.func @transform_3(%arg0: i32) -> (i32, i32, i32) {
    %c0_i32 = arith.constant 0 : i32
    %c0_i32_0 = arith.constant 0 : i32
    %c0_i32_1 = arith.constant 0 : i32
    return %c0_i32, %arg0, %c0_i32_0 : i32, i32, i32
  }
  func.func @transform_4(%arg0: i32) -> (i32, i32, i32) {
    %c1_i32 = arith.constant 1 : i32
    %c0_i32 = arith.constant 0 : i32
    %c0_i32_0 = arith.constant 0 : i32
    return %c1_i32, %arg0, %c0_i32 : i32, i32, i32
  }
  func.func @transform_5(%arg0: i32) -> (i32, i32) {
    %c0_i32 = arith.constant 0 : i32
    %c0_i32_0 = arith.constant 0 : i32
    %c0_i32_1 = arith.constant 0 : i32
    return %c0_i32, %c0_i32_0 : i32, i32
  }
  func.func @transform_6(%arg0: i32) -> (i32, i32) {
    %c0_i32 = arith.constant 0 : i32
    %c0_i32_0 = arith.constant 0 : i32
    %c0_i32_1 = arith.constant 0 : i32
    return %c0_i32, %c0_i32_0 : i32, i32
  }
  func.func @transform_7(%arg0: i32) -> (i32, i32) {
    %c0_i32 = arith.constant 0 : i32
    %c0_i32_0 = arith.constant 0 : i32
    %c0_i32_1 = arith.constant 0 : i32
    return %c0_i32, %c0_i32_0 : i32, i32
  }
  func.func @transform_8(%arg0: i32) -> (i32, i32) {
    %c0_i32 = arith.constant 0 : i32
    %c0_i32_0 = arith.constant 0 : i32
    %c0_i32_1 = arith.constant 0 : i32
    return %c0_i32, %c0_i32_0 : i32, i32
  }
  func.func @transform_9(%arg0: i32) -> (i32, i32) {
    %c0_i32 = arith.constant 0 : i32
    %c0_i32_0 = arith.constant 0 : i32
    %c0_i32_1 = arith.constant 0 : i32
    return %c0_i32, %c0_i32_0 : i32, i32
  }
  func.func @transform_10(%arg0: i32) -> (i32, i32) {
    %c0_i32 = arith.constant 0 : i32
    %c0_i32_0 = arith.constant 0 : i32
    %c0_i32_1 = arith.constant 0 : i32
    return %c0_i32, %c0_i32_0 : i32, i32
  }
  func.func @transform_11(%arg0: i32) -> (i32, i32) {
    %c0_i32 = arith.constant 0 : i32
    %c0_i32_0 = arith.constant 0 : i32
    return %arg0, %c0_i32 : i32, i32
  }
}

</mosaic_0001>

<sc_bundles>
// kernel: kernel.10.cloned.1.call-start
scs
__scs_entry_jumppad:
0x0: {  	(pc) =	sbr.rel $0x88, $3  }
0x1: {  	(tag) =	ssettag $0x0;
	lr =	simm.s32 $0x1  }
0x2: {  	[smem:$0x3F97] =	sst lr;
	_ =	strace $0xD0000000  }
0x3: {  	_ = 	snop  }
0x4: {  	_ = 	snop  }
0x5: {  	_ = 	snop  }
0x6: {  	_ = 	snop  }
0x7: {  	_ = 	snop  }
__scs_overlays_trampoline_lowered:
0x8: {  	[smem:$0x3FA6] =	sst s0  }
0x9: {  	[smem:$0x3FA7] =	sst s1  }
0xa: {  	[smem:$0x3FA8] =	sst s2  }
0xb: {  	[smem:$0x3FA9] =	sst s3  }
0xc: {  	[smem:$0x3FAA] =	sst s4  }
0xd: {  	[smem:$0x3FAB] =	sst s5  }
0xe: {  	[smem:$0x3FAC] =	sst s6  }
0xf: {  	[smem:$0x3FAD] =	sst s7  }
0x10: {  	[smem:$0x3FAE] =	sst s8  }
0x11: {  	[smem:$0x3FAF] =	sst s9;
	s0 =	simm.s32 @!p0 $0x0  }
0x12: {  	s1 =	sld [smem:$0x3F95];
	s0 =	simm.s32 @p0 $0x1  }
0x13: {  	[smem:$0x3FB0] =	sst s0;
	s0 =	simm.s32 @!p1 $0x0  }
0x14: {  	s2 =	sld [smem:$0x3F94];
	s0 =	simm.s32 @p1 $0x1  }
0x15: {  	[smem:$0x3FB1] =	sst s0;
	s0 =	simm.s32 @!p2 $0x0  }
0x16: {  	s3 =	sld [smem:$0x3FDB];
	s0 =	simm.s32 @p2 $0x1  }
0x17: {  	s4 =	simm.s32 $0x1BF5;
	[smem:$0x3FB3] =	sst s0  }
0x18: {  	s0 =	sld [smem:$0x3F96];
	_ =	swait.ge [sflag:s4], $0x0  }
0x19: {  	s7 =	sld [smem:$0x3F97]  }
0x1a: {  	s8 =	sadd.s32 $0xFFFFE003, lr  }
0x1b: {  	s9 =	sadd.s32 $0xFFFFFEF7, lr;
	s5 =	simm.s32 $0xFFFFFFFF;
	p2 =	slt.u32 s8, $0xFFFFF086  }
0x1c: {  	p1 =	slt.u32 s9, $0xF7A;
	s5 =	simm.s32 @!p2 $0x0  }
0x1d: {  	s5 =	simm.s32 @p1 $0x1;
	p0 =	seq.s32 s7, s2  }
0x1e: {  	s7 =	smul.u32 @!p0 $0xF7A, s2;
	p2 =	seq.s32 @!p0 s5, $0x0  }
0x1f: {  	s9 =	smul.u32 $0xF7A, s1;
	s8 =	simm.s32 @!p0 $0x1BF5;
	p2 =	por !p2, p0  }
0x20: {  	[sflag:s8] =	ssyncset.s32 @!p0 $0xFFFFF086;
	s6 =	sadd.s32 @!p0 s3, s7;
	s7 =	simm.s32 @!p0 $0x108  }
0x21: {  	s3 =	sadd.s32 s3, s9;
	s6 =	sadd.s32 @!p0 $0x88, s6;
	s7 =	simm.s32 @p2 $0x1082  }
0x22: {  	[simem:s7], [sflag:s8] =	dma.local @!p0 [hbm:s6], $0xF7A  }
0x23: {  	s9 =	sor.u32 $0xD0000000, s2;
	s6 =	simm.s32 $0x108;
	_ =	swait.ge @!p0 [sflag:s8], $0x0  }
0x24: {  	s3 =	sadd.s32 $0x88, s3;
	s6 =	simm.s32 @!p1 $0x1082;
	[sflag:s4] =	ssyncset.s32 $0xFFFFF086  }
0x25: {  	[simem:s6], [sflag:s4] =	dma.local [hbm:s3], $0xF7A  }
0x26: {  	[smem:$0x3F97] =	sst s1;
	(tag) =	ssettag s2;
	_ =	strace s9  }
0x27: {  	s1 =	sld [smem:$0x3FA7]  }
0x28: {  	s2 =	sld [smem:$0x3FA8]  }
0x29: {  	s4 =	sld [smem:$0x3FAA]  }
0x2a: {  	p0 =	seq.s32 s5, $0x0;
	s5 =	sld [smem:$0x3FAB]  }
0x2b: {  	s6 =	sld [smem:$0x3FAC]  }
0x2c: {  	s7 =	sld [smem:$0x3FAD]  }
0x2d: {  	s3 =	simm.s32 $0x108;
	s8 =	sld [smem:$0x3FAE]  }
0x2e: {  	s3 =	simm.s32 @!p0 $0x1082;
	s9 =	sld [smem:$0x3FAF]  }
0x2f: {  	lr =	sadd.s32 s0, s3;
	s0 =	sld [smem:$0x3FA6]  }
0x30: {  	s3 =	sld [smem:$0x3FA9]  }
0x31: {  	[smem:$0x3FB2] =	sst s10  }
0x32: {  	s10 =	sld [smem:$0x3FB0];
	_ =	sdelay $0x3  }
0x33: {  	p0 =	seq.s32 s10, $0x1;
	s10 =	sld [smem:$0x3FB2];
	_ =	sdelay $0x3  }
0x34: {  	[smem:$0x3FB2] =	sst s10  }
0x35: {  	s10 =	sld [smem:$0x3FB1];
	_ =	sdelay $0x3  }
0x36: {  	p1 =	seq.s32 s10, $0x1;
	s10 =	sld [smem:$0x3FB2];
	_ =	sdelay $0x3  }
0x37: {  	[smem:$0x3FB2] =	sst s10  }
0x38: {  	s10 =	sld [smem:$0x3FB3]  }
0x39: {  	_ = 	snop;
	(pc) =	sbr.ind lr, $3  }
0x3a: {  	_ = 	snop  }
0x3b: {  	_ = 	snop  }
0x3c: {  	p2 =	seq.s32 s10, $0x1;
	s10 =	sld [smem:$0x3FB2]  }
0x3d: {  	_ =	shalt  }
0x3e: {  	_ =	shalt  }
0x3f: {  	_ =	shalt  }
0x40: {  	_ =	shalt  }
0x41: {  	_ =	shalt  }
0x42: {  	_ =	shalt  }
0x43: {  	_ =	shalt  }
0x44: {  	_ =	shalt  }
0x45: {  	_ =	shalt  }
0x46: {  	_ =	shalt  }
0x47: {  	_ =	shalt  }
0x48: {  	_ =	shalt  }
0x49: {  	_ =	shalt  }
0x4a: {  	_ =	shalt  }
0x4b: {  	_ =	shalt  }
0x4c: {  	_ =	shalt  }
0x4d: {  	_ =	shalt  }
0x4e: {  	_ =	shalt  }
0x4f: {  	_ =	shalt  }
0x50: {  	_ =	shalt  }
0x51: {  	_ =	shalt  }
0x52: {  	_ =	shalt  }
0x53: {  	_ =	shalt  }
0x54: {  	_ =	shalt  }
0x55: {  	_ =	shalt  }
0x56: {  	_ =	shalt  }
0x57: {  	_ =	shalt  }
0x58: {  	_ =	shalt  }
0x59: {  	_ =	shalt  }
0x5a: {  	_ =	shalt  }
0x5b: {  	_ =	shalt  }
0x5c: {  	_ =	shalt  }
0x5d: {  	_ =	shalt  }
0x5e: {  	_ =	shalt  }
0x5f: {  	_ =	shalt  }
0x60: {  	_ =	shalt  }
0x61: {  	_ =	shalt  }
0x62: {  	_ =	shalt  }
0x63: {  	_ =	shalt  }
0x64: {  	_ =	shalt  }
0x65: {  	_ =	shalt  }
0x66: {  	_ =	shalt  }
0x67: {  	_ =	shalt  }
0x68: {  	_ =	shalt  }
0x69: {  	_ =	shalt  }
0x6a: {  	_ =	shalt  }
0x6b: {  	_ =	shalt  }
0x6c: {  	_ =	shalt  }
0x6d: {  	_ =	shalt  }
0x6e: {  	_ =	shalt  }
0x6f: {  	_ =	shalt  }
0x70: {  	_ =	shalt  }
0x71: {  	_ =	shalt  }
0x72: {  	_ =	shalt  }
0x73: {  	_ =	shalt  }
0x74: {  	_ =	shalt  }
0x75: {  	_ =	shalt  }
0x76: {  	_ =	shalt  }
0x77: {  	_ =	shalt  }
0x78: {  	_ =	shalt  }
0x79: {  	_ =	shalt  }
0x7a: {  	_ =	shalt  }
0x7b: {  	_ =	shalt  }
0x7c: {  	_ =	shalt  }
0x7d: {  	_ =	shalt  }
0x7e: {  	_ =	shalt  }
0x7f: {  	_ =	shalt  }
0x80: {  	_ =	shalt  }
0x81: {  	_ =	shalt  }
0x82: {  	_ =	shalt  }
0x83: {  	_ =	shalt  }
0x84: {  	_ =	shalt  }
0x85: {  	_ =	shalt  }
0x86: {  	_ =	shalt  }
0x87: {  	_ =	shalt  }
.Lfunc_end0:
.L_simem_size_0:
called_computation_lowered:
.L_overlay_start_0:
0x88: {  	s2 =	sld [smem:$0x3FD9]  }
0x89: {  	s3 =	sld [smem:$0x3FFE];
	_ =	sdelay $0x1  }
0x8a: {  	s1 =	srdreg.scid  }
0x8b: {  	s0 =	sand.u32 $0x1, s1  }
0x8c: {  	s17 =	sshll.u32 s0, $0xA;
	s2 =	sadd.s32 s3, s2  }
0x8d: {  	s2 =	sadd.s32 s2, s17  }
0x8e: {  	[smem:$0x3FBE] =	sst s2  }
0x8f: {  	_ = 	snop  }
0x90: {  	s2 =	sld [smem:$0x3FD0];
	(tm) =	ssettm $0x1  }
0x91: {  	s18 =	sld [smem:$0x3FFB];
	_ =	sdelay $0x3  }
0x92: {  	_ =	strace s18  }
0x93: {  	s3 =	sld [smem:$0x3FFC];
	_ =	sdelay $0x3  }
0x94: {  	_ =	strace s3  }
0x95: {  	s3 =	sld [smem:$0x3FFD];
	_ =	sdelay $0x3  }
0x96: {  	_ =	strace s3  }
0x97: {  	_ =	strace $0x8FFFFFFF  }
0x98: {  	s19 =	sld [smem:$0x3FDB];
	_ =	sdelay $0x1  }
0x99: {  	s4 =	simm.s32 $_scs_section_size  }
0x9a: {  	s5 =	simm.s32 $_size__tile_overlayer_lowered;
	s6 =	simm.s32 $_tile_overlayer_lowered  }
0x9b: {  	s22 =	simm.s32 $0x1BFF;
	s21 =	sshll.u32 s6, $0x1;
	s3 =	sadd.s32 s4, s19  }
0x9c: {  	s7 =	simm.s32 $0x0;
	s20 =	sshll.u32 s5, $0x1;
	s5 =	sadd.s32 s21, s3  }
0x9d: {  	[timem:s7], [sflag:s22] =	dma.local [hbm:s5], s20  }
0x9e: {  	_ =	swait.ge [sflag:s22], s20  }
0x9f: {  	s4 =	ssub.s32 $0x0, s20;
	[sflag:s22] =	ssyncset.done $0x0  }
0xa0: {  	[sflag:s22] =	ssyncadd.s32 s4;
	_ =	sdelay $0x1  }
0xa1: {  	s23 =	simm.s32 $0x1B8B  }
0xa2: {  	_ =	swait.ge [sflag:s23], $0x1  }
0xa3: {  	[sflag:s23] =	ssyncset.done $0x0  }
0xa4: {  	s25 =	simm.s32 $0x1B8E;
	s24 =	sld [smem:$0x3FFE];
	[sflag:s23] =	ssyncadd.s32 $0xFFFFFFFF  }
0xa5: {  	s26 =	simm.s32 $execute0_lowered;
	[smem:$0x3FD2] =	sst s25  }
0xa6: {  	s5 =	sshll.u32 s26, $0x1;
	_ =	strace $0x80000046;
	[dreg:$0x1] =	wrdreg $0xFFFFFFFF  }
0xa7: {  	s28 =	simm.s32 $_size_execute0_lowered;
	s3 =	sadd.s32 s3, s5;
	[dreg:$0x0] =	wrdreg $0x0  }
0xa8: {  	s5 =	sshll.u32 s28, $0x1;
	[dreg:$0x2] =	wrdreg s3  }
0xa9: {  	[dreg:$0x3] =	wrdreg s5  }
0xaa: {  	[dreg:$0x4] =	wrdreg $0xC0  }
0xab: {  	_ =	task [dreg:s7], $0x5FFFF  }
0xac: {  	[dreg:$0x1] =	wrdreg $0xFFFFFFFF  }
0xad: {  	[dreg:$0x0] =	wrdreg $0x60  }
0xae: {  	[dreg:$0x2] =	wrdreg s2  }
0xaf: {  	[dreg:$0x3] =	wrdreg s24  }
0xb0: {  	[dreg:$0x4] =	wrdreg $0x82000  }
0xb1: {  	[dreg:$0x5] =	wrdreg $0x9  }
0xb2: {  	_ =	task.clear_ibuf [dreg:s7], $0x6FFFF;
	_ =	strace $0x90000046  }
0xb3: {  	s29 =	simm.s32 $0x9;
	_ =	strace $0x80000048  }
0xb4: {  	_ =	swait.ge [sflag:s29], $0x1  }
0xb5: {  	[sflag:s29] =	ssyncadd.s32 $0xFFFFFFFF  }
0xb6: {  	_ =	strace $0x90000048  }
0xb7: {  	_ =	sfence  }
0xb8: {  	s30 =	sld [smem:$0x0];
	_ =	sdelay $0x2  }
0xb9: {  	s31 =	sshll.u32 s1, $0xD;
	s1 =	sshrl.u32 s1, $0x2  }
0xba: {  	s3 =	sand.u32 $0x4000, s31;
	s1 =	sadd.s32 s1, s30  }
0xbb: {  	s0 =	sor.u32 s3, s0;
	s1 =	sshll.u32 s1, $0x11  }
0xbc: {  	s0 =	sor.u32 s1, s0  }
0xbd: {  	s0 =	sadd.s32 $0x8F2B, s0  }
0xbe: {  	[sflag:s0] =	ssyncadd.remote.s32 $0x1  }
0xbf: {  	_ =	sfence.sel $0xFFFF  }
0xc0: {  	[dreg:$0x0] =	wrdreg $0xFFFFFFFF;
	(pc) =	sbr.abs _section_cstart, $3  }
0xc1: {  	[dreg:$0x1] =	wrdreg $0xFFFFFFFF  }
0xc2: {  	_ =	task.clear_ibuf [dreg:s7], $0x2FFFF;
	_ =	strace $0x9FFFFFFF  }
0xc3: {  	(tm) =	ssettm $0x7FFFFFFF  }
tec
execute0_lowered:
.L_overlay_start_1:
0x0: {  	(tag) =	ssettag $0x1  }
0x1: {  	s15 =	rddreg [dreg:$0x0]  }
0x2: {  	s6 =	rddreg [dreg:$0x1]  }
0x3: {  	s1 =	rddreg [dreg:$0x2]  }
0x4: {  	s0 =	rddreg [dreg:$0x3];
	s3 =	simm.s32 $0x0;
	s2 =	srdreg.scid  }
0x5: {  	s18 =	simm.s32 $0x4200;
	s19 =	simm.s32 $0x2;
	s20 =	simm.s32 $0x200  }
0x6: {  	s21 =	simm.s32 $0x80;
	s22 =	simm.s32 $0x1;
	s7 =	sand.u32 $0x1, s2  }
0x7: {  	s23 =	simm.s32 $0x0;
	s2 =	stileid.u32;
	s8 =	smul.u32 $0x13C000, s7  }
0x8: {  	[smem:$0x7FF] =	sst s3;
	s4 =	sadd.s32 $0xD600, s6;
	s9 =	smul.u32 $0x13C00, s2  }
0x9: {  	s5 =	sadd.s32 $0xD800, s6;
	_ =	strace $0x80000047;
	s25 =	smul.u32 $0x4F000, s2  }
0xa: {  	s10 =	sshll.u32 s7, $0x4;
	s24 =	ssub.s32 $0x2, s7;
	s26 =	smul.u32 $0x4E0, s7  }
0xb: {  	s30 =	smul.u32 $0x4E, s2;
	s10 =	sor.u32 s2, s10;
	s11 =	sshrl.u32 s24, $0x1  }
0xc: {  	s8 =	sadd.s32 s9, s8;
	s12 =	smul.u32 $0x4E, s10;
	s16 =	ssub.s32 s24, s11  }
0xd: {  	p0 =	slt.u32 s10, $0x4;
	s28 =	smin.u32 s10, $0x4;
	s29 =	sshrl.u32 s25, $0x2  }
0xe: {  	s13 =	sadd.s32 s30, s26;
	s8 =	sshrl.u32 s8, $0x3;
	s7 =	sadd.s32 s29, s1  }
0xf: {  	s13 =	sadd.s32 s28, s13;
	s14 =	sadd.s32 s8, s6;
	s6 =	simm.s32 $0x4F  }
0x10: {  	s31 =	sadd.s32 s28, s12;
	s8 =	sadd.s32 $0x4000, s7;
	s9 =	sadd.s32 $0x8000, s7  }
0x11: {  	s10 =	sadd.s32 $0xC000, s7;
	s11 =	sadd.s32 $0x10000, s7;
	s17 =	sshll.u32 s13, $0x4  }
0x12: {  	s6 =	simm.s32 @!p0 $0x4E;
	s12 =	sshll.u32 s31, $0x4;
	s14 =	sadd.s32 $0xE000, s14  }
0x13: {  	s17 =	sadd.s32 s15, s17;
	s12 =	sadd.s32 s15, s12;
	s15 =	smax.u32 s16, $0x1  }
0x14: {  	v0 =	vimm.f32 $0.0e+00;
	s16 =	sshll.u32 s6, $0x7;
	s17 =	sadd.s32 $0x20, s17;
	s13 =	sadd.s32 $0x10, s12  }
.LBB2_1:
0x15: {  	[tilespmem:s18], [sflag:$0x2] =	stream.linear.gather [hbm4b:s4+s3], $0x400, $0x38;
	[tilespmem:$0x1BE00] =	vst v63  }
0x16: {  	_ =	swait.ge [sflag:s19], $0x400  }
0x17: {  	[sflag:s19] =	ssyncset.done $0x0  }
0x18: {  	s24 =	simm.s32 $0x0;
	s25 =	simm.s32 $0x200;
	[sflag:s19] =	ssyncadd.s32 $0xFFFFFC00  }
.LBB2_2:
0x19: {  	p0 =	sne.s32 s25, $0xFE00;
	[tilespmem:s24+$0x4270] =	vst v0  }
0x1a: {  	[tilespmem:s24+$0x4200] =	vst v0  }
0x1b: {  	[tilespmem:s24+$0x4210] =	vst v0  }
.Ltmp0:
0x1c: {  	[tilespmem:s24+$0x4220] =	vst v0;
	(pc) =	sbr.rel @p0 .LBB2_2-.Ltmp0, $4  }
0x1d: {  	[tilespmem:s24+$0x4230] =	vst v0  }
0x1e: {  	[tilespmem:s24+$0x4240] =	vst v0  }
0x1f: {  	[tilespmem:s24+$0x4250] =	vst v0  }
0x20: {  	[tilespmem:s24+$0x4260] =	vst v0;
	s24 =	sshra.s32 s25, $0x2;
	s25 =	sadd.s32 $0x200, s25  }
0x21: {  	[tilespmem:s24+$0x4270] =	vst v0  }
0x22: {  	[tilespmem:s24+$0x4200] =	vst v0  }
0x23: {  	[tilespmem:s24+$0x4210] =	vst v0  }
0x24: {  	[tilespmem:s24+$0x4220] =	vst v0  }
0x25: {  	[tilespmem:s24+$0x4230] =	vst v0  }
0x26: {  	[tilespmem:s24+$0x4240] =	vst v0  }
0x27: {  	[tilespmem:s24+$0x4250] =	vst v0  }
0x28: {  	[tilespmem:s24+$0x4260] =	vst v0;
	s30 =	simm.s32 $0x2  }
0x29: {  	[spmem:s7] =	stream.linear.scatter [tilespmem:s18], [sflag:$0x2], $0x4000, $0x38;
	[tilespmem:$0x1BE00] =	vst v63  }
0x2a: {  	_ =	swait.ge [sflag:s30], $0x4000  }
0x2b: {  	[sflag:s30] =	ssyncset.done $0x0  }
0x2c: {  	[sflag:s30] =	ssyncadd.s32 $0xFFFFC000  }
0x2d: {  	[spmem:s8] =	stream.linear.scatter [tilespmem:s18], [sflag:$0x2], $0x4000, $0x38;
	[tilespmem:$0x1BE00] =	vst v63  }
0x2e: {  	_ =	swait.ge [sflag:s30], $0x4000  }
0x2f: {  	[sflag:s30] =	ssyncset.done $0x0  }
0x30: {  	[sflag:s30] =	ssyncadd.s32 $0xFFFFC000  }
0x31: {  	[spmem:s9] =	stream.linear.scatter [tilespmem:s18], [sflag:$0x2], $0x4000, $0x38;
	[tilespmem:$0x1BE00] =	vst v63  }
0x32: {  	_ =	swait.ge [sflag:s30], $0x4000  }
0x33: {  	[sflag:s30] =	ssyncset.done $0x0  }
0x34: {  	[sflag:s30] =	ssyncadd.s32 $0xFFFFC000  }
0x35: {  	[spmem:s10] =	stream.linear.scatter [tilespmem:s18], [sflag:$0x2], $0x4000, $0x38;
	[tilespmem:$0x1BE00] =	vst v63  }
0x36: {  	_ =	swait.ge [sflag:s30], $0x4000  }
0x37: {  	[sflag:s30] =	ssyncset.done $0x0  }
0x38: {  	[sflag:s30] =	ssyncadd.s32 $0xFFFFC000  }
0x39: {  	[spmem:s11] =	stream.linear.scatter [tilespmem:s18], [sflag:$0x2], $0x3C00, $0x38;
	[tilespmem:$0x1BE00] =	vst v63  }
0x3a: {  	_ =	swait.ge [sflag:s30], $0x3C00  }
0x3b: {  	[sflag:s30] =	ssyncset.done $0x0  }
0x3c: {  	s25 =	simm.s32 $0x0;
	[sflag:s30] =	ssyncadd.s32 $0xFFFFC400  }
0x3d: {  	[tilespmem:s20], [sflag:$0x2] =	stream.linear.gather [hbm4b:s5+s25], $0x4000, $0x38;
	[tilespmem:$0x1BE00] =	vst v63  }
0x3e: {  	_ =	swait.ge [sflag:s30], $0x4000  }
0x3f: {  	[sflag:s30] =	ssyncset.done $0x0  }
0x40: {  	[sflag:s30] =	ssyncadd.s32 $0xFFFFC000  }
0x41: {  	[tilespmem:s25], [sflag:$0x1] =	stream.linear.gather [hbm4b:s12+s25], $0x80, $0x38;
	[tilespmem:$0x1BE00] =	vst v63  }
0x42: {  	_ = 	snop  }
0x43: {  	[tilespmem:s21], [sflag:$0x1] =	stream.linear.gather [hbm4b:s13+s25], $0x80, $0x38;
	[tilespmem:$0x1BE00] =	vst v63  }
0x44: {  	[bflag:$0x0] =	sbarrier.arrive $0xFFFF  }
0x45: {  	p0 =	sle.u32 s6, $0x2;
	_ =	swait.ge [sflag:s22], $0x80  }
0x46: {  	s24 =	simm.s32 @!p0 $0x100;
	[sflag:s22] =	ssyncset.done $0x0  }
0x47: {  	s26 =	simm.s32 @!p0 $0x0;
	s24 =	sand.u32 @!p0 $0x180, s24;
	[sflag:s22] =	ssyncadd.s32 $0xFFFFFF80  }
0x48: {  	[tilespmem:s24], [sflag:$0x1] =	stream.linear.gather @!p0 [hbm4b:s17+s26], $0x80, $0x38;
	[tilespmem:$0x1BE00] =	vst v63  }
0x49: {  	p0 =	sne.s32 s16, $0x80  }
.Ltmp1:
0x4a: {  	_ = 	snop;
	(pc) =	sbr.rel @!p0 .LBB2_5-.Ltmp1, $4  }
0x4b: {  	s31 =	sand.u32 $0x180, s25  }
0x4c: {  	[spmem:s1] =	stream.indirect.scatter.add.f32 [tilespmem:s20], [sflag:$0x2], $0x80, s31, s21, $0xb8;
	[tilespmem:$0x1BE00] =	vst v63  }
0x4d: {  	s25 =	simm.s32 $0x3;
	_ =	swait.ge [sflag:s19], $0x4000  }
0x4e: {  	s24 =	simm.s32 $0x80;
	s26 =	smov.u32 s17;
	[sflag:s19] =	ssyncset.done $0x0  }
.LBB2_4:
0x4f: {  	[sflag:s19] =	ssyncadd.s32 $0xFFFFC000  }
0x50: {  	s26 =	sadd.s32 $0x10, s26;
	s28 =	smov.u32 s24;
	s24 =	sadd.s32 $0x80, s24  }
0x51: {  	p0 =	sne.s32 s16, s24  }
0x52: {  	p1 =	sge.u32 s25, s6;
	_ =	swait.ge [sflag:s22], $0x80  }
0x53: {  	s29 =	sadd.s32 @!p1 $0x100, s28;
	[sflag:s22] =	ssyncset.done $0x0  }
0x54: {  	s30 =	simm.s32 @!p1 $0x0;
	s29 =	sand.u32 @!p1 $0x180, s29;
	[sflag:s22] =	ssyncadd.s32 $0xFFFFFF80  }
0x55: {  	[tilespmem:s29], [sflag:$0x1] =	stream.linear.gather @!p1 [hbm4b:s26+s30], $0x80, $0x38;
	[tilespmem:$0x1BE00] =	vst v63  }
.Ltmp2:
0x56: {  	_ = 	snop;
	(pc) =	sbr.rel @p0 .LBB2_4-.Ltmp2, $4  }
0x57: {  	s28 =	sand.u32 $0x180, s28  }
0x58: {  	[spmem:s1] =	stream.indirect.scatter.add.f32 [tilespmem:s20], [sflag:$0x2], $0x80, s28, s21, $0xb8;
	[tilespmem:$0x1BE00] =	vst v63  }
0x59: {  	_ =	swait.ge [sflag:s19], $0x4000  }
0x5a: {  	s25 =	sadd.s32 $0x1, s25;
	[sflag:s19] =	ssyncset.done $0x0  }
.LBB2_5:
0x5b: {  	[sflag:s19] =	ssyncadd.s32 $0xFFFFC000;
	s23 =	sadd.s32 $0x1, s23  }
0x5c: {  	s24 =	sshll.u32 s2, $0x6;
	s25 =	sshrl.u32 s7, $0x3;
	p0 =	sne.s32 s23, s15  }
.Ltmp3:
0x5d: {  	[bflag:$0x0] =	sbarrier.arrive $0xFFFF;
	s24 =	sor.u32 $0x1C02, s24;
	(pc) =	sbr.rel @p0 .LBB2_1-.Ltmp3, $4  }
0x5e: {  	[hbm:s14], [sflag:s24] =	dma.local [spmem:s25], $0x2780  }
0x5f: {  	_ =	swait.ge [sflag:s19], $0x2780  }
0x60: {  	[sflag:s19] =	ssyncset.done $0x0  }
0x61: {  	[sflag:s19] =	ssyncadd.s32 $0xFFFFD880  }
0x62: {  	_ =	sfence.sel $0x180000  }
0x63: {  	[bflag:$0x0] =	sbarrier.arrive $0xFFFF  }
0x64: {  	p0 =	sne.s32 s2, $0x0;
	_ =	strace $0x90000047  }
0x65: {  	s0 =	sadd.s32 @!p0 $0x100000, s0;
	[bflag:$0x2] =	sbarrier.arrive $0xFFFF  }
0x66: {  	[sflag:s0] =	ssyncadd.tile.s32 @!p0 $0x1;
	_ =	shalt  }
.Lfunc_end2:
_tile_overlayer_lowered:
.L_overlay_start_2:
0x67: {  	(tag) =	ssettag $0x2  }
0x68: {  	s0 =	rddreg [dreg:$0x0];
	s2 =	stileid.u32  }
0x69: {  	s1 =	rddreg [dreg:$0x1];
	p0 =	sne.s32 s2, $0x0  }
0x6a: {  	s3 =	rddreg [dreg:$0x2];
	[bflag:$0x3] =	sbarrier.arrive $0xFFFF;
	s2 =	simm.s32 @!p0 $0x1C02  }
0x6b: {  	[timem:s3], [sflag:s2] =	dma.local @!p0 [hbm:s0], s1  }
0x6c: {  	s0 =	simm.s32 @!p0 $0x2  }
0x6d: {  	_ =	swait.ge @!p0 [sflag:s0], s1  }
0x6e: {  	s1 =	ssub.s32 @!p0 $0x0, s1;
	[sflag:s0] =	ssyncset.done @!p0 $0x0  }
0x6f: {  	[sflag:s0] =	ssyncadd.s32 @!p0 s1  }
0x70: {  	[bflag:$0x3] =	sbarrier.arrive $0xFFFF  }
0x71: {  	_ =	shalt  }

// kernel: kernel.13.cloned.1.call-start
scs
__scs_entry_jumppad:
0x0: {  	(pc) =	sbr.rel $0x88, $3  }
0x1: {  	(tag) =	ssettag $0x0;
	lr =	simm.s32 $0x1  }
0x2: {  	[smem:$0x3F97] =	sst lr;
	_ =	strace $0xD0000000  }
0x3: {  	_ = 	snop  }
0x4: {  	_ = 	snop  }
0x5: {  	_ = 	snop  }
0x6: {  	_ = 	snop  }
0x7: {  	_ = 	snop  }
__scs_overlays_trampoline_lowered:
0x8: {  	[smem:$0x3FA6] =	sst s0  }
0x9: {  	[smem:$0x3FA7] =	sst s1  }
0xa: {  	[smem:$0x3FA8] =	sst s2  }
0xb: {  	[smem:$0x3FA9] =	sst s3  }
0xc: {  	[smem:$0x3FAA] =	sst s4  }
0xd: {  	[smem:$0x3FAB] =	sst s5  }
0xe: {  	[smem:$0x3FAC] =	sst s6  }
0xf: {  	[smem:$0x3FAD] =	sst s7  }
0x10: {  	[smem:$0x3FAE] =	sst s8  }
0x11: {  	[smem:$0x3FAF] =	sst s9;
	s0 =	simm.s32 @!p0 $0x0  }
0x12: {  	s1 =	sld [smem:$0x3F95];
	s0 =	simm.s32 @p0 $0x1  }
0x13: {  	[smem:$0x3FB0] =	sst s0;
	s0 =	simm.s32 @!p1 $0x0  }
0x14: {  	s2 =	sld [smem:$0x3F94];
	s0 =	simm.s32 @p1 $0x1  }
0x15: {  	[smem:$0x3FB1] =	sst s0;
	s0 =	simm.s32 @!p2 $0x0  }
0x16: {  	s3 =	sld [smem:$0x3FDB];
	s0 =	simm.s32 @p2 $0x1  }
0x17: {  	s4 =	simm.s32 $0x1BF5;
	[smem:$0x3FB3] =	sst s0  }
0x18: {  	s0 =	sld [smem:$0x3F96];
	_ =	swait.ge [sflag:s4], $0x0  }
0x19: {  	s7 =	sld [smem:$0x3F97]  }
0x1a: {  	s8 =	sadd.s32 $0xFFFFE003, lr  }
0x1b: {  	s9 =	sadd.s32 $0xFFFFFEF7, lr;
	s5 =	simm.s32 $0xFFFFFFFF;
	p2 =	slt.u32 s8, $0xFFFFF086  }
0x1c: {  	p1 =	slt.u32 s9, $0xF7A;
	s5 =	simm.s32 @!p2 $0x0  }
0x1d: {  	s5 =	simm.s32 @p1 $0x1;
	p0 =	seq.s32 s7, s2  }
0x1e: {  	s7 =	smul.u32 @!p0 $0xF7A, s2;
	p2 =	seq.s32 @!p0 s5, $0x0  }
0x1f: {  	s9 =	smul.u32 $0xF7A, s1;
	s8 =	simm.s32 @!p0 $0x1BF5;
	p2 =	por !p2, p0  }
0x20: {  	[sflag:s8] =	ssyncset.s32 @!p0 $0xFFFFF086;
	s6 =	sadd.s32 @!p0 s3, s7;
	s7 =	simm.s32 @!p0 $0x108  }
0x21: {  	s3 =	sadd.s32 s3, s9;
	s6 =	sadd.s32 @!p0 $0x88, s6;
	s7 =	simm.s32 @p2 $0x1082  }
0x22: {  	[simem:s7], [sflag:s8] =	dma.local @!p0 [hbm:s6], $0xF7A  }
0x23: {  	s9 =	sor.u32 $0xD0000000, s2;
	s6 =	simm.s32 $0x108;
	_ =	swait.ge @!p0 [sflag:s8], $0x0  }
0x24: {  	s3 =	sadd.s32 $0x88, s3;
	s6 =	simm.s32 @!p1 $0x1082;
	[sflag:s4] =	ssyncset.s32 $0xFFFFF086  }
0x25: {  	[simem:s6], [sflag:s4] =	dma.local [hbm:s3], $0xF7A  }
0x26: {  	[smem:$0x3F97] =	sst s1;
	(tag) =	ssettag s2;
	_ =	strace s9  }
0x27: {  	s1 =	sld [smem:$0x3FA7]  }
0x28: {  	s2 =	sld [smem:$0x3FA8]  }
0x29: {  	s4 =	sld [smem:$0x3FAA]  }
0x2a: {  	p0 =	seq.s32 s5, $0x0;
	s5 =	sld [smem:$0x3FAB]  }
0x2b: {  	s6 =	sld [smem:$0x3FAC]  }
0x2c: {  	s7 =	sld [smem:$0x3FAD]  }
0x2d: {  	s3 =	simm.s32 $0x108;
	s8 =	sld [smem:$0x3FAE]  }
0x2e: {  	s3 =	simm.s32 @!p0 $0x1082;
	s9 =	sld [smem:$0x3FAF]  }
0x2f: {  	lr =	sadd.s32 s0, s3;
	s0 =	sld [smem:$0x3FA6]  }
0x30: {  	s3 =	sld [smem:$0x3FA9]  }
0x31: {  	[smem:$0x3FB2] =	sst s10  }
0x32: {  	s10 =	sld [smem:$0x3FB0];
	_ =	sdelay $0x3  }
0x33: {  	p0 =	seq.s32 s10, $0x1;
	s10 =	sld [smem:$0x3FB2];
	_ =	sdelay $0x3  }
0x34: {  	[smem:$0x3FB2] =	sst s10  }
0x35: {  	s10 =	sld [smem:$0x3FB1];
	_ =	sdelay $0x3  }
0x36: {  	p1 =	seq.s32 s10, $0x1;
	s10 =	sld [smem:$0x3FB2];
	_ =	sdelay $0x3  }
0x37: {  	[smem:$0x3FB2] =	sst s10  }
0x38: {  	s10 =	sld [smem:$0x3FB3]  }
0x39: {  	_ = 	snop;
	(pc) =	sbr.ind lr, $3  }
0x3a: {  	_ = 	snop  }
0x3b: {  	_ = 	snop  }
0x3c: {  	p2 =	seq.s32 s10, $0x1;
	s10 =	sld [smem:$0x3FB2]  }
0x3d: {  	_ =	shalt  }
0x3e: {  	_ =	shalt  }
0x3f: {  	_ =	shalt  }
0x40: {  	_ =	shalt  }
0x41: {  	_ =	shalt  }
0x42: {  	_ =	shalt  }
0x43: {  	_ =	shalt  }
0x44: {  	_ =	shalt  }
0x45: {  	_ =	shalt  }
0x46: {  	_ =	shalt  }
0x47: {  	_ =	shalt  }
0x48: {  	_ =	shalt  }
0x49: {  	_ =	shalt  }
0x4a: {  	_ =	shalt  }
0x4b: {  	_ =	shalt  }
0x4c: {  	_ =	shalt  }
0x4d: {  	_ =	shalt  }
0x4e: {  	_ =	shalt  }
0x4f: {  	_ =	shalt  }
0x50: {  	_ =	shalt  }
0x51: {  	_ =	shalt  }
0x52: {  	_ =	shalt  }
0x53: {  	_ =	shalt  }
0x54: {  	_ =	shalt  }
0x55: {  	_ =	shalt  }
0x56: {  	_ =	shalt  }
0x57: {  	_ =	shalt  }
0x58: {  	_ =	shalt  }
0x59: {  	_ =	shalt  }
0x5a: {  	_ =	shalt  }
0x5b: {  	_ =	shalt  }
0x5c: {  	_ =	shalt  }
0x5d: {  	_ =	shalt  }
0x5e: {  	_ =	shalt  }
0x5f: {  	_ =	shalt  }
0x60: {  	_ =	shalt  }
0x61: {  	_ =	shalt  }
0x62: {  	_ =	shalt  }
0x63: {  	_ =	shalt  }
0x64: {  	_ =	shalt  }
0x65: {  	_ =	shalt  }
0x66: {  	_ =	shalt  }
0x67: {  	_ =	shalt  }
0x68: {  	_ =	shalt  }
0x69: {  	_ =	shalt  }
0x6a: {  	_ =	shalt  }
0x6b: {  	_ =	shalt  }
0x6c: {  	_ =	shalt  }
0x6d: {  	_ =	shalt  }
0x6e: {  	_ =	shalt  }
0x6f: {  	_ =	shalt  }
0x70: {  	_ =	shalt  }
0x71: {  	_ =	shalt  }
0x72: {  	_ =	shalt  }
0x73: {  	_ =	shalt  }
0x74: {  	_ =	shalt  }
0x75: {  	_ =	shalt  }
0x76: {  	_ =	shalt  }
0x77: {  	_ =	shalt  }
0x78: {  	_ =	shalt  }
0x79: {  	_ =	shalt  }
0x7a: {  	_ =	shalt  }
0x7b: {  	_ =	shalt  }
0x7c: {  	_ =	shalt  }
0x7d: {  	_ =	shalt  }
0x7e: {  	_ =	shalt  }
0x7f: {  	_ =	shalt  }
0x80: {  	_ =	shalt  }
0x81: {  	_ =	shalt  }
0x82: {  	_ =	shalt  }
0x83: {  	_ =	shalt  }
0x84: {  	_ =	shalt  }
0x85: {  	_ =	shalt  }
0x86: {  	_ =	shalt  }
0x87: {  	_ =	shalt  }
.Lfunc_end0:
.L_simem_size_0:
called_computation.1_lowered:
.L_overlay_start_0:
0x88: {  	s2 =	sld [smem:$0x3FD9]  }
0x89: {  	s3 =	sld [smem:$0x3FFE];
	_ =	sdelay $0x1  }
0x8a: {  	s1 =	srdreg.scid  }
0x8b: {  	s0 =	sand.u32 $0x1, s1  }
0x8c: {  	s17 =	sshll.u32 s0, $0xA;
	s2 =	sadd.s32 s3, s2  }
0x8d: {  	s2 =	sadd.s32 s2, s17  }
0x8e: {  	[smem:$0x3FBE] =	sst s2  }
0x8f: {  	_ = 	snop  }
0x90: {  	s2 =	sld [smem:$0x3FD0];
	(tm) =	ssettm $0x1  }
0x91: {  	s18 =	sld [smem:$0x3FFB];
	_ =	sdelay $0x3  }
0x92: {  	_ =	strace s18  }
0x93: {  	s3 =	sld [smem:$0x3FFC];
	_ =	sdelay $0x3  }
0x94: {  	_ =	strace s3  }
0x95: {  	s3 =	sld [smem:$0x3FFD];
	_ =	sdelay $0x3  }
0x96: {  	_ =	strace s3  }
0x97: {  	_ =	strace $0x8FFFFFFF  }
0x98: {  	s19 =	sld [smem:$0x3FDB];
	_ =	sdelay $0x1  }
0x99: {  	s4 =	simm.s32 $_scs_section_size  }
0x9a: {  	s5 =	simm.s32 $_size__tile_overlayer_lowered;
	s6 =	simm.s32 $_tile_overlayer_lowered  }
0x9b: {  	s22 =	simm.s32 $0x1BFF;
	s21 =	sshll.u32 s6, $0x1;
	s3 =	sadd.s32 s4, s19  }
0x9c: {  	s7 =	simm.s32 $0x0;
	s20 =	sshll.u32 s5, $0x1;
	s5 =	sadd.s32 s21, s3  }
0x9d: {  	[timem:s7], [sflag:s22] =	dma.local [hbm:s5], s20  }
0x9e: {  	_ =	swait.ge [sflag:s22], s20  }
0x9f: {  	s4 =	ssub.s32 $0x0, s20;
	[sflag:s22] =	ssyncset.done $0x0  }
0xa0: {  	[sflag:s22] =	ssyncadd.s32 s4;
	_ =	sdelay $0x1  }
0xa1: {  	s23 =	simm.s32 $0x1B8B  }
0xa2: {  	_ =	swait.ge [sflag:s23], $0x1  }
0xa3: {  	[sflag:s23] =	ssyncset.done $0x0  }
0xa4: {  	s25 =	simm.s32 $0x1B8E;
	s24 =	sld [smem:$0x3FFE];
	[sflag:s23] =	ssyncadd.s32 $0xFFFFFFFF  }
0xa5: {  	s26 =	simm.s32 $execute0_lowered;
	[smem:$0x3FD2] =	sst s25  }
0xa6: {  	s5 =	sshll.u32 s26, $0x1;
	_ =	strace $0x80000049;
	[dreg:$0x1] =	wrdreg $0xFFFFFFFF  }
0xa7: {  	s28 =	simm.s32 $_size_execute0_lowered;
	s3 =	sadd.s32 s3, s5;
	[dreg:$0x0] =	wrdreg $0x0  }
0xa8: {  	s5 =	sshll.u32 s28, $0x1;
	[dreg:$0x2] =	wrdreg s3  }
0xa9: {  	[dreg:$0x3] =	wrdreg s5  }
0xaa: {  	[dreg:$0x4] =	wrdreg $0xC0  }
0xab: {  	_ =	task [dreg:s7], $0x5FFFF  }
0xac: {  	[dreg:$0x1] =	wrdreg $0xFFFFFFFF  }
0xad: {  	[dreg:$0x0] =	wrdreg $0x60  }
0xae: {  	[dreg:$0x2] =	wrdreg s24  }
0xaf: {  	[dreg:$0x3] =	wrdreg s2  }
0xb0: {  	[dreg:$0x4] =	wrdreg $0x84000  }
0xb1: {  	[dreg:$0x5] =	wrdreg $0x9  }
0xb2: {  	_ =	task.clear_ibuf [dreg:s7], $0x6FFFF;
	_ =	strace $0x90000049  }
0xb3: {  	s29 =	simm.s32 $0x9;
	_ =	strace $0x8000004B  }
0xb4: {  	_ =	swait.ge [sflag:s29], $0x1  }
0xb5: {  	[sflag:s29] =	ssyncadd.s32 $0xFFFFFFFF  }
0xb6: {  	_ =	strace $0x9000004B  }
0xb7: {  	_ =	sfence  }
0xb8: {  	s30 =	sld [smem:$0x0];
	_ =	sdelay $0x2  }
0xb9: {  	s31 =	sshll.u32 s1, $0xD;
	s1 =	sshrl.u32 s1, $0x2  }
0xba: {  	s3 =	sand.u32 $0x4000, s31;
	s1 =	sadd.s32 s1, s30  }
0xbb: {  	s0 =	sor.u32 s3, s0;
	s1 =	sshll.u32 s1, $0x11  }
0xbc: {  	s0 =	sor.u32 s1, s0  }
0xbd: {  	s0 =	sadd.s32 $0x8F2B, s0  }
0xbe: {  	[sflag:s0] =	ssyncadd.remote.s32 $0x1  }
0xbf: {  	_ =	sfence.sel $0xFFFF  }
0xc0: {  	[dreg:$0x0] =	wrdreg $0xFFFFFFFF;
	(pc) =	sbr.abs _section_cstart, $3  }
0xc1: {  	[dreg:$0x1] =	wrdreg $0xFFFFFFFF  }
0xc2: {  	_ =	task.clear_ibuf [dreg:s7], $0x2FFFF;
	_ =	strace $0x9FFFFFFF  }
0xc3: {  	(tm) =	ssettm $0x7FFFFFFF  }
tec
execute0_lowered:
.L_overlay_start_1:
0x0: {  	(tag) =	ssettag $0x1  }
0x1: {  	s0 =	rddreg [dreg:$0x0]  }
0x2: {  	s1 =	rddreg [dreg:$0x1];
	s3 =	srdreg.scid  }
0x3: {  	s2 =	rddreg [dreg:$0x2];
	s11 =	stileid.u32;
	s29 =	simm.s32 $0x1  }
0x4: {  	s30 =	simm.s32 $0x2;
	s31 =	simm.s32 $0x0;
	s7 =	smul.u32 $0x13C00, s11  }
0x5: {  	s5 =	sand.u32 $0x1, s3;
	s3 =	simm.s32 $0x0;
	s17 =	smul.u32 $0x44, s11  }
0x6: {  	s4 =	sadd.s32 $0x5D000, s0;
	s8 =	sadd.s32 $0x3800, s0;
	s10 =	smul.u32 $0x4F000, s11  }
0x7: {  	p1 =	slt.u32 s11, $0x4;
	s18 =	smin.u32 s11, $0x4;
	s11 =	smul.u32 $0x58, s11  }
0x8: {  	s9 =	sadd.s32 $0xDA00, s0;
	s6 =	smul.u32 $0x13C000, s5;
	[smem:$0x7FF] =	sst s3  }
0x9: {  	s13 =	ssub.s32 $0x2, s5;
	p0 =	seq.s32 s5, $0x0;
	_ =	strace $0x8000004A  }
0xa: {  	[dreg:$0x4] =	wrdreg s9;
	s14 =	sshrl.u32 s13, $0x1;
	s5 =	sadd.s32 s18, s17  }
0xb: {  	s19 =	sshrl.u32 s10, $0x2;
	s6 =	sadd.s32 s7, s6;
	s15 =	ssub.s32 s13, s14  }
0xc: {  	s5 =	sadd.s32 $0x580, s5;
	s7 =	sadd.s32 s19, s2;
	s6 =	sshrl.u32 s6, $0x3  }
0xd: {  	s5 =	smov.u32 @p0 s11;
	s20 =	sadd.s32 $0x4000, s7;
	s21 =	sadd.s32 $0x8000, s7  }
0xe: {  	s22 =	sadd.s32 $0xC000, s7;
	s23 =	sadd.s32 $0x10000, s7;
	[dreg:$0x5] =	wrdreg s20  }
0xf: {  	s19 =	smax.u32 s15, $0x1;
	s0 =	sadd.s32 s6, s0;
	[dreg:$0x6] =	wrdreg s21  }
0x10: {  	s6 =	simm.s32 $0x45;
	s5 =	sshll.u32 s5, $0x4;
	[dreg:$0x7] =	wrdreg s22  }
0x11: {  	[dreg:$0x8] =	wrdreg s23;
	s23 =	simm.s32 $0x400;
	s6 =	simm.s32 @!p1 $0x44  }
0x12: {  	s12 =	sadd.s32 s8, s5;
	s13 =	sadd.s32 s1, s5;
	s5 =	sadd.s32 $0x10, s5  }
0x13: {  	s18 =	sadd.s32 $0x84200, s0;
	s6 =	simm.s32 @p0 $0x58;
	s8 =	sadd.s32 s8, s5  }
0x14: {  	s1 =	sadd.s32 s1, s5;
	s21 =	sadd.s32 $0x20, s12;
	[dreg:$0x9] =	wrdreg s8  }
0x15: {  	s24 =	sadd.s32 $0xFFFFFFFF, s6;
	[dreg:$0xa] =	wrdreg s1;
	s22 =	sshll.u32 s6, $0x7  }
0x16: {  	s25 =	sshll.u32 s24, $0xE;
	s10 =	sshll.u32 s24, $0x7;
	s24 =	simm.s32 $0x3  }
0x17: {  	s26 =	sand.u32 $0x4000, s25;
	s28 =	sand.u32 $0x180, s10;
	s25 =	sadd.s32 $0x20, s13  }
0x18: {  	v0 =	vimm.f32 $0.0e+00;
	s16 =	sor.u32 $0x400, s26;
	s17 =	sor.u32 $0x200, s28;
	s26 =	simm.s32 $0x80  }
.LBB2_1:
0x19: {  	s0 =	rddreg [dreg:$0x4]  }
0x1a: {  	[tilespmem:s23], [sflag:$0x3] =	stream.linear.gather [hbm4b:s0+s3], $0x400, $0x38;
	[tilespmem:$0x1C000] =	vst v63  }
0x1b: {  	_ =	swait.ge [sflag:s24], $0x400  }
0x1c: {  	[sflag:s24] =	ssyncset.done $0x0  }
0x1d: {  	s1 =	simm.s32 $0x200;
	s0 =	simm.s32 $0x0;
	[sflag:s24] =	ssyncadd.s32 $0xFFFFFC00  }
.LBB2_2:
0x1e: {  	p0 =	sne.s32 s1, $0xFE00;
	[tilespmem:s0+$0x470] =	vst v0  }
0x1f: {  	[tilespmem:s0+$0x400] =	vst v0  }
0x20: {  	[tilespmem:s0+$0x410] =	vst v0  }
.Ltmp0:
0x21: {  	[tilespmem:s0+$0x420] =	vst v0;
	(pc) =	sbr.rel @p0 .LBB2_2-.Ltmp0, $4  }
0x22: {  	[tilespmem:s0+$0x430] =	vst v0  }
0x23: {  	[tilespmem:s0+$0x440] =	vst v0  }
0x24: {  	[tilespmem:s0+$0x450] =	vst v0  }
0x25: {  	[tilespmem:s0+$0x460] =	vst v0;
	s0 =	sshra.s32 s1, $0x2;
	s1 =	sadd.s32 $0x200, s1  }
0x26: {  	[tilespmem:s0+$0x470] =	vst v0  }
0x27: {  	[tilespmem:s0+$0x400] =	vst v0  }
0x28: {  	[tilespmem:s0+$0x410] =	vst v0  }
0x29: {  	[tilespmem:s0+$0x420] =	vst v0  }
0x2a: {  	[tilespmem:s0+$0x430] =	vst v0  }
0x2b: {  	[tilespmem:s0+$0x440] =	vst v0  }
0x2c: {  	[tilespmem:s0+$0x450] =	vst v0  }
0x2d: {  	[tilespmem:s0+$0x460] =	vst v0  }
0x2e: {  	[spmem:s7] =	stream.linear.scatter [tilespmem:s23], [sflag:$0x3], $0x4000, $0x38;
	[tilespmem:$0x1C000] =	vst v63  }
0x2f: {  	_ =	swait.ge [sflag:s24], $0x4000  }
0x30: {  	[sflag:s24] =	ssyncset.done $0x0  }
0x31: {  	s14 =	rddreg [dreg:$0x5];
	[sflag:s24] =	ssyncadd.s32 $0xFFFFC000  }
0x32: {  	[spmem:s14] =	stream.linear.scatter [tilespmem:s23], [sflag:$0x3], $0x4000, $0x38;
	[tilespmem:$0x1C000] =	vst v63  }
0x33: {  	_ =	swait.ge [sflag:s24], $0x4000  }
0x34: {  	[sflag:s24] =	ssyncset.done $0x0  }
0x35: {  	s15 =	rddreg [dreg:$0x6];
	[sflag:s24] =	ssyncadd.s32 $0xFFFFC000  }
0x36: {  	[spmem:s15] =	stream.linear.scatter [tilespmem:s23], [sflag:$0x3], $0x4000, $0x38;
	[tilespmem:$0x1C000] =	vst v63  }
0x37: {  	_ =	swait.ge [sflag:s24], $0x4000  }
0x38: {  	[sflag:s24] =	ssyncset.done $0x0  }
0x39: {  	s20 =	rddreg [dreg:$0x7];
	[sflag:s24] =	ssyncadd.s32 $0xFFFFC000  }
0x3a: {  	[spmem:s20] =	stream.linear.scatter [tilespmem:s23], [sflag:$0x3], $0x4000, $0x38;
	[tilespmem:$0x1C000] =	vst v63  }
0x3b: {  	_ =	swait.ge [sflag:s24], $0x4000  }
0x3c: {  	[sflag:s24] =	ssyncset.done $0x0  }
0x3d: {  	s1 =	rddreg [dreg:$0x8];
	[sflag:s24] =	ssyncadd.s32 $0xFFFFC000  }
0x3e: {  	[spmem:s1] =	stream.linear.scatter [tilespmem:s23], [sflag:$0x3], $0x3C00, $0x38;
	[tilespmem:$0x1C000] =	vst v63  }
0x3f: {  	_ =	swait.ge [sflag:s24], $0x3C00  }
0x40: {  	[sflag:s24] =	ssyncset.done $0x0  }
0x41: {  	[sflag:s24] =	ssyncadd.s32 $0xFFFFC400  }
0x42: {  	[tilespmem:s3], [sflag:$0x1] =	stream.linear.gather [hbm4b:s12+s3], $0x80, $0x38;
	[tilespmem:$0x1C000] =	vst v63  }
0x43: {  	s5 =	simm.s32 $0x200  }
0x44: {  	[tilespmem:s5], [sflag:$0x1] =	stream.linear.gather [hbm4b:s13+s3], $0x80, $0x38;
	[tilespmem:$0x1C000] =	vst v63  }
0x45: {  	s8 =	rddreg [dreg:$0x9]  }
0x46: {  	[tilespmem:s26], [sflag:$0x1] =	stream.linear.gather [hbm4b:s8+s3], $0x80, $0x38;
	[tilespmem:$0x1C000] =	vst v63  }
0x47: {  	s1 =	simm.s32 $0x280;
	s9 =	rddreg [dreg:$0xa]  }
0x48: {  	[tilespmem:s1], [sflag:$0x1] =	stream.linear.gather [hbm4b:s9+s3], $0x80, $0x38;
	[tilespmem:$0x1C000] =	vst v63  }
0x49: {  	[bflag:$0x0] =	sbarrier.arrive $0xFFFF  }
0x4a: {  	_ =	swait.ge [sflag:s29], $0x80  }
0x4b: {  	[sflag:s29] =	ssyncset.done $0x0  }
0x4c: {  	[sflag:s29] =	ssyncadd.s32 $0xFFFFFF80  }
0x4d: {  	_ =	swait.ge [sflag:s29], $0x80  }
0x4e: {  	[sflag:s29] =	ssyncset.done $0x0  }
0x4f: {  	[sflag:s29] =	ssyncadd.s32 $0xFFFFFF80  }
0x50: {  	[tilespmem:s23], [sflag:$0x2] =	stream.indirect.gather [hbm4b:s4+s26], $0x80, s3, s26, $0xb8;
	[tilespmem:$0x1C000] =	vst v63  }
0x51: {  	_ =	swait.ge [sflag:s30], $0x4000  }
0x52: {  	[sflag:s30] =	ssyncset.done $0x0  }
0x53: {  	[sflag:s30] =	ssyncadd.s32 $0xFFFFC000  }
0x54: {  	_ =	swait.ge [sflag:s29], $0x80  }
0x55: {  	s10 =	simm.s32 $0x100;
	s11 =	simm.s32 $0x4000;
	[sflag:s29] =	ssyncset.done $0x0  }
0x56: {  	p0 =	sne.s32 s22, $0x180;
	s14 =	simm.s32 $0x0;
	[sflag:s29] =	ssyncadd.s32 $0xFFFFFF80  }
0x57: {  	s28 =	simm.s32 $0x3;
	s0 =	sand.u32 $0x4000, s14;
	_ =	swait.ge [sflag:s29], $0x80  }
0x58: {  	s5 =	simm.s32 $0x80;
	s1 =	sand.u32 $0x4000, s11;
	[sflag:s29] =	ssyncset.done $0x0  }
0x59: {  	s8 =	sand.u32 $0x180, s5;
	s9 =	sor.u32 $0x400, s1;
	[sflag:s29] =	ssyncadd.s32 $0xFFFFFF80  }
0x5a: {  	[tilespmem:s9], [sflag:$0x2] =	stream.indirect.gather [hbm4b:s4+s26], $0x80, s8, s26, $0xb8;
	[tilespmem:$0x1C000] =	vst v63  }
0x5b: {  	s10 =	sand.u32 $0x180, s10;
	s0 =	sor.u32 $0x400, s0;
	s15 =	simm.s32 $0x0  }
0x5c: {  	[tilespmem:s10], [sflag:$0x1] =	stream.linear.gather [hbm4b:s21+s3], $0x80, $0x38;
	[tilespmem:$0x1C000] =	vst v63  }
.Ltmp1:
0x5d: {  	s20 =	sor.u32 $0x200, s10;
	s1 =	sand.u32 $0x180, s15;
	(pc) =	sbr.rel @!p0 .LBB2_5-.Ltmp1, $4  }
0x5e: {  	[tilespmem:s20], [sflag:$0x1] =	stream.linear.gather [hbm4b:s25+s3], $0x80, $0x38;
	[tilespmem:$0x1C000] =	vst v63  }
0x5f: {  	s5 =	simm.s32 $0x8000;
	s1 =	sor.u32 $0x200, s1;
	s20 =	smov.u32 s25  }
0x60: {  	[spmem:s2] =	stream.indirect.scatter.add.f32 [tilespmem:s0], [sflag:$0x3], $0x80, s1, s26, $0xb8;
	[tilespmem:$0x1C000] =	vst v63  }
0x61: {  	s0 =	simm.s32 $0x180;
	s1 =	sadd.s32 $0x10, s21;
	_ =	swait.ge [sflag:s24], $0x4000  }
.LBB2_4:
0x62: {  	[sflag:s24] =	ssyncset.done $0x0  }
0x63: {  	s20 =	sadd.s32 $0x10, s20;
	s11 =	smov.u32 s0;
	s0 =	sadd.s32 $0x80, s0  }
0x64: {  	p0 =	sne.s32 s22, s0;
	[sflag:s24] =	ssyncadd.s32 $0xFFFFC000  }
0x65: {  	_ =	swait.ge [sflag:s30], $0x4000  }
0x66: {  	[sflag:s30] =	ssyncset.done $0x0  }
0x67: {  	[sflag:s30] =	ssyncadd.s32 $0xFFFFC000  }
0x68: {  	_ =	swait.ge [sflag:s29], $0x80  }
0x69: {  	[sflag:s29] =	ssyncset.done $0x0  }
0x6a: {  	[sflag:s29] =	ssyncadd.s32 $0xFFFFFF80  }
0x6b: {  	_ =	swait.ge [sflag:s29], $0x80  }
0x6c: {  	s9 =	sand.u32 $0x4000, s5;
	s8 =	sadd.s32 $0xFFFFFF80, s11;
	[sflag:s29] =	ssyncset.done $0x0  }
0x6d: {  	s9 =	sor.u32 $0x400, s9;
	s8 =	sand.u32 $0x180, s8;
	[sflag:s29] =	ssyncadd.s32 $0xFFFFFF80  }
0x6e: {  	[tilespmem:s9], [sflag:$0x2] =	stream.indirect.gather [hbm4b:s4+s26], $0x80, s8, s26, $0xb8;
	[tilespmem:$0x1C000] =	vst v63  }
0x6f: {  	s10 =	sand.u32 $0x180, s11  }
0x70: {  	[tilespmem:s10], [sflag:$0x1] =	stream.linear.gather [hbm4b:s1+s3], $0x80, $0x38;
	[tilespmem:$0x1C000] =	vst v63  }
0x71: {  	s14 =	sadd.s32 $0xFFFFC000, s5;
	s11 =	sadd.s32 $0xFFFFFF00, s11;
	s15 =	sor.u32 $0x200, s10  }
.Ltmp2:
0x72: {  	s14 =	sand.u32 $0x4000, s14;
	s11 =	sand.u32 $0x180, s11;
	(pc) =	sbr.rel @p0 .LBB2_4-.Ltmp2, $4  }
0x73: {  	[tilespmem:s15], [sflag:$0x1] =	stream.linear.gather [hbm4b:s20+s3], $0x80, $0x38;
	[tilespmem:$0x1C000] =	vst v63  }
0x74: {  	s5 =	sadd.s32 $0x4000, s5;
	s14 =	sor.u32 $0x400, s14;
	s11 =	sor.u32 $0x200, s11  }
0x75: {  	[spmem:s2] =	stream.indirect.scatter.add.f32 [tilespmem:s14], [sflag:$0x3], $0x80, s11, s26, $0xb8;
	[tilespmem:$0x1C000] =	vst v63  }
0x76: {  	s28 =	sadd.s32 $0x1, s28;
	s1 =	sadd.s32 $0x10, s1;
	_ =	swait.ge [sflag:s24], $0x4000  }
.LBB2_5:
0x77: {  	[sflag:s24] =	ssyncset.done $0x0  }
0x78: {  	[sflag:s24] =	ssyncadd.s32 $0xFFFFC000  }
0x79: {  	_ =	swait.ge [sflag:s30], $0x4000  }
0x7a: {  	[sflag:s30] =	ssyncset.done $0x0  }
0x7b: {  	[sflag:s30] =	ssyncadd.s32 $0xFFFFC000  }
0x7c: {  	_ =	swait.ge [sflag:s29], $0x80  }
0x7d: {  	[sflag:s29] =	ssyncset.done $0x0  }
0x7e: {  	[sflag:s29] =	ssyncadd.s32 $0xFFFFFF80  }
0x7f: {  	_ =	swait.ge [sflag:s29], $0x80  }
0x80: {  	s5 =	sand.u32 $0x4000, s5;
	[sflag:s29] =	ssyncset.done $0x0  }
0x81: {  	p0 =	sge.u32 s28, s6;
	s5 =	sor.u32 $0x400, s5;
	[sflag:s29] =	ssyncadd.s32 $0xFFFFFF80  }
0x82: {  	[tilespmem:s5], [sflag:$0x2] =	stream.indirect.gather [hbm4b:s4+s26], $0x80, s10, s26, $0xb8;
	[tilespmem:$0x1C000] =	vst v63  }
0x83: {  	s0 =	sand.u32 @!p0 $0x180, s0;
	s5 =	simm.s32 @!p0 $0x0  }
0x84: {  	[tilespmem:s0], [sflag:$0x1] =	stream.linear.gather @!p0 [hbm4b:s1+s5], $0x80, $0x38;
	[tilespmem:$0x1C000] =	vst v63  }
0x85: {  	s1 =	sadd.s32 $0x10, s20;
	s0 =	sor.u32 @!p0 $0x200, s0  }
0x86: {  	[tilespmem:s0], [sflag:$0x1] =	stream.linear.gather @!p0 [hbm4b:s1+s5], $0x80, $0x38;
	[tilespmem:$0x1C000] =	vst v63  }
0x87: {  	s15 =	sor.u32 $0x200, s8  }
0x88: {  	[spmem:s2] =	stream.indirect.scatter.add.f32 [tilespmem:s9], [sflag:$0x3], $0x80, s15, s26, $0xb8;
	[tilespmem:$0x1C000] =	vst v63  }
0x89: {  	_ =	swait.ge [sflag:s24], $0x4000  }
0x8a: {  	[sflag:s24] =	ssyncset.done $0x0  }
0x8b: {  	[sflag:s24] =	ssyncadd.s32 $0xFFFFC000  }
0x8c: {  	_ =	swait.ge [sflag:s30], $0x4000  }
0x8d: {  	[sflag:s30] =	ssyncset.done $0x0  }
0x8e: {  	[sflag:s30] =	ssyncadd.s32 $0xFFFFC000  }
0x8f: {  	[spmem:s2] =	stream.indirect.scatter.add.f32 [tilespmem:s16], [sflag:$0x3], $0x80, s17, s26, $0xb8;
	[tilespmem:$0x1C000] =	vst v63  }
0x90: {  	s28 =	sshrl.u32 s7, $0x3;
	_ =	swait.ge [sflag:s24], $0x4000  }
0x91: {  	s31 =	sadd.s32 $0x1, s31;
	s20 =	stileid.u32;
	[sflag:s24] =	ssyncset.done $0x0  }
0x92: {  	s0 =	sshll.u32 s20, $0x6;
	p0 =	sne.s32 s31, s19;
	[sflag:s24] =	ssyncadd.s32 $0xFFFFC000  }
.Ltmp3:
0x93: {  	s0 =	sor.u32 $0x1C03, s0;
	[bflag:$0x0] =	sbarrier.arrive $0xFFFF;
	(pc) =	sbr.rel @p0 .LBB2_1-.Ltmp3, $4  }
0x94: {  	[hbm:s18], [sflag:s0] =	dma.local [spmem:s28], $0x2780  }
0x95: {  	_ =	swait.ge [sflag:s24], $0x2780  }
0x96: {  	[sflag:s24] =	ssyncset.done $0x0  }
0x97: {  	[sflag:s24] =	ssyncadd.s32 $0xFFFFD880  }
0x98: {  	_ =	sfence.sel $0x180000  }
0x99: {  	[bflag:$0x0] =	sbarrier.arrive $0xFFFF  }
0x9a: {  	_ =	strace $0x9000004A  }
0x9b: {  	s0 =	stileid.u32;
	[bflag:$0x2] =	sbarrier.arrive $0xFFFF  }
0x9c: {  	p0 =	sne.s32 s0, $0x0;
	s0 =	rddreg [dreg:$0x3]  }
0x9d: {  	s0 =	sadd.s32 @!p0 $0x100000, s0  }
0x9e: {  	[sflag:s0] =	ssyncadd.tile.s32 @!p0 $0x1;
	_ =	shalt  }
.Lfunc_end2:
_tile_overlayer_lowered:
.L_overlay_start_2:
0x9f: {  	(tag) =	ssettag $0x2  }
0xa0: {  	s0 =	rddreg [dreg:$0x0];
	s2 =	stileid.u32  }
0xa1: {  	s1 =	rddreg [dreg:$0x1];
	p0 =	sne.s32 s2, $0x0  }
0xa2: {  	s3 =	rddreg [dreg:$0x2];
	[bflag:$0x3] =	sbarrier.arrive $0xFFFF;
	s2 =	simm.s32 @!p0 $0x1C03  }
0xa3: {  	[timem:s3], [sflag:s2] =	dma.local @!p0 [hbm:s0], s1  }
0xa4: {  	s0 =	simm.s32 @!p0 $0x3  }
0xa5: {  	_ =	swait.ge @!p0 [sflag:s0], s1  }
0xa6: {  	s1 =	ssub.s32 @!p0 $0x0, s1;
	[sflag:s0] =	ssyncset.done @!p0 $0x0  }
0xa7: {  	[sflag:s0] =	ssyncadd.s32 @!p0 s1  }
0xa8: {  	[bflag:$0x3] =	sbarrier.arrive $0xFFFF  }
0xa9: {  	_ =	shalt  }

// kernel: kernel.16.cloned.1.call-start
scs
__scs_entry_jumppad:
0x0: {  	(pc) =	sbr.rel $0x88, $3  }
0x1: {  	(tag) =	ssettag $0x0;
	lr =	simm.s32 $0x1  }
0x2: {  	[smem:$0x3F97] =	sst lr;
	_ =	strace $0xD0000000  }
0x3: {  	_ = 	snop  }
0x4: {  	_ = 	snop  }
0x5: {  	_ = 	snop  }
0x6: {  	_ = 	snop  }
0x7: {  	_ = 	snop  }
__scs_overlays_trampoline_lowered:
0x8: {  	[smem:$0x3FA6] =	sst s0  }
0x9: {  	[smem:$0x3FA7] =	sst s1  }
0xa: {  	[smem:$0x3FA8] =	sst s2  }
0xb: {  	[smem:$0x3FA9] =	sst s3  }
0xc: {  	[smem:$0x3FAA] =	sst s4  }
0xd: {  	[smem:$0x3FAB] =	sst s5  }
0xe: {  	[smem:$0x3FAC] =	sst s6  }
0xf: {  	[smem:$0x3FAD] =	sst s7  }
0x10: {  	[smem:$0x3FAE] =	sst s8  }
0x11: {  	[smem:$0x3FAF] =	sst s9;
	s0 =	simm.s32 @!p0 $0x0  }
0x12: {  	s1 =	sld [smem:$0x3F95];
	s0 =	simm.s32 @p0 $0x1  }
0x13: {  	[smem:$0x3FB0] =	sst s0;
	s0 =	simm.s32 @!p1 $0x0  }
0x14: {  	s2 =	sld [smem:$0x3F94];
	s0 =	simm.s32 @p1 $0x1  }
0x15: {  	[smem:$0x3FB1] =	sst s0;
	s0 =	simm.s32 @!p2 $0x0  }
0x16: {  	s3 =	sld [smem:$0x3FDB];
	s0 =	simm.s32 @p2 $0x1  }
0x17: {  	s4 =	simm.s32 $0x1BF5;
	[smem:$0x3FB3] =	sst s0  }
0x18: {  	s0 =	sld [smem:$0x3F96];
	_ =	swait.ge [sflag:s4], $0x0  }
0x19: {  	s7 =	sld [smem:$0x3F97]  }
0x1a: {  	s8 =	sadd.s32 $0xFFFFE003, lr  }
0x1b: {  	s9 =	sadd.s32 $0xFFFFFEF7, lr;
	s5 =	simm.s32 $0xFFFFFFFF;
	p2 =	slt.u32 s8, $0xFFFFF086  }
0x1c: {  	p1 =	slt.u32 s9, $0xF7A;
	s5 =	simm.s32 @!p2 $0x0  }
0x1d: {  	s5 =	simm.s32 @p1 $0x1;
	p0 =	seq.s32 s7, s2  }
0x1e: {  	s7 =	smul.u32 @!p0 $0xF7A, s2;
	p2 =	seq.s32 @!p0 s5, $0x0  }
0x1f: {  	s9 =	smul.u32 $0xF7A, s1;
	s8 =	simm.s32 @!p0 $0x1BF5;
	p2 =	por !p2, p0  }
0x20: {  	[sflag:s8] =	ssyncset.s32 @!p0 $0xFFFFF086;
	s6 =	sadd.s32 @!p0 s3, s7;
	s7 =	simm.s32 @!p0 $0x108  }
0x21: {  	s3 =	sadd.s32 s3, s9;
	s6 =	sadd.s32 @!p0 $0x88, s6;
	s7 =	simm.s32 @p2 $0x1082  }
0x22: {  	[simem:s7], [sflag:s8] =	dma.local @!p0 [hbm:s6], $0xF7A  }
0x23: {  	s9 =	sor.u32 $0xD0000000, s2;
	s6 =	simm.s32 $0x108;
	_ =	swait.ge @!p0 [sflag:s8], $0x0  }
0x24: {  	s3 =	sadd.s32 $0x88, s3;
	s6 =	simm.s32 @!p1 $0x1082;
	[sflag:s4] =	ssyncset.s32 $0xFFFFF086  }
0x25: {  	[simem:s6], [sflag:s4] =	dma.local [hbm:s3], $0xF7A  }
0x26: {  	[smem:$0x3F97] =	sst s1;
	(tag) =	ssettag s2;
	_ =	strace s9  }
0x27: {  	s1 =	sld [smem:$0x3FA7]  }
0x28: {  	s2 =	sld [smem:$0x3FA8]  }
0x29: {  	s4 =	sld [smem:$0x3FAA]  }
0x2a: {  	p0 =	seq.s32 s5, $0x0;
	s5 =	sld [smem:$0x3FAB]  }
0x2b: {  	s6 =	sld [smem:$0x3FAC]  }
0x2c: {  	s7 =	sld [smem:$0x3FAD]  }
0x2d: {  	s3 =	simm.s32 $0x108;
	s8 =	sld [smem:$0x3FAE]  }
0x2e: {  	s3 =	simm.s32 @!p0 $0x1082;
	s9 =	sld [smem:$0x3FAF]  }
0x2f: {  	lr =	sadd.s32 s0, s3;
	s0 =	sld [smem:$0x3FA6]  }
0x30: {  	s3 =	sld [smem:$0x3FA9]  }
0x31: {  	[smem:$0x3FB2] =	sst s10  }
0x32: {  	s10 =	sld [smem:$0x3FB0];
	_ =	sdelay $0x3  }
0x33: {  	p0 =	seq.s32 s10, $0x1;
	s10 =	sld [smem:$0x3FB2];
	_ =	sdelay $0x3  }
0x34: {  	[smem:$0x3FB2] =	sst s10  }
0x35: {  	s10 =	sld [smem:$0x3FB1];
	_ =	sdelay $0x3  }
0x36: {  	p1 =	seq.s32 s10, $0x1;
	s10 =	sld [smem:$0x3FB2];
	_ =	sdelay $0x3  }
0x37: {  	[smem:$0x3FB2] =	sst s10  }
0x38: {  	s10 =	sld [smem:$0x3FB3]  }
0x39: {  	_ = 	snop;
	(pc) =	sbr.ind lr, $3  }
0x3a: {  	_ = 	snop  }
0x3b: {  	_ = 	snop  }
0x3c: {  	p2 =	seq.s32 s10, $0x1;
	s10 =	sld [smem:$0x3FB2]  }
0x3d: {  	_ =	shalt  }
0x3e: {  	_ =	shalt  }
0x3f: {  	_ =	shalt  }
0x40: {  	_ =	shalt  }
0x41: {  	_ =	shalt  }
0x42: {  	_ =	shalt  }
0x43: {  	_ =	shalt  }
0x44: {  	_ =	shalt  }
0x45: {  	_ =	shalt  }
0x46: {  	_ =	shalt  }
0x47: {  	_ =	shalt  }
0x48: {  	_ =	shalt  }
0x49: {  	_ =	shalt  }
0x4a: {  	_ =	shalt  }
0x4b: {  	_ =	shalt  }
0x4c: {  	_ =	shalt  }
0x4d: {  	_ =	shalt  }
0x4e: {  	_ =	shalt  }
0x4f: {  	_ =	shalt  }
0x50: {  	_ =	shalt  }
0x51: {  	_ =	shalt  }
0x52: {  	_ =	shalt  }
0x53: {  	_ =	shalt  }
0x54: {  	_ =	shalt  }
0x55: {  	_ =	shalt  }
0x56: {  	_ =	shalt  }
0x57: {  	_ =	shalt  }
0x58: {  	_ =	shalt  }
0x59: {  	_ =	shalt  }
0x5a: {  	_ =	shalt  }
0x5b: {  	_ =	shalt  }
0x5c: {  	_ =	shalt  }
0x5d: {  	_ =	shalt  }
0x5e: {  	_ =	shalt  }
0x5f: {  	_ =	shalt  }
0x60: {  	_ =	shalt  }
0x61: {  	_ =	shalt  }
0x62: {  	_ =	shalt  }
0x63: {  	_ =	shalt  }
0x64: {  	_ =	shalt  }
0x65: {  	_ =	shalt  }
0x66: {  	_ =	shalt  }
0x67: {  	_ =	shalt  }
0x68: {  	_ =	shalt  }
0x69: {  	_ =	shalt  }
0x6a: {  	_ =	shalt  }
0x6b: {  	_ =	shalt  }
0x6c: {  	_ =	shalt  }
0x6d: {  	_ =	shalt  }
0x6e: {  	_ =	shalt  }
0x6f: {  	_ =	shalt  }
0x70: {  	_ =	shalt  }
0x71: {  	_ =	shalt  }
0x72: {  	_ =	shalt  }
0x73: {  	_ =	shalt  }
0x74: {  	_ =	shalt  }
0x75: {  	_ =	shalt  }
0x76: {  	_ =	shalt  }
0x77: {  	_ =	shalt  }
0x78: {  	_ =	shalt  }
0x79: {  	_ =	shalt  }
0x7a: {  	_ =	shalt  }
0x7b: {  	_ =	shalt  }
0x7c: {  	_ =	shalt  }
0x7d: {  	_ =	shalt  }
0x7e: {  	_ =	shalt  }
0x7f: {  	_ =	shalt  }
0x80: {  	_ =	shalt  }
0x81: {  	_ =	shalt  }
0x82: {  	_ =	shalt  }
0x83: {  	_ =	shalt  }
0x84: {  	_ =	shalt  }
0x85: {  	_ =	shalt  }
0x86: {  	_ =	shalt  }
0x87: {  	_ =	shalt  }
.Lfunc_end0:
.L_simem_size_0:
called_computation.2_lowered:
.L_overlay_start_0:
0x88: {  	s2 =	sld [smem:$0x3FD9]  }
0x89: {  	s3 =	sld [smem:$0x3FFE];
	_ =	sdelay $0x1  }
0x8a: {  	s1 =	srdreg.scid  }
0x8b: {  	s0 =	sand.u32 $0x1, s1  }
0x8c: {  	s17 =	sshll.u32 s0, $0xA;
	s2 =	sadd.s32 s3, s2  }
0x8d: {  	s2 =	sadd.s32 s2, s17  }
0x8e: {  	[smem:$0x3FBE] =	sst s2  }
0x8f: {  	_ = 	snop  }
0x90: {  	s2 =	sld [smem:$0x3FD0];
	(tm) =	ssettm $0x1  }
0x91: {  	s18 =	sld [smem:$0x3FFB];
	_ =	sdelay $0x3  }
0x92: {  	_ =	strace s18  }
0x93: {  	s3 =	sld [smem:$0x3FFC];
	_ =	sdelay $0x3  }
0x94: {  	_ =	strace s3  }
0x95: {  	s3 =	sld [smem:$0x3FFD];
	_ =	sdelay $0x3  }
0x96: {  	_ =	strace s3  }
0x97: {  	_ =	strace $0x8FFFFFFF  }
0x98: {  	s19 =	sld [smem:$0x3FDB];
	_ =	sdelay $0x1  }
0x99: {  	s4 =	simm.s32 $_scs_section_size  }
0x9a: {  	s5 =	simm.s32 $_size__tile_overlayer_lowered;
	s6 =	simm.s32 $_tile_overlayer_lowered  }
0x9b: {  	s22 =	simm.s32 $0x1BFF;
	s21 =	sshll.u32 s6, $0x1;
	s3 =	sadd.s32 s4, s19  }
0x9c: {  	s7 =	simm.s32 $0x0;
	s20 =	sshll.u32 s5, $0x1;
	s5 =	sadd.s32 s21, s3  }
0x9d: {  	[timem:s7], [sflag:s22] =	dma.local [hbm:s5], s20  }
0x9e: {  	_ =	swait.ge [sflag:s22], s20  }
0x9f: {  	s4 =	ssub.s32 $0x0, s20;
	[sflag:s22] =	ssyncset.done $0x0  }
0xa0: {  	[sflag:s22] =	ssyncadd.s32 s4;
	_ =	sdelay $0x1  }
0xa1: {  	s23 =	simm.s32 $0x1B8B  }
0xa2: {  	_ =	swait.ge [sflag:s23], $0x1  }
0xa3: {  	[sflag:s23] =	ssyncset.done $0x0  }
0xa4: {  	s25 =	simm.s32 $0x1B8E;
	s24 =	sld [smem:$0x3FFE];
	[sflag:s23] =	ssyncadd.s32 $0xFFFFFFFF  }
0xa5: {  	s26 =	simm.s32 $execute0_lowered;
	[smem:$0x3FD2] =	sst s25  }
0xa6: {  	s5 =	sshll.u32 s26, $0x1;
	_ =	strace $0x8000004C;
	[dreg:$0x1] =	wrdreg $0xFFFFFFFF  }
0xa7: {  	s28 =	simm.s32 $_size_execute0_lowered;
	s3 =	sadd.s32 s3, s5;
	[dreg:$0x0] =	wrdreg $0x0  }
0xa8: {  	s5 =	sshll.u32 s28, $0x1;
	[dreg:$0x2] =	wrdreg s3  }
0xa9: {  	[dreg:$0x3] =	wrdreg s5  }
0xaa: {  	[dreg:$0x4] =	wrdreg $0xC0  }
0xab: {  	_ =	task [dreg:s7], $0x5FFFF  }
0xac: {  	[dreg:$0x1] =	wrdreg $0xFFFFFFFF  }
0xad: {  	[dreg:$0x0] =	wrdreg $0x60  }
0xae: {  	[dreg:$0x2] =	wrdreg s24  }
0xaf: {  	[dreg:$0x3] =	wrdreg s2  }
0xb0: {  	[dreg:$0x4] =	wrdreg $0x84000  }
0xb1: {  	[dreg:$0x5] =	wrdreg $0x9  }
0xb2: {  	_ =	task.clear_ibuf [dreg:s7], $0x6FFFF;
	_ =	strace $0x9000004C  }
0xb3: {  	s29 =	simm.s32 $0x9;
	_ =	strace $0x8000004E  }
0xb4: {  	_ =	swait.ge [sflag:s29], $0x1  }
0xb5: {  	[sflag:s29] =	ssyncadd.s32 $0xFFFFFFFF  }
0xb6: {  	_ =	strace $0x9000004E  }
0xb7: {  	_ =	sfence  }
0xb8: {  	s30 =	sld [smem:$0x0];
	_ =	sdelay $0x2  }
0xb9: {  	s31 =	sshll.u32 s1, $0xD;
	s1 =	sshrl.u32 s1, $0x2  }
0xba: {  	s3 =	sand.u32 $0x4000, s31;
	s1 =	sadd.s32 s1, s30  }
0xbb: {  	s0 =	sor.u32 s3, s0;
	s1 =	sshll.u32 s1, $0x11  }
0xbc: {  	s0 =	sor.u32 s1, s0  }
0xbd: {  	s0 =	sadd.s32 $0x8F2B, s0  }
0xbe: {  	[sflag:s0] =	ssyncadd.remote.s32 $0x1  }
0xbf: {  	_ =	sfence.sel $0xFFFF  }
0xc0: {  	[dreg:$0x0] =	wrdreg $0xFFFFFFFF;
	(pc) =	sbr.abs _section_cstart, $3  }
0xc1: {  	[dreg:$0x1] =	wrdreg $0xFFFFFFFF  }
0xc2: {  	_ =	task.clear_ibuf [dreg:s7], $0x2FFFF;
	_ =	strace $0x9FFFFFFF  }
0xc3: {  	(tm) =	ssettm $0x7FFFFFFF  }
tec
execute0_lowered:
.L_overlay_start_1:
0x0: {  	(tag) =	ssettag $0x1  }
0x1: {  	s0 =	rddreg [dreg:$0x0]  }
0x2: {  	s1 =	rddreg [dreg:$0x1];
	s3 =	srdreg.scid  }
0x3: {  	s2 =	rddreg [dreg:$0x2];
	s11 =	stileid.u32;
	s29 =	simm.s32 $0x1  }
0x4: {  	s30 =	simm.s32 $0x2;
	s31 =	simm.s32 $0x0;
	s7 =	smul.u32 $0x13C00, s11  }
0x5: {  	s5 =	sand.u32 $0x1, s3;
	s3 =	simm.s32 $0x0;
	s17 =	smul.u32 $0x44, s11  }
0x6: {  	s4 =	sadd.s32 $0x5D000, s0;
	s8 =	sadd.s32 $0x3800, s0;
	s10 =	smul.u32 $0x4F000, s11  }
0x7: {  	p1 =	slt.u32 s11, $0x4;
	s18 =	smin.u32 s11, $0x4;
	s11 =	smul.u32 $0x58, s11  }
0x8: {  	s9 =	sadd.s32 $0xD600, s0;
	s6 =	smul.u32 $0x13C000, s5;
	[smem:$0x7FF] =	sst s3  }
0x9: {  	s13 =	ssub.s32 $0x2, s5;
	p0 =	seq.s32 s5, $0x0;
	_ =	strace $0x8000004D  }
0xa: {  	[dreg:$0x4] =	wrdreg s9;
	s14 =	sshrl.u32 s13, $0x1;
	s5 =	sadd.s32 s18, s17  }
0xb: {  	s19 =	sshrl.u32 s10, $0x2;
	s6 =	sadd.s32 s7, s6;
	s15 =	ssub.s32 s13, s14  }
0xc: {  	s5 =	sadd.s32 $0x580, s5;
	s7 =	sadd.s32 s19, s2;
	s6 =	sshrl.u32 s6, $0x3  }
0xd: {  	s5 =	smov.u32 @p0 s11;
	s20 =	sadd.s32 $0x4000, s7;
	s21 =	sadd.s32 $0x8000, s7  }
0xe: {  	s22 =	sadd.s32 $0xC000, s7;
	s23 =	sadd.s32 $0x10000, s7;
	[dreg:$0x5] =	wrdreg s20  }
0xf: {  	s19 =	smax.u32 s15, $0x1;
	s0 =	sadd.s32 s6, s0;
	[dreg:$0x6] =	wrdreg s21  }
0x10: {  	s6 =	simm.s32 $0x45;
	s5 =	sshll.u32 s5, $0x4;
	[dreg:$0x7] =	wrdreg s22  }
0x11: {  	[dreg:$0x8] =	wrdreg s23;
	s23 =	simm.s32 $0x400;
	s6 =	simm.s32 @!p1 $0x44  }
0x12: {  	s12 =	sadd.s32 s8, s5;
	s13 =	sadd.s32 s1, s5;
	s5 =	sadd.s32 $0x10, s5  }
0x13: {  	s18 =	sadd.s32 $0x84200, s0;
	s6 =	simm.s32 @p0 $0x58;
	s8 =	sadd.s32 s8, s5  }
0x14: {  	s1 =	sadd.s32 s1, s5;
	s21 =	sadd.s32 $0x20, s12;
	[dreg:$0x9] =	wrdreg s8  }
0x15: {  	s24 =	sadd.s32 $0xFFFFFFFF, s6;
	[dreg:$0xa] =	wrdreg s1;
	s22 =	sshll.u32 s6, $0x7  }
0x16: {  	s25 =	sshll.u32 s24, $0xE;
	s10 =	sshll.u32 s24, $0x7;
	s24 =	simm.s32 $0x3  }
0x17: {  	s26 =	sand.u32 $0x4000, s25;
	s28 =	sand.u32 $0x180, s10;
	s25 =	sadd.s32 $0x20, s13  }
0x18: {  	v0 =	vimm.f32 $0.0e+00;
	s16 =	sor.u32 $0x400, s26;
	s17 =	sor.u32 $0x200, s28;
	s26 =	simm.s32 $0x80  }
.LBB2_1:
0x19: {  	s0 =	rddreg [dreg:$0x4]  }
0x1a: {  	[tilespmem:s23], [sflag:$0x3] =	stream.linear.gather [hbm4b:s0+s3], $0x400, $0x38;
	[tilespmem:$0x1C000] =	vst v63  }
0x1b: {  	_ =	swait.ge [sflag:s24], $0x400  }
0x1c: {  	[sflag:s24] =	ssyncset.done $0x0  }
0x1d: {  	s1 =	simm.s32 $0x200;
	s0 =	simm.s32 $0x0;
	[sflag:s24] =	ssyncadd.s32 $0xFFFFFC00  }
.LBB2_2:
0x1e: {  	p0 =	sne.s32 s1, $0xFE00;
	[tilespmem:s0+$0x470] =	vst v0  }
0x1f: {  	[tilespmem:s0+$0x400] =	vst v0  }
0x20: {  	[tilespmem:s0+$0x410] =	vst v0  }
.Ltmp0:
0x21: {  	[tilespmem:s0+$0x420] =	vst v0;
	(pc) =	sbr.rel @p0 .LBB2_2-.Ltmp0, $4  }
0x22: {  	[tilespmem:s0+$0x430] =	vst v0  }
0x23: {  	[tilespmem:s0+$0x440] =	vst v0  }
0x24: {  	[tilespmem:s0+$0x450] =	vst v0  }
0x25: {  	[tilespmem:s0+$0x460] =	vst v0;
	s0 =	sshra.s32 s1, $0x2;
	s1 =	sadd.s32 $0x200, s1  }
0x26: {  	[tilespmem:s0+$0x470] =	vst v0  }
0x27: {  	[tilespmem:s0+$0x400] =	vst v0  }
0x28: {  	[tilespmem:s0+$0x410] =	vst v0  }
0x29: {  	[tilespmem:s0+$0x420] =	vst v0  }
0x2a: {  	[tilespmem:s0+$0x430] =	vst v0  }
0x2b: {  	[tilespmem:s0+$0x440] =	vst v0  }
0x2c: {  	[tilespmem:s0+$0x450] =	vst v0  }
0x2d: {  	[tilespmem:s0+$0x460] =	vst v0  }
0x2e: {  	[spmem:s7] =	stream.linear.scatter [tilespmem:s23], [sflag:$0x3], $0x4000, $0x38;
	[tilespmem:$0x1C000] =	vst v63  }
0x2f: {  	_ =	swait.ge [sflag:s24], $0x4000  }
0x30: {  	[sflag:s24] =	ssyncset.done $0x0  }
0x31: {  	s14 =	rddreg [dreg:$0x5];
	[sflag:s24] =	ssyncadd.s32 $0xFFFFC000  }
0x32: {  	[spmem:s14] =	stream.linear.scatter [tilespmem:s23], [sflag:$0x3], $0x4000, $0x38;
	[tilespmem:$0x1C000] =	vst v63  }
0x33: {  	_ =	swait.ge [sflag:s24], $0x4000  }
0x34: {  	[sflag:s24] =	ssyncset.done $0x0  }
0x35: {  	s15 =	rddreg [dreg:$0x6];
	[sflag:s24] =	ssyncadd.s32 $0xFFFFC000  }
0x36: {  	[spmem:s15] =	stream.linear.scatter [tilespmem:s23], [sflag:$0x3], $0x4000, $0x38;
	[tilespmem:$0x1C000] =	vst v63  }
0x37: {  	_ =	swait.ge [sflag:s24], $0x4000  }
0x38: {  	[sflag:s24] =	ssyncset.done $0x0  }
0x39: {  	s20 =	rddreg [dreg:$0x7];
	[sflag:s24] =	ssyncadd.s32 $0xFFFFC000  }
0x3a: {  	[spmem:s20] =	stream.linear.scatter [tilespmem:s23], [sflag:$0x3], $0x4000, $0x38;
	[tilespmem:$0x1C000] =	vst v63  }
0x3b: {  	_ =	swait.ge [sflag:s24], $0x4000  }
0x3c: {  	[sflag:s24] =	ssyncset.done $0x0  }
0x3d: {  	s1 =	rddreg [dreg:$0x8];
	[sflag:s24] =	ssyncadd.s32 $0xFFFFC000  }
0x3e: {  	[spmem:s1] =	stream.linear.scatter [tilespmem:s23], [sflag:$0x3], $0x3C00, $0x38;
	[tilespmem:$0x1C000] =	vst v63  }
0x3f: {  	_ =	swait.ge [sflag:s24], $0x3C00  }
0x40: {  	[sflag:s24] =	ssyncset.done $0x0  }
0x41: {  	[sflag:s24] =	ssyncadd.s32 $0xFFFFC400  }
0x42: {  	[tilespmem:s3], [sflag:$0x1] =	stream.linear.gather [hbm4b:s12+s3], $0x80, $0x38;
	[tilespmem:$0x1C000] =	vst v63  }
0x43: {  	s5 =	simm.s32 $0x200  }
0x44: {  	[tilespmem:s5], [sflag:$0x1] =	stream.linear.gather [hbm4b:s13+s3], $0x80, $0x38;
	[tilespmem:$0x1C000] =	vst v63  }
0x45: {  	s8 =	rddreg [dreg:$0x9]  }
0x46: {  	[tilespmem:s26], [sflag:$0x1] =	stream.linear.gather [hbm4b:s8+s3], $0x80, $0x38;
	[tilespmem:$0x1C000] =	vst v63  }
0x47: {  	s1 =	simm.s32 $0x280;
	s9 =	rddreg [dreg:$0xa]  }
0x48: {  	[tilespmem:s1], [sflag:$0x1] =	stream.linear.gather [hbm4b:s9+s3], $0x80, $0x38;
	[tilespmem:$0x1C000] =	vst v63  }
0x49: {  	[bflag:$0x0] =	sbarrier.arrive $0xFFFF  }
0x4a: {  	_ =	swait.ge [sflag:s29], $0x80  }
0x4b: {  	[sflag:s29] =	ssyncset.done $0x0  }
0x4c: {  	[sflag:s29] =	ssyncadd.s32 $0xFFFFFF80  }
0x4d: {  	_ =	swait.ge [sflag:s29], $0x80  }
0x4e: {  	[sflag:s29] =	ssyncset.done $0x0  }
0x4f: {  	[sflag:s29] =	ssyncadd.s32 $0xFFFFFF80  }
0x50: {  	[tilespmem:s23], [sflag:$0x2] =	stream.indirect.gather [hbm4b:s4+s26], $0x80, s3, s26, $0xb8;
	[tilespmem:$0x1C000] =	vst v63  }
0x51: {  	_ =	swait.ge [sflag:s30], $0x4000  }
0x52: {  	[sflag:s30] =	ssyncset.done $0x0  }
0x53: {  	[sflag:s30] =	ssyncadd.s32 $0xFFFFC000  }
0x54: {  	_ =	swait.ge [sflag:s29], $0x80  }
0x55: {  	s10 =	simm.s32 $0x100;
	s11 =	simm.s32 $0x4000;
	[sflag:s29] =	ssyncset.done $0x0  }
0x56: {  	p0 =	sne.s32 s22, $0x180;
	s14 =	simm.s32 $0x0;
	[sflag:s29] =	ssyncadd.s32 $0xFFFFFF80  }
0x57: {  	s28 =	simm.s32 $0x3;
	s0 =	sand.u32 $0x4000, s14;
	_ =	swait.ge [sflag:s29], $0x80  }
0x58: {  	s5 =	simm.s32 $0x80;
	s1 =	sand.u32 $0x4000, s11;
	[sflag:s29] =	ssyncset.done $0x0  }
0x59: {  	s8 =	sand.u32 $0x180, s5;
	s9 =	sor.u32 $0x400, s1;
	[sflag:s29] =	ssyncadd.s32 $0xFFFFFF80  }
0x5a: {  	[tilespmem:s9], [sflag:$0x2] =	stream.indirect.gather [hbm4b:s4+s26], $0x80, s8, s26, $0xb8;
	[tilespmem:$0x1C000] =	vst v63  }
0x5b: {  	s10 =	sand.u32 $0x180, s10;
	s0 =	sor.u32 $0x400, s0;
	s15 =	simm.s32 $0x0  }
0x5c: {  	[tilespmem:s10], [sflag:$0x1] =	stream.linear.gather [hbm4b:s21+s3], $0x80, $0x38;
	[tilespmem:$0x1C000] =	vst v63  }
.Ltmp1:
0x5d: {  	s20 =	sor.u32 $0x200, s10;
	s1 =	sand.u32 $0x180, s15;
	(pc) =	sbr.rel @!p0 .LBB2_5-.Ltmp1, $4  }
0x5e: {  	[tilespmem:s20], [sflag:$0x1] =	stream.linear.gather [hbm4b:s25+s3], $0x80, $0x38;
	[tilespmem:$0x1C000] =	vst v63  }
0x5f: {  	s5 =	simm.s32 $0x8000;
	s1 =	sor.u32 $0x200, s1;
	s20 =	smov.u32 s25  }
0x60: {  	[spmem:s2] =	stream.indirect.scatter.add.f32 [tilespmem:s0], [sflag:$0x3], $0x80, s1, s26, $0xb8;
	[tilespmem:$0x1C000] =	vst v63  }
0x61: {  	s0 =	simm.s32 $0x180;
	s1 =	sadd.s32 $0x10, s21;
	_ =	swait.ge [sflag:s24], $0x4000  }
.LBB2_4:
0x62: {  	[sflag:s24] =	ssyncset.done $0x0  }
0x63: {  	s20 =	sadd.s32 $0x10, s20;
	s11 =	smov.u32 s0;
	s0 =	sadd.s32 $0x80, s0  }
0x64: {  	p0 =	sne.s32 s22, s0;
	[sflag:s24] =	ssyncadd.s32 $0xFFFFC000  }
0x65: {  	_ =	swait.ge [sflag:s30], $0x4000  }
0x66: {  	[sflag:s30] =	ssyncset.done $0x0  }
0x67: {  	[sflag:s30] =	ssyncadd.s32 $0xFFFFC000  }
0x68: {  	_ =	swait.ge [sflag:s29], $0x80  }
0x69: {  	[sflag:s29] =	ssyncset.done $0x0  }
0x6a: {  	[sflag:s29] =	ssyncadd.s32 $0xFFFFFF80  }
0x6b: {  	_ =	swait.ge [sflag:s29], $0x80  }
0x6c: {  	s9 =	sand.u32 $0x4000, s5;
	s8 =	sadd.s32 $0xFFFFFF80, s11;
	[sflag:s29] =	ssyncset.done $0x0  }
0x6d: {  	s9 =	sor.u32 $0x400, s9;
	s8 =	sand.u32 $0x180, s8;
	[sflag:s29] =	ssyncadd.s32 $0xFFFFFF80  }
0x6e: {  	[tilespmem:s9], [sflag:$0x2] =	stream.indirect.gather [hbm4b:s4+s26], $0x80, s8, s26, $0xb8;
	[tilespmem:$0x1C000] =	vst v63  }
0x6f: {  	s10 =	sand.u32 $0x180, s11  }
0x70: {  	[tilespmem:s10], [sflag:$0x1] =	stream.linear.gather [hbm4b:s1+s3], $0x80, $0x38;
	[tilespmem:$0x1C000] =	vst v63  }
0x71: {  	s14 =	sadd.s32 $0xFFFFC000, s5;
	s11 =	sadd.s32 $0xFFFFFF00, s11;
	s15 =	sor.u32 $0x200, s10  }
.Ltmp2:
0x72: {  	s14 =	sand.u32 $0x4000, s14;
	s11 =	sand.u32 $0x180, s11;
	(pc) =	sbr.rel @p0 .LBB2_4-.Ltmp2, $4  }
0x73: {  	[tilespmem:s15], [sflag:$0x1] =	stream.linear.gather [hbm4b:s20+s3], $0x80, $0x38;
	[tilespmem:$0x1C000] =	vst v63  }
0x74: {  	s5 =	sadd.s32 $0x4000, s5;
	s14 =	sor.u32 $0x400, s14;
	s11 =	sor.u32 $0x200, s11  }
0x75: {  	[spmem:s2] =	stream.indirect.scatter.add.f32 [tilespmem:s14], [sflag:$0x3], $0x80, s11, s26, $0xb8;
	[tilespmem:$0x1C000] =	vst v63  }
0x76: {  	s28 =	sadd.s32 $0x1, s28;
	s1 =	sadd.s32 $0x10, s1;
	_ =	swait.ge [sflag:s24], $0x4000  }
.LBB2_5:
0x77: {  	[sflag:s24] =	ssyncset.done $0x0  }
0x78: {  	[sflag:s24] =	ssyncadd.s32 $0xFFFFC000  }
0x79: {  	_ =	swait.ge [sflag:s30], $0x4000  }
0x7a: {  	[sflag:s30] =	ssyncset.done $0x0  }
0x7b: {  	[sflag:s30] =	ssyncadd.s32 $0xFFFFC000  }
0x7c: {  	_ =	swait.ge [sflag:s29], $0x80  }
0x7d: {  	[sflag:s29] =	ssyncset.done $0x0  }
0x7e: {  	[sflag:s29] =	ssyncadd.s32 $0xFFFFFF80  }
0x7f: {  	_ =	swait.ge [sflag:s29], $0x80  }
0x80: {  	s5 =	sand.u32 $0x4000, s5;
	[sflag:s29] =	ssyncset.done $0x0  }
0x81: {  	p0 =	sge.u32 s28, s6;
	s5 =	sor.u32 $0x400, s5;
	[sflag:s29] =	ssyncadd.s32 $0xFFFFFF80  }
0x82: {  	[tilespmem:s5], [sflag:$0x2] =	stream.indirect.gather [hbm4b:s4+s26], $0x80, s10, s26, $0xb8;
	[tilespmem:$0x1C000] =	vst v63  }
0x83: {  	s0 =	sand.u32 @!p0 $0x180, s0;
	s5 =	simm.s32 @!p0 $0x0  }
0x84: {  	[tilespmem:s0], [sflag:$0x1] =	stream.linear.gather @!p0 [hbm4b:s1+s5], $0x80, $0x38;
	[tilespmem:$0x1C000] =	vst v63  }
0x85: {  	s1 =	sadd.s32 $0x10, s20;
	s0 =	sor.u32 @!p0 $0x200, s0  }
0x86: {  	[tilespmem:s0], [sflag:$0x1] =	stream.linear.gather @!p0 [hbm4b:s1+s5], $0x80, $0x38;
	[tilespmem:$0x1C000] =	vst v63  }
0x87: {  	s15 =	sor.u32 $0x200, s8  }
0x88: {  	[spmem:s2] =	stream.indirect.scatter.add.f32 [tilespmem:s9], [sflag:$0x3], $0x80, s15, s26, $0xb8;
	[tilespmem:$0x1C000] =	vst v63  }
0x89: {  	_ =	swait.ge [sflag:s24], $0x4000  }
0x8a: {  	[sflag:s24] =	ssyncset.done $0x0  }
0x8b: {  	[sflag:s24] =	ssyncadd.s32 $0xFFFFC000  }
0x8c: {  	_ =	swait.ge [sflag:s30], $0x4000  }
0x8d: {  	[sflag:s30] =	ssyncset.done $0x0  }
0x8e: {  	[sflag:s30] =	ssyncadd.s32 $0xFFFFC000  }
0x8f: {  	[spmem:s2] =	stream.indirect.scatter.add.f32 [tilespmem:s16], [sflag:$0x3], $0x80, s17, s26, $0xb8;
	[tilespmem:$0x1C000] =	vst v63  }
0x90: {  	s28 =	sshrl.u32 s7, $0x3;
	_ =	swait.ge [sflag:s24], $0x4000  }
0x91: {  	s31 =	sadd.s32 $0x1, s31;
	s20 =	stileid.u32;
	[sflag:s24] =	ssyncset.done $0x0  }
0x92: {  	s0 =	sshll.u32 s20, $0x6;
	p0 =	sne.s32 s31, s19;
	[sflag:s24] =	ssyncadd.s32 $0xFFFFC000  }
.Ltmp3:
0x93: {  	s0 =	sor.u32 $0x1C03, s0;
	[bflag:$0x0] =	sbarrier.arrive $0xFFFF;
	(pc) =	sbr.rel @p0 .LBB2_1-.Ltmp3, $4  }
0x94: {  	[hbm:s18], [sflag:s0] =	dma.local [spmem:s28], $0x2780  }
0x95: {  	_ =	swait.ge [sflag:s24], $0x2780  }
0x96: {  	[sflag:s24] =	ssyncset.done $0x0  }
0x97: {  	[sflag:s24] =	ssyncadd.s32 $0xFFFFD880  }
0x98: {  	_ =	sfence.sel $0x180000  }
0x99: {  	[bflag:$0x0] =	sbarrier.arrive $0xFFFF  }
0x9a: {  	_ =	strace $0x9000004D  }
0x9b: {  	s0 =	stileid.u32;
	[bflag:$0x2] =	sbarrier.arrive $0xFFFF  }
0x9c: {  	p0 =	sne.s32 s0, $0x0;
	s0 =	rddreg [dreg:$0x3]  }
0x9d: {  	s0 =	sadd.s32 @!p0 $0x100000, s0  }
0x9e: {  	[sflag:s0] =	ssyncadd.tile.s32 @!p0 $0x1;
	_ =	shalt  }
.Lfunc_end2:
_tile_overlayer_lowered:
.L_overlay_start_2:
0x9f: {  	(tag) =	ssettag $0x2  }
0xa0: {  	s0 =	rddreg [dreg:$0x0];
	s2 =	stileid.u32  }
0xa1: {  	s1 =	rddreg [dreg:$0x1];
	p0 =	sne.s32 s2, $0x0  }
0xa2: {  	s3 =	rddreg [dreg:$0x2];
	[bflag:$0x3] =	sbarrier.arrive $0xFFFF;
	s2 =	simm.s32 @!p0 $0x1C03  }
0xa3: {  	[timem:s3], [sflag:s2] =	dma.local @!p0 [hbm:s0], s1  }
0xa4: {  	s0 =	simm.s32 @!p0 $0x3  }
0xa5: {  	_ =	swait.ge @!p0 [sflag:s0], s1  }
0xa6: {  	s1 =	ssub.s32 @!p0 $0x0, s1;
	[sflag:s0] =	ssyncset.done @!p0 $0x0  }
0xa7: {  	[sflag:s0] =	ssyncadd.s32 @!p0 s1  }
0xa8: {  	[bflag:$0x3] =	sbarrier.arrive $0xFFFF  }
0xa9: {  	_ =	shalt  }

// kernel: kernel.19.cloned.1.call-start
scs
__scs_entry_jumppad:
0x0: {  	(pc) =	sbr.rel $0x88, $3  }
0x1: {  	(tag) =	ssettag $0x0;
	lr =	simm.s32 $0x1  }
0x2: {  	[smem:$0x3F97] =	sst lr;
	_ =	strace $0xD0000000  }
0x3: {  	_ = 	snop  }
0x4: {  	_ = 	snop  }
0x5: {  	_ = 	snop  }
0x6: {  	_ = 	snop  }
0x7: {  	_ = 	snop  }
__scs_overlays_trampoline_lowered:
0x8: {  	[smem:$0x3FA6] =	sst s0  }
0x9: {  	[smem:$0x3FA7] =	sst s1  }
0xa: {  	[smem:$0x3FA8] =	sst s2  }
0xb: {  	[smem:$0x3FA9] =	sst s3  }
0xc: {  	[smem:$0x3FAA] =	sst s4  }
0xd: {  	[smem:$0x3FAB] =	sst s5  }
0xe: {  	[smem:$0x3FAC] =	sst s6  }
0xf: {  	[smem:$0x3FAD] =	sst s7  }
0x10: {  	[smem:$0x3FAE] =	sst s8  }
0x11: {  	[smem:$0x3FAF] =	sst s9;
	s0 =	simm.s32 @!p0 $0x0  }
0x12: {  	s1 =	sld [smem:$0x3F95];
	s0 =	simm.s32 @p0 $0x1  }
0x13: {  	[smem:$0x3FB0] =	sst s0;
	s0 =	simm.s32 @!p1 $0x0  }
0x14: {  	s2 =	sld [smem:$0x3F94];
	s0 =	simm.s32 @p1 $0x1  }
0x15: {  	[smem:$0x3FB1] =	sst s0;
	s0 =	simm.s32 @!p2 $0x0  }
0x16: {  	s3 =	sld [smem:$0x3FDB];
	s0 =	simm.s32 @p2 $0x1  }
0x17: {  	s4 =	simm.s32 $0x1BF5;
	[smem:$0x3FB3] =	sst s0  }
0x18: {  	s0 =	sld [smem:$0x3F96];
	_ =	swait.ge [sflag:s4], $0x0  }
0x19: {  	s7 =	sld [smem:$0x3F97]  }
0x1a: {  	s8 =	sadd.s32 $0xFFFFE003, lr  }
0x1b: {  	s9 =	sadd.s32 $0xFFFFFEF7, lr;
	s5 =	simm.s32 $0xFFFFFFFF;
	p2 =	slt.u32 s8, $0xFFFFF086  }
0x1c: {  	p1 =	slt.u32 s9, $0xF7A;
	s5 =	simm.s32 @!p2 $0x0  }
0x1d: {  	s5 =	simm.s32 @p1 $0x1;
	p0 =	seq.s32 s7, s2  }
0x1e: {  	s7 =	smul.u32 @!p0 $0xF7A, s2;
	p2 =	seq.s32 @!p0 s5, $0x0  }
0x1f: {  	s9 =	smul.u32 $0xF7A, s1;
	s8 =	simm.s32 @!p0 $0x1BF5;
	p2 =	por !p2, p0  }
0x20: {  	[sflag:s8] =	ssyncset.s32 @!p0 $0xFFFFF086;
	s6 =	sadd.s32 @!p0 s3, s7;
	s7 =	simm.s32 @!p0 $0x108  }
0x21: {  	s3 =	sadd.s32 s3, s9;
	s6 =	sadd.s32 @!p0 $0x88, s6;
	s7 =	simm.s32 @p2 $0x1082  }
0x22: {  	[simem:s7], [sflag:s8] =	dma.local @!p0 [hbm:s6], $0xF7A  }
0x23: {  	s9 =	sor.u32 $0xD0000000, s2;
	s6 =	simm.s32 $0x108;
	_ =	swait.ge @!p0 [sflag:s8], $0x0  }
0x24: {  	s3 =	sadd.s32 $0x88, s3;
	s6 =	simm.s32 @!p1 $0x1082;
	[sflag:s4] =	ssyncset.s32 $0xFFFFF086  }
0x25: {  	[simem:s6], [sflag:s4] =	dma.local [hbm:s3], $0xF7A  }
0x26: {  	[smem:$0x3F97] =	sst s1;
	(tag) =	ssettag s2;
	_ =	strace s9  }
0x27: {  	s1 =	sld [smem:$0x3FA7]  }
0x28: {  	s2 =	sld [smem:$0x3FA8]  }
0x29: {  	s4 =	sld [smem:$0x3FAA]  }
0x2a: {  	p0 =	seq.s32 s5, $0x0;
	s5 =	sld [smem:$0x3FAB]  }
0x2b: {  	s6 =	sld [smem:$0x3FAC]  }
0x2c: {  	s7 =	sld [smem:$0x3FAD]  }
0x2d: {  	s3 =	simm.s32 $0x108;
	s8 =	sld [smem:$0x3FAE]  }
0x2e: {  	s3 =	simm.s32 @!p0 $0x1082;
	s9 =	sld [smem:$0x3FAF]  }
0x2f: {  	lr =	sadd.s32 s0, s3;
	s0 =	sld [smem:$0x3FA6]  }
0x30: {  	s3 =	sld [smem:$0x3FA9]  }
0x31: {  	[smem:$0x3FB2] =	sst s10  }
0x32: {  	s10 =	sld [smem:$0x3FB0];
	_ =	sdelay $0x3  }
0x33: {  	p0 =	seq.s32 s10, $0x1;
	s10 =	sld [smem:$0x3FB2];
	_ =	sdelay $0x3  }
0x34: {  	[smem:$0x3FB2] =	sst s10  }
0x35: {  	s10 =	sld [smem:$0x3FB1];
	_ =	sdelay $0x3  }
0x36: {  	p1 =	seq.s32 s10, $0x1;
	s10 =	sld [smem:$0x3FB2];
	_ =	sdelay $0x3  }
0x37: {  	[smem:$0x3FB2] =	sst s10  }
0x38: {  	s10 =	sld [smem:$0x3FB3]  }
0x39: {  	_ = 	snop;
	(pc) =	sbr.ind lr, $3  }
0x3a: {  	_ = 	snop  }
0x3b: {  	_ = 	snop  }
0x3c: {  	p2 =	seq.s32 s10, $0x1;
	s10 =	sld [smem:$0x3FB2]  }
0x3d: {  	_ =	shalt  }
0x3e: {  	_ =	shalt  }
0x3f: {  	_ =	shalt  }
0x40: {  	_ =	shalt  }
0x41: {  	_ =	shalt  }
0x42: {  	_ =	shalt  }
0x43: {  	_ =	shalt  }
0x44: {  	_ =	shalt  }
0x45: {  	_ =	shalt  }
0x46: {  	_ =	shalt  }
0x47: {  	_ =	shalt  }
0x48: {  	_ =	shalt  }
0x49: {  	_ =	shalt  }
0x4a: {  	_ =	shalt  }
0x4b: {  	_ =	shalt  }
0x4c: {  	_ =	shalt  }
0x4d: {  	_ =	shalt  }
0x4e: {  	_ =	shalt  }
0x4f: {  	_ =	shalt  }
0x50: {  	_ =	shalt  }
0x51: {  	_ =	shalt  }
0x52: {  	_ =	shalt  }
0x53: {  	_ =	shalt  }
0x54: {  	_ =	shalt  }
0x55: {  	_ =	shalt  }
0x56: {  	_ =	shalt  }
0x57: {  	_ =	shalt  }
0x58: {  	_ =	shalt  }
0x59: {  	_ =	shalt  }
0x5a: {  	_ =	shalt  }
0x5b: {  	_ =	shalt  }
0x5c: {  	_ =	shalt  }
0x5d: {  	_ =	shalt  }
0x5e: {  	_ =	shalt  }
0x5f: {  	_ =	shalt  }
0x60: {  	_ =	shalt  }
0x61: {  	_ =	shalt  }
0x62: {  	_ =	shalt  }
0x63: {  	_ =	shalt  }
0x64: {  	_ =	shalt  }
0x65: {  	_ =	shalt  }
0x66: {  	_ =	shalt  }
0x67: {  	_ =	shalt  }
0x68: {  	_ =	shalt  }
0x69: {  	_ =	shalt  }
0x6a: {  	_ =	shalt  }
0x6b: {  	_ =	shalt  }
0x6c: {  	_ =	shalt  }
0x6d: {  	_ =	shalt  }
0x6e: {  	_ =	shalt  }
0x6f: {  	_ =	shalt  }
0x70: {  	_ =	shalt  }
0x71: {  	_ =	shalt  }
0x72: {  	_ =	shalt  }
0x73: {  	_ =	shalt  }
0x74: {  	_ =	shalt  }
0x75: {  	_ =	shalt  }
0x76: {  	_ =	shalt  }
0x77: {  	_ =	shalt  }
0x78: {  	_ =	shalt  }
0x79: {  	_ =	shalt  }
0x7a: {  	_ =	shalt  }
0x7b: {  	_ =	shalt  }
0x7c: {  	_ =	shalt  }
0x7d: {  	_ =	shalt  }
0x7e: {  	_ =	shalt  }
0x7f: {  	_ =	shalt  }
0x80: {  	_ =	shalt  }
0x81: {  	_ =	shalt  }
0x82: {  	_ =	shalt  }
0x83: {  	_ =	shalt  }
0x84: {  	_ =	shalt  }
0x85: {  	_ =	shalt  }
0x86: {  	_ =	shalt  }
0x87: {  	_ =	shalt  }
.Lfunc_end0:
.L_simem_size_0:
called_computation.3_lowered:
.L_overlay_start_0:
0x88: {  	s2 =	sld [smem:$0x3FD9]  }
0x89: {  	s3 =	sld [smem:$0x3FFE];
	_ =	sdelay $0x1  }
0x8a: {  	s1 =	srdreg.scid  }
0x8b: {  	s0 =	sand.u32 $0x1, s1  }
0x8c: {  	s17 =	sshll.u32 s0, $0xA;
	s2 =	sadd.s32 s3, s2  }
0x8d: {  	s2 =	sadd.s32 s2, s17  }
0x8e: {  	[smem:$0x3FBE] =	sst s2  }
0x8f: {  	_ = 	snop  }
0x90: {  	s2 =	sld [smem:$0x3FD0];
	(tm) =	ssettm $0x1  }
0x91: {  	s18 =	sld [smem:$0x3FFB];
	_ =	sdelay $0x3  }
0x92: {  	_ =	strace s18  }
0x93: {  	s3 =	sld [smem:$0x3FFC];
	_ =	sdelay $0x3  }
0x94: {  	_ =	strace s3  }
0x95: {  	s3 =	sld [smem:$0x3FFD];
	_ =	sdelay $0x3  }
0x96: {  	_ =	strace s3  }
0x97: {  	_ =	strace $0x8FFFFFFF  }
0x98: {  	s19 =	sld [smem:$0x3FDB];
	_ =	sdelay $0x1  }
0x99: {  	s4 =	simm.s32 $_scs_section_size  }
0x9a: {  	s5 =	simm.s32 $_size__tile_overlayer_lowered;
	s6 =	simm.s32 $_tile_overlayer_lowered  }
0x9b: {  	s22 =	simm.s32 $0x1BFF;
	s21 =	sshll.u32 s6, $0x1;
	s3 =	sadd.s32 s4, s19  }
0x9c: {  	s7 =	simm.s32 $0x0;
	s20 =	sshll.u32 s5, $0x1;
	s5 =	sadd.s32 s21, s3  }
0x9d: {  	[timem:s7], [sflag:s22] =	dma.local [hbm:s5], s20  }
0x9e: {  	_ =	swait.ge [sflag:s22], s20  }
0x9f: {  	s4 =	ssub.s32 $0x0, s20;
	[sflag:s22] =	ssyncset.done $0x0  }
0xa0: {  	[sflag:s22] =	ssyncadd.s32 s4;
	_ =	sdelay $0x1  }
0xa1: {  	s23 =	simm.s32 $0x1B8B  }
0xa2: {  	_ =	swait.ge [sflag:s23], $0x1  }
0xa3: {  	[sflag:s23] =	ssyncset.done $0x0  }
0xa4: {  	s25 =	simm.s32 $0x1B8E;
	s24 =	sld [smem:$0x3FFE];
	[sflag:s23] =	ssyncadd.s32 $0xFFFFFFFF  }
0xa5: {  	s26 =	simm.s32 $execute0_lowered;
	[smem:$0x3FD2] =	sst s25  }
0xa6: {  	s5 =	sshll.u32 s26, $0x1;
	_ =	strace $0x8000004F;
	[dreg:$0x1] =	wrdreg $0xFFFFFFFF  }
0xa7: {  	s28 =	simm.s32 $_size_execute0_lowered;
	s3 =	sadd.s32 s3, s5;
	[dreg:$0x0] =	wrdreg $0x0  }
0xa8: {  	s5 =	sshll.u32 s28, $0x1;
	[dreg:$0x2] =	wrdreg s3  }
0xa9: {  	[dreg:$0x3] =	wrdreg s5  }
0xaa: {  	[dreg:$0x4] =	wrdreg $0xC0  }
0xab: {  	_ =	task [dreg:s7], $0x5FFFF  }
0xac: {  	[dreg:$0x1] =	wrdreg $0xFFFFFFFF  }
0xad: {  	[dreg:$0x0] =	wrdreg $0x60  }
0xae: {  	[dreg:$0x2] =	wrdreg s24  }
0xaf: {  	[dreg:$0x3] =	wrdreg s2  }
0xb0: {  	[dreg:$0x4] =	wrdreg $0x84000  }
0xb1: {  	[dreg:$0x5] =	wrdreg $0x9  }
0xb2: {  	_ =	task.clear_ibuf [dreg:s7], $0x6FFFF;
	_ =	strace $0x9000004F  }
0xb3: {  	s29 =	simm.s32 $0x9;
	_ =	strace $0x80000051  }
0xb4: {  	_ =	swait.ge [sflag:s29], $0x1  }
0xb5: {  	[sflag:s29] =	ssyncadd.s32 $0xFFFFFFFF  }
0xb6: {  	_ =	strace $0x90000051  }
0xb7: {  	_ =	sfence  }
0xb8: {  	s30 =	sld [smem:$0x0];
	_ =	sdelay $0x2  }
0xb9: {  	s31 =	sshll.u32 s1, $0xD;
	s1 =	sshrl.u32 s1, $0x2  }
0xba: {  	s3 =	sand.u32 $0x4000, s31;
	s1 =	sadd.s32 s1, s30  }
0xbb: {  	s0 =	sor.u32 s3, s0;
	s1 =	sshll.u32 s1, $0x11  }
0xbc: {  	s0 =	sor.u32 s1, s0  }
0xbd: {  	s0 =	sadd.s32 $0x8F2B, s0  }
0xbe: {  	[sflag:s0] =	ssyncadd.remote.s32 $0x1  }
0xbf: {  	_ =	sfence.sel $0xFFFF  }
0xc0: {  	[dreg:$0x0] =	wrdreg $0xFFFFFFFF;
	(pc) =	sbr.abs _section_cstart, $3  }
0xc1: {  	[dreg:$0x1] =	wrdreg $0xFFFFFFFF  }
0xc2: {  	_ =	task.clear_ibuf [dreg:s7], $0x2FFFF;
	_ =	strace $0x9FFFFFFF  }
0xc3: {  	(tm) =	ssettm $0x7FFFFFFF  }
tec
execute0_lowered:
.L_overlay_start_1:
0x0: {  	(tag) =	ssettag $0x1  }
0x1: {  	s0 =	rddreg [dreg:$0x0]  }
0x2: {  	s1 =	rddreg [dreg:$0x1];
	s3 =	srdreg.scid  }
0x3: {  	s2 =	rddreg [dreg:$0x2];
	s11 =	stileid.u32;
	s29 =	simm.s32 $0x1  }
0x4: {  	s30 =	simm.s32 $0x2;
	s31 =	simm.s32 $0x0;
	s7 =	smul.u32 $0x13C00, s11  }
0x5: {  	s5 =	sand.u32 $0x1, s3;
	s3 =	simm.s32 $0x0;
	s17 =	smul.u32 $0x44, s11  }
0x6: {  	s4 =	sadd.s32 $0x5D000, s0;
	s8 =	sadd.s32 $0x3800, s0;
	s10 =	smul.u32 $0x4F000, s11  }
0x7: {  	p1 =	slt.u32 s11, $0x4;
	s18 =	smin.u32 s11, $0x4;
	s11 =	smul.u32 $0x58, s11  }
0x8: {  	s9 =	sadd.s32 $0xD600, s0;
	s6 =	smul.u32 $0x13C000, s5;
	[smem:$0x7FF] =	sst s3  }
0x9: {  	s13 =	ssub.s32 $0x2, s5;
	p0 =	seq.s32 s5, $0x0;
	_ =	strace $0x80000050  }
0xa: {  	[dreg:$0x4] =	wrdreg s9;
	s14 =	sshrl.u32 s13, $0x1;
	s5 =	sadd.s32 s18, s17  }
0xb: {  	s19 =	sshrl.u32 s10, $0x2;
	s6 =	sadd.s32 s7, s6;
	s15 =	ssub.s32 s13, s14  }
0xc: {  	s5 =	sadd.s32 $0x580, s5;
	s7 =	sadd.s32 s19, s2;
	s6 =	sshrl.u32 s6, $0x3  }
0xd: {  	s5 =	smov.u32 @p0 s11;
	s20 =	sadd.s32 $0x4000, s7;
	s21 =	sadd.s32 $0x8000, s7  }
0xe: {  	s22 =	sadd.s32 $0xC000, s7;
	s23 =	sadd.s32 $0x10000, s7;
	[dreg:$0x5] =	wrdreg s20  }
0xf: {  	s19 =	smax.u32 s15, $0x1;
	s0 =	sadd.s32 s6, s0;
	[dreg:$0x6] =	wrdreg s21  }
0x10: {  	s6 =	simm.s32 $0x45;
	s5 =	sshll.u32 s5, $0x4;
	[dreg:$0x7] =	wrdreg s22  }
0x11: {  	[dreg:$0x8] =	wrdreg s23;
	s23 =	simm.s32 $0x400;
	s6 =	simm.s32 @!p1 $0x44  }
0x12: {  	s12 =	sadd.s32 s8, s5;
	s13 =	sadd.s32 s1, s5;
	s5 =	sadd.s32 $0x10, s5  }
0x13: {  	s18 =	sadd.s32 $0x84200, s0;
	s6 =	simm.s32 @p0 $0x58;
	s8 =	sadd.s32 s8, s5  }
0x14: {  	s1 =	sadd.s32 s1, s5;
	s21 =	sadd.s32 $0x20, s12;
	[dreg:$0x9] =	wrdreg s8  }
0x15: {  	s24 =	sadd.s32 $0xFFFFFFFF, s6;
	[dreg:$0xa] =	wrdreg s1;
	s22 =	sshll.u32 s6, $0x7  }
0x16: {  	s25 =	sshll.u32 s24, $0xE;
	s10 =	sshll.u32 s24, $0x7;
	s24 =	simm.s32 $0x3  }
0x17: {  	s26 =	sand.u32 $0x4000, s25;
	s28 =	sand.u32 $0x180, s10;
	s25 =	sadd.s32 $0x20, s13  }
0x18: {  	v0 =	vimm.f32 $0.0e+00;
	s16 =	sor.u32 $0x400, s26;
	s17 =	sor.u32 $0x200, s28;
	s26 =	simm.s32 $0x80  }
.LBB2_1:
0x19: {  	s0 =	rddreg [dreg:$0x4]  }
0x1a: {  	[tilespmem:s23], [sflag:$0x3] =	stream.linear.gather [hbm4b:s0+s3], $0x400, $0x38;
	[tilespmem:$0x1C000] =	vst v63  }
0x1b: {  	_ =	swait.ge [sflag:s24], $0x400  }
0x1c: {  	[sflag:s24] =	ssyncset.done $0x0  }
0x1d: {  	s1 =	simm.s32 $0x200;
	s0 =	simm.s32 $0x0;
	[sflag:s24] =	ssyncadd.s32 $0xFFFFFC00  }
.LBB2_2:
0x1e: {  	p0 =	sne.s32 s1, $0xFE00;
	[tilespmem:s0+$0x470] =	vst v0  }
0x1f: {  	[tilespmem:s0+$0x400] =	vst v0  }
0x20: {  	[tilespmem:s0+$0x410] =	vst v0  }
.Ltmp0:
0x21: {  	[tilespmem:s0+$0x420] =	vst v0;
	(pc) =	sbr.rel @p0 .LBB2_2-.Ltmp0, $4  }
0x22: {  	[tilespmem:s0+$0x430] =	vst v0  }
0x23: {  	[tilespmem:s0+$0x440] =	vst v0  }
0x24: {  	[tilespmem:s0+$0x450] =	vst v0  }
0x25: {  	[tilespmem:s0+$0x460] =	vst v0;
	s0 =	sshra.s32 s1, $0x2;
	s1 =	sadd.s32 $0x200, s1  }
0x26: {  	[tilespmem:s0+$0x470] =	vst v0  }
0x27: {  	[tilespmem:s0+$0x400] =	vst v0  }
0x28: {  	[tilespmem:s0+$0x410] =	vst v0  }
0x29: {  	[tilespmem:s0+$0x420] =	vst v0  }
0x2a: {  	[tilespmem:s0+$0x430] =	vst v0  }
0x2b: {  	[tilespmem:s0+$0x440] =	vst v0  }
0x2c: {  	[tilespmem:s0+$0x450] =	vst v0  }
0x2d: {  	[tilespmem:s0+$0x460] =	vst v0  }
0x2e: {  	[spmem:s7] =	stream.linear.scatter [tilespmem:s23], [sflag:$0x3], $0x4000, $0x38;
	[tilespmem:$0x1C000] =	vst v63  }
0x2f: {  	_ =	swait.ge [sflag:s24], $0x4000  }
0x30: {  	[sflag:s24] =	ssyncset.done $0x0  }
0x31: {  	s14 =	rddreg [dreg:$0x5];
	[sflag:s24] =	ssyncadd.s32 $0xFFFFC000  }
0x32: {  	[spmem:s14] =	stream.linear.scatter [tilespmem:s23], [sflag:$0x3], $0x4000, $0x38;
	[tilespmem:$0x1C000] =	vst v63  }
0x33: {  	_ =	swait.ge [sflag:s24], $0x4000  }
0x34: {  	[sflag:s24] =	ssyncset.done $0x0  }
0x35: {  	s15 =	rddreg [dreg:$0x6];
	[sflag:s24] =	ssyncadd.s32 $0xFFFFC000  }
0x36: {  	[spmem:s15] =	stream.linear.scatter [tilespmem:s23], [sflag:$0x3], $0x4000, $0x38;
	[tilespmem:$0x1C000] =	vst v63  }
0x37: {  	_ =	swait.ge [sflag:s24], $0x4000  }
0x38: {  	[sflag:s24] =	ssyncset.done $0x0  }
0x39: {  	s20 =	rddreg [dreg:$0x7];
	[sflag:s24] =	ssyncadd.s32 $0xFFFFC000  }
0x3a: {  	[spmem:s20] =	stream.linear.scatter [tilespmem:s23], [sflag:$0x3], $0x4000, $0x38;
	[tilespmem:$0x1C000] =	vst v63  }
0x3b: {  	_ =	swait.ge [sflag:s24], $0x4000  }
0x3c: {  	[sflag:s24] =	ssyncset.done $0x0  }
0x3d: {  	s1 =	rddreg [dreg:$0x8];
	[sflag:s24] =	ssyncadd.s32 $0xFFFFC000  }
0x3e: {  	[spmem:s1] =	stream.linear.scatter [tilespmem:s23], [sflag:$0x3], $0x3C00, $0x38;
	[tilespmem:$0x1C000] =	vst v63  }
0x3f: {  	_ =	swait.ge [sflag:s24], $0x3C00  }
0x40: {  	[sflag:s24] =	ssyncset.done $0x0  }
0x41: {  	[sflag:s24] =	ssyncadd.s32 $0xFFFFC400  }
0x42: {  	[tilespmem:s3], [sflag:$0x1] =	stream.linear.gather [hbm4b:s12+s3], $0x80, $0x38;
	[tilespmem:$0x1C000] =	vst v63  }
0x43: {  	s5 =	simm.s32 $0x200  }
0x44: {  	[tilespmem:s5], [sflag:$0x1] =	stream.linear.gather [hbm4b:s13+s3], $0x80, $0x38;
	[tilespmem:$0x1C000] =	vst v63  }
0x45: {  	s8 =	rddreg [dreg:$0x9]  }
0x46: {  	[tilespmem:s26], [sflag:$0x1] =	stream.linear.gather [hbm4b:s8+s3], $0x80, $0x38;
	[tilespmem:$0x1C000] =	vst v63  }
0x47: {  	s1 =	simm.s32 $0x280;
	s9 =	rddreg [dreg:$0xa]  }
0x48: {  	[tilespmem:s1], [sflag:$0x1] =	stream.linear.gather [hbm4b:s9+s3], $0x80, $0x38;
	[tilespmem:$0x1C000] =	vst v63  }
0x49: {  	[bflag:$0x0] =	sbarrier.arrive $0xFFFF  }
0x4a: {  	_ =	swait.ge [sflag:s29], $0x80  }
0x4b: {  	[sflag:s29] =	ssyncset.done $0x0  }
0x4c: {  	[sflag:s29] =	ssyncadd.s32 $0xFFFFFF80  }
0x4d: {  	_ =	swait.ge [sflag:s29], $0x80  }
0x4e: {  	[sflag:s29] =	ssyncset.done $0x0  }
0x4f: {  	[sflag:s29] =	ssyncadd.s32 $0xFFFFFF80  }
0x50: {  	[tilespmem:s23], [sflag:$0x2] =	stream.indirect.gather [hbm4b:s4+s26], $0x80, s3, s26, $0xb8;
	[tilespmem:$0x1C000] =	vst v63  }
0x51: {  	_ =	swait.ge [sflag:s30], $0x4000  }
0x52: {  	[sflag:s30] =	ssyncset.done $0x0  }
0x53: {  	[sflag:s30] =	ssyncadd.s32 $0xFFFFC000  }
0x54: {  	_ =	swait.ge [sflag:s29], $0x80  }
0x55: {  	s10 =	simm.s32 $0x100;
	s11 =	simm.s32 $0x4000;
	[sflag:s29] =	ssyncset.done $0x0  }
0x56: {  	p0 =	sne.s32 s22, $0x180;
	s14 =	simm.s32 $0x0;
	[sflag:s29] =	ssyncadd.s32 $0xFFFFFF80  }
0x57: {  	s28 =	simm.s32 $0x3;
	s0 =	sand.u32 $0x4000, s14;
	_ =	swait.ge [sflag:s29], $0x80  }
0x58: {  	s5 =	simm.s32 $0x80;
	s1 =	sand.u32 $0x4000, s11;
	[sflag:s29] =	ssyncset.done $0x0  }
0x59: {  	s8 =	sand.u32 $0x180, s5;
	s9 =	sor.u32 $0x400, s1;
	[sflag:s29] =	ssyncadd.s32 $0xFFFFFF80  }
0x5a: {  	[tilespmem:s9], [sflag:$0x2] =	stream.indirect.gather [hbm4b:s4+s26], $0x80, s8, s26, $0xb8;
	[tilespmem:$0x1C000] =	vst v63  }
0x5b: {  	s10 =	sand.u32 $0x180, s10;
	s0 =	sor.u32 $0x400, s0;
	s15 =	simm.s32 $0x0  }
0x5c: {  	[tilespmem:s10], [sflag:$0x1] =	stream.linear.gather [hbm4b:s21+s3], $0x80, $0x38;
	[tilespmem:$0x1C000] =	vst v63  }
.Ltmp1:
0x5d: {  	s20 =	sor.u32 $0x200, s10;
	s1 =	sand.u32 $0x180, s15;
	(pc) =	sbr.rel @!p0 .LBB2_5-.Ltmp1, $4  }
0x5e: {  	[tilespmem:s20], [sflag:$0x1] =	stream.linear.gather [hbm4b:s25+s3], $0x80, $0x38;
	[tilespmem:$0x1C000] =	vst v63  }
0x5f: {  	s5 =	simm.s32 $0x8000;
	s1 =	sor.u32 $0x200, s1;
	s20 =	smov.u32 s25  }
0x60: {  	[spmem:s2] =	stream.indirect.scatter.add.f32 [tilespmem:s0], [sflag:$0x3], $0x80, s1, s26, $0xb8;
	[tilespmem:$0x1C000] =	vst v63  }
0x61: {  	s0 =	simm.s32 $0x180;
	s1 =	sadd.s32 $0x10, s21;
	_ =	swait.ge [sflag:s24], $0x4000  }
.LBB2_4:
0x62: {  	[sflag:s24] =	ssyncset.done $0x0  }
0x63: {  	s20 =	sadd.s32 $0x10, s20;
	s11 =	smov.u32 s0;
	s0 =	sadd.s32 $0x80, s0  }
0x64: {  	p0 =	sne.s32 s22, s0;
	[sflag:s24] =	ssyncadd.s32 $0xFFFFC000  }
0x65: {  	_ =	swait.ge [sflag:s30], $0x4000  }
0x66: {  	[sflag:s30] =	ssyncset.done $0x0  }
0x67: {  	[sflag:s30] =	ssyncadd.s32 $0xFFFFC000  }
0x68: {  	_ =	swait.ge [sflag:s29], $0x80  }
0x69: {  	[sflag:s29] =	ssyncset.done $0x0  }
0x6a: {  	[sflag:s29] =	ssyncadd.s32 $0xFFFFFF80  }
0x6b: {  	_ =	swait.ge [sflag:s29], $0x80  }
0x6c: {  	s9 =	sand.u32 $0x4000, s5;
	s8 =	sadd.s32 $0xFFFFFF80, s11;
	[sflag:s29] =	ssyncset.done $0x0  }
0x6d: {  	s9 =	sor.u32 $0x400, s9;
	s8 =	sand.u32 $0x180, s8;
	[sflag:s29] =	ssyncadd.s32 $0xFFFFFF80  }
0x6e: {  	[tilespmem:s9], [sflag:$0x2] =	stream.indirect.gather [hbm4b:s4+s26], $0x80, s8, s26, $0xb8;
	[tilespmem:$0x1C000] =	vst v63  }
0x6f: {  	s10 =	sand.u32 $0x180, s11  }
0x70: {  	[tilespmem:s10], [sflag:$0x1] =	stream.linear.gather [hbm4b:s1+s3], $0x80, $0x38;
	[tilespmem:$0x1C000] =	vst v63  }
0x71: {  	s14 =	sadd.s32 $0xFFFFC000, s5;
	s11 =	sadd.s32 $0xFFFFFF00, s11;
	s15 =	sor.u32 $0x200, s10  }
.Ltmp2:
0x72: {  	s14 =	sand.u32 $0x4000, s14;
	s11 =	sand.u32 $0x180, s11;
	(pc) =	sbr.rel @p0 .LBB2_4-.Ltmp2, $4  }
0x73: {  	[tilespmem:s15], [sflag:$0x1] =	stream.linear.gather [hbm4b:s20+s3], $0x80, $0x38;
	[tilespmem:$0x1C000] =	vst v63  }
0x74: {  	s5 =	sadd.s32 $0x4000, s5;
	s14 =	sor.u32 $0x400, s14;
	s11 =	sor.u32 $0x200, s11  }
0x75: {  	[spmem:s2] =	stream.indirect.scatter.add.f32 [tilespmem:s14], [sflag:$0x3], $0x80, s11, s26, $0xb8;
	[tilespmem:$0x1C000] =	vst v63  }
0x76: {  	s28 =	sadd.s32 $0x1, s28;
	s1 =	sadd.s32 $0x10, s1;
	_ =	swait.ge [sflag:s24], $0x4000  }
.LBB2_5:
0x77: {  	[sflag:s24] =	ssyncset.done $0x0  }
0x78: {  	[sflag:s24] =	ssyncadd.s32 $0xFFFFC000  }
0x79: {  	_ =	swait.ge [sflag:s30], $0x4000  }
0x7a: {  	[sflag:s30] =	ssyncset.done $0x0  }
0x7b: {  	[sflag:s30] =	ssyncadd.s32 $0xFFFFC000  }
0x7c: {  	_ =	swait.ge [sflag:s29], $0x80  }
0x7d: {  	[sflag:s29] =	ssyncset.done $0x0  }
0x7e: {  	[sflag:s29] =	ssyncadd.s32 $0xFFFFFF80  }
0x7f: {  	_ =	swait.ge [sflag:s29], $0x80  }
0x80: {  	s5 =	sand.u32 $0x4000, s5;
	[sflag:s29] =	ssyncset.done $0x0  }
0x81: {  	p0 =	sge.u32 s28, s6;
	s5 =	sor.u32 $0x400, s5;
	[sflag:s29] =	ssyncadd.s32 $0xFFFFFF80  }
0x82: {  	[tilespmem:s5], [sflag:$0x2] =	stream.indirect.gather [hbm4b:s4+s26], $0x80, s10, s26, $0xb8;
	[tilespmem:$0x1C000] =	vst v63  }
0x83: {  	s0 =	sand.u32 @!p0 $0x180, s0;
	s5 =	simm.s32 @!p0 $0x0  }
0x84: {  	[tilespmem:s0], [sflag:$0x1] =	stream.linear.gather @!p0 [hbm4b:s1+s5], $0x80, $0x38;
	[tilespmem:$0x1C000] =	vst v63  }
0x85: {  	s1 =	sadd.s32 $0x10, s20;
	s0 =	sor.u32 @!p0 $0x200, s0  }
0x86: {  	[tilespmem:s0], [sflag:$0x1] =	stream.linear.gather @!p0 [hbm4b:s1+s5], $0x80, $0x38;
	[tilespmem:$0x1C000] =	vst v63  }
0x87: {  	s15 =	sor.u32 $0x200, s8  }
0x88: {  	[spmem:s2] =	stream.indirect.scatter.add.f32 [tilespmem:s9], [sflag:$0x3], $0x80, s15, s26, $0xb8;
	[tilespmem:$0x1C000] =	vst v63  }
0x89: {  	_ =	swait.ge [sflag:s24], $0x4000  }
0x8a: {  	[sflag:s24] =	ssyncset.done $0x0  }
0x8b: {  	[sflag:s24] =	ssyncadd.s32 $0xFFFFC000  }
0x8c: {  	_ =	swait.ge [sflag:s30], $0x4000  }
0x8d: {  	[sflag:s30] =	ssyncset.done $0x0  }
0x8e: {  	[sflag:s30] =	ssyncadd.s32 $0xFFFFC000  }
0x8f: {  	[spmem:s2] =	stream.indirect.scatter.add.f32 [tilespmem:s16], [sflag:$0x3], $0x80, s17, s26, $0xb8;
	[tilespmem:$0x1C000] =	vst v63  }
0x90: {  	s28 =	sshrl.u32 s7, $0x3;
	_ =	swait.ge [sflag:s24], $0x4000  }
0x91: {  	s31 =	sadd.s32 $0x1, s31;
	s20 =	stileid.u32;
	[sflag:s24] =	ssyncset.done $0x0  }
0x92: {  	s0 =	sshll.u32 s20, $0x6;
	p0 =	sne.s32 s31, s19;
	[sflag:s24] =	ssyncadd.s32 $0xFFFFC000  }
.Ltmp3:
0x93: {  	s0 =	sor.u32 $0x1C03, s0;
	[bflag:$0x0] =	sbarrier.arrive $0xFFFF;
	(pc) =	sbr.rel @p0 .LBB2_1-.Ltmp3, $4  }
0x94: {  	[hbm:s18], [sflag:s0] =	dma.local [spmem:s28], $0x2780  }
0x95: {  	_ =	swait.ge [sflag:s24], $0x2780  }
0x96: {  	[sflag:s24] =	ssyncset.done $0x0  }
0x97: {  	[sflag:s24] =	ssyncadd.s32 $0xFFFFD880  }
0x98: {  	_ =	sfence.sel $0x180000  }
0x99: {  	[bflag:$0x0] =	sbarrier.arrive $0xFFFF  }
0x9a: {  	_ =	strace $0x90000050  }
0x9b: {  	s0 =	stileid.u32;
	[bflag:$0x2] =	sbarrier.arrive $0xFFFF  }
0x9c: {  	p0 =	sne.s32 s0, $0x0;
	s0 =	rddreg [dreg:$0x3]  }
0x9d: {  	s0 =	sadd.s32 @!p0 $0x100000, s0  }
0x9e: {  	[sflag:s0] =	ssyncadd.tile.s32 @!p0 $0x1;
	_ =	shalt  }
.Lfunc_end2:
_tile_overlayer_lowered:
.L_overlay_start_2:
0x9f: {  	(tag) =	ssettag $0x2  }
0xa0: {  	s0 =	rddreg [dreg:$0x0];
	s2 =	stileid.u32  }
0xa1: {  	s1 =	rddreg [dreg:$0x1];
	p0 =	sne.s32 s2, $0x0  }
0xa2: {  	s3 =	rddreg [dreg:$0x2];
	[bflag:$0x3] =	sbarrier.arrive $0xFFFF;
	s2 =	simm.s32 @!p0 $0x1C03  }
0xa3: {  	[timem:s3], [sflag:s2] =	dma.local @!p0 [hbm:s0], s1  }
0xa4: {  	s0 =	simm.s32 @!p0 $0x3  }
0xa5: {  	_ =	swait.ge @!p0 [sflag:s0], s1  }
0xa6: {  	s1 =	ssub.s32 @!p0 $0x0, s1;
	[sflag:s0] =	ssyncset.done @!p0 $0x0  }
0xa7: {  	[sflag:s0] =	ssyncadd.s32 @!p0 s1  }
0xa8: {  	[bflag:$0x3] =	sbarrier.arrive $0xFFFF  }
0xa9: {  	_ =	shalt  }

</sc_bundles>
